<compile_context>
chip_gen: v7x
topology: tpu7x:2x2x1
jax: 0.10.2.dev20260603
libtpu: 0.0.44.dev20260713+nightly
codegen_flags: <defaults>
</compile_context>

<pallas_src>
import jax
import jax.numpy as jnp
from jax import lax
from jax.experimental import pallas as pl
from jax.experimental.pallas import tpu as pltpu
from jax.experimental.pallas import tpu_sc as plsc

NUM_CLASSES = 100000
D = 128
K = 20
B = 1024
S = 4
SCALE = float(D) ** 0.5
NC, NS = 2, 16
NW = NC * NS
SEGS = B * S
SEG_PER_W = SEGS // NW
BP_PER_W = SEG_PER_W // S
CHUNKS = BP_PER_W
ROWS = S * K
LANES = 16
NJ = D // LANES
KP = 24


def _bcast16(x, dtype=jnp.int32):
    return jnp.full((LANES,), x, dtype=dtype)


def _bcast_elem(ref, i):
    blk0 = (i // LANES) * LANES
    blk = ref[pl.ds(blk0, LANES)]
    return blk.at[_bcast16(i - blk0)].get(mode="promise_in_bounds")


def _sc_body(selv_hbm, idx_hbm, alpha_hbm, bp_hbm, pres_hbm, valw_hbm,
             query_hbm, pos_hbm, aemb_hbm, tve_hbm,
             outc_hbm, outw_hbm,
             idx_v, selv_v, svacc_v, alpha_v, bp_v, pos_v, aemb_v,
             tve_v, rows_p, rows_v, rows_q, out_c, out_w,
             sem_p, sem_v, sem_q):
    w = lax.axis_index("s") * NC + lax.axis_index("c")

    pltpu.sync_copy(alpha_hbm.at[pl.ds(w * SEG_PER_W, SEG_PER_W)], alpha_v)
    pltpu.sync_copy(bp_hbm.at[pl.ds(w * BP_PER_W * D, BP_PER_W * D)], bp_v)
    pltpu.sync_copy(pos_hbm, pos_v)
    pltpu.sync_copy(aemb_hbm, aemb_v)
    pltpu.sync_copy(tve_hbm, tve_v)

    saemb = [aemb_v[pl.ds(j * LANES, LANES)] * SCALE for j in range(NJ)]
    stve = [tve_v[pl.ds(j * LANES, LANES)] * SCALE for j in range(NJ)]

    @pl.loop(0, CHUNKS)
    def _chunk(c):
        idx_off = w * SEG_PER_W * K + c * ROWS

        pltpu.sync_copy(idx_hbm.at[pl.ds(idx_off, ROWS)], idx_v)
        pltpu.sync_copy(selv_hbm.at[pl.ds(idx_off, ROWS)], selv_v)

        cp1 = pltpu.async_copy(pres_hbm.at[idx_v], rows_p, sem_p)
        cp2 = pltpu.async_copy(valw_hbm.at[idx_v], rows_v, sem_v)
        cp3 = pltpu.async_copy(query_hbm.at[idx_v], rows_q, sem_q)
        cp1.wait()
        cp2.wait()
        cp3.wait()

        for g in range(S):
            a_b = _bcast_elem(alpha_v, c * S + g)
            cbase = [bp_v[pl.ds(c * D + j * LANES, LANES)] + a_b * saemb[j]
                     for j in range(NJ)]
            zeros = tuple(jnp.zeros((LANES,), jnp.float32) for _ in range(NJ))

            @pl.loop(0, K, init_carry=(zeros, zeros))
            def _kstep(k, carry, g=g, cbase=cbase):
                accv, accp = carry
                sv = _bcast_elem(selv_v, g * K + k)
                ksl = pl.ds(k * LANES, LANES)
                if g == 0:
                    asv = jnp.zeros((LANES,), jnp.float32)
                    svacc_v[ksl] = sv
                else:
                    asv = svacc_v[ksl]
                    if g < S - 1:
                        svacc_v[ksl] = asv + sv
                r = g * K + k
                naccv, naccp = [], []
                for j in range(NJ):
                    sl = pl.ds(j * LANES, LANES)
                    pres = rows_p[r, sl]
                    vrow = rows_v[r, sl]
                    q = rows_q[r, sl]
                    t = accv[j] + accp[j] + pos_v[pl.ds(k * D + j * LANES,
                                                       LANES)]
                    oc = cbase[j] + asv * stve[j] + t * SCALE
                    ow = oc + (pres + q) * SCALE
                    osl = pl.ds((g * KP + k) * D + j * LANES, LANES)
                    out_c[osl] = oc
                    out_w[osl] = ow
                    naccv.append(accv[j] + vrow * sv)
                    naccp.append(accp[j] + pres)
                return (tuple(naccv), tuple(naccp))

        out_off = (w * SEG_PER_W + c * S) * KP * D
        pltpu.sync_copy(out_c, outc_hbm.at[pl.ds(out_off, S * KP * D)])
        pltpu.sync_copy(out_w, outw_hbm.at[pl.ds(out_off, S * KP * D)])


def kernel(values, indexes, alpha, base_predictor, class_present_w,
           class_value_w, class_query_w, position_embed, alpha_embed,
           tot_values_embed):
    mesh = plsc.VectorSubcoreMesh(core_axis_name="c", subcore_axis_name="s",
                                  num_cores=NC, num_subcores=NS)
    f = pl.kernel(
        _sc_body,
        [jax.ShapeDtypeStruct((SEGS * KP * D,), jnp.float32)] * 2,
        mesh=mesh,
        scratch_types=[
            pltpu.VMEM((ROWS,), jnp.int32),
            pltpu.VMEM((ROWS,), jnp.float32),
            pltpu.VMEM((K * LANES,), jnp.float32),
            pltpu.VMEM((SEG_PER_W,), jnp.float32),
            pltpu.VMEM((BP_PER_W * D,), jnp.float32),
            pltpu.VMEM((K * D,), jnp.float32),
            pltpu.VMEM((D,), jnp.float32),
            pltpu.VMEM((D,), jnp.float32),
            pltpu.VMEM((ROWS, D), jnp.float32),
            pltpu.VMEM((ROWS, D), jnp.float32),
            pltpu.VMEM((ROWS, D), jnp.float32),
            pltpu.VMEM((S * KP * D,), jnp.float32),
            pltpu.VMEM((S * KP * D,), jnp.float32),
            pltpu.SemaphoreType.DMA,
            pltpu.SemaphoreType.DMA,
            pltpu.SemaphoreType.DMA,
        ],
    )
    selv = jnp.take_along_axis(values, indexes.reshape(B, S * K), axis=-1)
    oc, ow = f(selv.reshape(-1), indexes.reshape(-1), alpha.reshape(-1),
               base_predictor.reshape(-1), class_present_w, class_value_w,
               class_query_w, position_embed.reshape(-1), alpha_embed,
               tot_values_embed)
    oc = oc.reshape(B, S, KP, D)[:, :, :K, :]
    ow = ow.reshape(B, S, KP, D)[:, :, :K, :]
    return (oc, ow)

# --- scband reference (transcript-rebuilt; emitter-appended) ---
"""Pipeline reference for scband-predictor-input-params-27633819582788 (READ-ONLY COPY).

The authoritative reference and input builder live on the scoring server;
editing this copy changes nothing except your own understanding.
"""

import jax, jax.numpy as jnp
import numpy as np

NUM_CLASSES = 100000
PREDICTOR_DIM = 128
SEQ_LEN = 20
B = 1024
S = 4
EMBED_SCALE = PREDICTOR_DIM ** 0.5


def setup_inputs(seed: int = 0) -> dict:
    key = jax.random.key(seed)
    ks = jax.random.split(key, 10)
    inv = 1.0 / EMBED_SCALE
    values = jax.random.normal(ks[0], (B, NUM_CLASSES), dtype=jnp.float32)
    indexes = jax.random.randint(ks[1], (B, S, SEQ_LEN), 0, NUM_CLASSES, dtype=jnp.int64 if jax.config.jax_enable_x64 else jnp.int32).astype(jnp.int32)
    alpha = jax.random.normal(ks[2], (B, S), dtype=jnp.float32)
    base_predictor = jax.random.normal(ks[3], (B, PREDICTOR_DIM), dtype=jnp.float32)
    class_present_w = jax.random.normal(ks[4], (NUM_CLASSES, PREDICTOR_DIM), dtype=jnp.float32) * inv
    class_value_w = jax.random.normal(ks[5], (NUM_CLASSES, PREDICTOR_DIM), dtype=jnp.float32) * inv
    class_query_w = jax.random.normal(ks[6], (NUM_CLASSES, PREDICTOR_DIM), dtype=jnp.float32) * inv
    position_embed = jax.random.normal(ks[7], (SEQ_LEN, PREDICTOR_DIM), dtype=jnp.float32) * inv
    alpha_embed = jax.random.normal(ks[8], (PREDICTOR_DIM,), dtype=jnp.float32) * inv
    tot_values_embed = jax.random.normal(ks[9], (PREDICTOR_DIM,), dtype=jnp.float32) * inv
    return {
        "values": values,
        "indexes": indexes,
        "alpha": alpha,
        "base_predictor": base_predictor,
        "class_present_w": class_present_w,
        "class_value_w": class_value_w,
        "class_query_w": class_query_w,
        "position_embed": position_embed,
        "alpha_embed": alpha_embed,
        "tot_values_embed": tot_values_embed,
    }


def _exclusive_cumsum(x, axis):
    return jnp.cumsum(x, axis=axis) - x


def _get_selected_values(values, indexes):
    # values: (*, N); indexes: (*, S, K) -> selected (*, S, K)
    lead = indexes.shape[:-2]
    s, k = indexes.shape[-2], indexes.shape[-1]
    idx2 = indexes.reshape(lead + (s * k,))
    sel = jnp.take_along_axis(values, idx2, axis=-1)
    return sel.reshape(indexes.shape)


def reference(values, indexes, alpha, base_predictor, class_present_w, class_value_w, class_query_w, position_embed, alpha_embed, tot_values_embed):
    # embedding gathers (SparseCore-friendly)
    class_present_embedding = jnp.take(class_present_w, indexes, axis=0)  # (B,S,K,D)
    class_present_embedding_cumsum = jnp.cumsum(class_present_embedding, axis=-2)
    selected_values = _get_selected_values(values, indexes)  # (B,S,K)
    class_value_embedding = jnp.take(class_value_w, indexes, axis=0) * selected_values[..., None]
    class_value_embedding = _exclusive_cumsum(class_value_embedding, axis=-2)
    class_query_embedding = jnp.take(class_query_w, indexes, axis=0)
    alpha_embedding = alpha_embed * alpha[..., None, None]  # (B,S,1,D)
    tot_values_embedding = _exclusive_cumsum(selected_values, axis=-2)[..., None] * tot_values_embed
    common_embedding = (class_value_embedding + class_present_embedding_cumsum
                        + position_embed + alpha_embedding + tot_values_embedding)
    bp = base_predictor[..., None, None, :]  # (B,1,1,D)
    class_predictor = bp + EMBED_SCALE * (common_embedding - class_present_embedding)
    weight_predictor = bp + EMBED_SCALE * (common_embedding + class_query_embedding)
    return class_predictor, weight_predictor

if __name__ == "__main__":
    import jax
    _d = setup_inputs()
    print(jax.jit(kernel)(*tuple(_d.values())))

</pallas_src>

<mosaic_0001>
#map = affine_map<(d0, d1) -> (0)>
#map1 = affine_map<(d0, d1) -> (0, 0)>
module attributes {stable_mosaic.version = 14 : i64} {
  func.func @_sc_body(%arg0: i32, %arg1: i32, %arg2: memref<81920xf32, #tpu.memory_space<hbm>>, %arg3: memref<81920xi32, #tpu.memory_space<hbm>>, %arg4: memref<4096xf32, #tpu.memory_space<hbm>>, %arg5: memref<131072xf32, #tpu.memory_space<hbm>>, %arg6: memref<100000x128xf32, #tpu.memory_space<hbm>>, %arg7: memref<100000x128xf32, #tpu.memory_space<hbm>>, %arg8: memref<100000x128xf32, #tpu.memory_space<hbm>>, %arg9: memref<2560xf32, #tpu.memory_space<hbm>>, %arg10: memref<128xf32, #tpu.memory_space<hbm>>, %arg11: memref<128xf32, #tpu.memory_space<hbm>>, %arg12: memref<12582912xf32, #tpu.memory_space<hbm>>, %arg13: memref<12582912xf32, #tpu.memory_space<hbm>>, %arg14: memref<80xi32, #tpu.memory_space<vmem>>, %arg15: memref<80xf32, #tpu.memory_space<vmem>>, %arg16: memref<320xf32, #tpu.memory_space<vmem>>, %arg17: memref<128xf32, #tpu.memory_space<vmem>>, %arg18: memref<4096xf32, #tpu.memory_space<vmem>>, %arg19: memref<2560xf32, #tpu.memory_space<vmem>>, %arg20: memref<128xf32, #tpu.memory_space<vmem>>, %arg21: memref<128xf32, #tpu.memory_space<vmem>>, %arg22: memref<80x128xf32, #tpu.memory_space<vmem>>, %arg23: memref<80x128xf32, #tpu.memory_space<vmem>>, %arg24: memref<80x128xf32, #tpu.memory_space<vmem>>, %arg25: memref<12288xf32, #tpu.memory_space<vmem>>, %arg26: memref<12288xf32, #tpu.memory_space<vmem>>, %arg27: memref<!tpu.dma_semaphore, #tpu.memory_space<semaphore_mem>>, %arg28: memref<!tpu.dma_semaphore, #tpu.memory_space<semaphore_mem>>, %arg29: memref<!tpu.dma_semaphore, #tpu.memory_space<semaphore_mem>>) attributes {dimension_semantics = [#tpu.dimension_semantics<core_parallel>, #tpu.dimension_semantics<subcore_parallel>], iteration_bounds = array<i64: 2, 16>, scalar_prefetch = 0 : i64, scratch_operands = 16 : i64, tpu.core_type = #tpu.core_type<sc_vector_subcore>, window_params = [{transform_indices = #map}, {transform_indices = #map}, {transform_indices = #map}, {transform_indices = #map}, {transform_indices = #map1}, {transform_indices = #map1}, {transform_indices = #map1}, {transform_indices = #map}, {transform_indices = #map}, {transform_indices = #map}, {transform_indices = #map}, {transform_indices = #map}]} {
    %mul3A = arith.constant 2 : i32
    %mul3A_0 = arith.muli %arg1, %mul3A : i32
    %add3A = arith.addi %mul3A_0, %arg0 : i32
    %mul3A_1 = arith.constant 128 : i32
    %mul3A_2 = arith.muli %add3A, %mul3A_1 : i32
    "tpu.region"() ({
      %run_scoped3A = tpu.sem_alloc : memref<!tpu.dma_semaphore, #tpu.memory_space<semaphore_mem>>
      %dma_start3A = tpu.memref_slice %arg4[%mul3A_2] : memref<4096xf32, #tpu.memory_space<hbm>> -> memref<128xf32, #tpu.memory_space<hbm>>
      %dma_start3A_106 = tpu.memref_slice %arg4[%mul3A_2] : memref<4096xf32, #tpu.memory_space<hbm>> -> memref<128xf32, #tpu.memory_space<hbm>>
      tpu.enqueue_dma source(%dma_start3A_106 : memref<128xf32, #tpu.memory_space<hbm>>) target(%arg17 : memref<128xf32, #tpu.memory_space<vmem>>) target_semaphore(%run_scoped3A : memref<!tpu.dma_semaphore, #tpu.memory_space<semaphore_mem>>)
      %dma_wait3A = tpu.memref_slice %arg4[%mul3A_2] : memref<4096xf32, #tpu.memory_space<hbm>> -> memref<128xf32, #tpu.memory_space<hbm>>
      %dma_wait3A_107 = tpu.memref_slice %arg4[%mul3A_2] : memref<4096xf32, #tpu.memory_space<hbm>> -> memref<128xf32, #tpu.memory_space<hbm>>
      tpu.wait_dma2 semaphore(%run_scoped3A : memref<!tpu.dma_semaphore, #tpu.memory_space<semaphore_mem>>) src(%dma_wait3A_107 : memref<128xf32, #tpu.memory_space<hbm>>) dst(%arg17 : memref<128xf32, #tpu.memory_space<vmem>>)
      tpu.yield
    }) : () -> ()
    %mul3A_3 = arith.constant 32 : i32
    %mul3A_4 = arith.muli %add3A, %mul3A_3 : i32
    %mul3A_5 = arith.constant 128 : i32
    %mul3A_6 = arith.muli %mul3A_4, %mul3A_5 : i32
    "tpu.region"() ({
      %run_scoped3A = tpu.sem_alloc : memref<!tpu.dma_semaphore, #tpu.memory_space<semaphore_mem>>
      %dma_start3A = tpu.memref_slice %arg5[%mul3A_6] : memref<131072xf32, #tpu.memory_space<hbm>> -> memref<4096xf32, #tpu.memory_space<hbm>>
      %dma_start3A_106 = tpu.memref_slice %arg5[%mul3A_6] : memref<131072xf32, #tpu.memory_space<hbm>> -> memref<4096xf32, #tpu.memory_space<hbm>>
      tpu.enqueue_dma source(%dma_start3A_106 : memref<4096xf32, #tpu.memory_space<hbm>>) target(%arg18 : memref<4096xf32, #tpu.memory_space<vmem>>) target_semaphore(%run_scoped3A : memref<!tpu.dma_semaphore, #tpu.memory_space<semaphore_mem>>)
      %dma_wait3A = tpu.memref_slice %arg5[%mul3A_6] : memref<131072xf32, #tpu.memory_space<hbm>> -> memref<4096xf32, #tpu.memory_space<hbm>>
      %dma_wait3A_107 = tpu.memref_slice %arg5[%mul3A_6] : memref<131072xf32, #tpu.memory_space<hbm>> -> memref<4096xf32, #tpu.memory_space<hbm>>
      tpu.wait_dma2 semaphore(%run_scoped3A : memref<!tpu.dma_semaphore, #tpu.memory_space<semaphore_mem>>) src(%dma_wait3A_107 : memref<4096xf32, #tpu.memory_space<hbm>>) dst(%arg18 : memref<4096xf32, #tpu.memory_space<vmem>>)
      tpu.yield
    }) : () -> ()
    "tpu.region"() ({
      %run_scoped3A = tpu.sem_alloc : memref<!tpu.dma_semaphore, #tpu.memory_space<semaphore_mem>>
      tpu.enqueue_dma source(%arg9 : memref<2560xf32, #tpu.memory_space<hbm>>) target(%arg19 : memref<2560xf32, #tpu.memory_space<vmem>>) target_semaphore(%run_scoped3A : memref<!tpu.dma_semaphore, #tpu.memory_space<semaphore_mem>>)
      tpu.wait_dma2 semaphore(%run_scoped3A : memref<!tpu.dma_semaphore, #tpu.memory_space<semaphore_mem>>) src(%arg9 : memref<2560xf32, #tpu.memory_space<hbm>>) dst(%arg19 : memref<2560xf32, #tpu.memory_space<vmem>>)
      tpu.yield
    }) : () -> ()
    "tpu.region"() ({
      %run_scoped3A = tpu.sem_alloc : memref<!tpu.dma_semaphore, #tpu.memory_space<semaphore_mem>>
      tpu.enqueue_dma source(%arg10 : memref<128xf32, #tpu.memory_space<hbm>>) target(%arg20 : memref<128xf32, #tpu.memory_space<vmem>>) target_semaphore(%run_scoped3A : memref<!tpu.dma_semaphore, #tpu.memory_space<semaphore_mem>>)
      tpu.wait_dma2 semaphore(%run_scoped3A : memref<!tpu.dma_semaphore, #tpu.memory_space<semaphore_mem>>) src(%arg10 : memref<128xf32, #tpu.memory_space<hbm>>) dst(%arg20 : memref<128xf32, #tpu.memory_space<vmem>>)
      tpu.yield
    }) : () -> ()
    "tpu.region"() ({
      %run_scoped3A = tpu.sem_alloc : memref<!tpu.dma_semaphore, #tpu.memory_space<semaphore_mem>>
      tpu.enqueue_dma source(%arg11 : memref<128xf32, #tpu.memory_space<hbm>>) target(%arg21 : memref<128xf32, #tpu.memory_space<vmem>>) target_semaphore(%run_scoped3A : memref<!tpu.dma_semaphore, #tpu.memory_space<semaphore_mem>>)
      tpu.wait_dma2 semaphore(%run_scoped3A : memref<!tpu.dma_semaphore, #tpu.memory_space<semaphore_mem>>) src(%arg11 : memref<128xf32, #tpu.memory_space<hbm>>) dst(%arg21 : memref<128xf32, #tpu.memory_space<vmem>>)
      tpu.yield
    }) : () -> ()
    %get3A = arith.constant 0 : index
    %get3A_7 = tpu.vector_load %arg20[%get3A] {strides = array<i32>} : memref<128xf32, #tpu.memory_space<vmem>>, vector<16xf32>,
    %get3A_8 = vector.shape_cast %get3A_7 : vector<16xf32> to vector<16xf32>
    %mul3A_9 = arith.constant 11.3137083 : f32
    %mul3A_10 = vector.broadcast %mul3A_9 : f32 to vector<16xf32>
    %mul3A_11 = arith.mulf %get3A_8, %mul3A_10 : vector<16xf32>
    %get3A_12 = arith.constant 16 : index
    %get3A_13 = tpu.vector_load %arg20[%get3A_12] {strides = array<i32>} : memref<128xf32, #tpu.memory_space<vmem>>, vector<16xf32>,
    %get3A_14 = vector.shape_cast %get3A_13 : vector<16xf32> to vector<16xf32>
    %mul3A_15 = arith.constant 11.3137083 : f32
    %mul3A_16 = vector.broadcast %mul3A_15 : f32 to vector<16xf32>
    %mul3A_17 = arith.mulf %get3A_14, %mul3A_16 : vector<16xf32>
    %get3A_18 = arith.constant 32 : index
    %get3A_19 = tpu.vector_load %arg20[%get3A_18] {strides = array<i32>} : memref<128xf32, #tpu.memory_space<vmem>>, vector<16xf32>,
    %get3A_20 = vector.shape_cast %get3A_19 : vector<16xf32> to vector<16xf32>
    %mul3A_21 = arith.constant 11.3137083 : f32
    %mul3A_22 = vector.broadcast %mul3A_21 : f32 to vector<16xf32>
    %mul3A_23 = arith.mulf %get3A_20, %mul3A_22 : vector<16xf32>
    %get3A_24 = arith.constant 48 : index
    %get3A_25 = tpu.vector_load %arg20[%get3A_24] {strides = array<i32>} : memref<128xf32, #tpu.memory_space<vmem>>, vector<16xf32>,
    %get3A_26 = vector.shape_cast %get3A_25 : vector<16xf32> to vector<16xf32>
    %mul3A_27 = arith.constant 11.3137083 : f32
    %mul3A_28 = vector.broadcast %mul3A_27 : f32 to vector<16xf32>
    %mul3A_29 = arith.mulf %get3A_26, %mul3A_28 : vector<16xf32>
    %get3A_30 = arith.constant 64 : index
    %get3A_31 = tpu.vector_load %arg20[%get3A_30] {strides = array<i32>} : memref<128xf32, #tpu.memory_space<vmem>>, vector<16xf32>,
    %get3A_32 = vector.shape_cast %get3A_31 : vector<16xf32> to vector<16xf32>
    %mul3A_33 = arith.constant 11.3137083 : f32
    %mul3A_34 = vector.broadcast %mul3A_33 : f32 to vector<16xf32>
    %mul3A_35 = arith.mulf %get3A_32, %mul3A_34 : vector<16xf32>
    %get3A_36 = arith.constant 80 : index
    %get3A_37 = tpu.vector_load %arg20[%get3A_36] {strides = array<i32>} : memref<128xf32, #tpu.memory_space<vmem>>, vector<16xf32>,
    %get3A_38 = vector.shape_cast %get3A_37 : vector<16xf32> to vector<16xf32>
    %mul3A_39 = arith.constant 11.3137083 : f32
    %mul3A_40 = vector.broadcast %mul3A_39 : f32 to vector<16xf32>
    %mul3A_41 = arith.mulf %get3A_38, %mul3A_40 : vector<16xf32>
    %get3A_42 = arith.constant 96 : index
    %get3A_43 = tpu.vector_load %arg20[%get3A_42] {strides = array<i32>} : memref<128xf32, #tpu.memory_space<vmem>>, vector<16xf32>,
    %get3A_44 = vector.shape_cast %get3A_43 : vector<16xf32> to vector<16xf32>
    %mul3A_45 = arith.constant 11.3137083 : f32
    %mul3A_46 = vector.broadcast %mul3A_45 : f32 to vector<16xf32>
    %mul3A_47 = arith.mulf %get3A_44, %mul3A_46 : vector<16xf32>
    %get3A_48 = arith.constant 112 : index
    %get3A_49 = tpu.vector_load %arg20[%get3A_48] {strides = array<i32>} : memref<128xf32, #tpu.memory_space<vmem>>, vector<16xf32>,
    %get3A_50 = vector.shape_cast %get3A_49 : vector<16xf32> to vector<16xf32>
    %mul3A_51 = arith.constant 11.3137083 : f32
    %mul3A_52 = vector.broadcast %mul3A_51 : f32 to vector<16xf32>
    %mul3A_53 = arith.mulf %get3A_50, %mul3A_52 : vector<16xf32>
    %get3A_54 = arith.constant 0 : index
    %get3A_55 = tpu.vector_load %arg21[%get3A_54] {strides = array<i32>} : memref<128xf32, #tpu.memory_space<vmem>>, vector<16xf32>,
    %get3A_56 = vector.shape_cast %get3A_55 : vector<16xf32> to vector<16xf32>
    %mul3A_57 = arith.constant 11.3137083 : f32
    %mul3A_58 = vector.broadcast %mul3A_57 : f32 to vector<16xf32>
    %mul3A_59 = arith.mulf %get3A_56, %mul3A_58 : vector<16xf32>
    %get3A_60 = arith.constant 16 : index
    %get3A_61 = tpu.vector_load %arg21[%get3A_60] {strides = array<i32>} : memref<128xf32, #tpu.memory_space<vmem>>, vector<16xf32>,
    %get3A_62 = vector.shape_cast %get3A_61 : vector<16xf32> to vector<16xf32>
    %mul3A_63 = arith.constant 11.3137083 : f32
    %mul3A_64 = vector.broadcast %mul3A_63 : f32 to vector<16xf32>
    %mul3A_65 = arith.mulf %get3A_62, %mul3A_64 : vector<16xf32>
    %get3A_66 = arith.constant 32 : index
    %get3A_67 = tpu.vector_load %arg21[%get3A_66] {strides = array<i32>} : memref<128xf32, #tpu.memory_space<vmem>>, vector<16xf32>,
    %get3A_68 = vector.shape_cast %get3A_67 : vector<16xf32> to vector<16xf32>
    %mul3A_69 = arith.constant 11.3137083 : f32
    %mul3A_70 = vector.broadcast %mul3A_69 : f32 to vector<16xf32>
    %mul3A_71 = arith.mulf %get3A_68, %mul3A_70 : vector<16xf32>
    %get3A_72 = arith.constant 48 : index
    %get3A_73 = tpu.vector_load %arg21[%get3A_72] {strides = array<i32>} : memref<128xf32, #tpu.memory_space<vmem>>, vector<16xf32>,
    %get3A_74 = vector.shape_cast %get3A_73 : vector<16xf32> to vector<16xf32>
    %mul3A_75 = arith.constant 11.3137083 : f32
    %mul3A_76 = vector.broadcast %mul3A_75 : f32 to vector<16xf32>
    %mul3A_77 = arith.mulf %get3A_74, %mul3A_76 : vector<16xf32>
    %get3A_78 = arith.constant 64 : index
    %get3A_79 = tpu.vector_load %arg21[%get3A_78] {strides = array<i32>} : memref<128xf32, #tpu.memory_space<vmem>>, vector<16xf32>,
    %get3A_80 = vector.shape_cast %get3A_79 : vector<16xf32> to vector<16xf32>
    %mul3A_81 = arith.constant 11.3137083 : f32
    %mul3A_82 = vector.broadcast %mul3A_81 : f32 to vector<16xf32>
    %mul3A_83 = arith.mulf %get3A_80, %mul3A_82 : vector<16xf32>
    %get3A_84 = arith.constant 80 : index
    %get3A_85 = tpu.vector_load %arg21[%get3A_84] {strides = array<i32>} : memref<128xf32, #tpu.memory_space<vmem>>, vector<16xf32>,
    %get3A_86 = vector.shape_cast %get3A_85 : vector<16xf32> to vector<16xf32>
    %mul3A_87 = arith.constant 11.3137083 : f32
    %mul3A_88 = vector.broadcast %mul3A_87 : f32 to vector<16xf32>
    %mul3A_89 = arith.mulf %get3A_86, %mul3A_88 : vector<16xf32>
    %get3A_90 = arith.constant 96 : index
    %get3A_91 = tpu.vector_load %arg21[%get3A_90] {strides = array<i32>} : memref<128xf32, #tpu.memory_space<vmem>>, vector<16xf32>,
    %get3A_92 = vector.shape_cast %get3A_91 : vector<16xf32> to vector<16xf32>
    %mul3A_93 = arith.constant 11.3137083 : f32
    %mul3A_94 = vector.broadcast %mul3A_93 : f32 to vector<16xf32>
    %mul3A_95 = arith.mulf %get3A_92, %mul3A_94 : vector<16xf32>
    %get3A_96 = arith.constant 112 : index
    %get3A_97 = tpu.vector_load %arg21[%get3A_96] {strides = array<i32>} : memref<128xf32, #tpu.memory_space<vmem>>, vector<16xf32>,
    %get3A_98 = vector.shape_cast %get3A_97 : vector<16xf32> to vector<16xf32>
    %mul3A_99 = arith.constant 11.3137083 : f32
    %mul3A_100 = vector.broadcast %mul3A_99 : f32 to vector<16xf32>
    %mul3A_101 = arith.mulf %get3A_98, %mul3A_100 : vector<16xf32>
    %scan3A = arith.constant 0 : i32
    %scan3A_102 = arith.constant 32 : i32
    %scan3A_103 = arith.addi %scan3A, %scan3A_102 : i32
    %scan3A_104 = arith.constant 1 : i32
    scf.for %scan3A_106 = %scan3A to %scan3A_103 step %scan3A_104  : i32 {
      %mul3A_107 = arith.constant 1 : i32
      %mul3A_108 = arith.muli %scan3A_106, %mul3A_107 : i32
      %add3A_109 = arith.constant 0 : i32
      %add3A_110 = arith.addi %add3A_109, %mul3A_108 : i32
      %mul3A_111 = arith.constant 128 : i32
      %mul3A_112 = arith.muli %add3A, %mul3A_111 : i32
      %mul3A_113 = arith.constant 20 : i32
      %mul3A_114 = arith.muli %mul3A_112, %mul3A_113 : i32
      %mul3A_115 = arith.constant 80 : i32
      %mul3A_116 = arith.muli %add3A_110, %mul3A_115 : i32
      %add3A_117 = arith.addi %mul3A_114, %mul3A_116 : i32
      "tpu.region"() ({
        %run_scoped3A = tpu.sem_alloc : memref<!tpu.dma_semaphore, #tpu.memory_space<semaphore_mem>>
        %dma_start3A_688 = tpu.memref_slice %arg3[%add3A_117] : memref<81920xi32, #tpu.memory_space<hbm>> -> memref<80xi32, #tpu.memory_space<hbm>>
        %dma_start3A_689 = tpu.memref_slice %arg3[%add3A_117] : memref<81920xi32, #tpu.memory_space<hbm>> -> memref<80xi32, #tpu.memory_space<hbm>>
        tpu.enqueue_dma source(%dma_start3A_689 : memref<80xi32, #tpu.memory_space<hbm>>) target(%arg14 : memref<80xi32, #tpu.memory_space<vmem>>) target_semaphore(%run_scoped3A : memref<!tpu.dma_semaphore, #tpu.memory_space<semaphore_mem>>)
        %dma_wait3A_690 = tpu.memref_slice %arg3[%add3A_117] : memref<81920xi32, #tpu.memory_space<hbm>> -> memref<80xi32, #tpu.memory_space<hbm>>
        %dma_wait3A_691 = tpu.memref_slice %arg3[%add3A_117] : memref<81920xi32, #tpu.memory_space<hbm>> -> memref<80xi32, #tpu.memory_space<hbm>>
        tpu.wait_dma2 semaphore(%run_scoped3A : memref<!tpu.dma_semaphore, #tpu.memory_space<semaphore_mem>>) src(%dma_wait3A_691 : memref<80xi32, #tpu.memory_space<hbm>>) dst(%arg14 : memref<80xi32, #tpu.memory_space<vmem>>)
        tpu.yield
      }) : () -> ()
      "tpu.region"() ({
        %run_scoped3A = tpu.sem_alloc : memref<!tpu.dma_semaphore, #tpu.memory_space<semaphore_mem>>
        %dma_start3A_688 = tpu.memref_slice %arg2[%add3A_117] : memref<81920xf32, #tpu.memory_space<hbm>> -> memref<80xf32, #tpu.memory_space<hbm>>
        %dma_start3A_689 = tpu.memref_slice %arg2[%add3A_117] : memref<81920xf32, #tpu.memory_space<hbm>> -> memref<80xf32, #tpu.memory_space<hbm>>
        tpu.enqueue_dma source(%dma_start3A_689 : memref<80xf32, #tpu.memory_space<hbm>>) target(%arg15 : memref<80xf32, #tpu.memory_space<vmem>>) target_semaphore(%run_scoped3A : memref<!tpu.dma_semaphore, #tpu.memory_space<semaphore_mem>>)
        %dma_wait3A_690 = tpu.memref_slice %arg2[%add3A_117] : memref<81920xf32, #tpu.memory_space<hbm>> -> memref<80xf32, #tpu.memory_space<hbm>>
        %dma_wait3A_691 = tpu.memref_slice %arg2[%add3A_117] : memref<81920xf32, #tpu.memory_space<hbm>> -> memref<80xf32, #tpu.memory_space<hbm>>
        tpu.wait_dma2 semaphore(%run_scoped3A : memref<!tpu.dma_semaphore, #tpu.memory_space<semaphore_mem>>) src(%dma_wait3A_691 : memref<80xf32, #tpu.memory_space<hbm>>) dst(%arg15 : memref<80xf32, #tpu.memory_space<vmem>>)
        tpu.yield
      }) : () -> ()
      %dma_start3A = arith.constant 0 : i32
      %dma_start3A_118 = arith.constant 0 : i32
      %dma_start3A_119 = tpu.memref_slice %arg6[%dma_start3A, %dma_start3A_118] : memref<100000x128xf32, #tpu.memory_space<hbm>> -> memref<100000x128xf32, #tpu.memory_space<hbm>>
      tpu.enqueue_indirect_dma source(%dma_start3A_119 : memref<100000x128xf32, #tpu.memory_space<hbm>>) target(%arg22 : memref<80x128xf32, #tpu.memory_space<vmem>>) offsets(%arg14 : memref<80xi32, #tpu.memory_space<vmem>>) semaphore(%arg27 : memref<!tpu.dma_semaphore, #tpu.memory_space<semaphore_mem>>)
      %dma_start3A_120 = arith.constant 0 : i32
      %dma_start3A_121 = arith.constant 0 : i32
      %dma_start3A_122 = tpu.memref_slice %arg7[%dma_start3A_120, %dma_start3A_121] : memref<100000x128xf32, #tpu.memory_space<hbm>> -> memref<100000x128xf32, #tpu.memory_space<hbm>>
      tpu.enqueue_indirect_dma source(%dma_start3A_122 : memref<100000x128xf32, #tpu.memory_space<hbm>>) target(%arg23 : memref<80x128xf32, #tpu.memory_space<vmem>>) offsets(%arg14 : memref<80xi32, #tpu.memory_space<vmem>>) semaphore(%arg28 : memref<!tpu.dma_semaphore, #tpu.memory_space<semaphore_mem>>)
      %dma_start3A_123 = arith.constant 0 : i32
      %dma_start3A_124 = arith.constant 0 : i32
      %dma_start3A_125 = tpu.memref_slice %arg8[%dma_start3A_123, %dma_start3A_124] : memref<100000x128xf32, #tpu.memory_space<hbm>> -> memref<100000x128xf32, #tpu.memory_space<hbm>>
      tpu.enqueue_indirect_dma source(%dma_start3A_125 : memref<100000x128xf32, #tpu.memory_space<hbm>>) target(%arg24 : memref<80x128xf32, #tpu.memory_space<vmem>>) offsets(%arg14 : memref<80xi32, #tpu.memory_space<vmem>>) semaphore(%arg29 : memref<!tpu.dma_semaphore, #tpu.memory_space<semaphore_mem>>)
      %dma_wait3A = arith.constant 0 : i32
      %dma_wait3A_126 = arith.constant 0 : i32
      %dma_wait3A_127 = tpu.memref_slice %arg6[%dma_wait3A, %dma_wait3A_126] : memref<100000x128xf32, #tpu.memory_space<hbm>> -> memref<100000x128xf32, #tpu.memory_space<hbm>>
      tpu.wait_indirect_dma semaphore(%arg27 : memref<!tpu.dma_semaphore, #tpu.memory_space<semaphore_mem>>) src(%dma_wait3A_127 : memref<100000x128xf32, #tpu.memory_space<hbm>>) dst(%arg22 : memref<80x128xf32, #tpu.memory_space<vmem>>)
      %dma_wait3A_128 = arith.constant 0 : i32
      %dma_wait3A_129 = arith.constant 0 : i32
      %dma_wait3A_130 = tpu.memref_slice %arg7[%dma_wait3A_128, %dma_wait3A_129] : memref<100000x128xf32, #tpu.memory_space<hbm>> -> memref<100000x128xf32, #tpu.memory_space<hbm>>
      tpu.wait_indirect_dma semaphore(%arg28 : memref<!tpu.dma_semaphore, #tpu.memory_space<semaphore_mem>>) src(%dma_wait3A_130 : memref<100000x128xf32, #tpu.memory_space<hbm>>) dst(%arg23 : memref<80x128xf32, #tpu.memory_space<vmem>>)
      %dma_wait3A_131 = arith.constant 0 : i32
      %dma_wait3A_132 = arith.constant 0 : i32
      %dma_wait3A_133 = tpu.memref_slice %arg8[%dma_wait3A_131, %dma_wait3A_132] : memref<100000x128xf32, #tpu.memory_space<hbm>> -> memref<100000x128xf32, #tpu.memory_space<hbm>>
      tpu.wait_indirect_dma semaphore(%arg29 : memref<!tpu.dma_semaphore, #tpu.memory_space<semaphore_mem>>) src(%dma_wait3A_133 : memref<100000x128xf32, #tpu.memory_space<hbm>>) dst(%arg24 : memref<80x128xf32, #tpu.memory_space<vmem>>)
      %mul3A_134 = arith.constant 4 : i32
      %mul3A_135 = arith.muli %add3A_110, %mul3A_134 : i32
      %add3A_136 = arith.constant 0 : i32
      %add3A_137 = arith.addi %mul3A_135, %add3A_136 : i32
      %jit3A = arith.constant 16 : i32
      %div3A = arith.divsi %add3A_137, %jit3A : i32
      %sign3A = arith.constant 0 : i32
      %sign3A_138 = arith.cmpi sgt, %add3A_137, %sign3A : i32
      %sign3A_139 = arith.extui %sign3A_138 : i1 to i32
      %sign3A_140 = arith.constant 0 : i32
      %sign3A_141 = arith.cmpi slt, %add3A_137, %sign3A_140 : i32
      %sign3A_142 = arith.extui %sign3A_141 : i1 to i32
      %sign3A_143 = arith.subi %sign3A_139, %sign3A_142 : i32
      %sign3A_144 = arith.constant 0 : i32
      %sign3A_145 = arith.cmpi sgt, %jit3A, %sign3A_144 : i32
      %sign3A_146 = arith.extui %sign3A_145 : i1 to i32
      %sign3A_147 = arith.constant 0 : i32
      %sign3A_148 = arith.cmpi slt, %jit3A, %sign3A_147 : i32
      %sign3A_149 = arith.extui %sign3A_148 : i1 to i32
      %sign3A_150 = arith.subi %sign3A_146, %sign3A_149 : i32
      %ne3A = arith.cmpi ne, %sign3A_143, %sign3A_150 : i32
      %rem3A = arith.remsi %add3A_137, %jit3A : i32
      %ne3A_151 = arith.constant 0 : i32
      %ne3A_152 = arith.cmpi ne, %rem3A, %ne3A_151 : i32
      %and3A = arith.andi %ne3A, %ne3A_152 : i1
      %sub3A = arith.constant 1 : i32
      %sub3A_153 = arith.subi %div3A, %sub3A : i32
      %select_n3A = arith.select %and3A, %sub3A_153, %div3A : i32
      %mul3A_154 = arith.constant 16 : i32
      %mul3A_155 = arith.muli %select_n3A, %mul3A_154 : i32
      %get3A_156 = arith.index_cast %mul3A_155 : i32 to index
      %get3A_157 = tpu.vector_load %arg17[%get3A_156] {strides = array<i32>} : memref<128xf32, #tpu.memory_space<vmem>>, vector<16xf32>,
      %get3A_158 = vector.shape_cast %get3A_157 : vector<16xf32> to vector<16xf32>
      %sub3A_159 = arith.subi %add3A_137, %mul3A_155 : i32
      %broadcast_in_dim3A = vector.broadcast %sub3A_159 : i32 to vector<16xi32>
      %lt3A = arith.constant 0 : i32
      %lt3A_160 = vector.broadcast %lt3A : i32 to vector<16xi32>
      %lt3A_161 = arith.cmpi slt, %broadcast_in_dim3A, %lt3A_160 : vector<16xi32>
      %add3A_162 = arith.constant 16 : i32
      %add3A_163 = vector.broadcast %add3A_162 : i32 to vector<16xi32>
      %add3A_164 = arith.addi %broadcast_in_dim3A, %add3A_163 : vector<16xi32>
      %select_n3A_165 = arith.select %lt3A_161, %add3A_164, %broadcast_in_dim3A : vector<16xi1>, vector<16xi32>
      %broadcast_in_dim3A_166 = vector.shape_cast %select_n3A_165 : vector<16xi32> to vector<16x1xi32>
      %gather3A = vector.shape_cast %broadcast_in_dim3A_166 : vector<16x1xi32> to vector<16xi32>
      %gather3A_167 = tpu.dynamic_gather %get3A_158[%gather3A] in [0] : vector<16xf32>, vector<16xi32> -> vector<16xf32>
      %mul3A_168 = arith.constant 128 : i32
      %mul3A_169 = arith.muli %add3A_110, %mul3A_168 : i32
      %add3A_170 = arith.constant 0 : i32
      %add3A_171 = arith.addi %mul3A_169, %add3A_170 : i32
      %get3A_172 = arith.index_cast %add3A_171 : i32 to index
      %get3A_173 = tpu.vector_load %arg18[%get3A_172] {strides = array<i32>} : memref<4096xf32, #tpu.memory_space<vmem>>, vector<16xf32>,
      %get3A_174 = vector.shape_cast %get3A_173 : vector<16xf32> to vector<16xf32>
      %mul3A_175 = arith.mulf %gather3A_167, %mul3A_11 : vector<16xf32>
      %add3A_176 = arith.addf %get3A_174, %mul3A_175 : vector<16xf32>
      %mul3A_177 = arith.constant 128 : i32
      %mul3A_178 = arith.muli %add3A_110, %mul3A_177 : i32
      %add3A_179 = arith.constant 16 : i32
      %add3A_180 = arith.addi %mul3A_178, %add3A_179 : i32
      %get3A_181 = arith.index_cast %add3A_180 : i32 to index
      %get3A_182 = tpu.vector_load %arg18[%get3A_181] {strides = array<i32>} : memref<4096xf32, #tpu.memory_space<vmem>>, vector<16xf32>,
      %get3A_183 = vector.shape_cast %get3A_182 : vector<16xf32> to vector<16xf32>
      %mul3A_184 = arith.mulf %gather3A_167, %mul3A_17 : vector<16xf32>
      %add3A_185 = arith.addf %get3A_183, %mul3A_184 : vector<16xf32>
      %mul3A_186 = arith.constant 128 : i32
      %mul3A_187 = arith.muli %add3A_110, %mul3A_186 : i32
      %add3A_188 = arith.constant 32 : i32
      %add3A_189 = arith.addi %mul3A_187, %add3A_188 : i32
      %get3A_190 = arith.index_cast %add3A_189 : i32 to index
      %get3A_191 = tpu.vector_load %arg18[%get3A_190] {strides = array<i32>} : memref<4096xf32, #tpu.memory_space<vmem>>, vector<16xf32>,
      %get3A_192 = vector.shape_cast %get3A_191 : vector<16xf32> to vector<16xf32>
      %mul3A_193 = arith.mulf %gather3A_167, %mul3A_23 : vector<16xf32>
      %add3A_194 = arith.addf %get3A_192, %mul3A_193 : vector<16xf32>
      %mul3A_195 = arith.constant 128 : i32
      %mul3A_196 = arith.muli %add3A_110, %mul3A_195 : i32
      %add3A_197 = arith.constant 48 : i32
      %add3A_198 = arith.addi %mul3A_196, %add3A_197 : i32
      %get3A_199 = arith.index_cast %add3A_198 : i32 to index
      %get3A_200 = tpu.vector_load %arg18[%get3A_199] {strides = array<i32>} : memref<4096xf32, #tpu.memory_space<vmem>>, vector<16xf32>,
      %get3A_201 = vector.shape_cast %get3A_200 : vector<16xf32> to vector<16xf32>
      %mul3A_202 = arith.mulf %gather3A_167, %mul3A_29 : vector<16xf32>
      %add3A_203 = arith.addf %get3A_201, %mul3A_202 : vector<16xf32>
      %mul3A_204 = arith.constant 128 : i32
      %mul3A_205 = arith.muli %add3A_110, %mul3A_204 : i32
      %add3A_206 = arith.constant 64 : i32
      %add3A_207 = arith.addi %mul3A_205, %add3A_206 : i32
      %get3A_208 = arith.index_cast %add3A_207 : i32 to index
      %get3A_209 = tpu.vector_load %arg18[%get3A_208] {strides = array<i32>} : memref<4096xf32, #tpu.memory_space<vmem>>, vector<16xf32>,
      %get3A_210 = vector.shape_cast %get3A_209 : vector<16xf32> to vector<16xf32>
      %mul3A_211 = arith.mulf %gather3A_167, %mul3A_35 : vector<16xf32>
      %add3A_212 = arith.addf %get3A_210, %mul3A_211 : vector<16xf32>
      %mul3A_213 = arith.constant 128 : i32
      %mul3A_214 = arith.muli %add3A_110, %mul3A_213 : i32
      %add3A_215 = arith.constant 80 : i32
      %add3A_216 = arith.addi %mul3A_214, %add3A_215 : i32
      %get3A_217 = arith.index_cast %add3A_216 : i32 to index
      %get3A_218 = tpu.vector_load %arg18[%get3A_217] {strides = array<i32>} : memref<4096xf32, #tpu.memory_space<vmem>>, vector<16xf32>,
      %get3A_219 = vector.shape_cast %get3A_218 : vector<16xf32> to vector<16xf32>
      %mul3A_220 = arith.mulf %gather3A_167, %mul3A_41 : vector<16xf32>
      %add3A_221 = arith.addf %get3A_219, %mul3A_220 : vector<16xf32>
      %mul3A_222 = arith.constant 128 : i32
      %mul3A_223 = arith.muli %add3A_110, %mul3A_222 : i32
      %add3A_224 = arith.constant 96 : i32
      %add3A_225 = arith.addi %mul3A_223, %add3A_224 : i32
      %get3A_226 = arith.index_cast %add3A_225 : i32 to index
      %get3A_227 = tpu.vector_load %arg18[%get3A_226] {strides = array<i32>} : memref<4096xf32, #tpu.memory_space<vmem>>, vector<16xf32>,
      %get3A_228 = vector.shape_cast %get3A_227 : vector<16xf32> to vector<16xf32>
      %mul3A_229 = arith.mulf %gather3A_167, %mul3A_47 : vector<16xf32>
      %add3A_230 = arith.addf %get3A_228, %mul3A_229 : vector<16xf32>
      %mul3A_231 = arith.constant 128 : i32
      %mul3A_232 = arith.muli %add3A_110, %mul3A_231 : i32
      %add3A_233 = arith.constant 112 : i32
      %add3A_234 = arith.addi %mul3A_232, %add3A_233 : i32
      %get3A_235 = arith.index_cast %add3A_234 : i32 to index
      %get3A_236 = tpu.vector_load %arg18[%get3A_235] {strides = array<i32>} : memref<4096xf32, #tpu.memory_space<vmem>>, vector<16xf32>,
      %get3A_237 = vector.shape_cast %get3A_236 : vector<16xf32> to vector<16xf32>
      %mul3A_238 = arith.mulf %gather3A_167, %mul3A_53 : vector<16xf32>
      %add3A_239 = arith.addf %get3A_237, %mul3A_238 : vector<16xf32>
      %broadcast_in_dim3A_240 = arith.constant 0.000000e+00 : f32
      %broadcast_in_dim3A_241 = vector.broadcast %broadcast_in_dim3A_240 : f32 to vector<16xf32>
      %broadcast_in_dim3A_242 = arith.constant 0.000000e+00 : f32
      %broadcast_in_dim3A_243 = vector.broadcast %broadcast_in_dim3A_242 : f32 to vector<16xf32>
      %broadcast_in_dim3A_244 = arith.constant 0.000000e+00 : f32
      %broadcast_in_dim3A_245 = vector.broadcast %broadcast_in_dim3A_244 : f32 to vector<16xf32>
      %broadcast_in_dim3A_246 = arith.constant 0.000000e+00 : f32
      %broadcast_in_dim3A_247 = vector.broadcast %broadcast_in_dim3A_246 : f32 to vector<16xf32>
      %broadcast_in_dim3A_248 = arith.constant 0.000000e+00 : f32
      %broadcast_in_dim3A_249 = vector.broadcast %broadcast_in_dim3A_248 : f32 to vector<16xf32>
      %broadcast_in_dim3A_250 = arith.constant 0.000000e+00 : f32
      %broadcast_in_dim3A_251 = vector.broadcast %broadcast_in_dim3A_250 : f32 to vector<16xf32>
      %broadcast_in_dim3A_252 = arith.constant 0.000000e+00 : f32
      %broadcast_in_dim3A_253 = vector.broadcast %broadcast_in_dim3A_252 : f32 to vector<16xf32>
      %broadcast_in_dim3A_254 = arith.constant 0.000000e+00 : f32
      %broadcast_in_dim3A_255 = vector.broadcast %broadcast_in_dim3A_254 : f32 to vector<16xf32>
      %scan3A_256 = arith.constant 0 : i32
      %scan3A_257 = arith.constant 20 : i32
      %scan3A_258 = arith.addi %scan3A_256, %scan3A_257 : i32
      %scan3A_259 = arith.constant 1 : i32
      %scan3A_260:16 = scf.for %scan3A_688 = %scan3A_256 to %scan3A_258 step %scan3A_259 iter_args(%scan3A_689 = %broadcast_in_dim3A_241, %scan3A_690 = %broadcast_in_dim3A_243, %scan3A_691 = %broadcast_in_dim3A_245, %scan3A_692 = %broadcast_in_dim3A_247, %scan3A_693 = %broadcast_in_dim3A_249, %scan3A_694 = %broadcast_in_dim3A_251, %scan3A_695 = %broadcast_in_dim3A_253, %scan3A_696 = %broadcast_in_dim3A_255, %scan3A_697 = %broadcast_in_dim3A_241, %scan3A_698 = %broadcast_in_dim3A_243, %scan3A_699 = %broadcast_in_dim3A_245, %scan3A_700 = %broadcast_in_dim3A_247, %scan3A_701 = %broadcast_in_dim3A_249, %scan3A_702 = %broadcast_in_dim3A_251, %scan3A_703 = %broadcast_in_dim3A_253, %scan3A_704 = %broadcast_in_dim3A_255) -> (vector<16xf32>, vector<16xf32>, vector<16xf32>, vector<16xf32>, vector<16xf32>, vector<16xf32>, vector<16xf32>, vector<16xf32>, vector<16xf32>, vector<16xf32>, vector<16xf32>, vector<16xf32>, vector<16xf32>, vector<16xf32>, vector<16xf32>, vector<16xf32>)  : i32 {
        %mul3A_705 = arith.constant 1 : i32
        %mul3A_706 = arith.muli %scan3A_688, %mul3A_705 : i32
        %add3A_707 = arith.constant 0 : i32
        %add3A_708 = arith.addi %add3A_707, %mul3A_706 : i32
        %add3A_709 = arith.constant 0 : i32
        %add3A_710 = arith.addi %add3A_709, %add3A_708 : i32
        %jit3A_711 = arith.constant 16 : i32
        %div3A_712 = arith.divsi %add3A_710, %jit3A_711 : i32
        %sign3A_713 = arith.constant 0 : i32
        %sign3A_714 = arith.cmpi sgt, %add3A_710, %sign3A_713 : i32
        %sign3A_715 = arith.extui %sign3A_714 : i1 to i32
        %sign3A_716 = arith.constant 0 : i32
        %sign3A_717 = arith.cmpi slt, %add3A_710, %sign3A_716 : i32
        %sign3A_718 = arith.extui %sign3A_717 : i1 to i32
        %sign3A_719 = arith.subi %sign3A_715, %sign3A_718 : i32
        %sign3A_720 = arith.constant 0 : i32
        %sign3A_721 = arith.cmpi sgt, %jit3A_711, %sign3A_720 : i32
        %sign3A_722 = arith.extui %sign3A_721 : i1 to i32
        %sign3A_723 = arith.constant 0 : i32
        %sign3A_724 = arith.cmpi slt, %jit3A_711, %sign3A_723 : i32
        %sign3A_725 = arith.extui %sign3A_724 : i1 to i32
        %sign3A_726 = arith.subi %sign3A_722, %sign3A_725 : i32
        %ne3A_727 = arith.cmpi ne, %sign3A_719, %sign3A_726 : i32
        %rem3A_728 = arith.remsi %add3A_710, %jit3A_711 : i32
        %ne3A_729 = arith.constant 0 : i32
        %ne3A_730 = arith.cmpi ne, %rem3A_728, %ne3A_729 : i32
        %and3A_731 = arith.andi %ne3A_727, %ne3A_730 : i1
        %sub3A_732 = arith.constant 1 : i32
        %sub3A_733 = arith.subi %div3A_712, %sub3A_732 : i32
        %select_n3A_734 = arith.select %and3A_731, %sub3A_733, %div3A_712 : i32
        %mul3A_735 = arith.constant 16 : i32
        %mul3A_736 = arith.muli %select_n3A_734, %mul3A_735 : i32
        %get3A_737 = arith.index_cast %mul3A_736 : i32 to index
        %get3A_738 = tpu.vector_load %arg15[%get3A_737] {strides = array<i32>} : memref<80xf32, #tpu.memory_space<vmem>>, vector<16xf32>,
        %get3A_739 = vector.shape_cast %get3A_738 : vector<16xf32> to vector<16xf32>
        %sub3A_740 = arith.subi %add3A_710, %mul3A_736 : i32
        %broadcast_in_dim3A_741 = vector.broadcast %sub3A_740 : i32 to vector<16xi32>
        %lt3A_742 = arith.constant 0 : i32
        %lt3A_743 = vector.broadcast %lt3A_742 : i32 to vector<16xi32>
        %lt3A_744 = arith.cmpi slt, %broadcast_in_dim3A_741, %lt3A_743 : vector<16xi32>
        %add3A_745 = arith.constant 16 : i32
        %add3A_746 = vector.broadcast %add3A_745 : i32 to vector<16xi32>
        %add3A_747 = arith.addi %broadcast_in_dim3A_741, %add3A_746 : vector<16xi32>
        %select_n3A_748 = arith.select %lt3A_744, %add3A_747, %broadcast_in_dim3A_741 : vector<16xi1>, vector<16xi32>
        %broadcast_in_dim3A_749 = vector.shape_cast %select_n3A_748 : vector<16xi32> to vector<16x1xi32>
        %gather3A_750 = vector.shape_cast %broadcast_in_dim3A_749 : vector<16x1xi32> to vector<16xi32>
        %gather3A_751 = tpu.dynamic_gather %get3A_739[%gather3A_750] in [0] : vector<16xf32>, vector<16xi32> -> vector<16xf32>
        %mul3A_752 = arith.constant 16 : i32
        %mul3A_753 = arith.muli %add3A_708, %mul3A_752 : i32
        %broadcast_in_dim3A_754 = arith.constant 0.000000e+00 : f32
        %broadcast_in_dim3A_755 = vector.broadcast %broadcast_in_dim3A_754 : f32 to vector<16xf32>
        %swap3A = arith.index_cast %mul3A_753 : i32 to index
        %swap3A_756 = tpu.vector_load %arg16[%swap3A] {strides = array<i32>} : memref<320xf32, #tpu.memory_space<vmem>>, vector<16xf32>,
        %swap3A_757 = vector.shape_cast %swap3A_756 : vector<16xf32> to vector<16xf32>
        %swap3A_758 = vector.shape_cast %gather3A_751 : vector<16xf32> to vector<16xf32>
        tpu.vector_store %arg16[%swap3A], %swap3A_758 {strides = array<i32>} : memref<320xf32, #tpu.memory_space<vmem>>, vector<16xf32>,
        %add3A_759 = arith.constant 0 : i32
        %add3A_760 = arith.addi %add3A_759, %add3A_708 : i32
        %get3A_761 = arith.index_cast %add3A_760 : i32 to index
        %get3A_762 = arith.constant 0 : index
        %get3A_763 = tpu.vector_load %arg22[%get3A_761, %get3A_762] {strides = array<i32>} : memref<80x128xf32, #tpu.memory_space<vmem>>, vector<1x16xf32>,
        %get3A_764 = vector.shape_cast %get3A_763 : vector<1x16xf32> to vector<16xf32>
        %get3A_765 = arith.index_cast %add3A_760 : i32 to index
        %get3A_766 = arith.constant 0 : index
        %get3A_767 = tpu.vector_load %arg23[%get3A_765, %get3A_766] {strides = array<i32>} : memref<80x128xf32, #tpu.memory_space<vmem>>, vector<1x16xf32>,
        %get3A_768 = vector.shape_cast %get3A_767 : vector<1x16xf32> to vector<16xf32>
        %get3A_769 = arith.index_cast %add3A_760 : i32 to index
        %get3A_770 = arith.constant 0 : index
        %get3A_771 = tpu.vector_load %arg24[%get3A_769, %get3A_770] {strides = array<i32>} : memref<80x128xf32, #tpu.memory_space<vmem>>, vector<1x16xf32>,
        %get3A_772 = vector.shape_cast %get3A_771 : vector<1x16xf32> to vector<16xf32>
        %add3A_773 = arith.addf %scan3A_689, %scan3A_697 : vector<16xf32>
        %mul3A_774 = arith.constant 128 : i32
        %mul3A_775 = arith.muli %add3A_708, %mul3A_774 : i32
        %add3A_776 = arith.constant 0 : i32
        %add3A_777 = arith.addi %mul3A_775, %add3A_776 : i32
        %get3A_778 = arith.index_cast %add3A_777 : i32 to index
        %get3A_779 = tpu.vector_load %arg19[%get3A_778] {strides = array<i32>} : memref<2560xf32, #tpu.memory_space<vmem>>, vector<16xf32>,
        %get3A_780 = vector.shape_cast %get3A_779 : vector<16xf32> to vector<16xf32>
        %add3A_781 = arith.addf %add3A_773, %get3A_780 : vector<16xf32>
        %mul3A_782 = arith.mulf %broadcast_in_dim3A_755, %mul3A_59 : vector<16xf32>
        %add3A_783 = arith.addf %add3A_176, %mul3A_782 : vector<16xf32>
        %mul3A_784 = arith.constant 11.3137083 : f32
        %mul3A_785 = vector.broadcast %mul3A_784 : f32 to vector<16xf32>
        %mul3A_786 = arith.mulf %add3A_781, %mul3A_785 : vector<16xf32>
        %add3A_787 = arith.addf %add3A_783, %mul3A_786 : vector<16xf32>
        %add3A_788 = arith.addf %get3A_764, %get3A_772 : vector<16xf32>
        %mul3A_789 = arith.constant 11.3137083 : f32
        %mul3A_790 = vector.broadcast %mul3A_789 : f32 to vector<16xf32>
        %mul3A_791 = arith.mulf %add3A_788, %mul3A_790 : vector<16xf32>
        %add3A_792 = arith.addf %add3A_787, %mul3A_791 : vector<16xf32>
        %add3A_793 = arith.constant 0 : i32
        %add3A_794 = arith.addi %add3A_793, %add3A_708 : i32
        %mul3A_795 = arith.constant 128 : i32
        %mul3A_796 = arith.muli %add3A_794, %mul3A_795 : i32
        %add3A_797 = arith.constant 0 : i32
        %add3A_798 = arith.addi %mul3A_796, %add3A_797 : i32
        %swap3A_799 = arith.index_cast %add3A_798 : i32 to index
        %swap3A_800 = tpu.vector_load %arg25[%swap3A_799] {strides = array<i32>} : memref<12288xf32, #tpu.memory_space<vmem>>, vector<16xf32>,
        %swap3A_801 = vector.shape_cast %swap3A_800 : vector<16xf32> to vector<16xf32>
        %swap3A_802 = vector.shape_cast %add3A_787 : vector<16xf32> to vector<16xf32>
        tpu.vector_store %arg25[%swap3A_799], %swap3A_802 {strides = array<i32>} : memref<12288xf32, #tpu.memory_space<vmem>>, vector<16xf32>,
        %swap3A_803 = arith.index_cast %add3A_798 : i32 to index
        %swap3A_804 = tpu.vector_load %arg26[%swap3A_803] {strides = array<i32>} : memref<12288xf32, #tpu.memory_space<vmem>>, vector<16xf32>,
        %swap3A_805 = vector.shape_cast %swap3A_804 : vector<16xf32> to vector<16xf32>
        %swap3A_806 = vector.shape_cast %add3A_792 : vector<16xf32> to vector<16xf32>
        tpu.vector_store %arg26[%swap3A_803], %swap3A_806 {strides = array<i32>} : memref<12288xf32, #tpu.memory_space<vmem>>, vector<16xf32>,
        %mul3A_807 = arith.mulf %get3A_768, %gather3A_751 : vector<16xf32>
        %add3A_808 = arith.addf %scan3A_689, %mul3A_807 : vector<16xf32>
        %add3A_809 = arith.addf %scan3A_697, %get3A_764 : vector<16xf32>
        %get3A_810 = arith.index_cast %add3A_760 : i32 to index
        %get3A_811 = arith.constant 16 : index
        %get3A_812 = tpu.vector_load %arg22[%get3A_810, %get3A_811] {strides = array<i32>} : memref<80x128xf32, #tpu.memory_space<vmem>>, vector<1x16xf32>,
        %get3A_813 = vector.shape_cast %get3A_812 : vector<1x16xf32> to vector<16xf32>
        %get3A_814 = arith.index_cast %add3A_760 : i32 to index
        %get3A_815 = arith.constant 16 : index
        %get3A_816 = tpu.vector_load %arg23[%get3A_814, %get3A_815] {strides = array<i32>} : memref<80x128xf32, #tpu.memory_space<vmem>>, vector<1x16xf32>,
        %get3A_817 = vector.shape_cast %get3A_816 : vector<1x16xf32> to vector<16xf32>
        %get3A_818 = arith.index_cast %add3A_760 : i32 to index
        %get3A_819 = arith.constant 16 : index
        %get3A_820 = tpu.vector_load %arg24[%get3A_818, %get3A_819] {strides = array<i32>} : memref<80x128xf32, #tpu.memory_space<vmem>>, vector<1x16xf32>,
        %get3A_821 = vector.shape_cast %get3A_820 : vector<1x16xf32> to vector<16xf32>
        %add3A_822 = arith.addf %scan3A_690, %scan3A_698 : vector<16xf32>
        %mul3A_823 = arith.constant 128 : i32
        %mul3A_824 = arith.muli %add3A_708, %mul3A_823 : i32
        %add3A_825 = arith.constant 16 : i32
        %add3A_826 = arith.addi %mul3A_824, %add3A_825 : i32
        %get3A_827 = arith.index_cast %add3A_826 : i32 to index
        %get3A_828 = tpu.vector_load %arg19[%get3A_827] {strides = array<i32>} : memref<2560xf32, #tpu.memory_space<vmem>>, vector<16xf32>,
        %get3A_829 = vector.shape_cast %get3A_828 : vector<16xf32> to vector<16xf32>
        %add3A_830 = arith.addf %add3A_822, %get3A_829 : vector<16xf32>
        %mul3A_831 = arith.mulf %broadcast_in_dim3A_755, %mul3A_65 : vector<16xf32>
        %add3A_832 = arith.addf %add3A_185, %mul3A_831 : vector<16xf32>
        %mul3A_833 = arith.constant 11.3137083 : f32
        %mul3A_834 = vector.broadcast %mul3A_833 : f32 to vector<16xf32>
        %mul3A_835 = arith.mulf %add3A_830, %mul3A_834 : vector<16xf32>
        %add3A_836 = arith.addf %add3A_832, %mul3A_835 : vector<16xf32>
        %add3A_837 = arith.addf %get3A_813, %get3A_821 : vector<16xf32>
        %mul3A_838 = arith.constant 11.3137083 : f32
        %mul3A_839 = vector.broadcast %mul3A_838 : f32 to vector<16xf32>
        %mul3A_840 = arith.mulf %add3A_837, %mul3A_839 : vector<16xf32>
        %add3A_841 = arith.addf %add3A_836, %mul3A_840 : vector<16xf32>
        %add3A_842 = arith.constant 0 : i32
        %add3A_843 = arith.addi %add3A_842, %add3A_708 : i32
        %mul3A_844 = arith.constant 128 : i32
        %mul3A_845 = arith.muli %add3A_843, %mul3A_844 : i32
        %add3A_846 = arith.constant 16 : i32
        %add3A_847 = arith.addi %mul3A_845, %add3A_846 : i32
        %swap3A_848 = arith.index_cast %add3A_847 : i32 to index
        %swap3A_849 = tpu.vector_load %arg25[%swap3A_848] {strides = array<i32>} : memref<12288xf32, #tpu.memory_space<vmem>>, vector<16xf32>,
        %swap3A_850 = vector.shape_cast %swap3A_849 : vector<16xf32> to vector<16xf32>
        %swap3A_851 = vector.shape_cast %add3A_836 : vector<16xf32> to vector<16xf32>
        tpu.vector_store %arg25[%swap3A_848], %swap3A_851 {strides = array<i32>} : memref<12288xf32, #tpu.memory_space<vmem>>, vector<16xf32>,
        %swap3A_852 = arith.index_cast %add3A_847 : i32 to index
        %swap3A_853 = tpu.vector_load %arg26[%swap3A_852] {strides = array<i32>} : memref<12288xf32, #tpu.memory_space<vmem>>, vector<16xf32>,
        %swap3A_854 = vector.shape_cast %swap3A_853 : vector<16xf32> to vector<16xf32>
        %swap3A_855 = vector.shape_cast %add3A_841 : vector<16xf32> to vector<16xf32>
        tpu.vector_store %arg26[%swap3A_852], %swap3A_855 {strides = array<i32>} : memref<12288xf32, #tpu.memory_space<vmem>>, vector<16xf32>,
        %mul3A_856 = arith.mulf %get3A_817, %gather3A_751 : vector<16xf32>
        %add3A_857 = arith.addf %scan3A_690, %mul3A_856 : vector<16xf32>
        %add3A_858 = arith.addf %scan3A_698, %get3A_813 : vector<16xf32>
        %get3A_859 = arith.index_cast %add3A_760 : i32 to index
        %get3A_860 = arith.constant 32 : index
        %get3A_861 = tpu.vector_load %arg22[%get3A_859, %get3A_860] {strides = array<i32>} : memref<80x128xf32, #tpu.memory_space<vmem>>, vector<1x16xf32>,
        %get3A_862 = vector.shape_cast %get3A_861 : vector<1x16xf32> to vector<16xf32>
        %get3A_863 = arith.index_cast %add3A_760 : i32 to index
        %get3A_864 = arith.constant 32 : index
        %get3A_865 = tpu.vector_load %arg23[%get3A_863, %get3A_864] {strides = array<i32>} : memref<80x128xf32, #tpu.memory_space<vmem>>, vector<1x16xf32>,
        %get3A_866 = vector.shape_cast %get3A_865 : vector<1x16xf32> to vector<16xf32>
        %get3A_867 = arith.index_cast %add3A_760 : i32 to index
        %get3A_868 = arith.constant 32 : index
        %get3A_869 = tpu.vector_load %arg24[%get3A_867, %get3A_868] {strides = array<i32>} : memref<80x128xf32, #tpu.memory_space<vmem>>, vector<1x16xf32>,
        %get3A_870 = vector.shape_cast %get3A_869 : vector<1x16xf32> to vector<16xf32>
        %add3A_871 = arith.addf %scan3A_691, %scan3A_699 : vector<16xf32>
        %mul3A_872 = arith.constant 128 : i32
        %mul3A_873 = arith.muli %add3A_708, %mul3A_872 : i32
        %add3A_874 = arith.constant 32 : i32
        %add3A_875 = arith.addi %mul3A_873, %add3A_874 : i32
        %get3A_876 = arith.index_cast %add3A_875 : i32 to index
        %get3A_877 = tpu.vector_load %arg19[%get3A_876] {strides = array<i32>} : memref<2560xf32, #tpu.memory_space<vmem>>, vector<16xf32>,
        %get3A_878 = vector.shape_cast %get3A_877 : vector<16xf32> to vector<16xf32>
        %add3A_879 = arith.addf %add3A_871, %get3A_878 : vector<16xf32>
        %mul3A_880 = arith.mulf %broadcast_in_dim3A_755, %mul3A_71 : vector<16xf32>
        %add3A_881 = arith.addf %add3A_194, %mul3A_880 : vector<16xf32>
        %mul3A_882 = arith.constant 11.3137083 : f32
        %mul3A_883 = vector.broadcast %mul3A_882 : f32 to vector<16xf32>
        %mul3A_884 = arith.mulf %add3A_879, %mul3A_883 : vector<16xf32>
        %add3A_885 = arith.addf %add3A_881, %mul3A_884 : vector<16xf32>
        %add3A_886 = arith.addf %get3A_862, %get3A_870 : vector<16xf32>
        %mul3A_887 = arith.constant 11.3137083 : f32
        %mul3A_888 = vector.broadcast %mul3A_887 : f32 to vector<16xf32>
        %mul3A_889 = arith.mulf %add3A_886, %mul3A_888 : vector<16xf32>
        %add3A_890 = arith.addf %add3A_885, %mul3A_889 : vector<16xf32>
        %add3A_891 = arith.constant 0 : i32
        %add3A_892 = arith.addi %add3A_891, %add3A_708 : i32
        %mul3A_893 = arith.constant 128 : i32
        %mul3A_894 = arith.muli %add3A_892, %mul3A_893 : i32
        %add3A_895 = arith.constant 32 : i32
        %add3A_896 = arith.addi %mul3A_894, %add3A_895 : i32
        %swap3A_897 = arith.index_cast %add3A_896 : i32 to index
        %swap3A_898 = tpu.vector_load %arg25[%swap3A_897] {strides = array<i32>} : memref<12288xf32, #tpu.memory_space<vmem>>, vector<16xf32>,
        %swap3A_899 = vector.shape_cast %swap3A_898 : vector<16xf32> to vector<16xf32>
        %swap3A_900 = vector.shape_cast %add3A_885 : vector<16xf32> to vector<16xf32>
        tpu.vector_store %arg25[%swap3A_897], %swap3A_900 {strides = array<i32>} : memref<12288xf32, #tpu.memory_space<vmem>>, vector<16xf32>,
        %swap3A_901 = arith.index_cast %add3A_896 : i32 to index
        %swap3A_902 = tpu.vector_load %arg26[%swap3A_901] {strides = array<i32>} : memref<12288xf32, #tpu.memory_space<vmem>>, vector<16xf32>,
        %swap3A_903 = vector.shape_cast %swap3A_902 : vector<16xf32> to vector<16xf32>
        %swap3A_904 = vector.shape_cast %add3A_890 : vector<16xf32> to vector<16xf32>
        tpu.vector_store %arg26[%swap3A_901], %swap3A_904 {strides = array<i32>} : memref<12288xf32, #tpu.memory_space<vmem>>, vector<16xf32>,
        %mul3A_905 = arith.mulf %get3A_866, %gather3A_751 : vector<16xf32>
        %add3A_906 = arith.addf %scan3A_691, %mul3A_905 : vector<16xf32>
        %add3A_907 = arith.addf %scan3A_699, %get3A_862 : vector<16xf32>
        %get3A_908 = arith.index_cast %add3A_760 : i32 to index
        %get3A_909 = arith.constant 48 : index
        %get3A_910 = tpu.vector_load %arg22[%get3A_908, %get3A_909] {strides = array<i32>} : memref<80x128xf32, #tpu.memory_space<vmem>>, vector<1x16xf32>,
        %get3A_911 = vector.shape_cast %get3A_910 : vector<1x16xf32> to vector<16xf32>
        %get3A_912 = arith.index_cast %add3A_760 : i32 to index
        %get3A_913 = arith.constant 48 : index
        %get3A_914 = tpu.vector_load %arg23[%get3A_912, %get3A_913] {strides = array<i32>} : memref<80x128xf32, #tpu.memory_space<vmem>>, vector<1x16xf32>,
        %get3A_915 = vector.shape_cast %get3A_914 : vector<1x16xf32> to vector<16xf32>
        %get3A_916 = arith.index_cast %add3A_760 : i32 to index
        %get3A_917 = arith.constant 48 : index
        %get3A_918 = tpu.vector_load %arg24[%get3A_916, %get3A_917] {strides = array<i32>} : memref<80x128xf32, #tpu.memory_space<vmem>>, vector<1x16xf32>,
        %get3A_919 = vector.shape_cast %get3A_918 : vector<1x16xf32> to vector<16xf32>
        %add3A_920 = arith.addf %scan3A_692, %scan3A_700 : vector<16xf32>
        %mul3A_921 = arith.constant 128 : i32
        %mul3A_922 = arith.muli %add3A_708, %mul3A_921 : i32
        %add3A_923 = arith.constant 48 : i32
        %add3A_924 = arith.addi %mul3A_922, %add3A_923 : i32
        %get3A_925 = arith.index_cast %add3A_924 : i32 to index
        %get3A_926 = tpu.vector_load %arg19[%get3A_925] {strides = array<i32>} : memref<2560xf32, #tpu.memory_space<vmem>>, vector<16xf32>,
        %get3A_927 = vector.shape_cast %get3A_926 : vector<16xf32> to vector<16xf32>
        %add3A_928 = arith.addf %add3A_920, %get3A_927 : vector<16xf32>
        %mul3A_929 = arith.mulf %broadcast_in_dim3A_755, %mul3A_77 : vector<16xf32>
        %add3A_930 = arith.addf %add3A_203, %mul3A_929 : vector<16xf32>
        %mul3A_931 = arith.constant 11.3137083 : f32
        %mul3A_932 = vector.broadcast %mul3A_931 : f32 to vector<16xf32>
        %mul3A_933 = arith.mulf %add3A_928, %mul3A_932 : vector<16xf32>
        %add3A_934 = arith.addf %add3A_930, %mul3A_933 : vector<16xf32>
        %add3A_935 = arith.addf %get3A_911, %get3A_919 : vector<16xf32>
        %mul3A_936 = arith.constant 11.3137083 : f32
        %mul3A_937 = vector.broadcast %mul3A_936 : f32 to vector<16xf32>
        %mul3A_938 = arith.mulf %add3A_935, %mul3A_937 : vector<16xf32>
        %add3A_939 = arith.addf %add3A_934, %mul3A_938 : vector<16xf32>
        %add3A_940 = arith.constant 0 : i32
        %add3A_941 = arith.addi %add3A_940, %add3A_708 : i32
        %mul3A_942 = arith.constant 128 : i32
        %mul3A_943 = arith.muli %add3A_941, %mul3A_942 : i32
        %add3A_944 = arith.constant 48 : i32
        %add3A_945 = arith.addi %mul3A_943, %add3A_944 : i32
        %swap3A_946 = arith.index_cast %add3A_945 : i32 to index
        %swap3A_947 = tpu.vector_load %arg25[%swap3A_946] {strides = array<i32>} : memref<12288xf32, #tpu.memory_space<vmem>>, vector<16xf32>,
        %swap3A_948 = vector.shape_cast %swap3A_947 : vector<16xf32> to vector<16xf32>
        %swap3A_949 = vector.shape_cast %add3A_934 : vector<16xf32> to vector<16xf32>
        tpu.vector_store %arg25[%swap3A_946], %swap3A_949 {strides = array<i32>} : memref<12288xf32, #tpu.memory_space<vmem>>, vector<16xf32>,
        %swap3A_950 = arith.index_cast %add3A_945 : i32 to index
        %swap3A_951 = tpu.vector_load %arg26[%swap3A_950] {strides = array<i32>} : memref<12288xf32, #tpu.memory_space<vmem>>, vector<16xf32>,
        %swap3A_952 = vector.shape_cast %swap3A_951 : vector<16xf32> to vector<16xf32>
        %swap3A_953 = vector.shape_cast %add3A_939 : vector<16xf32> to vector<16xf32>
        tpu.vector_store %arg26[%swap3A_950], %swap3A_953 {strides = array<i32>} : memref<12288xf32, #tpu.memory_space<vmem>>, vector<16xf32>,
        %mul3A_954 = arith.mulf %get3A_915, %gather3A_751 : vector<16xf32>
        %add3A_955 = arith.addf %scan3A_692, %mul3A_954 : vector<16xf32>
        %add3A_956 = arith.addf %scan3A_700, %get3A_911 : vector<16xf32>
        %get3A_957 = arith.index_cast %add3A_760 : i32 to index
        %get3A_958 = arith.constant 64 : index
        %get3A_959 = tpu.vector_load %arg22[%get3A_957, %get3A_958] {strides = array<i32>} : memref<80x128xf32, #tpu.memory_space<vmem>>, vector<1x16xf32>,
        %get3A_960 = vector.shape_cast %get3A_959 : vector<1x16xf32> to vector<16xf32>
        %get3A_961 = arith.index_cast %add3A_760 : i32 to index
        %get3A_962 = arith.constant 64 : index
        %get3A_963 = tpu.vector_load %arg23[%get3A_961, %get3A_962] {strides = array<i32>} : memref<80x128xf32, #tpu.memory_space<vmem>>, vector<1x16xf32>,
        %get3A_964 = vector.shape_cast %get3A_963 : vector<1x16xf32> to vector<16xf32>
        %get3A_965 = arith.index_cast %add3A_760 : i32 to index
        %get3A_966 = arith.constant 64 : index
        %get3A_967 = tpu.vector_load %arg24[%get3A_965, %get3A_966] {strides = array<i32>} : memref<80x128xf32, #tpu.memory_space<vmem>>, vector<1x16xf32>,
        %get3A_968 = vector.shape_cast %get3A_967 : vector<1x16xf32> to vector<16xf32>
        %add3A_969 = arith.addf %scan3A_693, %scan3A_701 : vector<16xf32>
        %mul3A_970 = arith.constant 128 : i32
        %mul3A_971 = arith.muli %add3A_708, %mul3A_970 : i32
        %add3A_972 = arith.constant 64 : i32
        %add3A_973 = arith.addi %mul3A_971, %add3A_972 : i32
        %get3A_974 = arith.index_cast %add3A_973 : i32 to index
        %get3A_975 = tpu.vector_load %arg19[%get3A_974] {strides = array<i32>} : memref<2560xf32, #tpu.memory_space<vmem>>, vector<16xf32>,
        %get3A_976 = vector.shape_cast %get3A_975 : vector<16xf32> to vector<16xf32>
        %add3A_977 = arith.addf %add3A_969, %get3A_976 : vector<16xf32>
        %mul3A_978 = arith.mulf %broadcast_in_dim3A_755, %mul3A_83 : vector<16xf32>
        %add3A_979 = arith.addf %add3A_212, %mul3A_978 : vector<16xf32>
        %mul3A_980 = arith.constant 11.3137083 : f32
        %mul3A_981 = vector.broadcast %mul3A_980 : f32 to vector<16xf32>
        %mul3A_982 = arith.mulf %add3A_977, %mul3A_981 : vector<16xf32>
        %add3A_983 = arith.addf %add3A_979, %mul3A_982 : vector<16xf32>
        %add3A_984 = arith.addf %get3A_960, %get3A_968 : vector<16xf32>
        %mul3A_985 = arith.constant 11.3137083 : f32
        %mul3A_986 = vector.broadcast %mul3A_985 : f32 to vector<16xf32>
        %mul3A_987 = arith.mulf %add3A_984, %mul3A_986 : vector<16xf32>
        %add3A_988 = arith.addf %add3A_983, %mul3A_987 : vector<16xf32>
        %add3A_989 = arith.constant 0 : i32
        %add3A_990 = arith.addi %add3A_989, %add3A_708 : i32
        %mul3A_991 = arith.constant 128 : i32
        %mul3A_992 = arith.muli %add3A_990, %mul3A_991 : i32
        %add3A_993 = arith.constant 64 : i32
        %add3A_994 = arith.addi %mul3A_992, %add3A_993 : i32
        %swap3A_995 = arith.index_cast %add3A_994 : i32 to index
        %swap3A_996 = tpu.vector_load %arg25[%swap3A_995] {strides = array<i32>} : memref<12288xf32, #tpu.memory_space<vmem>>, vector<16xf32>,
        %swap3A_997 = vector.shape_cast %swap3A_996 : vector<16xf32> to vector<16xf32>
        %swap3A_998 = vector.shape_cast %add3A_983 : vector<16xf32> to vector<16xf32>
        tpu.vector_store %arg25[%swap3A_995], %swap3A_998 {strides = array<i32>} : memref<12288xf32, #tpu.memory_space<vmem>>, vector<16xf32>,
        %swap3A_999 = arith.index_cast %add3A_994 : i32 to index
        %swap3A_1000 = tpu.vector_load %arg26[%swap3A_999] {strides = array<i32>} : memref<12288xf32, #tpu.memory_space<vmem>>, vector<16xf32>,
        %swap3A_1001 = vector.shape_cast %swap3A_1000 : vector<16xf32> to vector<16xf32>
        %swap3A_1002 = vector.shape_cast %add3A_988 : vector<16xf32> to vector<16xf32>
        tpu.vector_store %arg26[%swap3A_999], %swap3A_1002 {strides = array<i32>} : memref<12288xf32, #tpu.memory_space<vmem>>, vector<16xf32>,
        %mul3A_1003 = arith.mulf %get3A_964, %gather3A_751 : vector<16xf32>
        %add3A_1004 = arith.addf %scan3A_693, %mul3A_1003 : vector<16xf32>
        %add3A_1005 = arith.addf %scan3A_701, %get3A_960 : vector<16xf32>
        %get3A_1006 = arith.index_cast %add3A_760 : i32 to index
        %get3A_1007 = arith.constant 80 : index
        %get3A_1008 = tpu.vector_load %arg22[%get3A_1006, %get3A_1007] {strides = array<i32>} : memref<80x128xf32, #tpu.memory_space<vmem>>, vector<1x16xf32>,
        %get3A_1009 = vector.shape_cast %get3A_1008 : vector<1x16xf32> to vector<16xf32>
        %get3A_1010 = arith.index_cast %add3A_760 : i32 to index
        %get3A_1011 = arith.constant 80 : index
        %get3A_1012 = tpu.vector_load %arg23[%get3A_1010, %get3A_1011] {strides = array<i32>} : memref<80x128xf32, #tpu.memory_space<vmem>>, vector<1x16xf32>,
        %get3A_1013 = vector.shape_cast %get3A_1012 : vector<1x16xf32> to vector<16xf32>
        %get3A_1014 = arith.index_cast %add3A_760 : i32 to index
        %get3A_1015 = arith.constant 80 : index
        %get3A_1016 = tpu.vector_load %arg24[%get3A_1014, %get3A_1015] {strides = array<i32>} : memref<80x128xf32, #tpu.memory_space<vmem>>, vector<1x16xf32>,
        %get3A_1017 = vector.shape_cast %get3A_1016 : vector<1x16xf32> to vector<16xf32>
        %add3A_1018 = arith.addf %scan3A_694, %scan3A_702 : vector<16xf32>
        %mul3A_1019 = arith.constant 128 : i32
        %mul3A_1020 = arith.muli %add3A_708, %mul3A_1019 : i32
        %add3A_1021 = arith.constant 80 : i32
        %add3A_1022 = arith.addi %mul3A_1020, %add3A_1021 : i32
        %get3A_1023 = arith.index_cast %add3A_1022 : i32 to index
        %get3A_1024 = tpu.vector_load %arg19[%get3A_1023] {strides = array<i32>} : memref<2560xf32, #tpu.memory_space<vmem>>, vector<16xf32>,
        %get3A_1025 = vector.shape_cast %get3A_1024 : vector<16xf32> to vector<16xf32>
        %add3A_1026 = arith.addf %add3A_1018, %get3A_1025 : vector<16xf32>
        %mul3A_1027 = arith.mulf %broadcast_in_dim3A_755, %mul3A_89 : vector<16xf32>
        %add3A_1028 = arith.addf %add3A_221, %mul3A_1027 : vector<16xf32>
        %mul3A_1029 = arith.constant 11.3137083 : f32
        %mul3A_1030 = vector.broadcast %mul3A_1029 : f32 to vector<16xf32>
        %mul3A_1031 = arith.mulf %add3A_1026, %mul3A_1030 : vector<16xf32>
        %add3A_1032 = arith.addf %add3A_1028, %mul3A_1031 : vector<16xf32>
        %add3A_1033 = arith.addf %get3A_1009, %get3A_1017 : vector<16xf32>
        %mul3A_1034 = arith.constant 11.3137083 : f32
        %mul3A_1035 = vector.broadcast %mul3A_1034 : f32 to vector<16xf32>
        %mul3A_1036 = arith.mulf %add3A_1033, %mul3A_1035 : vector<16xf32>
        %add3A_1037 = arith.addf %add3A_1032, %mul3A_1036 : vector<16xf32>
        %add3A_1038 = arith.constant 0 : i32
        %add3A_1039 = arith.addi %add3A_1038, %add3A_708 : i32
        %mul3A_1040 = arith.constant 128 : i32
        %mul3A_1041 = arith.muli %add3A_1039, %mul3A_1040 : i32
        %add3A_1042 = arith.constant 80 : i32
        %add3A_1043 = arith.addi %mul3A_1041, %add3A_1042 : i32
        %swap3A_1044 = arith.index_cast %add3A_1043 : i32 to index
        %swap3A_1045 = tpu.vector_load %arg25[%swap3A_1044] {strides = array<i32>} : memref<12288xf32, #tpu.memory_space<vmem>>, vector<16xf32>,
        %swap3A_1046 = vector.shape_cast %swap3A_1045 : vector<16xf32> to vector<16xf32>
        %swap3A_1047 = vector.shape_cast %add3A_1032 : vector<16xf32> to vector<16xf32>
        tpu.vector_store %arg25[%swap3A_1044], %swap3A_1047 {strides = array<i32>} : memref<12288xf32, #tpu.memory_space<vmem>>, vector<16xf32>,
        %swap3A_1048 = arith.index_cast %add3A_1043 : i32 to index
        %swap3A_1049 = tpu.vector_load %arg26[%swap3A_1048] {strides = array<i32>} : memref<12288xf32, #tpu.memory_space<vmem>>, vector<16xf32>,
        %swap3A_1050 = vector.shape_cast %swap3A_1049 : vector<16xf32> to vector<16xf32>
        %swap3A_1051 = vector.shape_cast %add3A_1037 : vector<16xf32> to vector<16xf32>
        tpu.vector_store %arg26[%swap3A_1048], %swap3A_1051 {strides = array<i32>} : memref<12288xf32, #tpu.memory_space<vmem>>, vector<16xf32>,
        %mul3A_1052 = arith.mulf %get3A_1013, %gather3A_751 : vector<16xf32>
        %add3A_1053 = arith.addf %scan3A_694, %mul3A_1052 : vector<16xf32>
        %add3A_1054 = arith.addf %scan3A_702, %get3A_1009 : vector<16xf32>
        %get3A_1055 = arith.index_cast %add3A_760 : i32 to index
        %get3A_1056 = arith.constant 96 : index
        %get3A_1057 = tpu.vector_load %arg22[%get3A_1055, %get3A_1056] {strides = array<i32>} : memref<80x128xf32, #tpu.memory_space<vmem>>, vector<1x16xf32>,
        %get3A_1058 = vector.shape_cast %get3A_1057 : vector<1x16xf32> to vector<16xf32>
        %get3A_1059 = arith.index_cast %add3A_760 : i32 to index
        %get3A_1060 = arith.constant 96 : index
        %get3A_1061 = tpu.vector_load %arg23[%get3A_1059, %get3A_1060] {strides = array<i32>} : memref<80x128xf32, #tpu.memory_space<vmem>>, vector<1x16xf32>,
        %get3A_1062 = vector.shape_cast %get3A_1061 : vector<1x16xf32> to vector<16xf32>
        %get3A_1063 = arith.index_cast %add3A_760 : i32 to index
        %get3A_1064 = arith.constant 96 : index
        %get3A_1065 = tpu.vector_load %arg24[%get3A_1063, %get3A_1064] {strides = array<i32>} : memref<80x128xf32, #tpu.memory_space<vmem>>, vector<1x16xf32>,
        %get3A_1066 = vector.shape_cast %get3A_1065 : vector<1x16xf32> to vector<16xf32>
        %add3A_1067 = arith.addf %scan3A_695, %scan3A_703 : vector<16xf32>
        %mul3A_1068 = arith.constant 128 : i32
        %mul3A_1069 = arith.muli %add3A_708, %mul3A_1068 : i32
        %add3A_1070 = arith.constant 96 : i32
        %add3A_1071 = arith.addi %mul3A_1069, %add3A_1070 : i32
        %get3A_1072 = arith.index_cast %add3A_1071 : i32 to index
        %get3A_1073 = tpu.vector_load %arg19[%get3A_1072] {strides = array<i32>} : memref<2560xf32, #tpu.memory_space<vmem>>, vector<16xf32>,
        %get3A_1074 = vector.shape_cast %get3A_1073 : vector<16xf32> to vector<16xf32>
        %add3A_1075 = arith.addf %add3A_1067, %get3A_1074 : vector<16xf32>
        %mul3A_1076 = arith.mulf %broadcast_in_dim3A_755, %mul3A_95 : vector<16xf32>
        %add3A_1077 = arith.addf %add3A_230, %mul3A_1076 : vector<16xf32>
        %mul3A_1078 = arith.constant 11.3137083 : f32
        %mul3A_1079 = vector.broadcast %mul3A_1078 : f32 to vector<16xf32>
        %mul3A_1080 = arith.mulf %add3A_1075, %mul3A_1079 : vector<16xf32>
        %add3A_1081 = arith.addf %add3A_1077, %mul3A_1080 : vector<16xf32>
        %add3A_1082 = arith.addf %get3A_1058, %get3A_1066 : vector<16xf32>
        %mul3A_1083 = arith.constant 11.3137083 : f32
        %mul3A_1084 = vector.broadcast %mul3A_1083 : f32 to vector<16xf32>
        %mul3A_1085 = arith.mulf %add3A_1082, %mul3A_1084 : vector<16xf32>
        %add3A_1086 = arith.addf %add3A_1081, %mul3A_1085 : vector<16xf32>
        %add3A_1087 = arith.constant 0 : i32
        %add3A_1088 = arith.addi %add3A_1087, %add3A_708 : i32
        %mul3A_1089 = arith.constant 128 : i32
        %mul3A_1090 = arith.muli %add3A_1088, %mul3A_1089 : i32
        %add3A_1091 = arith.constant 96 : i32
        %add3A_1092 = arith.addi %mul3A_1090, %add3A_1091 : i32
        %swap3A_1093 = arith.index_cast %add3A_1092 : i32 to index
        %swap3A_1094 = tpu.vector_load %arg25[%swap3A_1093] {strides = array<i32>} : memref<12288xf32, #tpu.memory_space<vmem>>, vector<16xf32>,
        %swap3A_1095 = vector.shape_cast %swap3A_1094 : vector<16xf32> to vector<16xf32>
        %swap3A_1096 = vector.shape_cast %add3A_1081 : vector<16xf32> to vector<16xf32>
        tpu.vector_store %arg25[%swap3A_1093], %swap3A_1096 {strides = array<i32>} : memref<12288xf32, #tpu.memory_space<vmem>>, vector<16xf32>,
        %swap3A_1097 = arith.index_cast %add3A_1092 : i32 to index
        %swap3A_1098 = tpu.vector_load %arg26[%swap3A_1097] {strides = array<i32>} : memref<12288xf32, #tpu.memory_space<vmem>>, vector<16xf32>,
        %swap3A_1099 = vector.shape_cast %swap3A_1098 : vector<16xf32> to vector<16xf32>
        %swap3A_1100 = vector.shape_cast %add3A_1086 : vector<16xf32> to vector<16xf32>
        tpu.vector_store %arg26[%swap3A_1097], %swap3A_1100 {strides = array<i32>} : memref<12288xf32, #tpu.memory_space<vmem>>, vector<16xf32>,
        %mul3A_1101 = arith.mulf %get3A_1062, %gather3A_751 : vector<16xf32>
        %add3A_1102 = arith.addf %scan3A_695, %mul3A_1101 : vector<16xf32>
        %add3A_1103 = arith.addf %scan3A_703, %get3A_1058 : vector<16xf32>
        %get3A_1104 = arith.index_cast %add3A_760 : i32 to index
        %get3A_1105 = arith.constant 112 : index
        %get3A_1106 = tpu.vector_load %arg22[%get3A_1104, %get3A_1105] {strides = array<i32>} : memref<80x128xf32, #tpu.memory_space<vmem>>, vector<1x16xf32>,
        %get3A_1107 = vector.shape_cast %get3A_1106 : vector<1x16xf32> to vector<16xf32>
        %get3A_1108 = arith.index_cast %add3A_760 : i32 to index
        %get3A_1109 = arith.constant 112 : index
        %get3A_1110 = tpu.vector_load %arg23[%get3A_1108, %get3A_1109] {strides = array<i32>} : memref<80x128xf32, #tpu.memory_space<vmem>>, vector<1x16xf32>,
        %get3A_1111 = vector.shape_cast %get3A_1110 : vector<1x16xf32> to vector<16xf32>
        %get3A_1112 = arith.index_cast %add3A_760 : i32 to index
        %get3A_1113 = arith.constant 112 : index
        %get3A_1114 = tpu.vector_load %arg24[%get3A_1112, %get3A_1113] {strides = array<i32>} : memref<80x128xf32, #tpu.memory_space<vmem>>, vector<1x16xf32>,
        %get3A_1115 = vector.shape_cast %get3A_1114 : vector<1x16xf32> to vector<16xf32>
        %add3A_1116 = arith.addf %scan3A_696, %scan3A_704 : vector<16xf32>
        %mul3A_1117 = arith.constant 128 : i32
        %mul3A_1118 = arith.muli %add3A_708, %mul3A_1117 : i32
        %add3A_1119 = arith.constant 112 : i32
        %add3A_1120 = arith.addi %mul3A_1118, %add3A_1119 : i32
        %get3A_1121 = arith.index_cast %add3A_1120 : i32 to index
        %get3A_1122 = tpu.vector_load %arg19[%get3A_1121] {strides = array<i32>} : memref<2560xf32, #tpu.memory_space<vmem>>, vector<16xf32>,
        %get3A_1123 = vector.shape_cast %get3A_1122 : vector<16xf32> to vector<16xf32>
        %add3A_1124 = arith.addf %add3A_1116, %get3A_1123 : vector<16xf32>
        %mul3A_1125 = arith.mulf %broadcast_in_dim3A_755, %mul3A_101 : vector<16xf32>
        %add3A_1126 = arith.addf %add3A_239, %mul3A_1125 : vector<16xf32>
        %mul3A_1127 = arith.constant 11.3137083 : f32
        %mul3A_1128 = vector.broadcast %mul3A_1127 : f32 to vector<16xf32>
        %mul3A_1129 = arith.mulf %add3A_1124, %mul3A_1128 : vector<16xf32>
        %add3A_1130 = arith.addf %add3A_1126, %mul3A_1129 : vector<16xf32>
        %add3A_1131 = arith.addf %get3A_1107, %get3A_1115 : vector<16xf32>
        %mul3A_1132 = arith.constant 11.3137083 : f32
        %mul3A_1133 = vector.broadcast %mul3A_1132 : f32 to vector<16xf32>
        %mul3A_1134 = arith.mulf %add3A_1131, %mul3A_1133 : vector<16xf32>
        %add3A_1135 = arith.addf %add3A_1130, %mul3A_1134 : vector<16xf32>
        %add3A_1136 = arith.constant 0 : i32
        %add3A_1137 = arith.addi %add3A_1136, %add3A_708 : i32
        %mul3A_1138 = arith.constant 128 : i32
        %mul3A_1139 = arith.muli %add3A_1137, %mul3A_1138 : i32
        %add3A_1140 = arith.constant 112 : i32
        %add3A_1141 = arith.addi %mul3A_1139, %add3A_1140 : i32
        %swap3A_1142 = arith.index_cast %add3A_1141 : i32 to index
        %swap3A_1143 = tpu.vector_load %arg25[%swap3A_1142] {strides = array<i32>} : memref<12288xf32, #tpu.memory_space<vmem>>, vector<16xf32>,
        %swap3A_1144 = vector.shape_cast %swap3A_1143 : vector<16xf32> to vector<16xf32>
        %swap3A_1145 = vector.shape_cast %add3A_1130 : vector<16xf32> to vector<16xf32>
        tpu.vector_store %arg25[%swap3A_1142], %swap3A_1145 {strides = array<i32>} : memref<12288xf32, #tpu.memory_space<vmem>>, vector<16xf32>,
        %swap3A_1146 = arith.index_cast %add3A_1141 : i32 to index
        %swap3A_1147 = tpu.vector_load %arg26[%swap3A_1146] {strides = array<i32>} : memref<12288xf32, #tpu.memory_space<vmem>>, vector<16xf32>,
        %swap3A_1148 = vector.shape_cast %swap3A_1147 : vector<16xf32> to vector<16xf32>
        %swap3A_1149 = vector.shape_cast %add3A_1135 : vector<16xf32> to vector<16xf32>
        tpu.vector_store %arg26[%swap3A_1146], %swap3A_1149 {strides = array<i32>} : memref<12288xf32, #tpu.memory_space<vmem>>, vector<16xf32>,
        %mul3A_1150 = arith.mulf %get3A_1111, %gather3A_751 : vector<16xf32>
        %add3A_1151 = arith.addf %scan3A_696, %mul3A_1150 : vector<16xf32>
        %add3A_1152 = arith.addf %scan3A_704, %get3A_1107 : vector<16xf32>
        scf.yield %add3A_808, %add3A_857, %add3A_906, %add3A_955, %add3A_1004, %add3A_1053, %add3A_1102, %add3A_1151, %add3A_809, %add3A_858, %add3A_907, %add3A_956, %add3A_1005, %add3A_1054, %add3A_1103, %add3A_1152 : vector<16xf32>, vector<16xf32>, vector<16xf32>, vector<16xf32>, vector<16xf32>, vector<16xf32>, vector<16xf32>, vector<16xf32>, vector<16xf32>, vector<16xf32>, vector<16xf32>, vector<16xf32>, vector<16xf32>, vector<16xf32>, vector<16xf32>, vector<16xf32>
      }
      %scan3A_261 = arith.constant 20 : i32
      %mul3A_262 = arith.constant 4 : i32
      %mul3A_263 = arith.muli %add3A_110, %mul3A_262 : i32
      %add3A_264 = arith.constant 1 : i32
      %add3A_265 = arith.addi %mul3A_263, %add3A_264 : i32
      %jit3A_266 = arith.constant 16 : i32
      %div3A_267 = arith.divsi %add3A_265, %jit3A_266 : i32
      %sign3A_268 = arith.constant 0 : i32
      %sign3A_269 = arith.cmpi sgt, %add3A_265, %sign3A_268 : i32
      %sign3A_270 = arith.extui %sign3A_269 : i1 to i32
      %sign3A_271 = arith.constant 0 : i32
      %sign3A_272 = arith.cmpi slt, %add3A_265, %sign3A_271 : i32
      %sign3A_273 = arith.extui %sign3A_272 : i1 to i32
      %sign3A_274 = arith.subi %sign3A_270, %sign3A_273 : i32
      %sign3A_275 = arith.constant 0 : i32
      %sign3A_276 = arith.cmpi sgt, %jit3A_266, %sign3A_275 : i32
      %sign3A_277 = arith.extui %sign3A_276 : i1 to i32
      %sign3A_278 = arith.constant 0 : i32
      %sign3A_279 = arith.cmpi slt, %jit3A_266, %sign3A_278 : i32
      %sign3A_280 = arith.extui %sign3A_279 : i1 to i32
      %sign3A_281 = arith.subi %sign3A_277, %sign3A_280 : i32
      %ne3A_282 = arith.cmpi ne, %sign3A_274, %sign3A_281 : i32
      %rem3A_283 = arith.remsi %add3A_265, %jit3A_266 : i32
      %ne3A_284 = arith.constant 0 : i32
      %ne3A_285 = arith.cmpi ne, %rem3A_283, %ne3A_284 : i32
      %and3A_286 = arith.andi %ne3A_282, %ne3A_285 : i1
      %sub3A_287 = arith.constant 1 : i32
      %sub3A_288 = arith.subi %div3A_267, %sub3A_287 : i32
      %select_n3A_289 = arith.select %and3A_286, %sub3A_288, %div3A_267 : i32
      %mul3A_290 = arith.constant 16 : i32
      %mul3A_291 = arith.muli %select_n3A_289, %mul3A_290 : i32
      %get3A_292 = arith.index_cast %mul3A_291 : i32 to index
      %get3A_293 = tpu.vector_load %arg17[%get3A_292] {strides = array<i32>} : memref<128xf32, #tpu.memory_space<vmem>>, vector<16xf32>,
      %get3A_294 = vector.shape_cast %get3A_293 : vector<16xf32> to vector<16xf32>
      %sub3A_295 = arith.subi %add3A_265, %mul3A_291 : i32
      %broadcast_in_dim3A_296 = vector.broadcast %sub3A_295 : i32 to vector<16xi32>
      %lt3A_297 = arith.constant 0 : i32
      %lt3A_298 = vector.broadcast %lt3A_297 : i32 to vector<16xi32>
      %lt3A_299 = arith.cmpi slt, %broadcast_in_dim3A_296, %lt3A_298 : vector<16xi32>
      %add3A_300 = arith.constant 16 : i32
      %add3A_301 = vector.broadcast %add3A_300 : i32 to vector<16xi32>
      %add3A_302 = arith.addi %broadcast_in_dim3A_296, %add3A_301 : vector<16xi32>
      %select_n3A_303 = arith.select %lt3A_299, %add3A_302, %broadcast_in_dim3A_296 : vector<16xi1>, vector<16xi32>
      %broadcast_in_dim3A_304 = vector.shape_cast %select_n3A_303 : vector<16xi32> to vector<16x1xi32>
      %gather3A_305 = vector.shape_cast %broadcast_in_dim3A_304 : vector<16x1xi32> to vector<16xi32>
      %gather3A_306 = tpu.dynamic_gather %get3A_294[%gather3A_305] in [0] : vector<16xf32>, vector<16xi32> -> vector<16xf32>
      %mul3A_307 = arith.constant 128 : i32
      %mul3A_308 = arith.muli %add3A_110, %mul3A_307 : i32
      %add3A_309 = arith.constant 0 : i32
      %add3A_310 = arith.addi %mul3A_308, %add3A_309 : i32
      %get3A_311 = arith.index_cast %add3A_310 : i32 to index
      %get3A_312 = tpu.vector_load %arg18[%get3A_311] {strides = array<i32>} : memref<4096xf32, #tpu.memory_space<vmem>>, vector<16xf32>,
      %get3A_313 = vector.shape_cast %get3A_312 : vector<16xf32> to vector<16xf32>
      %mul3A_314 = arith.mulf %gather3A_306, %mul3A_11 : vector<16xf32>
      %add3A_315 = arith.addf %get3A_313, %mul3A_314 : vector<16xf32>
      %mul3A_316 = arith.constant 128 : i32
      %mul3A_317 = arith.muli %add3A_110, %mul3A_316 : i32
      %add3A_318 = arith.constant 16 : i32
      %add3A_319 = arith.addi %mul3A_317, %add3A_318 : i32
      %get3A_320 = arith.index_cast %add3A_319 : i32 to index
      %get3A_321 = tpu.vector_load %arg18[%get3A_320] {strides = array<i32>} : memref<4096xf32, #tpu.memory_space<vmem>>, vector<16xf32>,
      %get3A_322 = vector.shape_cast %get3A_321 : vector<16xf32> to vector<16xf32>
      %mul3A_323 = arith.mulf %gather3A_306, %mul3A_17 : vector<16xf32>
      %add3A_324 = arith.addf %get3A_322, %mul3A_323 : vector<16xf32>
      %mul3A_325 = arith.constant 128 : i32
      %mul3A_326 = arith.muli %add3A_110, %mul3A_325 : i32
      %add3A_327 = arith.constant 32 : i32
      %add3A_328 = arith.addi %mul3A_326, %add3A_327 : i32
      %get3A_329 = arith.index_cast %add3A_328 : i32 to index
      %get3A_330 = tpu.vector_load %arg18[%get3A_329] {strides = array<i32>} : memref<4096xf32, #tpu.memory_space<vmem>>, vector<16xf32>,
      %get3A_331 = vector.shape_cast %get3A_330 : vector<16xf32> to vector<16xf32>
      %mul3A_332 = arith.mulf %gather3A_306, %mul3A_23 : vector<16xf32>
      %add3A_333 = arith.addf %get3A_331, %mul3A_332 : vector<16xf32>
      %mul3A_334 = arith.constant 128 : i32
      %mul3A_335 = arith.muli %add3A_110, %mul3A_334 : i32
      %add3A_336 = arith.constant 48 : i32
      %add3A_337 = arith.addi %mul3A_335, %add3A_336 : i32
      %get3A_338 = arith.index_cast %add3A_337 : i32 to index
      %get3A_339 = tpu.vector_load %arg18[%get3A_338] {strides = array<i32>} : memref<4096xf32, #tpu.memory_space<vmem>>, vector<16xf32>,
      %get3A_340 = vector.shape_cast %get3A_339 : vector<16xf32> to vector<16xf32>
      %mul3A_341 = arith.mulf %gather3A_306, %mul3A_29 : vector<16xf32>
      %add3A_342 = arith.addf %get3A_340, %mul3A_341 : vector<16xf32>
      %mul3A_343 = arith.constant 128 : i32
      %mul3A_344 = arith.muli %add3A_110, %mul3A_343 : i32
      %add3A_345 = arith.constant 64 : i32
      %add3A_346 = arith.addi %mul3A_344, %add3A_345 : i32
      %get3A_347 = arith.index_cast %add3A_346 : i32 to index
      %get3A_348 = tpu.vector_load %arg18[%get3A_347] {strides = array<i32>} : memref<4096xf32, #tpu.memory_space<vmem>>, vector<16xf32>,
      %get3A_349 = vector.shape_cast %get3A_348 : vector<16xf32> to vector<16xf32>
      %mul3A_350 = arith.mulf %gather3A_306, %mul3A_35 : vector<16xf32>
      %add3A_351 = arith.addf %get3A_349, %mul3A_350 : vector<16xf32>
      %mul3A_352 = arith.constant 128 : i32
      %mul3A_353 = arith.muli %add3A_110, %mul3A_352 : i32
      %add3A_354 = arith.constant 80 : i32
      %add3A_355 = arith.addi %mul3A_353, %add3A_354 : i32
      %get3A_356 = arith.index_cast %add3A_355 : i32 to index
      %get3A_357 = tpu.vector_load %arg18[%get3A_356] {strides = array<i32>} : memref<4096xf32, #tpu.memory_space<vmem>>, vector<16xf32>,
      %get3A_358 = vector.shape_cast %get3A_357 : vector<16xf32> to vector<16xf32>
      %mul3A_359 = arith.mulf %gather3A_306, %mul3A_41 : vector<16xf32>
      %add3A_360 = arith.addf %get3A_358, %mul3A_359 : vector<16xf32>
      %mul3A_361 = arith.constant 128 : i32
      %mul3A_362 = arith.muli %add3A_110, %mul3A_361 : i32
      %add3A_363 = arith.constant 96 : i32
      %add3A_364 = arith.addi %mul3A_362, %add3A_363 : i32
      %get3A_365 = arith.index_cast %add3A_364 : i32 to index
      %get3A_366 = tpu.vector_load %arg18[%get3A_365] {strides = array<i32>} : memref<4096xf32, #tpu.memory_space<vmem>>, vector<16xf32>,
      %get3A_367 = vector.shape_cast %get3A_366 : vector<16xf32> to vector<16xf32>
      %mul3A_368 = arith.mulf %gather3A_306, %mul3A_47 : vector<16xf32>
      %add3A_369 = arith.addf %get3A_367, %mul3A_368 : vector<16xf32>
      %mul3A_370 = arith.constant 128 : i32
      %mul3A_371 = arith.muli %add3A_110, %mul3A_370 : i32
      %add3A_372 = arith.constant 112 : i32
      %add3A_373 = arith.addi %mul3A_371, %add3A_372 : i32
      %get3A_374 = arith.index_cast %add3A_373 : i32 to index
      %get3A_375 = tpu.vector_load %arg18[%get3A_374] {strides = array<i32>} : memref<4096xf32, #tpu.memory_space<vmem>>, vector<16xf32>,
      %get3A_376 = vector.shape_cast %get3A_375 : vector<16xf32> to vector<16xf32>
      %mul3A_377 = arith.mulf %gather3A_306, %mul3A_53 : vector<16xf32>
      %add3A_378 = arith.addf %get3A_376, %mul3A_377 : vector<16xf32>
      %broadcast_in_dim3A_379 = arith.constant 0.000000e+00 : f32
      %broadcast_in_dim3A_380 = vector.broadcast %broadcast_in_dim3A_379 : f32 to vector<16xf32>
      %broadcast_in_dim3A_381 = arith.constant 0.000000e+00 : f32
      %broadcast_in_dim3A_382 = vector.broadcast %broadcast_in_dim3A_381 : f32 to vector<16xf32>
      %broadcast_in_dim3A_383 = arith.constant 0.000000e+00 : f32
      %broadcast_in_dim3A_384 = vector.broadcast %broadcast_in_dim3A_383 : f32 to vector<16xf32>
      %broadcast_in_dim3A_385 = arith.constant 0.000000e+00 : f32
      %broadcast_in_dim3A_386 = vector.broadcast %broadcast_in_dim3A_385 : f32 to vector<16xf32>
      %broadcast_in_dim3A_387 = arith.constant 0.000000e+00 : f32
      %broadcast_in_dim3A_388 = vector.broadcast %broadcast_in_dim3A_387 : f32 to vector<16xf32>
      %broadcast_in_dim3A_389 = arith.constant 0.000000e+00 : f32
      %broadcast_in_dim3A_390 = vector.broadcast %broadcast_in_dim3A_389 : f32 to vector<16xf32>
      %broadcast_in_dim3A_391 = arith.constant 0.000000e+00 : f32
      %broadcast_in_dim3A_392 = vector.broadcast %broadcast_in_dim3A_391 : f32 to vector<16xf32>
      %broadcast_in_dim3A_393 = arith.constant 0.000000e+00 : f32
      %broadcast_in_dim3A_394 = vector.broadcast %broadcast_in_dim3A_393 : f32 to vector<16xf32>
      %scan3A_395 = arith.constant 0 : i32
      %scan3A_396 = arith.constant 20 : i32
      %scan3A_397 = arith.addi %scan3A_395, %scan3A_396 : i32
      %scan3A_398 = arith.constant 1 : i32
      %scan3A_399:16 = scf.for %scan3A_688 = %scan3A_395 to %scan3A_397 step %scan3A_398 iter_args(%scan3A_689 = %broadcast_in_dim3A_380, %scan3A_690 = %broadcast_in_dim3A_382, %scan3A_691 = %broadcast_in_dim3A_384, %scan3A_692 = %broadcast_in_dim3A_386, %scan3A_693 = %broadcast_in_dim3A_388, %scan3A_694 = %broadcast_in_dim3A_390, %scan3A_695 = %broadcast_in_dim3A_392, %scan3A_696 = %broadcast_in_dim3A_394, %scan3A_697 = %broadcast_in_dim3A_380, %scan3A_698 = %broadcast_in_dim3A_382, %scan3A_699 = %broadcast_in_dim3A_384, %scan3A_700 = %broadcast_in_dim3A_386, %scan3A_701 = %broadcast_in_dim3A_388, %scan3A_702 = %broadcast_in_dim3A_390, %scan3A_703 = %broadcast_in_dim3A_392, %scan3A_704 = %broadcast_in_dim3A_394) -> (vector<16xf32>, vector<16xf32>, vector<16xf32>, vector<16xf32>, vector<16xf32>, vector<16xf32>, vector<16xf32>, vector<16xf32>, vector<16xf32>, vector<16xf32>, vector<16xf32>, vector<16xf32>, vector<16xf32>, vector<16xf32>, vector<16xf32>, vector<16xf32>)  : i32 {
        %mul3A_705 = arith.constant 1 : i32
        %mul3A_706 = arith.muli %scan3A_688, %mul3A_705 : i32
        %add3A_707 = arith.constant 0 : i32
        %add3A_708 = arith.addi %add3A_707, %mul3A_706 : i32
        %add3A_709 = arith.constant 20 : i32
        %add3A_710 = arith.addi %add3A_709, %add3A_708 : i32
        %jit3A_711 = arith.constant 16 : i32
        %div3A_712 = arith.divsi %add3A_710, %jit3A_711 : i32
        %sign3A_713 = arith.constant 0 : i32
        %sign3A_714 = arith.cmpi sgt, %add3A_710, %sign3A_713 : i32
        %sign3A_715 = arith.extui %sign3A_714 : i1 to i32
        %sign3A_716 = arith.constant 0 : i32
        %sign3A_717 = arith.cmpi slt, %add3A_710, %sign3A_716 : i32
        %sign3A_718 = arith.extui %sign3A_717 : i1 to i32
        %sign3A_719 = arith.subi %sign3A_715, %sign3A_718 : i32
        %sign3A_720 = arith.constant 0 : i32
        %sign3A_721 = arith.cmpi sgt, %jit3A_711, %sign3A_720 : i32
        %sign3A_722 = arith.extui %sign3A_721 : i1 to i32
        %sign3A_723 = arith.constant 0 : i32
        %sign3A_724 = arith.cmpi slt, %jit3A_711, %sign3A_723 : i32
        %sign3A_725 = arith.extui %sign3A_724 : i1 to i32
        %sign3A_726 = arith.subi %sign3A_722, %sign3A_725 : i32
        %ne3A_727 = arith.cmpi ne, %sign3A_719, %sign3A_726 : i32
        %rem3A_728 = arith.remsi %add3A_710, %jit3A_711 : i32
        %ne3A_729 = arith.constant 0 : i32
        %ne3A_730 = arith.cmpi ne, %rem3A_728, %ne3A_729 : i32
        %and3A_731 = arith.andi %ne3A_727, %ne3A_730 : i1
        %sub3A_732 = arith.constant 1 : i32
        %sub3A_733 = arith.subi %div3A_712, %sub3A_732 : i32
        %select_n3A_734 = arith.select %and3A_731, %sub3A_733, %div3A_712 : i32
        %mul3A_735 = arith.constant 16 : i32
        %mul3A_736 = arith.muli %select_n3A_734, %mul3A_735 : i32
        %get3A_737 = arith.index_cast %mul3A_736 : i32 to index
        %get3A_738 = tpu.vector_load %arg15[%get3A_737] {strides = array<i32>} : memref<80xf32, #tpu.memory_space<vmem>>, vector<16xf32>,
        %get3A_739 = vector.shape_cast %get3A_738 : vector<16xf32> to vector<16xf32>
        %sub3A_740 = arith.subi %add3A_710, %mul3A_736 : i32
        %broadcast_in_dim3A_741 = vector.broadcast %sub3A_740 : i32 to vector<16xi32>
        %lt3A_742 = arith.constant 0 : i32
        %lt3A_743 = vector.broadcast %lt3A_742 : i32 to vector<16xi32>
        %lt3A_744 = arith.cmpi slt, %broadcast_in_dim3A_741, %lt3A_743 : vector<16xi32>
        %add3A_745 = arith.constant 16 : i32
        %add3A_746 = vector.broadcast %add3A_745 : i32 to vector<16xi32>
        %add3A_747 = arith.addi %broadcast_in_dim3A_741, %add3A_746 : vector<16xi32>
        %select_n3A_748 = arith.select %lt3A_744, %add3A_747, %broadcast_in_dim3A_741 : vector<16xi1>, vector<16xi32>
        %broadcast_in_dim3A_749 = vector.shape_cast %select_n3A_748 : vector<16xi32> to vector<16x1xi32>
        %gather3A_750 = vector.shape_cast %broadcast_in_dim3A_749 : vector<16x1xi32> to vector<16xi32>
        %gather3A_751 = tpu.dynamic_gather %get3A_739[%gather3A_750] in [0] : vector<16xf32>, vector<16xi32> -> vector<16xf32>
        %mul3A_752 = arith.constant 16 : i32
        %mul3A_753 = arith.muli %add3A_708, %mul3A_752 : i32
        %get3A_754 = arith.index_cast %mul3A_753 : i32 to index
        %get3A_755 = tpu.vector_load %arg16[%get3A_754] {strides = array<i32>} : memref<320xf32, #tpu.memory_space<vmem>>, vector<16xf32>,
        %get3A_756 = vector.shape_cast %get3A_755 : vector<16xf32> to vector<16xf32>
        %add3A_757 = arith.addf %get3A_756, %gather3A_751 : vector<16xf32>
        %swap3A = arith.index_cast %mul3A_753 : i32 to index
        %swap3A_758 = tpu.vector_load %arg16[%swap3A] {strides = array<i32>} : memref<320xf32, #tpu.memory_space<vmem>>, vector<16xf32>,
        %swap3A_759 = vector.shape_cast %swap3A_758 : vector<16xf32> to vector<16xf32>
        %swap3A_760 = vector.shape_cast %add3A_757 : vector<16xf32> to vector<16xf32>
        tpu.vector_store %arg16[%swap3A], %swap3A_760 {strides = array<i32>} : memref<320xf32, #tpu.memory_space<vmem>>, vector<16xf32>,
        %add3A_761 = arith.constant 20 : i32
        %add3A_762 = arith.addi %add3A_761, %add3A_708 : i32
        %get3A_763 = arith.index_cast %add3A_762 : i32 to index
        %get3A_764 = arith.constant 0 : index
        %get3A_765 = tpu.vector_load %arg22[%get3A_763, %get3A_764] {strides = array<i32>} : memref<80x128xf32, #tpu.memory_space<vmem>>, vector<1x16xf32>,
        %get3A_766 = vector.shape_cast %get3A_765 : vector<1x16xf32> to vector<16xf32>
        %get3A_767 = arith.index_cast %add3A_762 : i32 to index
        %get3A_768 = arith.constant 0 : index
        %get3A_769 = tpu.vector_load %arg23[%get3A_767, %get3A_768] {strides = array<i32>} : memref<80x128xf32, #tpu.memory_space<vmem>>, vector<1x16xf32>,
        %get3A_770 = vector.shape_cast %get3A_769 : vector<1x16xf32> to vector<16xf32>
        %get3A_771 = arith.index_cast %add3A_762 : i32 to index
        %get3A_772 = arith.constant 0 : index
        %get3A_773 = tpu.vector_load %arg24[%get3A_771, %get3A_772] {strides = array<i32>} : memref<80x128xf32, #tpu.memory_space<vmem>>, vector<1x16xf32>,
        %get3A_774 = vector.shape_cast %get3A_773 : vector<1x16xf32> to vector<16xf32>
        %add3A_775 = arith.addf %scan3A_689, %scan3A_697 : vector<16xf32>
        %mul3A_776 = arith.constant 128 : i32
        %mul3A_777 = arith.muli %add3A_708, %mul3A_776 : i32
        %add3A_778 = arith.constant 0 : i32
        %add3A_779 = arith.addi %mul3A_777, %add3A_778 : i32
        %get3A_780 = arith.index_cast %add3A_779 : i32 to index
        %get3A_781 = tpu.vector_load %arg19[%get3A_780] {strides = array<i32>} : memref<2560xf32, #tpu.memory_space<vmem>>, vector<16xf32>,
        %get3A_782 = vector.shape_cast %get3A_781 : vector<16xf32> to vector<16xf32>
        %add3A_783 = arith.addf %add3A_775, %get3A_782 : vector<16xf32>
        %mul3A_784 = arith.mulf %get3A_756, %mul3A_59 : vector<16xf32>
        %add3A_785 = arith.addf %add3A_315, %mul3A_784 : vector<16xf32>
        %mul3A_786 = arith.constant 11.3137083 : f32
        %mul3A_787 = vector.broadcast %mul3A_786 : f32 to vector<16xf32>
        %mul3A_788 = arith.mulf %add3A_783, %mul3A_787 : vector<16xf32>
        %add3A_789 = arith.addf %add3A_785, %mul3A_788 : vector<16xf32>
        %add3A_790 = arith.addf %get3A_766, %get3A_774 : vector<16xf32>
        %mul3A_791 = arith.constant 11.3137083 : f32
        %mul3A_792 = vector.broadcast %mul3A_791 : f32 to vector<16xf32>
        %mul3A_793 = arith.mulf %add3A_790, %mul3A_792 : vector<16xf32>
        %add3A_794 = arith.addf %add3A_789, %mul3A_793 : vector<16xf32>
        %add3A_795 = arith.constant 24 : i32
        %add3A_796 = arith.addi %add3A_795, %add3A_708 : i32
        %mul3A_797 = arith.constant 128 : i32
        %mul3A_798 = arith.muli %add3A_796, %mul3A_797 : i32
        %add3A_799 = arith.constant 0 : i32
        %add3A_800 = arith.addi %mul3A_798, %add3A_799 : i32
        %swap3A_801 = arith.index_cast %add3A_800 : i32 to index
        %swap3A_802 = tpu.vector_load %arg25[%swap3A_801] {strides = array<i32>} : memref<12288xf32, #tpu.memory_space<vmem>>, vector<16xf32>,
        %swap3A_803 = vector.shape_cast %swap3A_802 : vector<16xf32> to vector<16xf32>
        %swap3A_804 = vector.shape_cast %add3A_789 : vector<16xf32> to vector<16xf32>
        tpu.vector_store %arg25[%swap3A_801], %swap3A_804 {strides = array<i32>} : memref<12288xf32, #tpu.memory_space<vmem>>, vector<16xf32>,
        %swap3A_805 = arith.index_cast %add3A_800 : i32 to index
        %swap3A_806 = tpu.vector_load %arg26[%swap3A_805] {strides = array<i32>} : memref<12288xf32, #tpu.memory_space<vmem>>, vector<16xf32>,
        %swap3A_807 = vector.shape_cast %swap3A_806 : vector<16xf32> to vector<16xf32>
        %swap3A_808 = vector.shape_cast %add3A_794 : vector<16xf32> to vector<16xf32>
        tpu.vector_store %arg26[%swap3A_805], %swap3A_808 {strides = array<i32>} : memref<12288xf32, #tpu.memory_space<vmem>>, vector<16xf32>,
        %mul3A_809 = arith.mulf %get3A_770, %gather3A_751 : vector<16xf32>
        %add3A_810 = arith.addf %scan3A_689, %mul3A_809 : vector<16xf32>
        %add3A_811 = arith.addf %scan3A_697, %get3A_766 : vector<16xf32>
        %get3A_812 = arith.index_cast %add3A_762 : i32 to index
        %get3A_813 = arith.constant 16 : index
        %get3A_814 = tpu.vector_load %arg22[%get3A_812, %get3A_813] {strides = array<i32>} : memref<80x128xf32, #tpu.memory_space<vmem>>, vector<1x16xf32>,
        %get3A_815 = vector.shape_cast %get3A_814 : vector<1x16xf32> to vector<16xf32>
        %get3A_816 = arith.index_cast %add3A_762 : i32 to index
        %get3A_817 = arith.constant 16 : index
        %get3A_818 = tpu.vector_load %arg23[%get3A_816, %get3A_817] {strides = array<i32>} : memref<80x128xf32, #tpu.memory_space<vmem>>, vector<1x16xf32>,
        %get3A_819 = vector.shape_cast %get3A_818 : vector<1x16xf32> to vector<16xf32>
        %get3A_820 = arith.index_cast %add3A_762 : i32 to index
        %get3A_821 = arith.constant 16 : index
        %get3A_822 = tpu.vector_load %arg24[%get3A_820, %get3A_821] {strides = array<i32>} : memref<80x128xf32, #tpu.memory_space<vmem>>, vector<1x16xf32>,
        %get3A_823 = vector.shape_cast %get3A_822 : vector<1x16xf32> to vector<16xf32>
        %add3A_824 = arith.addf %scan3A_690, %scan3A_698 : vector<16xf32>
        %mul3A_825 = arith.constant 128 : i32
        %mul3A_826 = arith.muli %add3A_708, %mul3A_825 : i32
        %add3A_827 = arith.constant 16 : i32
        %add3A_828 = arith.addi %mul3A_826, %add3A_827 : i32
        %get3A_829 = arith.index_cast %add3A_828 : i32 to index
        %get3A_830 = tpu.vector_load %arg19[%get3A_829] {strides = array<i32>} : memref<2560xf32, #tpu.memory_space<vmem>>, vector<16xf32>,
        %get3A_831 = vector.shape_cast %get3A_830 : vector<16xf32> to vector<16xf32>
        %add3A_832 = arith.addf %add3A_824, %get3A_831 : vector<16xf32>
        %mul3A_833 = arith.mulf %get3A_756, %mul3A_65 : vector<16xf32>
        %add3A_834 = arith.addf %add3A_324, %mul3A_833 : vector<16xf32>
        %mul3A_835 = arith.constant 11.3137083 : f32
        %mul3A_836 = vector.broadcast %mul3A_835 : f32 to vector<16xf32>
        %mul3A_837 = arith.mulf %add3A_832, %mul3A_836 : vector<16xf32>
        %add3A_838 = arith.addf %add3A_834, %mul3A_837 : vector<16xf32>
        %add3A_839 = arith.addf %get3A_815, %get3A_823 : vector<16xf32>
        %mul3A_840 = arith.constant 11.3137083 : f32
        %mul3A_841 = vector.broadcast %mul3A_840 : f32 to vector<16xf32>
        %mul3A_842 = arith.mulf %add3A_839, %mul3A_841 : vector<16xf32>
        %add3A_843 = arith.addf %add3A_838, %mul3A_842 : vector<16xf32>
        %add3A_844 = arith.constant 24 : i32
        %add3A_845 = arith.addi %add3A_844, %add3A_708 : i32
        %mul3A_846 = arith.constant 128 : i32
        %mul3A_847 = arith.muli %add3A_845, %mul3A_846 : i32
        %add3A_848 = arith.constant 16 : i32
        %add3A_849 = arith.addi %mul3A_847, %add3A_848 : i32
        %swap3A_850 = arith.index_cast %add3A_849 : i32 to index
        %swap3A_851 = tpu.vector_load %arg25[%swap3A_850] {strides = array<i32>} : memref<12288xf32, #tpu.memory_space<vmem>>, vector<16xf32>,
        %swap3A_852 = vector.shape_cast %swap3A_851 : vector<16xf32> to vector<16xf32>
        %swap3A_853 = vector.shape_cast %add3A_838 : vector<16xf32> to vector<16xf32>
        tpu.vector_store %arg25[%swap3A_850], %swap3A_853 {strides = array<i32>} : memref<12288xf32, #tpu.memory_space<vmem>>, vector<16xf32>,
        %swap3A_854 = arith.index_cast %add3A_849 : i32 to index
        %swap3A_855 = tpu.vector_load %arg26[%swap3A_854] {strides = array<i32>} : memref<12288xf32, #tpu.memory_space<vmem>>, vector<16xf32>,
        %swap3A_856 = vector.shape_cast %swap3A_855 : vector<16xf32> to vector<16xf32>
        %swap3A_857 = vector.shape_cast %add3A_843 : vector<16xf32> to vector<16xf32>
        tpu.vector_store %arg26[%swap3A_854], %swap3A_857 {strides = array<i32>} : memref<12288xf32, #tpu.memory_space<vmem>>, vector<16xf32>,
        %mul3A_858 = arith.mulf %get3A_819, %gather3A_751 : vector<16xf32>
        %add3A_859 = arith.addf %scan3A_690, %mul3A_858 : vector<16xf32>
        %add3A_860 = arith.addf %scan3A_698, %get3A_815 : vector<16xf32>
        %get3A_861 = arith.index_cast %add3A_762 : i32 to index
        %get3A_862 = arith.constant 32 : index
        %get3A_863 = tpu.vector_load %arg22[%get3A_861, %get3A_862] {strides = array<i32>} : memref<80x128xf32, #tpu.memory_space<vmem>>, vector<1x16xf32>,
        %get3A_864 = vector.shape_cast %get3A_863 : vector<1x16xf32> to vector<16xf32>
        %get3A_865 = arith.index_cast %add3A_762 : i32 to index
        %get3A_866 = arith.constant 32 : index
        %get3A_867 = tpu.vector_load %arg23[%get3A_865, %get3A_866] {strides = array<i32>} : memref<80x128xf32, #tpu.memory_space<vmem>>, vector<1x16xf32>,
        %get3A_868 = vector.shape_cast %get3A_867 : vector<1x16xf32> to vector<16xf32>
        %get3A_869 = arith.index_cast %add3A_762 : i32 to index
        %get3A_870 = arith.constant 32 : index
        %get3A_871 = tpu.vector_load %arg24[%get3A_869, %get3A_870] {strides = array<i32>} : memref<80x128xf32, #tpu.memory_space<vmem>>, vector<1x16xf32>,
        %get3A_872 = vector.shape_cast %get3A_871 : vector<1x16xf32> to vector<16xf32>
        %add3A_873 = arith.addf %scan3A_691, %scan3A_699 : vector<16xf32>
        %mul3A_874 = arith.constant 128 : i32
        %mul3A_875 = arith.muli %add3A_708, %mul3A_874 : i32
        %add3A_876 = arith.constant 32 : i32
        %add3A_877 = arith.addi %mul3A_875, %add3A_876 : i32
        %get3A_878 = arith.index_cast %add3A_877 : i32 to index
        %get3A_879 = tpu.vector_load %arg19[%get3A_878] {strides = array<i32>} : memref<2560xf32, #tpu.memory_space<vmem>>, vector<16xf32>,
        %get3A_880 = vector.shape_cast %get3A_879 : vector<16xf32> to vector<16xf32>
        %add3A_881 = arith.addf %add3A_873, %get3A_880 : vector<16xf32>
        %mul3A_882 = arith.mulf %get3A_756, %mul3A_71 : vector<16xf32>
        %add3A_883 = arith.addf %add3A_333, %mul3A_882 : vector<16xf32>
        %mul3A_884 = arith.constant 11.3137083 : f32
        %mul3A_885 = vector.broadcast %mul3A_884 : f32 to vector<16xf32>
        %mul3A_886 = arith.mulf %add3A_881, %mul3A_885 : vector<16xf32>
        %add3A_887 = arith.addf %add3A_883, %mul3A_886 : vector<16xf32>
        %add3A_888 = arith.addf %get3A_864, %get3A_872 : vector<16xf32>
        %mul3A_889 = arith.constant 11.3137083 : f32
        %mul3A_890 = vector.broadcast %mul3A_889 : f32 to vector<16xf32>
        %mul3A_891 = arith.mulf %add3A_888, %mul3A_890 : vector<16xf32>
        %add3A_892 = arith.addf %add3A_887, %mul3A_891 : vector<16xf32>
        %add3A_893 = arith.constant 24 : i32
        %add3A_894 = arith.addi %add3A_893, %add3A_708 : i32
        %mul3A_895 = arith.constant 128 : i32
        %mul3A_896 = arith.muli %add3A_894, %mul3A_895 : i32
        %add3A_897 = arith.constant 32 : i32
        %add3A_898 = arith.addi %mul3A_896, %add3A_897 : i32
        %swap3A_899 = arith.index_cast %add3A_898 : i32 to index
        %swap3A_900 = tpu.vector_load %arg25[%swap3A_899] {strides = array<i32>} : memref<12288xf32, #tpu.memory_space<vmem>>, vector<16xf32>,
        %swap3A_901 = vector.shape_cast %swap3A_900 : vector<16xf32> to vector<16xf32>
        %swap3A_902 = vector.shape_cast %add3A_887 : vector<16xf32> to vector<16xf32>
        tpu.vector_store %arg25[%swap3A_899], %swap3A_902 {strides = array<i32>} : memref<12288xf32, #tpu.memory_space<vmem>>, vector<16xf32>,
        %swap3A_903 = arith.index_cast %add3A_898 : i32 to index
        %swap3A_904 = tpu.vector_load %arg26[%swap3A_903] {strides = array<i32>} : memref<12288xf32, #tpu.memory_space<vmem>>, vector<16xf32>,
        %swap3A_905 = vector.shape_cast %swap3A_904 : vector<16xf32> to vector<16xf32>
        %swap3A_906 = vector.shape_cast %add3A_892 : vector<16xf32> to vector<16xf32>
        tpu.vector_store %arg26[%swap3A_903], %swap3A_906 {strides = array<i32>} : memref<12288xf32, #tpu.memory_space<vmem>>, vector<16xf32>,
        %mul3A_907 = arith.mulf %get3A_868, %gather3A_751 : vector<16xf32>
        %add3A_908 = arith.addf %scan3A_691, %mul3A_907 : vector<16xf32>
        %add3A_909 = arith.addf %scan3A_699, %get3A_864 : vector<16xf32>
        %get3A_910 = arith.index_cast %add3A_762 : i32 to index
        %get3A_911 = arith.constant 48 : index
        %get3A_912 = tpu.vector_load %arg22[%get3A_910, %get3A_911] {strides = array<i32>} : memref<80x128xf32, #tpu.memory_space<vmem>>, vector<1x16xf32>,
        %get3A_913 = vector.shape_cast %get3A_912 : vector<1x16xf32> to vector<16xf32>
        %get3A_914 = arith.index_cast %add3A_762 : i32 to index
        %get3A_915 = arith.constant 48 : index
        %get3A_916 = tpu.vector_load %arg23[%get3A_914, %get3A_915] {strides = array<i32>} : memref<80x128xf32, #tpu.memory_space<vmem>>, vector<1x16xf32>,
        %get3A_917 = vector.shape_cast %get3A_916 : vector<1x16xf32> to vector<16xf32>
        %get3A_918 = arith.index_cast %add3A_762 : i32 to index
        %get3A_919 = arith.constant 48 : index
        %get3A_920 = tpu.vector_load %arg24[%get3A_918, %get3A_919] {strides = array<i32>} : memref<80x128xf32, #tpu.memory_space<vmem>>, vector<1x16xf32>,
        %get3A_921 = vector.shape_cast %get3A_920 : vector<1x16xf32> to vector<16xf32>
        %add3A_922 = arith.addf %scan3A_692, %scan3A_700 : vector<16xf32>
        %mul3A_923 = arith.constant 128 : i32
        %mul3A_924 = arith.muli %add3A_708, %mul3A_923 : i32
        %add3A_925 = arith.constant 48 : i32
        %add3A_926 = arith.addi %mul3A_924, %add3A_925 : i32
        %get3A_927 = arith.index_cast %add3A_926 : i32 to index
        %get3A_928 = tpu.vector_load %arg19[%get3A_927] {strides = array<i32>} : memref<2560xf32, #tpu.memory_space<vmem>>, vector<16xf32>,
        %get3A_929 = vector.shape_cast %get3A_928 : vector<16xf32> to vector<16xf32>
        %add3A_930 = arith.addf %add3A_922, %get3A_929 : vector<16xf32>
        %mul3A_931 = arith.mulf %get3A_756, %mul3A_77 : vector<16xf32>
        %add3A_932 = arith.addf %add3A_342, %mul3A_931 : vector<16xf32>
        %mul3A_933 = arith.constant 11.3137083 : f32
        %mul3A_934 = vector.broadcast %mul3A_933 : f32 to vector<16xf32>
        %mul3A_935 = arith.mulf %add3A_930, %mul3A_934 : vector<16xf32>
        %add3A_936 = arith.addf %add3A_932, %mul3A_935 : vector<16xf32>
        %add3A_937 = arith.addf %get3A_913, %get3A_921 : vector<16xf32>
        %mul3A_938 = arith.constant 11.3137083 : f32
        %mul3A_939 = vector.broadcast %mul3A_938 : f32 to vector<16xf32>
        %mul3A_940 = arith.mulf %add3A_937, %mul3A_939 : vector<16xf32>
        %add3A_941 = arith.addf %add3A_936, %mul3A_940 : vector<16xf32>
        %add3A_942 = arith.constant 24 : i32
        %add3A_943 = arith.addi %add3A_942, %add3A_708 : i32
        %mul3A_944 = arith.constant 128 : i32
        %mul3A_945 = arith.muli %add3A_943, %mul3A_944 : i32
        %add3A_946 = arith.constant 48 : i32
        %add3A_947 = arith.addi %mul3A_945, %add3A_946 : i32
        %swap3A_948 = arith.index_cast %add3A_947 : i32 to index
        %swap3A_949 = tpu.vector_load %arg25[%swap3A_948] {strides = array<i32>} : memref<12288xf32, #tpu.memory_space<vmem>>, vector<16xf32>,
        %swap3A_950 = vector.shape_cast %swap3A_949 : vector<16xf32> to vector<16xf32>
        %swap3A_951 = vector.shape_cast %add3A_936 : vector<16xf32> to vector<16xf32>
        tpu.vector_store %arg25[%swap3A_948], %swap3A_951 {strides = array<i32>} : memref<12288xf32, #tpu.memory_space<vmem>>, vector<16xf32>,
        %swap3A_952 = arith.index_cast %add3A_947 : i32 to index
        %swap3A_953 = tpu.vector_load %arg26[%swap3A_952] {strides = array<i32>} : memref<12288xf32, #tpu.memory_space<vmem>>, vector<16xf32>,
        %swap3A_954 = vector.shape_cast %swap3A_953 : vector<16xf32> to vector<16xf32>
        %swap3A_955 = vector.shape_cast %add3A_941 : vector<16xf32> to vector<16xf32>
        tpu.vector_store %arg26[%swap3A_952], %swap3A_955 {strides = array<i32>} : memref<12288xf32, #tpu.memory_space<vmem>>, vector<16xf32>,
        %mul3A_956 = arith.mulf %get3A_917, %gather3A_751 : vector<16xf32>
        %add3A_957 = arith.addf %scan3A_692, %mul3A_956 : vector<16xf32>
        %add3A_958 = arith.addf %scan3A_700, %get3A_913 : vector<16xf32>
        %get3A_959 = arith.index_cast %add3A_762 : i32 to index
        %get3A_960 = arith.constant 64 : index
        %get3A_961 = tpu.vector_load %arg22[%get3A_959, %get3A_960] {strides = array<i32>} : memref<80x128xf32, #tpu.memory_space<vmem>>, vector<1x16xf32>,
        %get3A_962 = vector.shape_cast %get3A_961 : vector<1x16xf32> to vector<16xf32>
        %get3A_963 = arith.index_cast %add3A_762 : i32 to index
        %get3A_964 = arith.constant 64 : index
        %get3A_965 = tpu.vector_load %arg23[%get3A_963, %get3A_964] {strides = array<i32>} : memref<80x128xf32, #tpu.memory_space<vmem>>, vector<1x16xf32>,
        %get3A_966 = vector.shape_cast %get3A_965 : vector<1x16xf32> to vector<16xf32>
        %get3A_967 = arith.index_cast %add3A_762 : i32 to index
        %get3A_968 = arith.constant 64 : index
        %get3A_969 = tpu.vector_load %arg24[%get3A_967, %get3A_968] {strides = array<i32>} : memref<80x128xf32, #tpu.memory_space<vmem>>, vector<1x16xf32>,
        %get3A_970 = vector.shape_cast %get3A_969 : vector<1x16xf32> to vector<16xf32>
        %add3A_971 = arith.addf %scan3A_693, %scan3A_701 : vector<16xf32>
        %mul3A_972 = arith.constant 128 : i32
        %mul3A_973 = arith.muli %add3A_708, %mul3A_972 : i32
        %add3A_974 = arith.constant 64 : i32
        %add3A_975 = arith.addi %mul3A_973, %add3A_974 : i32
        %get3A_976 = arith.index_cast %add3A_975 : i32 to index
        %get3A_977 = tpu.vector_load %arg19[%get3A_976] {strides = array<i32>} : memref<2560xf32, #tpu.memory_space<vmem>>, vector<16xf32>,
        %get3A_978 = vector.shape_cast %get3A_977 : vector<16xf32> to vector<16xf32>
        %add3A_979 = arith.addf %add3A_971, %get3A_978 : vector<16xf32>
        %mul3A_980 = arith.mulf %get3A_756, %mul3A_83 : vector<16xf32>
        %add3A_981 = arith.addf %add3A_351, %mul3A_980 : vector<16xf32>
        %mul3A_982 = arith.constant 11.3137083 : f32
        %mul3A_983 = vector.broadcast %mul3A_982 : f32 to vector<16xf32>
        %mul3A_984 = arith.mulf %add3A_979, %mul3A_983 : vector<16xf32>
        %add3A_985 = arith.addf %add3A_981, %mul3A_984 : vector<16xf32>
        %add3A_986 = arith.addf %get3A_962, %get3A_970 : vector<16xf32>
        %mul3A_987 = arith.constant 11.3137083 : f32
        %mul3A_988 = vector.broadcast %mul3A_987 : f32 to vector<16xf32>
        %mul3A_989 = arith.mulf %add3A_986, %mul3A_988 : vector<16xf32>
        %add3A_990 = arith.addf %add3A_985, %mul3A_989 : vector<16xf32>
        %add3A_991 = arith.constant 24 : i32
        %add3A_992 = arith.addi %add3A_991, %add3A_708 : i32
        %mul3A_993 = arith.constant 128 : i32
        %mul3A_994 = arith.muli %add3A_992, %mul3A_993 : i32
        %add3A_995 = arith.constant 64 : i32
        %add3A_996 = arith.addi %mul3A_994, %add3A_995 : i32
        %swap3A_997 = arith.index_cast %add3A_996 : i32 to index
        %swap3A_998 = tpu.vector_load %arg25[%swap3A_997] {strides = array<i32>} : memref<12288xf32, #tpu.memory_space<vmem>>, vector<16xf32>,
        %swap3A_999 = vector.shape_cast %swap3A_998 : vector<16xf32> to vector<16xf32>
        %swap3A_1000 = vector.shape_cast %add3A_985 : vector<16xf32> to vector<16xf32>
        tpu.vector_store %arg25[%swap3A_997], %swap3A_1000 {strides = array<i32>} : memref<12288xf32, #tpu.memory_space<vmem>>, vector<16xf32>,
        %swap3A_1001 = arith.index_cast %add3A_996 : i32 to index
        %swap3A_1002 = tpu.vector_load %arg26[%swap3A_1001] {strides = array<i32>} : memref<12288xf32, #tpu.memory_space<vmem>>, vector<16xf32>,
        %swap3A_1003 = vector.shape_cast %swap3A_1002 : vector<16xf32> to vector<16xf32>
        %swap3A_1004 = vector.shape_cast %add3A_990 : vector<16xf32> to vector<16xf32>
        tpu.vector_store %arg26[%swap3A_1001], %swap3A_1004 {strides = array<i32>} : memref<12288xf32, #tpu.memory_space<vmem>>, vector<16xf32>,
        %mul3A_1005 = arith.mulf %get3A_966, %gather3A_751 : vector<16xf32>
        %add3A_1006 = arith.addf %scan3A_693, %mul3A_1005 : vector<16xf32>
        %add3A_1007 = arith.addf %scan3A_701, %get3A_962 : vector<16xf32>
        %get3A_1008 = arith.index_cast %add3A_762 : i32 to index
        %get3A_1009 = arith.constant 80 : index
        %get3A_1010 = tpu.vector_load %arg22[%get3A_1008, %get3A_1009] {strides = array<i32>} : memref<80x128xf32, #tpu.memory_space<vmem>>, vector<1x16xf32>,
        %get3A_1011 = vector.shape_cast %get3A_1010 : vector<1x16xf32> to vector<16xf32>
        %get3A_1012 = arith.index_cast %add3A_762 : i32 to index
        %get3A_1013 = arith.constant 80 : index
        %get3A_1014 = tpu.vector_load %arg23[%get3A_1012, %get3A_1013] {strides = array<i32>} : memref<80x128xf32, #tpu.memory_space<vmem>>, vector<1x16xf32>,
        %get3A_1015 = vector.shape_cast %get3A_1014 : vector<1x16xf32> to vector<16xf32>
        %get3A_1016 = arith.index_cast %add3A_762 : i32 to index
        %get3A_1017 = arith.constant 80 : index
        %get3A_1018 = tpu.vector_load %arg24[%get3A_1016, %get3A_1017] {strides = array<i32>} : memref<80x128xf32, #tpu.memory_space<vmem>>, vector<1x16xf32>,
        %get3A_1019 = vector.shape_cast %get3A_1018 : vector<1x16xf32> to vector<16xf32>
        %add3A_1020 = arith.addf %scan3A_694, %scan3A_702 : vector<16xf32>
        %mul3A_1021 = arith.constant 128 : i32
        %mul3A_1022 = arith.muli %add3A_708, %mul3A_1021 : i32
        %add3A_1023 = arith.constant 80 : i32
        %add3A_1024 = arith.addi %mul3A_1022, %add3A_1023 : i32
        %get3A_1025 = arith.index_cast %add3A_1024 : i32 to index
        %get3A_1026 = tpu.vector_load %arg19[%get3A_1025] {strides = array<i32>} : memref<2560xf32, #tpu.memory_space<vmem>>, vector<16xf32>,
        %get3A_1027 = vector.shape_cast %get3A_1026 : vector<16xf32> to vector<16xf32>
        %add3A_1028 = arith.addf %add3A_1020, %get3A_1027 : vector<16xf32>
        %mul3A_1029 = arith.mulf %get3A_756, %mul3A_89 : vector<16xf32>
        %add3A_1030 = arith.addf %add3A_360, %mul3A_1029 : vector<16xf32>
        %mul3A_1031 = arith.constant 11.3137083 : f32
        %mul3A_1032 = vector.broadcast %mul3A_1031 : f32 to vector<16xf32>
        %mul3A_1033 = arith.mulf %add3A_1028, %mul3A_1032 : vector<16xf32>
        %add3A_1034 = arith.addf %add3A_1030, %mul3A_1033 : vector<16xf32>
        %add3A_1035 = arith.addf %get3A_1011, %get3A_1019 : vector<16xf32>
        %mul3A_1036 = arith.constant 11.3137083 : f32
        %mul3A_1037 = vector.broadcast %mul3A_1036 : f32 to vector<16xf32>
        %mul3A_1038 = arith.mulf %add3A_1035, %mul3A_1037 : vector<16xf32>
        %add3A_1039 = arith.addf %add3A_1034, %mul3A_1038 : vector<16xf32>
        %add3A_1040 = arith.constant 24 : i32
        %add3A_1041 = arith.addi %add3A_1040, %add3A_708 : i32
        %mul3A_1042 = arith.constant 128 : i32
        %mul3A_1043 = arith.muli %add3A_1041, %mul3A_1042 : i32
        %add3A_1044 = arith.constant 80 : i32
        %add3A_1045 = arith.addi %mul3A_1043, %add3A_1044 : i32
        %swap3A_1046 = arith.index_cast %add3A_1045 : i32 to index
        %swap3A_1047 = tpu.vector_load %arg25[%swap3A_1046] {strides = array<i32>} : memref<12288xf32, #tpu.memory_space<vmem>>, vector<16xf32>,
        %swap3A_1048 = vector.shape_cast %swap3A_1047 : vector<16xf32> to vector<16xf32>
        %swap3A_1049 = vector.shape_cast %add3A_1034 : vector<16xf32> to vector<16xf32>
        tpu.vector_store %arg25[%swap3A_1046], %swap3A_1049 {strides = array<i32>} : memref<12288xf32, #tpu.memory_space<vmem>>, vector<16xf32>,
        %swap3A_1050 = arith.index_cast %add3A_1045 : i32 to index
        %swap3A_1051 = tpu.vector_load %arg26[%swap3A_1050] {strides = array<i32>} : memref<12288xf32, #tpu.memory_space<vmem>>, vector<16xf32>,
        %swap3A_1052 = vector.shape_cast %swap3A_1051 : vector<16xf32> to vector<16xf32>
        %swap3A_1053 = vector.shape_cast %add3A_1039 : vector<16xf32> to vector<16xf32>
        tpu.vector_store %arg26[%swap3A_1050], %swap3A_1053 {strides = array<i32>} : memref<12288xf32, #tpu.memory_space<vmem>>, vector<16xf32>,
        %mul3A_1054 = arith.mulf %get3A_1015, %gather3A_751 : vector<16xf32>
        %add3A_1055 = arith.addf %scan3A_694, %mul3A_1054 : vector<16xf32>
        %add3A_1056 = arith.addf %scan3A_702, %get3A_1011 : vector<16xf32>
        %get3A_1057 = arith.index_cast %add3A_762 : i32 to index
        %get3A_1058 = arith.constant 96 : index
        %get3A_1059 = tpu.vector_load %arg22[%get3A_1057, %get3A_1058] {strides = array<i32>} : memref<80x128xf32, #tpu.memory_space<vmem>>, vector<1x16xf32>,
        %get3A_1060 = vector.shape_cast %get3A_1059 : vector<1x16xf32> to vector<16xf32>
        %get3A_1061 = arith.index_cast %add3A_762 : i32 to index
        %get3A_1062 = arith.constant 96 : index
        %get3A_1063 = tpu.vector_load %arg23[%get3A_1061, %get3A_1062] {strides = array<i32>} : memref<80x128xf32, #tpu.memory_space<vmem>>, vector<1x16xf32>,
        %get3A_1064 = vector.shape_cast %get3A_1063 : vector<1x16xf32> to vector<16xf32>
        %get3A_1065 = arith.index_cast %add3A_762 : i32 to index
        %get3A_1066 = arith.constant 96 : index
        %get3A_1067 = tpu.vector_load %arg24[%get3A_1065, %get3A_1066] {strides = array<i32>} : memref<80x128xf32, #tpu.memory_space<vmem>>, vector<1x16xf32>,
        %get3A_1068 = vector.shape_cast %get3A_1067 : vector<1x16xf32> to vector<16xf32>
        %add3A_1069 = arith.addf %scan3A_695, %scan3A_703 : vector<16xf32>
        %mul3A_1070 = arith.constant 128 : i32
        %mul3A_1071 = arith.muli %add3A_708, %mul3A_1070 : i32
        %add3A_1072 = arith.constant 96 : i32
        %add3A_1073 = arith.addi %mul3A_1071, %add3A_1072 : i32
        %get3A_1074 = arith.index_cast %add3A_1073 : i32 to index
        %get3A_1075 = tpu.vector_load %arg19[%get3A_1074] {strides = array<i32>} : memref<2560xf32, #tpu.memory_space<vmem>>, vector<16xf32>,
        %get3A_1076 = vector.shape_cast %get3A_1075 : vector<16xf32> to vector<16xf32>
        %add3A_1077 = arith.addf %add3A_1069, %get3A_1076 : vector<16xf32>
        %mul3A_1078 = arith.mulf %get3A_756, %mul3A_95 : vector<16xf32>
        %add3A_1079 = arith.addf %add3A_369, %mul3A_1078 : vector<16xf32>
        %mul3A_1080 = arith.constant 11.3137083 : f32
        %mul3A_1081 = vector.broadcast %mul3A_1080 : f32 to vector<16xf32>
        %mul3A_1082 = arith.mulf %add3A_1077, %mul3A_1081 : vector<16xf32>
        %add3A_1083 = arith.addf %add3A_1079, %mul3A_1082 : vector<16xf32>
        %add3A_1084 = arith.addf %get3A_1060, %get3A_1068 : vector<16xf32>
        %mul3A_1085 = arith.constant 11.3137083 : f32
        %mul3A_1086 = vector.broadcast %mul3A_1085 : f32 to vector<16xf32>
        %mul3A_1087 = arith.mulf %add3A_1084, %mul3A_1086 : vector<16xf32>
        %add3A_1088 = arith.addf %add3A_1083, %mul3A_1087 : vector<16xf32>
        %add3A_1089 = arith.constant 24 : i32
        %add3A_1090 = arith.addi %add3A_1089, %add3A_708 : i32
        %mul3A_1091 = arith.constant 128 : i32
        %mul3A_1092 = arith.muli %add3A_1090, %mul3A_1091 : i32
        %add3A_1093 = arith.constant 96 : i32
        %add3A_1094 = arith.addi %mul3A_1092, %add3A_1093 : i32
        %swap3A_1095 = arith.index_cast %add3A_1094 : i32 to index
        %swap3A_1096 = tpu.vector_load %arg25[%swap3A_1095] {strides = array<i32>} : memref<12288xf32, #tpu.memory_space<vmem>>, vector<16xf32>,
        %swap3A_1097 = vector.shape_cast %swap3A_1096 : vector<16xf32> to vector<16xf32>
        %swap3A_1098 = vector.shape_cast %add3A_1083 : vector<16xf32> to vector<16xf32>
        tpu.vector_store %arg25[%swap3A_1095], %swap3A_1098 {strides = array<i32>} : memref<12288xf32, #tpu.memory_space<vmem>>, vector<16xf32>,
        %swap3A_1099 = arith.index_cast %add3A_1094 : i32 to index
        %swap3A_1100 = tpu.vector_load %arg26[%swap3A_1099] {strides = array<i32>} : memref<12288xf32, #tpu.memory_space<vmem>>, vector<16xf32>,
        %swap3A_1101 = vector.shape_cast %swap3A_1100 : vector<16xf32> to vector<16xf32>
        %swap3A_1102 = vector.shape_cast %add3A_1088 : vector<16xf32> to vector<16xf32>
        tpu.vector_store %arg26[%swap3A_1099], %swap3A_1102 {strides = array<i32>} : memref<12288xf32, #tpu.memory_space<vmem>>, vector<16xf32>,
        %mul3A_1103 = arith.mulf %get3A_1064, %gather3A_751 : vector<16xf32>
        %add3A_1104 = arith.addf %scan3A_695, %mul3A_1103 : vector<16xf32>
        %add3A_1105 = arith.addf %scan3A_703, %get3A_1060 : vector<16xf32>
        %get3A_1106 = arith.index_cast %add3A_762 : i32 to index
        %get3A_1107 = arith.constant 112 : index
        %get3A_1108 = tpu.vector_load %arg22[%get3A_1106, %get3A_1107] {strides = array<i32>} : memref<80x128xf32, #tpu.memory_space<vmem>>, vector<1x16xf32>,
        %get3A_1109 = vector.shape_cast %get3A_1108 : vector<1x16xf32> to vector<16xf32>
        %get3A_1110 = arith.index_cast %add3A_762 : i32 to index
        %get3A_1111 = arith.constant 112 : index
        %get3A_1112 = tpu.vector_load %arg23[%get3A_1110, %get3A_1111] {strides = array<i32>} : memref<80x128xf32, #tpu.memory_space<vmem>>, vector<1x16xf32>,
        %get3A_1113 = vector.shape_cast %get3A_1112 : vector<1x16xf32> to vector<16xf32>
        %get3A_1114 = arith.index_cast %add3A_762 : i32 to index
        %get3A_1115 = arith.constant 112 : index
        %get3A_1116 = tpu.vector_load %arg24[%get3A_1114, %get3A_1115] {strides = array<i32>} : memref<80x128xf32, #tpu.memory_space<vmem>>, vector<1x16xf32>,
        %get3A_1117 = vector.shape_cast %get3A_1116 : vector<1x16xf32> to vector<16xf32>
        %add3A_1118 = arith.addf %scan3A_696, %scan3A_704 : vector<16xf32>
        %mul3A_1119 = arith.constant 128 : i32
        %mul3A_1120 = arith.muli %add3A_708, %mul3A_1119 : i32
        %add3A_1121 = arith.constant 112 : i32
        %add3A_1122 = arith.addi %mul3A_1120, %add3A_1121 : i32
        %get3A_1123 = arith.index_cast %add3A_1122 : i32 to index
        %get3A_1124 = tpu.vector_load %arg19[%get3A_1123] {strides = array<i32>} : memref<2560xf32, #tpu.memory_space<vmem>>, vector<16xf32>,
        %get3A_1125 = vector.shape_cast %get3A_1124 : vector<16xf32> to vector<16xf32>
        %add3A_1126 = arith.addf %add3A_1118, %get3A_1125 : vector<16xf32>
        %mul3A_1127 = arith.mulf %get3A_756, %mul3A_101 : vector<16xf32>
        %add3A_1128 = arith.addf %add3A_378, %mul3A_1127 : vector<16xf32>
        %mul3A_1129 = arith.constant 11.3137083 : f32
        %mul3A_1130 = vector.broadcast %mul3A_1129 : f32 to vector<16xf32>
        %mul3A_1131 = arith.mulf %add3A_1126, %mul3A_1130 : vector<16xf32>
        %add3A_1132 = arith.addf %add3A_1128, %mul3A_1131 : vector<16xf32>
        %add3A_1133 = arith.addf %get3A_1109, %get3A_1117 : vector<16xf32>
        %mul3A_1134 = arith.constant 11.3137083 : f32
        %mul3A_1135 = vector.broadcast %mul3A_1134 : f32 to vector<16xf32>
        %mul3A_1136 = arith.mulf %add3A_1133, %mul3A_1135 : vector<16xf32>
        %add3A_1137 = arith.addf %add3A_1132, %mul3A_1136 : vector<16xf32>
        %add3A_1138 = arith.constant 24 : i32
        %add3A_1139 = arith.addi %add3A_1138, %add3A_708 : i32
        %mul3A_1140 = arith.constant 128 : i32
        %mul3A_1141 = arith.muli %add3A_1139, %mul3A_1140 : i32
        %add3A_1142 = arith.constant 112 : i32
        %add3A_1143 = arith.addi %mul3A_1141, %add3A_1142 : i32
        %swap3A_1144 = arith.index_cast %add3A_1143 : i32 to index
        %swap3A_1145 = tpu.vector_load %arg25[%swap3A_1144] {strides = array<i32>} : memref<12288xf32, #tpu.memory_space<vmem>>, vector<16xf32>,
        %swap3A_1146 = vector.shape_cast %swap3A_1145 : vector<16xf32> to vector<16xf32>
        %swap3A_1147 = vector.shape_cast %add3A_1132 : vector<16xf32> to vector<16xf32>
        tpu.vector_store %arg25[%swap3A_1144], %swap3A_1147 {strides = array<i32>} : memref<12288xf32, #tpu.memory_space<vmem>>, vector<16xf32>,
        %swap3A_1148 = arith.index_cast %add3A_1143 : i32 to index
        %swap3A_1149 = tpu.vector_load %arg26[%swap3A_1148] {strides = array<i32>} : memref<12288xf32, #tpu.memory_space<vmem>>, vector<16xf32>,
        %swap3A_1150 = vector.shape_cast %swap3A_1149 : vector<16xf32> to vector<16xf32>
        %swap3A_1151 = vector.shape_cast %add3A_1137 : vector<16xf32> to vector<16xf32>
        tpu.vector_store %arg26[%swap3A_1148], %swap3A_1151 {strides = array<i32>} : memref<12288xf32, #tpu.memory_space<vmem>>, vector<16xf32>,
        %mul3A_1152 = arith.mulf %get3A_1113, %gather3A_751 : vector<16xf32>
        %add3A_1153 = arith.addf %scan3A_696, %mul3A_1152 : vector<16xf32>
        %add3A_1154 = arith.addf %scan3A_704, %get3A_1109 : vector<16xf32>
        scf.yield %add3A_810, %add3A_859, %add3A_908, %add3A_957, %add3A_1006, %add3A_1055, %add3A_1104, %add3A_1153, %add3A_811, %add3A_860, %add3A_909, %add3A_958, %add3A_1007, %add3A_1056, %add3A_1105, %add3A_1154 : vector<16xf32>, vector<16xf32>, vector<16xf32>, vector<16xf32>, vector<16xf32>, vector<16xf32>, vector<16xf32>, vector<16xf32>, vector<16xf32>, vector<16xf32>, vector<16xf32>, vector<16xf32>, vector<16xf32>, vector<16xf32>, vector<16xf32>, vector<16xf32>
      }
      %scan3A_400 = arith.constant 20 : i32
      %mul3A_401 = arith.constant 4 : i32
      %mul3A_402 = arith.muli %add3A_110, %mul3A_401 : i32
      %add3A_403 = arith.constant 2 : i32
      %add3A_404 = arith.addi %mul3A_402, %add3A_403 : i32
      %jit3A_405 = arith.constant 16 : i32
      %div3A_406 = arith.divsi %add3A_404, %jit3A_405 : i32
      %sign3A_407 = arith.constant 0 : i32
      %sign3A_408 = arith.cmpi sgt, %add3A_404, %sign3A_407 : i32
      %sign3A_409 = arith.extui %sign3A_408 : i1 to i32
      %sign3A_410 = arith.constant 0 : i32
      %sign3A_411 = arith.cmpi slt, %add3A_404, %sign3A_410 : i32
      %sign3A_412 = arith.extui %sign3A_411 : i1 to i32
      %sign3A_413 = arith.subi %sign3A_409, %sign3A_412 : i32
      %sign3A_414 = arith.constant 0 : i32
      %sign3A_415 = arith.cmpi sgt, %jit3A_405, %sign3A_414 : i32
      %sign3A_416 = arith.extui %sign3A_415 : i1 to i32
      %sign3A_417 = arith.constant 0 : i32
      %sign3A_418 = arith.cmpi slt, %jit3A_405, %sign3A_417 : i32
      %sign3A_419 = arith.extui %sign3A_418 : i1 to i32
      %sign3A_420 = arith.subi %sign3A_416, %sign3A_419 : i32
      %ne3A_421 = arith.cmpi ne, %sign3A_413, %sign3A_420 : i32
      %rem3A_422 = arith.remsi %add3A_404, %jit3A_405 : i32
      %ne3A_423 = arith.constant 0 : i32
      %ne3A_424 = arith.cmpi ne, %rem3A_422, %ne3A_423 : i32
      %and3A_425 = arith.andi %ne3A_421, %ne3A_424 : i1
      %sub3A_426 = arith.constant 1 : i32
      %sub3A_427 = arith.subi %div3A_406, %sub3A_426 : i32
      %select_n3A_428 = arith.select %and3A_425, %sub3A_427, %div3A_406 : i32
      %mul3A_429 = arith.constant 16 : i32
      %mul3A_430 = arith.muli %select_n3A_428, %mul3A_429 : i32
      %get3A_431 = arith.index_cast %mul3A_430 : i32 to index
      %get3A_432 = tpu.vector_load %arg17[%get3A_431] {strides = array<i32>} : memref<128xf32, #tpu.memory_space<vmem>>, vector<16xf32>,
      %get3A_433 = vector.shape_cast %get3A_432 : vector<16xf32> to vector<16xf32>
      %sub3A_434 = arith.subi %add3A_404, %mul3A_430 : i32
      %broadcast_in_dim3A_435 = vector.broadcast %sub3A_434 : i32 to vector<16xi32>
      %lt3A_436 = arith.constant 0 : i32
      %lt3A_437 = vector.broadcast %lt3A_436 : i32 to vector<16xi32>
      %lt3A_438 = arith.cmpi slt, %broadcast_in_dim3A_435, %lt3A_437 : vector<16xi32>
      %add3A_439 = arith.constant 16 : i32
      %add3A_440 = vector.broadcast %add3A_439 : i32 to vector<16xi32>
      %add3A_441 = arith.addi %broadcast_in_dim3A_435, %add3A_440 : vector<16xi32>
      %select_n3A_442 = arith.select %lt3A_438, %add3A_441, %broadcast_in_dim3A_435 : vector<16xi1>, vector<16xi32>
      %broadcast_in_dim3A_443 = vector.shape_cast %select_n3A_442 : vector<16xi32> to vector<16x1xi32>
      %gather3A_444 = vector.shape_cast %broadcast_in_dim3A_443 : vector<16x1xi32> to vector<16xi32>
      %gather3A_445 = tpu.dynamic_gather %get3A_433[%gather3A_444] in [0] : vector<16xf32>, vector<16xi32> -> vector<16xf32>
      %mul3A_446 = arith.constant 128 : i32
      %mul3A_447 = arith.muli %add3A_110, %mul3A_446 : i32
      %add3A_448 = arith.constant 0 : i32
      %add3A_449 = arith.addi %mul3A_447, %add3A_448 : i32
      %get3A_450 = arith.index_cast %add3A_449 : i32 to index
      %get3A_451 = tpu.vector_load %arg18[%get3A_450] {strides = array<i32>} : memref<4096xf32, #tpu.memory_space<vmem>>, vector<16xf32>,
      %get3A_452 = vector.shape_cast %get3A_451 : vector<16xf32> to vector<16xf32>
      %mul3A_453 = arith.mulf %gather3A_445, %mul3A_11 : vector<16xf32>
      %add3A_454 = arith.addf %get3A_452, %mul3A_453 : vector<16xf32>
      %mul3A_455 = arith.constant 128 : i32
      %mul3A_456 = arith.muli %add3A_110, %mul3A_455 : i32
      %add3A_457 = arith.constant 16 : i32
      %add3A_458 = arith.addi %mul3A_456, %add3A_457 : i32
      %get3A_459 = arith.index_cast %add3A_458 : i32 to index
      %get3A_460 = tpu.vector_load %arg18[%get3A_459] {strides = array<i32>} : memref<4096xf32, #tpu.memory_space<vmem>>, vector<16xf32>,
      %get3A_461 = vector.shape_cast %get3A_460 : vector<16xf32> to vector<16xf32>
      %mul3A_462 = arith.mulf %gather3A_445, %mul3A_17 : vector<16xf32>
      %add3A_463 = arith.addf %get3A_461, %mul3A_462 : vector<16xf32>
      %mul3A_464 = arith.constant 128 : i32
      %mul3A_465 = arith.muli %add3A_110, %mul3A_464 : i32
      %add3A_466 = arith.constant 32 : i32
      %add3A_467 = arith.addi %mul3A_465, %add3A_466 : i32
      %get3A_468 = arith.index_cast %add3A_467 : i32 to index
      %get3A_469 = tpu.vector_load %arg18[%get3A_468] {strides = array<i32>} : memref<4096xf32, #tpu.memory_space<vmem>>, vector<16xf32>,
      %get3A_470 = vector.shape_cast %get3A_469 : vector<16xf32> to vector<16xf32>
      %mul3A_471 = arith.mulf %gather3A_445, %mul3A_23 : vector<16xf32>
      %add3A_472 = arith.addf %get3A_470, %mul3A_471 : vector<16xf32>
      %mul3A_473 = arith.constant 128 : i32
      %mul3A_474 = arith.muli %add3A_110, %mul3A_473 : i32
      %add3A_475 = arith.constant 48 : i32
      %add3A_476 = arith.addi %mul3A_474, %add3A_475 : i32
      %get3A_477 = arith.index_cast %add3A_476 : i32 to index
      %get3A_478 = tpu.vector_load %arg18[%get3A_477] {strides = array<i32>} : memref<4096xf32, #tpu.memory_space<vmem>>, vector<16xf32>,
      %get3A_479 = vector.shape_cast %get3A_478 : vector<16xf32> to vector<16xf32>
      %mul3A_480 = arith.mulf %gather3A_445, %mul3A_29 : vector<16xf32>
      %add3A_481 = arith.addf %get3A_479, %mul3A_480 : vector<16xf32>
      %mul3A_482 = arith.constant 128 : i32
      %mul3A_483 = arith.muli %add3A_110, %mul3A_482 : i32
      %add3A_484 = arith.constant 64 : i32
      %add3A_485 = arith.addi %mul3A_483, %add3A_484 : i32
      %get3A_486 = arith.index_cast %add3A_485 : i32 to index
      %get3A_487 = tpu.vector_load %arg18[%get3A_486] {strides = array<i32>} : memref<4096xf32, #tpu.memory_space<vmem>>, vector<16xf32>,
      %get3A_488 = vector.shape_cast %get3A_487 : vector<16xf32> to vector<16xf32>
      %mul3A_489 = arith.mulf %gather3A_445, %mul3A_35 : vector<16xf32>
      %add3A_490 = arith.addf %get3A_488, %mul3A_489 : vector<16xf32>
      %mul3A_491 = arith.constant 128 : i32
      %mul3A_492 = arith.muli %add3A_110, %mul3A_491 : i32
      %add3A_493 = arith.constant 80 : i32
      %add3A_494 = arith.addi %mul3A_492, %add3A_493 : i32
      %get3A_495 = arith.index_cast %add3A_494 : i32 to index
      %get3A_496 = tpu.vector_load %arg18[%get3A_495] {strides = array<i32>} : memref<4096xf32, #tpu.memory_space<vmem>>, vector<16xf32>,
      %get3A_497 = vector.shape_cast %get3A_496 : vector<16xf32> to vector<16xf32>
      %mul3A_498 = arith.mulf %gather3A_445, %mul3A_41 : vector<16xf32>
      %add3A_499 = arith.addf %get3A_497, %mul3A_498 : vector<16xf32>
      %mul3A_500 = arith.constant 128 : i32
      %mul3A_501 = arith.muli %add3A_110, %mul3A_500 : i32
      %add3A_502 = arith.constant 96 : i32
      %add3A_503 = arith.addi %mul3A_501, %add3A_502 : i32
      %get3A_504 = arith.index_cast %add3A_503 : i32 to index
      %get3A_505 = tpu.vector_load %arg18[%get3A_504] {strides = array<i32>} : memref<4096xf32, #tpu.memory_space<vmem>>, vector<16xf32>,
      %get3A_506 = vector.shape_cast %get3A_505 : vector<16xf32> to vector<16xf32>
      %mul3A_507 = arith.mulf %gather3A_445, %mul3A_47 : vector<16xf32>
      %add3A_508 = arith.addf %get3A_506, %mul3A_507 : vector<16xf32>
      %mul3A_509 = arith.constant 128 : i32
      %mul3A_510 = arith.muli %add3A_110, %mul3A_509 : i32
      %add3A_511 = arith.constant 112 : i32
      %add3A_512 = arith.addi %mul3A_510, %add3A_511 : i32
      %get3A_513 = arith.index_cast %add3A_512 : i32 to index
      %get3A_514 = tpu.vector_load %arg18[%get3A_513] {strides = array<i32>} : memref<4096xf32, #tpu.memory_space<vmem>>, vector<16xf32>,
      %get3A_515 = vector.shape_cast %get3A_514 : vector<16xf32> to vector<16xf32>
      %mul3A_516 = arith.mulf %gather3A_445, %mul3A_53 : vector<16xf32>
      %add3A_517 = arith.addf %get3A_515, %mul3A_516 : vector<16xf32>
      %broadcast_in_dim3A_518 = arith.constant 0.000000e+00 : f32
      %broadcast_in_dim3A_519 = vector.broadcast %broadcast_in_dim3A_518 : f32 to vector<16xf32>
      %broadcast_in_dim3A_520 = arith.constant 0.000000e+00 : f32
      %broadcast_in_dim3A_521 = vector.broadcast %broadcast_in_dim3A_520 : f32 to vector<16xf32>
      %broadcast_in_dim3A_522 = arith.constant 0.000000e+00 : f32
      %broadcast_in_dim3A_523 = vector.broadcast %broadcast_in_dim3A_522 : f32 to vector<16xf32>
      %broadcast_in_dim3A_524 = arith.constant 0.000000e+00 : f32
      %broadcast_in_dim3A_525 = vector.broadcast %broadcast_in_dim3A_524 : f32 to vector<16xf32>
      %broadcast_in_dim3A_526 = arith.constant 0.000000e+00 : f32
      %broadcast_in_dim3A_527 = vector.broadcast %broadcast_in_dim3A_526 : f32 to vector<16xf32>
      %broadcast_in_dim3A_528 = arith.constant 0.000000e+00 : f32
      %broadcast_in_dim3A_529 = vector.broadcast %broadcast_in_dim3A_528 : f32 to vector<16xf32>
      %broadcast_in_dim3A_530 = arith.constant 0.000000e+00 : f32
      %broadcast_in_dim3A_531 = vector.broadcast %broadcast_in_dim3A_530 : f32 to vector<16xf32>
      %broadcast_in_dim3A_532 = arith.constant 0.000000e+00 : f32
      %broadcast_in_dim3A_533 = vector.broadcast %broadcast_in_dim3A_532 : f32 to vector<16xf32>
      %scan3A_534 = arith.constant 0 : i32
      %scan3A_535 = arith.constant 20 : i32
      %scan3A_536 = arith.addi %scan3A_534, %scan3A_535 : i32
      %scan3A_537 = arith.constant 1 : i32
      %scan3A_538:16 = scf.for %scan3A_688 = %scan3A_534 to %scan3A_536 step %scan3A_537 iter_args(%scan3A_689 = %broadcast_in_dim3A_519, %scan3A_690 = %broadcast_in_dim3A_521, %scan3A_691 = %broadcast_in_dim3A_523, %scan3A_692 = %broadcast_in_dim3A_525, %scan3A_693 = %broadcast_in_dim3A_527, %scan3A_694 = %broadcast_in_dim3A_529, %scan3A_695 = %broadcast_in_dim3A_531, %scan3A_696 = %broadcast_in_dim3A_533, %scan3A_697 = %broadcast_in_dim3A_519, %scan3A_698 = %broadcast_in_dim3A_521, %scan3A_699 = %broadcast_in_dim3A_523, %scan3A_700 = %broadcast_in_dim3A_525, %scan3A_701 = %broadcast_in_dim3A_527, %scan3A_702 = %broadcast_in_dim3A_529, %scan3A_703 = %broadcast_in_dim3A_531, %scan3A_704 = %broadcast_in_dim3A_533) -> (vector<16xf32>, vector<16xf32>, vector<16xf32>, vector<16xf32>, vector<16xf32>, vector<16xf32>, vector<16xf32>, vector<16xf32>, vector<16xf32>, vector<16xf32>, vector<16xf32>, vector<16xf32>, vector<16xf32>, vector<16xf32>, vector<16xf32>, vector<16xf32>)  : i32 {
        %mul3A_705 = arith.constant 1 : i32
        %mul3A_706 = arith.muli %scan3A_688, %mul3A_705 : i32
        %add3A_707 = arith.constant 0 : i32
        %add3A_708 = arith.addi %add3A_707, %mul3A_706 : i32
        %add3A_709 = arith.constant 40 : i32
        %add3A_710 = arith.addi %add3A_709, %add3A_708 : i32
        %jit3A_711 = arith.constant 16 : i32
        %div3A_712 = arith.divsi %add3A_710, %jit3A_711 : i32
        %sign3A_713 = arith.constant 0 : i32
        %sign3A_714 = arith.cmpi sgt, %add3A_710, %sign3A_713 : i32
        %sign3A_715 = arith.extui %sign3A_714 : i1 to i32
        %sign3A_716 = arith.constant 0 : i32
        %sign3A_717 = arith.cmpi slt, %add3A_710, %sign3A_716 : i32
        %sign3A_718 = arith.extui %sign3A_717 : i1 to i32
        %sign3A_719 = arith.subi %sign3A_715, %sign3A_718 : i32
        %sign3A_720 = arith.constant 0 : i32
        %sign3A_721 = arith.cmpi sgt, %jit3A_711, %sign3A_720 : i32
        %sign3A_722 = arith.extui %sign3A_721 : i1 to i32
        %sign3A_723 = arith.constant 0 : i32
        %sign3A_724 = arith.cmpi slt, %jit3A_711, %sign3A_723 : i32
        %sign3A_725 = arith.extui %sign3A_724 : i1 to i32
        %sign3A_726 = arith.subi %sign3A_722, %sign3A_725 : i32
        %ne3A_727 = arith.cmpi ne, %sign3A_719, %sign3A_726 : i32
        %rem3A_728 = arith.remsi %add3A_710, %jit3A_711 : i32
        %ne3A_729 = arith.constant 0 : i32
        %ne3A_730 = arith.cmpi ne, %rem3A_728, %ne3A_729 : i32
        %and3A_731 = arith.andi %ne3A_727, %ne3A_730 : i1
        %sub3A_732 = arith.constant 1 : i32
        %sub3A_733 = arith.subi %div3A_712, %sub3A_732 : i32
        %select_n3A_734 = arith.select %and3A_731, %sub3A_733, %div3A_712 : i32
        %mul3A_735 = arith.constant 16 : i32
        %mul3A_736 = arith.muli %select_n3A_734, %mul3A_735 : i32
        %get3A_737 = arith.index_cast %mul3A_736 : i32 to index
        %get3A_738 = tpu.vector_load %arg15[%get3A_737] {strides = array<i32>} : memref<80xf32, #tpu.memory_space<vmem>>, vector<16xf32>,
        %get3A_739 = vector.shape_cast %get3A_738 : vector<16xf32> to vector<16xf32>
        %sub3A_740 = arith.subi %add3A_710, %mul3A_736 : i32
        %broadcast_in_dim3A_741 = vector.broadcast %sub3A_740 : i32 to vector<16xi32>
        %lt3A_742 = arith.constant 0 : i32
        %lt3A_743 = vector.broadcast %lt3A_742 : i32 to vector<16xi32>
        %lt3A_744 = arith.cmpi slt, %broadcast_in_dim3A_741, %lt3A_743 : vector<16xi32>
        %add3A_745 = arith.constant 16 : i32
        %add3A_746 = vector.broadcast %add3A_745 : i32 to vector<16xi32>
        %add3A_747 = arith.addi %broadcast_in_dim3A_741, %add3A_746 : vector<16xi32>
        %select_n3A_748 = arith.select %lt3A_744, %add3A_747, %broadcast_in_dim3A_741 : vector<16xi1>, vector<16xi32>
        %broadcast_in_dim3A_749 = vector.shape_cast %select_n3A_748 : vector<16xi32> to vector<16x1xi32>
        %gather3A_750 = vector.shape_cast %broadcast_in_dim3A_749 : vector<16x1xi32> to vector<16xi32>
        %gather3A_751 = tpu.dynamic_gather %get3A_739[%gather3A_750] in [0] : vector<16xf32>, vector<16xi32> -> vector<16xf32>
        %mul3A_752 = arith.constant 16 : i32
        %mul3A_753 = arith.muli %add3A_708, %mul3A_752 : i32
        %get3A_754 = arith.index_cast %mul3A_753 : i32 to index
        %get3A_755 = tpu.vector_load %arg16[%get3A_754] {strides = array<i32>} : memref<320xf32, #tpu.memory_space<vmem>>, vector<16xf32>,
        %get3A_756 = vector.shape_cast %get3A_755 : vector<16xf32> to vector<16xf32>
        %add3A_757 = arith.addf %get3A_756, %gather3A_751 : vector<16xf32>
        %swap3A = arith.index_cast %mul3A_753 : i32 to index
        %swap3A_758 = tpu.vector_load %arg16[%swap3A] {strides = array<i32>} : memref<320xf32, #tpu.memory_space<vmem>>, vector<16xf32>,
        %swap3A_759 = vector.shape_cast %swap3A_758 : vector<16xf32> to vector<16xf32>
        %swap3A_760 = vector.shape_cast %add3A_757 : vector<16xf32> to vector<16xf32>
        tpu.vector_store %arg16[%swap3A], %swap3A_760 {strides = array<i32>} : memref<320xf32, #tpu.memory_space<vmem>>, vector<16xf32>,
        %add3A_761 = arith.constant 40 : i32
        %add3A_762 = arith.addi %add3A_761, %add3A_708 : i32
        %get3A_763 = arith.index_cast %add3A_762 : i32 to index
        %get3A_764 = arith.constant 0 : index
        %get3A_765 = tpu.vector_load %arg22[%get3A_763, %get3A_764] {strides = array<i32>} : memref<80x128xf32, #tpu.memory_space<vmem>>, vector<1x16xf32>,
        %get3A_766 = vector.shape_cast %get3A_765 : vector<1x16xf32> to vector<16xf32>
        %get3A_767 = arith.index_cast %add3A_762 : i32 to index
        %get3A_768 = arith.constant 0 : index
        %get3A_769 = tpu.vector_load %arg23[%get3A_767, %get3A_768] {strides = array<i32>} : memref<80x128xf32, #tpu.memory_space<vmem>>, vector<1x16xf32>,
        %get3A_770 = vector.shape_cast %get3A_769 : vector<1x16xf32> to vector<16xf32>
        %get3A_771 = arith.index_cast %add3A_762 : i32 to index
        %get3A_772 = arith.constant 0 : index
        %get3A_773 = tpu.vector_load %arg24[%get3A_771, %get3A_772] {strides = array<i32>} : memref<80x128xf32, #tpu.memory_space<vmem>>, vector<1x16xf32>,
        %get3A_774 = vector.shape_cast %get3A_773 : vector<1x16xf32> to vector<16xf32>
        %add3A_775 = arith.addf %scan3A_689, %scan3A_697 : vector<16xf32>
        %mul3A_776 = arith.constant 128 : i32
        %mul3A_777 = arith.muli %add3A_708, %mul3A_776 : i32
        %add3A_778 = arith.constant 0 : i32
        %add3A_779 = arith.addi %mul3A_777, %add3A_778 : i32
        %get3A_780 = arith.index_cast %add3A_779 : i32 to index
        %get3A_781 = tpu.vector_load %arg19[%get3A_780] {strides = array<i32>} : memref<2560xf32, #tpu.memory_space<vmem>>, vector<16xf32>,
        %get3A_782 = vector.shape_cast %get3A_781 : vector<16xf32> to vector<16xf32>
        %add3A_783 = arith.addf %add3A_775, %get3A_782 : vector<16xf32>
        %mul3A_784 = arith.mulf %get3A_756, %mul3A_59 : vector<16xf32>
        %add3A_785 = arith.addf %add3A_454, %mul3A_784 : vector<16xf32>
        %mul3A_786 = arith.constant 11.3137083 : f32
        %mul3A_787 = vector.broadcast %mul3A_786 : f32 to vector<16xf32>
        %mul3A_788 = arith.mulf %add3A_783, %mul3A_787 : vector<16xf32>
        %add3A_789 = arith.addf %add3A_785, %mul3A_788 : vector<16xf32>
        %add3A_790 = arith.addf %get3A_766, %get3A_774 : vector<16xf32>
        %mul3A_791 = arith.constant 11.3137083 : f32
        %mul3A_792 = vector.broadcast %mul3A_791 : f32 to vector<16xf32>
        %mul3A_793 = arith.mulf %add3A_790, %mul3A_792 : vector<16xf32>
        %add3A_794 = arith.addf %add3A_789, %mul3A_793 : vector<16xf32>
        %add3A_795 = arith.constant 48 : i32
        %add3A_796 = arith.addi %add3A_795, %add3A_708 : i32
        %mul3A_797 = arith.constant 128 : i32
        %mul3A_798 = arith.muli %add3A_796, %mul3A_797 : i32
        %add3A_799 = arith.constant 0 : i32
        %add3A_800 = arith.addi %mul3A_798, %add3A_799 : i32
        %swap3A_801 = arith.index_cast %add3A_800 : i32 to index
        %swap3A_802 = tpu.vector_load %arg25[%swap3A_801] {strides = array<i32>} : memref<12288xf32, #tpu.memory_space<vmem>>, vector<16xf32>,
        %swap3A_803 = vector.shape_cast %swap3A_802 : vector<16xf32> to vector<16xf32>
        %swap3A_804 = vector.shape_cast %add3A_789 : vector<16xf32> to vector<16xf32>
        tpu.vector_store %arg25[%swap3A_801], %swap3A_804 {strides = array<i32>} : memref<12288xf32, #tpu.memory_space<vmem>>, vector<16xf32>,
        %swap3A_805 = arith.index_cast %add3A_800 : i32 to index
        %swap3A_806 = tpu.vector_load %arg26[%swap3A_805] {strides = array<i32>} : memref<12288xf32, #tpu.memory_space<vmem>>, vector<16xf32>,
        %swap3A_807 = vector.shape_cast %swap3A_806 : vector<16xf32> to vector<16xf32>
        %swap3A_808 = vector.shape_cast %add3A_794 : vector<16xf32> to vector<16xf32>
        tpu.vector_store %arg26[%swap3A_805], %swap3A_808 {strides = array<i32>} : memref<12288xf32, #tpu.memory_space<vmem>>, vector<16xf32>,
        %mul3A_809 = arith.mulf %get3A_770, %gather3A_751 : vector<16xf32>
        %add3A_810 = arith.addf %scan3A_689, %mul3A_809 : vector<16xf32>
        %add3A_811 = arith.addf %scan3A_697, %get3A_766 : vector<16xf32>
        %get3A_812 = arith.index_cast %add3A_762 : i32 to index
        %get3A_813 = arith.constant 16 : index
        %get3A_814 = tpu.vector_load %arg22[%get3A_812, %get3A_813] {strides = array<i32>} : memref<80x128xf32, #tpu.memory_space<vmem>>, vector<1x16xf32>,
        %get3A_815 = vector.shape_cast %get3A_814 : vector<1x16xf32> to vector<16xf32>
        %get3A_816 = arith.index_cast %add3A_762 : i32 to index
        %get3A_817 = arith.constant 16 : index
        %get3A_818 = tpu.vector_load %arg23[%get3A_816, %get3A_817] {strides = array<i32>} : memref<80x128xf32, #tpu.memory_space<vmem>>, vector<1x16xf32>,
        %get3A_819 = vector.shape_cast %get3A_818 : vector<1x16xf32> to vector<16xf32>
        %get3A_820 = arith.index_cast %add3A_762 : i32 to index
        %get3A_821 = arith.constant 16 : index
        %get3A_822 = tpu.vector_load %arg24[%get3A_820, %get3A_821] {strides = array<i32>} : memref<80x128xf32, #tpu.memory_space<vmem>>, vector<1x16xf32>,
        %get3A_823 = vector.shape_cast %get3A_822 : vector<1x16xf32> to vector<16xf32>
        %add3A_824 = arith.addf %scan3A_690, %scan3A_698 : vector<16xf32>
        %mul3A_825 = arith.constant 128 : i32
        %mul3A_826 = arith.muli %add3A_708, %mul3A_825 : i32
        %add3A_827 = arith.constant 16 : i32
        %add3A_828 = arith.addi %mul3A_826, %add3A_827 : i32
        %get3A_829 = arith.index_cast %add3A_828 : i32 to index
        %get3A_830 = tpu.vector_load %arg19[%get3A_829] {strides = array<i32>} : memref<2560xf32, #tpu.memory_space<vmem>>, vector<16xf32>,
        %get3A_831 = vector.shape_cast %get3A_830 : vector<16xf32> to vector<16xf32>
        %add3A_832 = arith.addf %add3A_824, %get3A_831 : vector<16xf32>
        %mul3A_833 = arith.mulf %get3A_756, %mul3A_65 : vector<16xf32>
        %add3A_834 = arith.addf %add3A_463, %mul3A_833 : vector<16xf32>
        %mul3A_835 = arith.constant 11.3137083 : f32
        %mul3A_836 = vector.broadcast %mul3A_835 : f32 to vector<16xf32>
        %mul3A_837 = arith.mulf %add3A_832, %mul3A_836 : vector<16xf32>
        %add3A_838 = arith.addf %add3A_834, %mul3A_837 : vector<16xf32>
        %add3A_839 = arith.addf %get3A_815, %get3A_823 : vector<16xf32>
        %mul3A_840 = arith.constant 11.3137083 : f32
        %mul3A_841 = vector.broadcast %mul3A_840 : f32 to vector<16xf32>
        %mul3A_842 = arith.mulf %add3A_839, %mul3A_841 : vector<16xf32>
        %add3A_843 = arith.addf %add3A_838, %mul3A_842 : vector<16xf32>
        %add3A_844 = arith.constant 48 : i32
        %add3A_845 = arith.addi %add3A_844, %add3A_708 : i32
        %mul3A_846 = arith.constant 128 : i32
        %mul3A_847 = arith.muli %add3A_845, %mul3A_846 : i32
        %add3A_848 = arith.constant 16 : i32
        %add3A_849 = arith.addi %mul3A_847, %add3A_848 : i32
        %swap3A_850 = arith.index_cast %add3A_849 : i32 to index
        %swap3A_851 = tpu.vector_load %arg25[%swap3A_850] {strides = array<i32>} : memref<12288xf32, #tpu.memory_space<vmem>>, vector<16xf32>,
        %swap3A_852 = vector.shape_cast %swap3A_851 : vector<16xf32> to vector<16xf32>
        %swap3A_853 = vector.shape_cast %add3A_838 : vector<16xf32> to vector<16xf32>
        tpu.vector_store %arg25[%swap3A_850], %swap3A_853 {strides = array<i32>} : memref<12288xf32, #tpu.memory_space<vmem>>, vector<16xf32>,
        %swap3A_854 = arith.index_cast %add3A_849 : i32 to index
        %swap3A_855 = tpu.vector_load %arg26[%swap3A_854] {strides = array<i32>} : memref<12288xf32, #tpu.memory_space<vmem>>, vector<16xf32>,
        %swap3A_856 = vector.shape_cast %swap3A_855 : vector<16xf32> to vector<16xf32>
        %swap3A_857 = vector.shape_cast %add3A_843 : vector<16xf32> to vector<16xf32>
        tpu.vector_store %arg26[%swap3A_854], %swap3A_857 {strides = array<i32>} : memref<12288xf32, #tpu.memory_space<vmem>>, vector<16xf32>,
        %mul3A_858 = arith.mulf %get3A_819, %gather3A_751 : vector<16xf32>
        %add3A_859 = arith.addf %scan3A_690, %mul3A_858 : vector<16xf32>
        %add3A_860 = arith.addf %scan3A_698, %get3A_815 : vector<16xf32>
        %get3A_861 = arith.index_cast %add3A_762 : i32 to index
        %get3A_862 = arith.constant 32 : index
        %get3A_863 = tpu.vector_load %arg22[%get3A_861, %get3A_862] {strides = array<i32>} : memref<80x128xf32, #tpu.memory_space<vmem>>, vector<1x16xf32>,
        %get3A_864 = vector.shape_cast %get3A_863 : vector<1x16xf32> to vector<16xf32>
        %get3A_865 = arith.index_cast %add3A_762 : i32 to index
        %get3A_866 = arith.constant 32 : index
        %get3A_867 = tpu.vector_load %arg23[%get3A_865, %get3A_866] {strides = array<i32>} : memref<80x128xf32, #tpu.memory_space<vmem>>, vector<1x16xf32>,
        %get3A_868 = vector.shape_cast %get3A_867 : vector<1x16xf32> to vector<16xf32>
        %get3A_869 = arith.index_cast %add3A_762 : i32 to index
        %get3A_870 = arith.constant 32 : index
        %get3A_871 = tpu.vector_load %arg24[%get3A_869, %get3A_870] {strides = array<i32>} : memref<80x128xf32, #tpu.memory_space<vmem>>, vector<1x16xf32>,
        %get3A_872 = vector.shape_cast %get3A_871 : vector<1x16xf32> to vector<16xf32>
        %add3A_873 = arith.addf %scan3A_691, %scan3A_699 : vector<16xf32>
        %mul3A_874 = arith.constant 128 : i32
        %mul3A_875 = arith.muli %add3A_708, %mul3A_874 : i32
        %add3A_876 = arith.constant 32 : i32
        %add3A_877 = arith.addi %mul3A_875, %add3A_876 : i32
        %get3A_878 = arith.index_cast %add3A_877 : i32 to index
        %get3A_879 = tpu.vector_load %arg19[%get3A_878] {strides = array<i32>} : memref<2560xf32, #tpu.memory_space<vmem>>, vector<16xf32>,
        %get3A_880 = vector.shape_cast %get3A_879 : vector<16xf32> to vector<16xf32>
        %add3A_881 = arith.addf %add3A_873, %get3A_880 : vector<16xf32>
        %mul3A_882 = arith.mulf %get3A_756, %mul3A_71 : vector<16xf32>
        %add3A_883 = arith.addf %add3A_472, %mul3A_882 : vector<16xf32>
        %mul3A_884 = arith.constant 11.3137083 : f32
        %mul3A_885 = vector.broadcast %mul3A_884 : f32 to vector<16xf32>
        %mul3A_886 = arith.mulf %add3A_881, %mul3A_885 : vector<16xf32>
        %add3A_887 = arith.addf %add3A_883, %mul3A_886 : vector<16xf32>
        %add3A_888 = arith.addf %get3A_864, %get3A_872 : vector<16xf32>
        %mul3A_889 = arith.constant 11.3137083 : f32
        %mul3A_890 = vector.broadcast %mul3A_889 : f32 to vector<16xf32>
        %mul3A_891 = arith.mulf %add3A_888, %mul3A_890 : vector<16xf32>
        %add3A_892 = arith.addf %add3A_887, %mul3A_891 : vector<16xf32>
        %add3A_893 = arith.constant 48 : i32
        %add3A_894 = arith.addi %add3A_893, %add3A_708 : i32
        %mul3A_895 = arith.constant 128 : i32
        %mul3A_896 = arith.muli %add3A_894, %mul3A_895 : i32
        %add3A_897 = arith.constant 32 : i32
        %add3A_898 = arith.addi %mul3A_896, %add3A_897 : i32
        %swap3A_899 = arith.index_cast %add3A_898 : i32 to index
        %swap3A_900 = tpu.vector_load %arg25[%swap3A_899] {strides = array<i32>} : memref<12288xf32, #tpu.memory_space<vmem>>, vector<16xf32>,
        %swap3A_901 = vector.shape_cast %swap3A_900 : vector<16xf32> to vector<16xf32>
        %swap3A_902 = vector.shape_cast %add3A_887 : vector<16xf32> to vector<16xf32>
        tpu.vector_store %arg25[%swap3A_899], %swap3A_902 {strides = array<i32>} : memref<12288xf32, #tpu.memory_space<vmem>>, vector<16xf32>,
        %swap3A_903 = arith.index_cast %add3A_898 : i32 to index
        %swap3A_904 = tpu.vector_load %arg26[%swap3A_903] {strides = array<i32>} : memref<12288xf32, #tpu.memory_space<vmem>>, vector<16xf32>,
        %swap3A_905 = vector.shape_cast %swap3A_904 : vector<16xf32> to vector<16xf32>
        %swap3A_906 = vector.shape_cast %add3A_892 : vector<16xf32> to vector<16xf32>
        tpu.vector_store %arg26[%swap3A_903], %swap3A_906 {strides = array<i32>} : memref<12288xf32, #tpu.memory_space<vmem>>, vector<16xf32>,
        %mul3A_907 = arith.mulf %get3A_868, %gather3A_751 : vector<16xf32>
        %add3A_908 = arith.addf %scan3A_691, %mul3A_907 : vector<16xf32>
        %add3A_909 = arith.addf %scan3A_699, %get3A_864 : vector<16xf32>
        %get3A_910 = arith.index_cast %add3A_762 : i32 to index
        %get3A_911 = arith.constant 48 : index
        %get3A_912 = tpu.vector_load %arg22[%get3A_910, %get3A_911] {strides = array<i32>} : memref<80x128xf32, #tpu.memory_space<vmem>>, vector<1x16xf32>,
        %get3A_913 = vector.shape_cast %get3A_912 : vector<1x16xf32> to vector<16xf32>
        %get3A_914 = arith.index_cast %add3A_762 : i32 to index
        %get3A_915 = arith.constant 48 : index
        %get3A_916 = tpu.vector_load %arg23[%get3A_914, %get3A_915] {strides = array<i32>} : memref<80x128xf32, #tpu.memory_space<vmem>>, vector<1x16xf32>,
        %get3A_917 = vector.shape_cast %get3A_916 : vector<1x16xf32> to vector<16xf32>
        %get3A_918 = arith.index_cast %add3A_762 : i32 to index
        %get3A_919 = arith.constant 48 : index
        %get3A_920 = tpu.vector_load %arg24[%get3A_918, %get3A_919] {strides = array<i32>} : memref<80x128xf32, #tpu.memory_space<vmem>>, vector<1x16xf32>,
        %get3A_921 = vector.shape_cast %get3A_920 : vector<1x16xf32> to vector<16xf32>
        %add3A_922 = arith.addf %scan3A_692, %scan3A_700 : vector<16xf32>
        %mul3A_923 = arith.constant 128 : i32
        %mul3A_924 = arith.muli %add3A_708, %mul3A_923 : i32
        %add3A_925 = arith.constant 48 : i32
        %add3A_926 = arith.addi %mul3A_924, %add3A_925 : i32
        %get3A_927 = arith.index_cast %add3A_926 : i32 to index
        %get3A_928 = tpu.vector_load %arg19[%get3A_927] {strides = array<i32>} : memref<2560xf32, #tpu.memory_space<vmem>>, vector<16xf32>,
        %get3A_929 = vector.shape_cast %get3A_928 : vector<16xf32> to vector<16xf32>
        %add3A_930 = arith.addf %add3A_922, %get3A_929 : vector<16xf32>
        %mul3A_931 = arith.mulf %get3A_756, %mul3A_77 : vector<16xf32>
        %add3A_932 = arith.addf %add3A_481, %mul3A_931 : vector<16xf32>
        %mul3A_933 = arith.constant 11.3137083 : f32
        %mul3A_934 = vector.broadcast %mul3A_933 : f32 to vector<16xf32>
        %mul3A_935 = arith.mulf %add3A_930, %mul3A_934 : vector<16xf32>
        %add3A_936 = arith.addf %add3A_932, %mul3A_935 : vector<16xf32>
        %add3A_937 = arith.addf %get3A_913, %get3A_921 : vector<16xf32>
        %mul3A_938 = arith.constant 11.3137083 : f32
        %mul3A_939 = vector.broadcast %mul3A_938 : f32 to vector<16xf32>
        %mul3A_940 = arith.mulf %add3A_937, %mul3A_939 : vector<16xf32>
        %add3A_941 = arith.addf %add3A_936, %mul3A_940 : vector<16xf32>
        %add3A_942 = arith.constant 48 : i32
        %add3A_943 = arith.addi %add3A_942, %add3A_708 : i32
        %mul3A_944 = arith.constant 128 : i32
        %mul3A_945 = arith.muli %add3A_943, %mul3A_944 : i32
        %add3A_946 = arith.constant 48 : i32
        %add3A_947 = arith.addi %mul3A_945, %add3A_946 : i32
        %swap3A_948 = arith.index_cast %add3A_947 : i32 to index
        %swap3A_949 = tpu.vector_load %arg25[%swap3A_948] {strides = array<i32>} : memref<12288xf32, #tpu.memory_space<vmem>>, vector<16xf32>,
        %swap3A_950 = vector.shape_cast %swap3A_949 : vector<16xf32> to vector<16xf32>
        %swap3A_951 = vector.shape_cast %add3A_936 : vector<16xf32> to vector<16xf32>
        tpu.vector_store %arg25[%swap3A_948], %swap3A_951 {strides = array<i32>} : memref<12288xf32, #tpu.memory_space<vmem>>, vector<16xf32>,
        %swap3A_952 = arith.index_cast %add3A_947 : i32 to index
        %swap3A_953 = tpu.vector_load %arg26[%swap3A_952] {strides = array<i32>} : memref<12288xf32, #tpu.memory_space<vmem>>, vector<16xf32>,
        %swap3A_954 = vector.shape_cast %swap3A_953 : vector<16xf32> to vector<16xf32>
        %swap3A_955 = vector.shape_cast %add3A_941 : vector<16xf32> to vector<16xf32>
        tpu.vector_store %arg26[%swap3A_952], %swap3A_955 {strides = array<i32>} : memref<12288xf32, #tpu.memory_space<vmem>>, vector<16xf32>,
        %mul3A_956 = arith.mulf %get3A_917, %gather3A_751 : vector<16xf32>
        %add3A_957 = arith.addf %scan3A_692, %mul3A_956 : vector<16xf32>
        %add3A_958 = arith.addf %scan3A_700, %get3A_913 : vector<16xf32>
        %get3A_959 = arith.index_cast %add3A_762 : i32 to index
        %get3A_960 = arith.constant 64 : index
        %get3A_961 = tpu.vector_load %arg22[%get3A_959, %get3A_960] {strides = array<i32>} : memref<80x128xf32, #tpu.memory_space<vmem>>, vector<1x16xf32>,
        %get3A_962 = vector.shape_cast %get3A_961 : vector<1x16xf32> to vector<16xf32>
        %get3A_963 = arith.index_cast %add3A_762 : i32 to index
        %get3A_964 = arith.constant 64 : index
        %get3A_965 = tpu.vector_load %arg23[%get3A_963, %get3A_964] {strides = array<i32>} : memref<80x128xf32, #tpu.memory_space<vmem>>, vector<1x16xf32>,
        %get3A_966 = vector.shape_cast %get3A_965 : vector<1x16xf32> to vector<16xf32>
        %get3A_967 = arith.index_cast %add3A_762 : i32 to index
        %get3A_968 = arith.constant 64 : index
        %get3A_969 = tpu.vector_load %arg24[%get3A_967, %get3A_968] {strides = array<i32>} : memref<80x128xf32, #tpu.memory_space<vmem>>, vector<1x16xf32>,
        %get3A_970 = vector.shape_cast %get3A_969 : vector<1x16xf32> to vector<16xf32>
        %add3A_971 = arith.addf %scan3A_693, %scan3A_701 : vector<16xf32>
        %mul3A_972 = arith.constant 128 : i32
        %mul3A_973 = arith.muli %add3A_708, %mul3A_972 : i32
        %add3A_974 = arith.constant 64 : i32
        %add3A_975 = arith.addi %mul3A_973, %add3A_974 : i32
        %get3A_976 = arith.index_cast %add3A_975 : i32 to index
        %get3A_977 = tpu.vector_load %arg19[%get3A_976] {strides = array<i32>} : memref<2560xf32, #tpu.memory_space<vmem>>, vector<16xf32>,
        %get3A_978 = vector.shape_cast %get3A_977 : vector<16xf32> to vector<16xf32>
        %add3A_979 = arith.addf %add3A_971, %get3A_978 : vector<16xf32>
        %mul3A_980 = arith.mulf %get3A_756, %mul3A_83 : vector<16xf32>
        %add3A_981 = arith.addf %add3A_490, %mul3A_980 : vector<16xf32>
        %mul3A_982 = arith.constant 11.3137083 : f32
        %mul3A_983 = vector.broadcast %mul3A_982 : f32 to vector<16xf32>
        %mul3A_984 = arith.mulf %add3A_979, %mul3A_983 : vector<16xf32>
        %add3A_985 = arith.addf %add3A_981, %mul3A_984 : vector<16xf32>
        %add3A_986 = arith.addf %get3A_962, %get3A_970 : vector<16xf32>
        %mul3A_987 = arith.constant 11.3137083 : f32
        %mul3A_988 = vector.broadcast %mul3A_987 : f32 to vector<16xf32>
        %mul3A_989 = arith.mulf %add3A_986, %mul3A_988 : vector<16xf32>
        %add3A_990 = arith.addf %add3A_985, %mul3A_989 : vector<16xf32>
        %add3A_991 = arith.constant 48 : i32
        %add3A_992 = arith.addi %add3A_991, %add3A_708 : i32
        %mul3A_993 = arith.constant 128 : i32
        %mul3A_994 = arith.muli %add3A_992, %mul3A_993 : i32
        %add3A_995 = arith.constant 64 : i32
        %add3A_996 = arith.addi %mul3A_994, %add3A_995 : i32
        %swap3A_997 = arith.index_cast %add3A_996 : i32 to index
        %swap3A_998 = tpu.vector_load %arg25[%swap3A_997] {strides = array<i32>} : memref<12288xf32, #tpu.memory_space<vmem>>, vector<16xf32>,
        %swap3A_999 = vector.shape_cast %swap3A_998 : vector<16xf32> to vector<16xf32>
        %swap3A_1000 = vector.shape_cast %add3A_985 : vector<16xf32> to vector<16xf32>
        tpu.vector_store %arg25[%swap3A_997], %swap3A_1000 {strides = array<i32>} : memref<12288xf32, #tpu.memory_space<vmem>>, vector<16xf32>,
        %swap3A_1001 = arith.index_cast %add3A_996 : i32 to index
        %swap3A_1002 = tpu.vector_load %arg26[%swap3A_1001] {strides = array<i32>} : memref<12288xf32, #tpu.memory_space<vmem>>, vector<16xf32>,
        %swap3A_1003 = vector.shape_cast %swap3A_1002 : vector<16xf32> to vector<16xf32>
        %swap3A_1004 = vector.shape_cast %add3A_990 : vector<16xf32> to vector<16xf32>
        tpu.vector_store %arg26[%swap3A_1001], %swap3A_1004 {strides = array<i32>} : memref<12288xf32, #tpu.memory_space<vmem>>, vector<16xf32>,
        %mul3A_1005 = arith.mulf %get3A_966, %gather3A_751 : vector<16xf32>
        %add3A_1006 = arith.addf %scan3A_693, %mul3A_1005 : vector<16xf32>
        %add3A_1007 = arith.addf %scan3A_701, %get3A_962 : vector<16xf32>
        %get3A_1008 = arith.index_cast %add3A_762 : i32 to index
        %get3A_1009 = arith.constant 80 : index
        %get3A_1010 = tpu.vector_load %arg22[%get3A_1008, %get3A_1009] {strides = array<i32>} : memref<80x128xf32, #tpu.memory_space<vmem>>, vector<1x16xf32>,
        %get3A_1011 = vector.shape_cast %get3A_1010 : vector<1x16xf32> to vector<16xf32>
        %get3A_1012 = arith.index_cast %add3A_762 : i32 to index
        %get3A_1013 = arith.constant 80 : index
        %get3A_1014 = tpu.vector_load %arg23[%get3A_1012, %get3A_1013] {strides = array<i32>} : memref<80x128xf32, #tpu.memory_space<vmem>>, vector<1x16xf32>,
        %get3A_1015 = vector.shape_cast %get3A_1014 : vector<1x16xf32> to vector<16xf32>
        %get3A_1016 = arith.index_cast %add3A_762 : i32 to index
        %get3A_1017 = arith.constant 80 : index
        %get3A_1018 = tpu.vector_load %arg24[%get3A_1016, %get3A_1017] {strides = array<i32>} : memref<80x128xf32, #tpu.memory_space<vmem>>, vector<1x16xf32>,
        %get3A_1019 = vector.shape_cast %get3A_1018 : vector<1x16xf32> to vector<16xf32>
        %add3A_1020 = arith.addf %scan3A_694, %scan3A_702 : vector<16xf32>
        %mul3A_1021 = arith.constant 128 : i32
        %mul3A_1022 = arith.muli %add3A_708, %mul3A_1021 : i32
        %add3A_1023 = arith.constant 80 : i32
        %add3A_1024 = arith.addi %mul3A_1022, %add3A_1023 : i32
        %get3A_1025 = arith.index_cast %add3A_1024 : i32 to index
        %get3A_1026 = tpu.vector_load %arg19[%get3A_1025] {strides = array<i32>} : memref<2560xf32, #tpu.memory_space<vmem>>, vector<16xf32>,
        %get3A_1027 = vector.shape_cast %get3A_1026 : vector<16xf32> to vector<16xf32>
        %add3A_1028 = arith.addf %add3A_1020, %get3A_1027 : vector<16xf32>
        %mul3A_1029 = arith.mulf %get3A_756, %mul3A_89 : vector<16xf32>
        %add3A_1030 = arith.addf %add3A_499, %mul3A_1029 : vector<16xf32>
        %mul3A_1031 = arith.constant 11.3137083 : f32
        %mul3A_1032 = vector.broadcast %mul3A_1031 : f32 to vector<16xf32>
        %mul3A_1033 = arith.mulf %add3A_1028, %mul3A_1032 : vector<16xf32>
        %add3A_1034 = arith.addf %add3A_1030, %mul3A_1033 : vector<16xf32>
        %add3A_1035 = arith.addf %get3A_1011, %get3A_1019 : vector<16xf32>
        %mul3A_1036 = arith.constant 11.3137083 : f32
        %mul3A_1037 = vector.broadcast %mul3A_1036 : f32 to vector<16xf32>
        %mul3A_1038 = arith.mulf %add3A_1035, %mul3A_1037 : vector<16xf32>
        %add3A_1039 = arith.addf %add3A_1034, %mul3A_1038 : vector<16xf32>
        %add3A_1040 = arith.constant 48 : i32
        %add3A_1041 = arith.addi %add3A_1040, %add3A_708 : i32
        %mul3A_1042 = arith.constant 128 : i32
        %mul3A_1043 = arith.muli %add3A_1041, %mul3A_1042 : i32
        %add3A_1044 = arith.constant 80 : i32
        %add3A_1045 = arith.addi %mul3A_1043, %add3A_1044 : i32
        %swap3A_1046 = arith.index_cast %add3A_1045 : i32 to index
        %swap3A_1047 = tpu.vector_load %arg25[%swap3A_1046] {strides = array<i32>} : memref<12288xf32, #tpu.memory_space<vmem>>, vector<16xf32>,
        %swap3A_1048 = vector.shape_cast %swap3A_1047 : vector<16xf32> to vector<16xf32>
        %swap3A_1049 = vector.shape_cast %add3A_1034 : vector<16xf32> to vector<16xf32>
        tpu.vector_store %arg25[%swap3A_1046], %swap3A_1049 {strides = array<i32>} : memref<12288xf32, #tpu.memory_space<vmem>>, vector<16xf32>,
        %swap3A_1050 = arith.index_cast %add3A_1045 : i32 to index
        %swap3A_1051 = tpu.vector_load %arg26[%swap3A_1050] {strides = array<i32>} : memref<12288xf32, #tpu.memory_space<vmem>>, vector<16xf32>,
        %swap3A_1052 = vector.shape_cast %swap3A_1051 : vector<16xf32> to vector<16xf32>
        %swap3A_1053 = vector.shape_cast %add3A_1039 : vector<16xf32> to vector<16xf32>
        tpu.vector_store %arg26[%swap3A_1050], %swap3A_1053 {strides = array<i32>} : memref<12288xf32, #tpu.memory_space<vmem>>, vector<16xf32>,
        %mul3A_1054 = arith.mulf %get3A_1015, %gather3A_751 : vector<16xf32>
        %add3A_1055 = arith.addf %scan3A_694, %mul3A_1054 : vector<16xf32>
        %add3A_1056 = arith.addf %scan3A_702, %get3A_1011 : vector<16xf32>
        %get3A_1057 = arith.index_cast %add3A_762 : i32 to index
        %get3A_1058 = arith.constant 96 : index
        %get3A_1059 = tpu.vector_load %arg22[%get3A_1057, %get3A_1058] {strides = array<i32>} : memref<80x128xf32, #tpu.memory_space<vmem>>, vector<1x16xf32>,
        %get3A_1060 = vector.shape_cast %get3A_1059 : vector<1x16xf32> to vector<16xf32>
        %get3A_1061 = arith.index_cast %add3A_762 : i32 to index
        %get3A_1062 = arith.constant 96 : index
        %get3A_1063 = tpu.vector_load %arg23[%get3A_1061, %get3A_1062] {strides = array<i32>} : memref<80x128xf32, #tpu.memory_space<vmem>>, vector<1x16xf32>,
        %get3A_1064 = vector.shape_cast %get3A_1063 : vector<1x16xf32> to vector<16xf32>
        %get3A_1065 = arith.index_cast %add3A_762 : i32 to index
        %get3A_1066 = arith.constant 96 : index
        %get3A_1067 = tpu.vector_load %arg24[%get3A_1065, %get3A_1066] {strides = array<i32>} : memref<80x128xf32, #tpu.memory_space<vmem>>, vector<1x16xf32>,
        %get3A_1068 = vector.shape_cast %get3A_1067 : vector<1x16xf32> to vector<16xf32>
        %add3A_1069 = arith.addf %scan3A_695, %scan3A_703 : vector<16xf32>
        %mul3A_1070 = arith.constant 128 : i32
        %mul3A_1071 = arith.muli %add3A_708, %mul3A_1070 : i32
        %add3A_1072 = arith.constant 96 : i32
        %add3A_1073 = arith.addi %mul3A_1071, %add3A_1072 : i32
        %get3A_1074 = arith.index_cast %add3A_1073 : i32 to index
        %get3A_1075 = tpu.vector_load %arg19[%get3A_1074] {strides = array<i32>} : memref<2560xf32, #tpu.memory_space<vmem>>, vector<16xf32>,
        %get3A_1076 = vector.shape_cast %get3A_1075 : vector<16xf32> to vector<16xf32>
        %add3A_1077 = arith.addf %add3A_1069, %get3A_1076 : vector<16xf32>
        %mul3A_1078 = arith.mulf %get3A_756, %mul3A_95 : vector<16xf32>
        %add3A_1079 = arith.addf %add3A_508, %mul3A_1078 : vector<16xf32>
        %mul3A_1080 = arith.constant 11.3137083 : f32
        %mul3A_1081 = vector.broadcast %mul3A_1080 : f32 to vector<16xf32>
        %mul3A_1082 = arith.mulf %add3A_1077, %mul3A_1081 : vector<16xf32>
        %add3A_1083 = arith.addf %add3A_1079, %mul3A_1082 : vector<16xf32>
        %add3A_1084 = arith.addf %get3A_1060, %get3A_1068 : vector<16xf32>
        %mul3A_1085 = arith.constant 11.3137083 : f32
        %mul3A_1086 = vector.broadcast %mul3A_1085 : f32 to vector<16xf32>
        %mul3A_1087 = arith.mulf %add3A_1084, %mul3A_1086 : vector<16xf32>
        %add3A_1088 = arith.addf %add3A_1083, %mul3A_1087 : vector<16xf32>
        %add3A_1089 = arith.constant 48 : i32
        %add3A_1090 = arith.addi %add3A_1089, %add3A_708 : i32
        %mul3A_1091 = arith.constant 128 : i32
        %mul3A_1092 = arith.muli %add3A_1090, %mul3A_1091 : i32
        %add3A_1093 = arith.constant 96 : i32
        %add3A_1094 = arith.addi %mul3A_1092, %add3A_1093 : i32
        %swap3A_1095 = arith.index_cast %add3A_1094 : i32 to index
        %swap3A_1096 = tpu.vector_load %arg25[%swap3A_1095] {strides = array<i32>} : memref<12288xf32, #tpu.memory_space<vmem>>, vector<16xf32>,
        %swap3A_1097 = vector.shape_cast %swap3A_1096 : vector<16xf32> to vector<16xf32>
        %swap3A_1098 = vector.shape_cast %add3A_1083 : vector<16xf32> to vector<16xf32>
        tpu.vector_store %arg25[%swap3A_1095], %swap3A_1098 {strides = array<i32>} : memref<12288xf32, #tpu.memory_space<vmem>>, vector<16xf32>,
        %swap3A_1099 = arith.index_cast %add3A_1094 : i32 to index
        %swap3A_1100 = tpu.vector_load %arg26[%swap3A_1099] {strides = array<i32>} : memref<12288xf32, #tpu.memory_space<vmem>>, vector<16xf32>,
        %swap3A_1101 = vector.shape_cast %swap3A_1100 : vector<16xf32> to vector<16xf32>
        %swap3A_1102 = vector.shape_cast %add3A_1088 : vector<16xf32> to vector<16xf32>
        tpu.vector_store %arg26[%swap3A_1099], %swap3A_1102 {strides = array<i32>} : memref<12288xf32, #tpu.memory_space<vmem>>, vector<16xf32>,
        %mul3A_1103 = arith.mulf %get3A_1064, %gather3A_751 : vector<16xf32>
        %add3A_1104 = arith.addf %scan3A_695, %mul3A_1103 : vector<16xf32>
        %add3A_1105 = arith.addf %scan3A_703, %get3A_1060 : vector<16xf32>
        %get3A_1106 = arith.index_cast %add3A_762 : i32 to index
        %get3A_1107 = arith.constant 112 : index
        %get3A_1108 = tpu.vector_load %arg22[%get3A_1106, %get3A_1107] {strides = array<i32>} : memref<80x128xf32, #tpu.memory_space<vmem>>, vector<1x16xf32>,
        %get3A_1109 = vector.shape_cast %get3A_1108 : vector<1x16xf32> to vector<16xf32>
        %get3A_1110 = arith.index_cast %add3A_762 : i32 to index
        %get3A_1111 = arith.constant 112 : index
        %get3A_1112 = tpu.vector_load %arg23[%get3A_1110, %get3A_1111] {strides = array<i32>} : memref<80x128xf32, #tpu.memory_space<vmem>>, vector<1x16xf32>,
        %get3A_1113 = vector.shape_cast %get3A_1112 : vector<1x16xf32> to vector<16xf32>
        %get3A_1114 = arith.index_cast %add3A_762 : i32 to index
        %get3A_1115 = arith.constant 112 : index
        %get3A_1116 = tpu.vector_load %arg24[%get3A_1114, %get3A_1115] {strides = array<i32>} : memref<80x128xf32, #tpu.memory_space<vmem>>, vector<1x16xf32>,
        %get3A_1117 = vector.shape_cast %get3A_1116 : vector<1x16xf32> to vector<16xf32>
        %add3A_1118 = arith.addf %scan3A_696, %scan3A_704 : vector<16xf32>
        %mul3A_1119 = arith.constant 128 : i32
        %mul3A_1120 = arith.muli %add3A_708, %mul3A_1119 : i32
        %add3A_1121 = arith.constant 112 : i32
        %add3A_1122 = arith.addi %mul3A_1120, %add3A_1121 : i32
        %get3A_1123 = arith.index_cast %add3A_1122 : i32 to index
        %get3A_1124 = tpu.vector_load %arg19[%get3A_1123] {strides = array<i32>} : memref<2560xf32, #tpu.memory_space<vmem>>, vector<16xf32>,
        %get3A_1125 = vector.shape_cast %get3A_1124 : vector<16xf32> to vector<16xf32>
        %add3A_1126 = arith.addf %add3A_1118, %get3A_1125 : vector<16xf32>
        %mul3A_1127 = arith.mulf %get3A_756, %mul3A_101 : vector<16xf32>
        %add3A_1128 = arith.addf %add3A_517, %mul3A_1127 : vector<16xf32>
        %mul3A_1129 = arith.constant 11.3137083 : f32
        %mul3A_1130 = vector.broadcast %mul3A_1129 : f32 to vector<16xf32>
        %mul3A_1131 = arith.mulf %add3A_1126, %mul3A_1130 : vector<16xf32>
        %add3A_1132 = arith.addf %add3A_1128, %mul3A_1131 : vector<16xf32>
        %add3A_1133 = arith.addf %get3A_1109, %get3A_1117 : vector<16xf32>
        %mul3A_1134 = arith.constant 11.3137083 : f32
        %mul3A_1135 = vector.broadcast %mul3A_1134 : f32 to vector<16xf32>
        %mul3A_1136 = arith.mulf %add3A_1133, %mul3A_1135 : vector<16xf32>
        %add3A_1137 = arith.addf %add3A_1132, %mul3A_1136 : vector<16xf32>
        %add3A_1138 = arith.constant 48 : i32
        %add3A_1139 = arith.addi %add3A_1138, %add3A_708 : i32
        %mul3A_1140 = arith.constant 128 : i32
        %mul3A_1141 = arith.muli %add3A_1139, %mul3A_1140 : i32
        %add3A_1142 = arith.constant 112 : i32
        %add3A_1143 = arith.addi %mul3A_1141, %add3A_1142 : i32
        %swap3A_1144 = arith.index_cast %add3A_1143 : i32 to index
        %swap3A_1145 = tpu.vector_load %arg25[%swap3A_1144] {strides = array<i32>} : memref<12288xf32, #tpu.memory_space<vmem>>, vector<16xf32>,
        %swap3A_1146 = vector.shape_cast %swap3A_1145 : vector<16xf32> to vector<16xf32>
        %swap3A_1147 = vector.shape_cast %add3A_1132 : vector<16xf32> to vector<16xf32>
        tpu.vector_store %arg25[%swap3A_1144], %swap3A_1147 {strides = array<i32>} : memref<12288xf32, #tpu.memory_space<vmem>>, vector<16xf32>,
        %swap3A_1148 = arith.index_cast %add3A_1143 : i32 to index
        %swap3A_1149 = tpu.vector_load %arg26[%swap3A_1148] {strides = array<i32>} : memref<12288xf32, #tpu.memory_space<vmem>>, vector<16xf32>,
        %swap3A_1150 = vector.shape_cast %swap3A_1149 : vector<16xf32> to vector<16xf32>
        %swap3A_1151 = vector.shape_cast %add3A_1137 : vector<16xf32> to vector<16xf32>
        tpu.vector_store %arg26[%swap3A_1148], %swap3A_1151 {strides = array<i32>} : memref<12288xf32, #tpu.memory_space<vmem>>, vector<16xf32>,
        %mul3A_1152 = arith.mulf %get3A_1113, %gather3A_751 : vector<16xf32>
        %add3A_1153 = arith.addf %scan3A_696, %mul3A_1152 : vector<16xf32>
        %add3A_1154 = arith.addf %scan3A_704, %get3A_1109 : vector<16xf32>
        scf.yield %add3A_810, %add3A_859, %add3A_908, %add3A_957, %add3A_1006, %add3A_1055, %add3A_1104, %add3A_1153, %add3A_811, %add3A_860, %add3A_909, %add3A_958, %add3A_1007, %add3A_1056, %add3A_1105, %add3A_1154 : vector<16xf32>, vector<16xf32>, vector<16xf32>, vector<16xf32>, vector<16xf32>, vector<16xf32>, vector<16xf32>, vector<16xf32>, vector<16xf32>, vector<16xf32>, vector<16xf32>, vector<16xf32>, vector<16xf32>, vector<16xf32>, vector<16xf32>, vector<16xf32>
      }
      %scan3A_539 = arith.constant 20 : i32
      %mul3A_540 = arith.constant 4 : i32
      %mul3A_541 = arith.muli %add3A_110, %mul3A_540 : i32
      %add3A_542 = arith.constant 3 : i32
      %add3A_543 = arith.addi %mul3A_541, %add3A_542 : i32
      %jit3A_544 = arith.constant 16 : i32
      %div3A_545 = arith.divsi %add3A_543, %jit3A_544 : i32
      %sign3A_546 = arith.constant 0 : i32
      %sign3A_547 = arith.cmpi sgt, %add3A_543, %sign3A_546 : i32
      %sign3A_548 = arith.extui %sign3A_547 : i1 to i32
      %sign3A_549 = arith.constant 0 : i32
      %sign3A_550 = arith.cmpi slt, %add3A_543, %sign3A_549 : i32
      %sign3A_551 = arith.extui %sign3A_550 : i1 to i32
      %sign3A_552 = arith.subi %sign3A_548, %sign3A_551 : i32
      %sign3A_553 = arith.constant 0 : i32
      %sign3A_554 = arith.cmpi sgt, %jit3A_544, %sign3A_553 : i32
      %sign3A_555 = arith.extui %sign3A_554 : i1 to i32
      %sign3A_556 = arith.constant 0 : i32
      %sign3A_557 = arith.cmpi slt, %jit3A_544, %sign3A_556 : i32
      %sign3A_558 = arith.extui %sign3A_557 : i1 to i32
      %sign3A_559 = arith.subi %sign3A_555, %sign3A_558 : i32
      %ne3A_560 = arith.cmpi ne, %sign3A_552, %sign3A_559 : i32
      %rem3A_561 = arith.remsi %add3A_543, %jit3A_544 : i32
      %ne3A_562 = arith.constant 0 : i32
      %ne3A_563 = arith.cmpi ne, %rem3A_561, %ne3A_562 : i32
      %and3A_564 = arith.andi %ne3A_560, %ne3A_563 : i1
      %sub3A_565 = arith.constant 1 : i32
      %sub3A_566 = arith.subi %div3A_545, %sub3A_565 : i32
      %select_n3A_567 = arith.select %and3A_564, %sub3A_566, %div3A_545 : i32
      %mul3A_568 = arith.constant 16 : i32
      %mul3A_569 = arith.muli %select_n3A_567, %mul3A_568 : i32
      %get3A_570 = arith.index_cast %mul3A_569 : i32 to index
      %get3A_571 = tpu.vector_load %arg17[%get3A_570] {strides = array<i32>} : memref<128xf32, #tpu.memory_space<vmem>>, vector<16xf32>,
      %get3A_572 = vector.shape_cast %get3A_571 : vector<16xf32> to vector<16xf32>
      %sub3A_573 = arith.subi %add3A_543, %mul3A_569 : i32
      %broadcast_in_dim3A_574 = vector.broadcast %sub3A_573 : i32 to vector<16xi32>
      %lt3A_575 = arith.constant 0 : i32
      %lt3A_576 = vector.broadcast %lt3A_575 : i32 to vector<16xi32>
      %lt3A_577 = arith.cmpi slt, %broadcast_in_dim3A_574, %lt3A_576 : vector<16xi32>
      %add3A_578 = arith.constant 16 : i32
      %add3A_579 = vector.broadcast %add3A_578 : i32 to vector<16xi32>
      %add3A_580 = arith.addi %broadcast_in_dim3A_574, %add3A_579 : vector<16xi32>
      %select_n3A_581 = arith.select %lt3A_577, %add3A_580, %broadcast_in_dim3A_574 : vector<16xi1>, vector<16xi32>
      %broadcast_in_dim3A_582 = vector.shape_cast %select_n3A_581 : vector<16xi32> to vector<16x1xi32>
      %gather3A_583 = vector.shape_cast %broadcast_in_dim3A_582 : vector<16x1xi32> to vector<16xi32>
      %gather3A_584 = tpu.dynamic_gather %get3A_572[%gather3A_583] in [0] : vector<16xf32>, vector<16xi32> -> vector<16xf32>
      %mul3A_585 = arith.constant 128 : i32
      %mul3A_586 = arith.muli %add3A_110, %mul3A_585 : i32
      %add3A_587 = arith.constant 0 : i32
      %add3A_588 = arith.addi %mul3A_586, %add3A_587 : i32
      %get3A_589 = arith.index_cast %add3A_588 : i32 to index
      %get3A_590 = tpu.vector_load %arg18[%get3A_589] {strides = array<i32>} : memref<4096xf32, #tpu.memory_space<vmem>>, vector<16xf32>,
      %get3A_591 = vector.shape_cast %get3A_590 : vector<16xf32> to vector<16xf32>
      %mul3A_592 = arith.mulf %gather3A_584, %mul3A_11 : vector<16xf32>
      %add3A_593 = arith.addf %get3A_591, %mul3A_592 : vector<16xf32>
      %mul3A_594 = arith.constant 128 : i32
      %mul3A_595 = arith.muli %add3A_110, %mul3A_594 : i32
      %add3A_596 = arith.constant 16 : i32
      %add3A_597 = arith.addi %mul3A_595, %add3A_596 : i32
      %get3A_598 = arith.index_cast %add3A_597 : i32 to index
      %get3A_599 = tpu.vector_load %arg18[%get3A_598] {strides = array<i32>} : memref<4096xf32, #tpu.memory_space<vmem>>, vector<16xf32>,
      %get3A_600 = vector.shape_cast %get3A_599 : vector<16xf32> to vector<16xf32>
      %mul3A_601 = arith.mulf %gather3A_584, %mul3A_17 : vector<16xf32>
      %add3A_602 = arith.addf %get3A_600, %mul3A_601 : vector<16xf32>
      %mul3A_603 = arith.constant 128 : i32
      %mul3A_604 = arith.muli %add3A_110, %mul3A_603 : i32
      %add3A_605 = arith.constant 32 : i32
      %add3A_606 = arith.addi %mul3A_604, %add3A_605 : i32
      %get3A_607 = arith.index_cast %add3A_606 : i32 to index
      %get3A_608 = tpu.vector_load %arg18[%get3A_607] {strides = array<i32>} : memref<4096xf32, #tpu.memory_space<vmem>>, vector<16xf32>,
      %get3A_609 = vector.shape_cast %get3A_608 : vector<16xf32> to vector<16xf32>
      %mul3A_610 = arith.mulf %gather3A_584, %mul3A_23 : vector<16xf32>
      %add3A_611 = arith.addf %get3A_609, %mul3A_610 : vector<16xf32>
      %mul3A_612 = arith.constant 128 : i32
      %mul3A_613 = arith.muli %add3A_110, %mul3A_612 : i32
      %add3A_614 = arith.constant 48 : i32
      %add3A_615 = arith.addi %mul3A_613, %add3A_614 : i32
      %get3A_616 = arith.index_cast %add3A_615 : i32 to index
      %get3A_617 = tpu.vector_load %arg18[%get3A_616] {strides = array<i32>} : memref<4096xf32, #tpu.memory_space<vmem>>, vector<16xf32>,
      %get3A_618 = vector.shape_cast %get3A_617 : vector<16xf32> to vector<16xf32>
      %mul3A_619 = arith.mulf %gather3A_584, %mul3A_29 : vector<16xf32>
      %add3A_620 = arith.addf %get3A_618, %mul3A_619 : vector<16xf32>
      %mul3A_621 = arith.constant 128 : i32
      %mul3A_622 = arith.muli %add3A_110, %mul3A_621 : i32
      %add3A_623 = arith.constant 64 : i32
      %add3A_624 = arith.addi %mul3A_622, %add3A_623 : i32
      %get3A_625 = arith.index_cast %add3A_624 : i32 to index
      %get3A_626 = tpu.vector_load %arg18[%get3A_625] {strides = array<i32>} : memref<4096xf32, #tpu.memory_space<vmem>>, vector<16xf32>,
      %get3A_627 = vector.shape_cast %get3A_626 : vector<16xf32> to vector<16xf32>
      %mul3A_628 = arith.mulf %gather3A_584, %mul3A_35 : vector<16xf32>
      %add3A_629 = arith.addf %get3A_627, %mul3A_628 : vector<16xf32>
      %mul3A_630 = arith.constant 128 : i32
      %mul3A_631 = arith.muli %add3A_110, %mul3A_630 : i32
      %add3A_632 = arith.constant 80 : i32
      %add3A_633 = arith.addi %mul3A_631, %add3A_632 : i32
      %get3A_634 = arith.index_cast %add3A_633 : i32 to index
      %get3A_635 = tpu.vector_load %arg18[%get3A_634] {strides = array<i32>} : memref<4096xf32, #tpu.memory_space<vmem>>, vector<16xf32>,
      %get3A_636 = vector.shape_cast %get3A_635 : vector<16xf32> to vector<16xf32>
      %mul3A_637 = arith.mulf %gather3A_584, %mul3A_41 : vector<16xf32>
      %add3A_638 = arith.addf %get3A_636, %mul3A_637 : vector<16xf32>
      %mul3A_639 = arith.constant 128 : i32
      %mul3A_640 = arith.muli %add3A_110, %mul3A_639 : i32
      %add3A_641 = arith.constant 96 : i32
      %add3A_642 = arith.addi %mul3A_640, %add3A_641 : i32
      %get3A_643 = arith.index_cast %add3A_642 : i32 to index
      %get3A_644 = tpu.vector_load %arg18[%get3A_643] {strides = array<i32>} : memref<4096xf32, #tpu.memory_space<vmem>>, vector<16xf32>,
      %get3A_645 = vector.shape_cast %get3A_644 : vector<16xf32> to vector<16xf32>
      %mul3A_646 = arith.mulf %gather3A_584, %mul3A_47 : vector<16xf32>
      %add3A_647 = arith.addf %get3A_645, %mul3A_646 : vector<16xf32>
      %mul3A_648 = arith.constant 128 : i32
      %mul3A_649 = arith.muli %add3A_110, %mul3A_648 : i32
      %add3A_650 = arith.constant 112 : i32
      %add3A_651 = arith.addi %mul3A_649, %add3A_650 : i32
      %get3A_652 = arith.index_cast %add3A_651 : i32 to index
      %get3A_653 = tpu.vector_load %arg18[%get3A_652] {strides = array<i32>} : memref<4096xf32, #tpu.memory_space<vmem>>, vector<16xf32>,
      %get3A_654 = vector.shape_cast %get3A_653 : vector<16xf32> to vector<16xf32>
      %mul3A_655 = arith.mulf %gather3A_584, %mul3A_53 : vector<16xf32>
      %add3A_656 = arith.addf %get3A_654, %mul3A_655 : vector<16xf32>
      %broadcast_in_dim3A_657 = arith.constant 0.000000e+00 : f32
      %broadcast_in_dim3A_658 = vector.broadcast %broadcast_in_dim3A_657 : f32 to vector<16xf32>
      %broadcast_in_dim3A_659 = arith.constant 0.000000e+00 : f32
      %broadcast_in_dim3A_660 = vector.broadcast %broadcast_in_dim3A_659 : f32 to vector<16xf32>
      %broadcast_in_dim3A_661 = arith.constant 0.000000e+00 : f32
      %broadcast_in_dim3A_662 = vector.broadcast %broadcast_in_dim3A_661 : f32 to vector<16xf32>
      %broadcast_in_dim3A_663 = arith.constant 0.000000e+00 : f32
      %broadcast_in_dim3A_664 = vector.broadcast %broadcast_in_dim3A_663 : f32 to vector<16xf32>
      %broadcast_in_dim3A_665 = arith.constant 0.000000e+00 : f32
      %broadcast_in_dim3A_666 = vector.broadcast %broadcast_in_dim3A_665 : f32 to vector<16xf32>
      %broadcast_in_dim3A_667 = arith.constant 0.000000e+00 : f32
      %broadcast_in_dim3A_668 = vector.broadcast %broadcast_in_dim3A_667 : f32 to vector<16xf32>
      %broadcast_in_dim3A_669 = arith.constant 0.000000e+00 : f32
      %broadcast_in_dim3A_670 = vector.broadcast %broadcast_in_dim3A_669 : f32 to vector<16xf32>
      %broadcast_in_dim3A_671 = arith.constant 0.000000e+00 : f32
      %broadcast_in_dim3A_672 = vector.broadcast %broadcast_in_dim3A_671 : f32 to vector<16xf32>
      %scan3A_673 = arith.constant 0 : i32
      %scan3A_674 = arith.constant 20 : i32
      %scan3A_675 = arith.addi %scan3A_673, %scan3A_674 : i32
      %scan3A_676 = arith.constant 1 : i32
      %scan3A_677:16 = scf.for %scan3A_688 = %scan3A_673 to %scan3A_675 step %scan3A_676 iter_args(%scan3A_689 = %broadcast_in_dim3A_658, %scan3A_690 = %broadcast_in_dim3A_660, %scan3A_691 = %broadcast_in_dim3A_662, %scan3A_692 = %broadcast_in_dim3A_664, %scan3A_693 = %broadcast_in_dim3A_666, %scan3A_694 = %broadcast_in_dim3A_668, %scan3A_695 = %broadcast_in_dim3A_670, %scan3A_696 = %broadcast_in_dim3A_672, %scan3A_697 = %broadcast_in_dim3A_658, %scan3A_698 = %broadcast_in_dim3A_660, %scan3A_699 = %broadcast_in_dim3A_662, %scan3A_700 = %broadcast_in_dim3A_664, %scan3A_701 = %broadcast_in_dim3A_666, %scan3A_702 = %broadcast_in_dim3A_668, %scan3A_703 = %broadcast_in_dim3A_670, %scan3A_704 = %broadcast_in_dim3A_672) -> (vector<16xf32>, vector<16xf32>, vector<16xf32>, vector<16xf32>, vector<16xf32>, vector<16xf32>, vector<16xf32>, vector<16xf32>, vector<16xf32>, vector<16xf32>, vector<16xf32>, vector<16xf32>, vector<16xf32>, vector<16xf32>, vector<16xf32>, vector<16xf32>)  : i32 {
        %mul3A_705 = arith.constant 1 : i32
        %mul3A_706 = arith.muli %scan3A_688, %mul3A_705 : i32
        %add3A_707 = arith.constant 0 : i32
        %add3A_708 = arith.addi %add3A_707, %mul3A_706 : i32
        %add3A_709 = arith.constant 60 : i32
        %add3A_710 = arith.addi %add3A_709, %add3A_708 : i32
        %jit3A_711 = arith.constant 16 : i32
        %div3A_712 = arith.divsi %add3A_710, %jit3A_711 : i32
        %sign3A_713 = arith.constant 0 : i32
        %sign3A_714 = arith.cmpi sgt, %add3A_710, %sign3A_713 : i32
        %sign3A_715 = arith.extui %sign3A_714 : i1 to i32
        %sign3A_716 = arith.constant 0 : i32
        %sign3A_717 = arith.cmpi slt, %add3A_710, %sign3A_716 : i32
        %sign3A_718 = arith.extui %sign3A_717 : i1 to i32
        %sign3A_719 = arith.subi %sign3A_715, %sign3A_718 : i32
        %sign3A_720 = arith.constant 0 : i32
        %sign3A_721 = arith.cmpi sgt, %jit3A_711, %sign3A_720 : i32
        %sign3A_722 = arith.extui %sign3A_721 : i1 to i32
        %sign3A_723 = arith.constant 0 : i32
        %sign3A_724 = arith.cmpi slt, %jit3A_711, %sign3A_723 : i32
        %sign3A_725 = arith.extui %sign3A_724 : i1 to i32
        %sign3A_726 = arith.subi %sign3A_722, %sign3A_725 : i32
        %ne3A_727 = arith.cmpi ne, %sign3A_719, %sign3A_726 : i32
        %rem3A_728 = arith.remsi %add3A_710, %jit3A_711 : i32
        %ne3A_729 = arith.constant 0 : i32
        %ne3A_730 = arith.cmpi ne, %rem3A_728, %ne3A_729 : i32
        %and3A_731 = arith.andi %ne3A_727, %ne3A_730 : i1
        %sub3A_732 = arith.constant 1 : i32
        %sub3A_733 = arith.subi %div3A_712, %sub3A_732 : i32
        %select_n3A_734 = arith.select %and3A_731, %sub3A_733, %div3A_712 : i32
        %mul3A_735 = arith.constant 16 : i32
        %mul3A_736 = arith.muli %select_n3A_734, %mul3A_735 : i32
        %get3A_737 = arith.index_cast %mul3A_736 : i32 to index
        %get3A_738 = tpu.vector_load %arg15[%get3A_737] {strides = array<i32>} : memref<80xf32, #tpu.memory_space<vmem>>, vector<16xf32>,
        %get3A_739 = vector.shape_cast %get3A_738 : vector<16xf32> to vector<16xf32>
        %sub3A_740 = arith.subi %add3A_710, %mul3A_736 : i32
        %broadcast_in_dim3A_741 = vector.broadcast %sub3A_740 : i32 to vector<16xi32>
        %lt3A_742 = arith.constant 0 : i32
        %lt3A_743 = vector.broadcast %lt3A_742 : i32 to vector<16xi32>
        %lt3A_744 = arith.cmpi slt, %broadcast_in_dim3A_741, %lt3A_743 : vector<16xi32>
        %add3A_745 = arith.constant 16 : i32
        %add3A_746 = vector.broadcast %add3A_745 : i32 to vector<16xi32>
        %add3A_747 = arith.addi %broadcast_in_dim3A_741, %add3A_746 : vector<16xi32>
        %select_n3A_748 = arith.select %lt3A_744, %add3A_747, %broadcast_in_dim3A_741 : vector<16xi1>, vector<16xi32>
        %broadcast_in_dim3A_749 = vector.shape_cast %select_n3A_748 : vector<16xi32> to vector<16x1xi32>
        %gather3A_750 = vector.shape_cast %broadcast_in_dim3A_749 : vector<16x1xi32> to vector<16xi32>
        %gather3A_751 = tpu.dynamic_gather %get3A_739[%gather3A_750] in [0] : vector<16xf32>, vector<16xi32> -> vector<16xf32>
        %mul3A_752 = arith.constant 16 : i32
        %mul3A_753 = arith.muli %add3A_708, %mul3A_752 : i32
        %get3A_754 = arith.index_cast %mul3A_753 : i32 to index
        %get3A_755 = tpu.vector_load %arg16[%get3A_754] {strides = array<i32>} : memref<320xf32, #tpu.memory_space<vmem>>, vector<16xf32>,
        %get3A_756 = vector.shape_cast %get3A_755 : vector<16xf32> to vector<16xf32>
        %add3A_757 = arith.constant 60 : i32
        %add3A_758 = arith.addi %add3A_757, %add3A_708 : i32
        %get3A_759 = arith.index_cast %add3A_758 : i32 to index
        %get3A_760 = arith.constant 0 : index
        %get3A_761 = tpu.vector_load %arg22[%get3A_759, %get3A_760] {strides = array<i32>} : memref<80x128xf32, #tpu.memory_space<vmem>>, vector<1x16xf32>,
        %get3A_762 = vector.shape_cast %get3A_761 : vector<1x16xf32> to vector<16xf32>
        %get3A_763 = arith.index_cast %add3A_758 : i32 to index
        %get3A_764 = arith.constant 0 : index
        %get3A_765 = tpu.vector_load %arg23[%get3A_763, %get3A_764] {strides = array<i32>} : memref<80x128xf32, #tpu.memory_space<vmem>>, vector<1x16xf32>,
        %get3A_766 = vector.shape_cast %get3A_765 : vector<1x16xf32> to vector<16xf32>
        %get3A_767 = arith.index_cast %add3A_758 : i32 to index
        %get3A_768 = arith.constant 0 : index
        %get3A_769 = tpu.vector_load %arg24[%get3A_767, %get3A_768] {strides = array<i32>} : memref<80x128xf32, #tpu.memory_space<vmem>>, vector<1x16xf32>,
        %get3A_770 = vector.shape_cast %get3A_769 : vector<1x16xf32> to vector<16xf32>
        %add3A_771 = arith.addf %scan3A_689, %scan3A_697 : vector<16xf32>
        %mul3A_772 = arith.constant 128 : i32
        %mul3A_773 = arith.muli %add3A_708, %mul3A_772 : i32
        %add3A_774 = arith.constant 0 : i32
        %add3A_775 = arith.addi %mul3A_773, %add3A_774 : i32
        %get3A_776 = arith.index_cast %add3A_775 : i32 to index
        %get3A_777 = tpu.vector_load %arg19[%get3A_776] {strides = array<i32>} : memref<2560xf32, #tpu.memory_space<vmem>>, vector<16xf32>,
        %get3A_778 = vector.shape_cast %get3A_777 : vector<16xf32> to vector<16xf32>
        %add3A_779 = arith.addf %add3A_771, %get3A_778 : vector<16xf32>
        %mul3A_780 = arith.mulf %get3A_756, %mul3A_59 : vector<16xf32>
        %add3A_781 = arith.addf %add3A_593, %mul3A_780 : vector<16xf32>
        %mul3A_782 = arith.constant 11.3137083 : f32
        %mul3A_783 = vector.broadcast %mul3A_782 : f32 to vector<16xf32>
        %mul3A_784 = arith.mulf %add3A_779, %mul3A_783 : vector<16xf32>
        %add3A_785 = arith.addf %add3A_781, %mul3A_784 : vector<16xf32>
        %add3A_786 = arith.addf %get3A_762, %get3A_770 : vector<16xf32>
        %mul3A_787 = arith.constant 11.3137083 : f32
        %mul3A_788 = vector.broadcast %mul3A_787 : f32 to vector<16xf32>
        %mul3A_789 = arith.mulf %add3A_786, %mul3A_788 : vector<16xf32>
        %add3A_790 = arith.addf %add3A_785, %mul3A_789 : vector<16xf32>
        %add3A_791 = arith.constant 72 : i32
        %add3A_792 = arith.addi %add3A_791, %add3A_708 : i32
        %mul3A_793 = arith.constant 128 : i32
        %mul3A_794 = arith.muli %add3A_792, %mul3A_793 : i32
        %add3A_795 = arith.constant 0 : i32
        %add3A_796 = arith.addi %mul3A_794, %add3A_795 : i32
        %swap3A = arith.index_cast %add3A_796 : i32 to index
        %swap3A_797 = tpu.vector_load %arg25[%swap3A] {strides = array<i32>} : memref<12288xf32, #tpu.memory_space<vmem>>, vector<16xf32>,
        %swap3A_798 = vector.shape_cast %swap3A_797 : vector<16xf32> to vector<16xf32>
        %swap3A_799 = vector.shape_cast %add3A_785 : vector<16xf32> to vector<16xf32>
        tpu.vector_store %arg25[%swap3A], %swap3A_799 {strides = array<i32>} : memref<12288xf32, #tpu.memory_space<vmem>>, vector<16xf32>,
        %swap3A_800 = arith.index_cast %add3A_796 : i32 to index
        %swap3A_801 = tpu.vector_load %arg26[%swap3A_800] {strides = array<i32>} : memref<12288xf32, #tpu.memory_space<vmem>>, vector<16xf32>,
        %swap3A_802 = vector.shape_cast %swap3A_801 : vector<16xf32> to vector<16xf32>
        %swap3A_803 = vector.shape_cast %add3A_790 : vector<16xf32> to vector<16xf32>
        tpu.vector_store %arg26[%swap3A_800], %swap3A_803 {strides = array<i32>} : memref<12288xf32, #tpu.memory_space<vmem>>, vector<16xf32>,
        %mul3A_804 = arith.mulf %get3A_766, %gather3A_751 : vector<16xf32>
        %add3A_805 = arith.addf %scan3A_689, %mul3A_804 : vector<16xf32>
        %add3A_806 = arith.addf %scan3A_697, %get3A_762 : vector<16xf32>
        %get3A_807 = arith.index_cast %add3A_758 : i32 to index
        %get3A_808 = arith.constant 16 : index
        %get3A_809 = tpu.vector_load %arg22[%get3A_807, %get3A_808] {strides = array<i32>} : memref<80x128xf32, #tpu.memory_space<vmem>>, vector<1x16xf32>,
        %get3A_810 = vector.shape_cast %get3A_809 : vector<1x16xf32> to vector<16xf32>
        %get3A_811 = arith.index_cast %add3A_758 : i32 to index
        %get3A_812 = arith.constant 16 : index
        %get3A_813 = tpu.vector_load %arg23[%get3A_811, %get3A_812] {strides = array<i32>} : memref<80x128xf32, #tpu.memory_space<vmem>>, vector<1x16xf32>,
        %get3A_814 = vector.shape_cast %get3A_813 : vector<1x16xf32> to vector<16xf32>
        %get3A_815 = arith.index_cast %add3A_758 : i32 to index
        %get3A_816 = arith.constant 16 : index
        %get3A_817 = tpu.vector_load %arg24[%get3A_815, %get3A_816] {strides = array<i32>} : memref<80x128xf32, #tpu.memory_space<vmem>>, vector<1x16xf32>,
        %get3A_818 = vector.shape_cast %get3A_817 : vector<1x16xf32> to vector<16xf32>
        %add3A_819 = arith.addf %scan3A_690, %scan3A_698 : vector<16xf32>
        %mul3A_820 = arith.constant 128 : i32
        %mul3A_821 = arith.muli %add3A_708, %mul3A_820 : i32
        %add3A_822 = arith.constant 16 : i32
        %add3A_823 = arith.addi %mul3A_821, %add3A_822 : i32
        %get3A_824 = arith.index_cast %add3A_823 : i32 to index
        %get3A_825 = tpu.vector_load %arg19[%get3A_824] {strides = array<i32>} : memref<2560xf32, #tpu.memory_space<vmem>>, vector<16xf32>,
        %get3A_826 = vector.shape_cast %get3A_825 : vector<16xf32> to vector<16xf32>
        %add3A_827 = arith.addf %add3A_819, %get3A_826 : vector<16xf32>
        %mul3A_828 = arith.mulf %get3A_756, %mul3A_65 : vector<16xf32>
        %add3A_829 = arith.addf %add3A_602, %mul3A_828 : vector<16xf32>
        %mul3A_830 = arith.constant 11.3137083 : f32
        %mul3A_831 = vector.broadcast %mul3A_830 : f32 to vector<16xf32>
        %mul3A_832 = arith.mulf %add3A_827, %mul3A_831 : vector<16xf32>
        %add3A_833 = arith.addf %add3A_829, %mul3A_832 : vector<16xf32>
        %add3A_834 = arith.addf %get3A_810, %get3A_818 : vector<16xf32>
        %mul3A_835 = arith.constant 11.3137083 : f32
        %mul3A_836 = vector.broadcast %mul3A_835 : f32 to vector<16xf32>
        %mul3A_837 = arith.mulf %add3A_834, %mul3A_836 : vector<16xf32>
        %add3A_838 = arith.addf %add3A_833, %mul3A_837 : vector<16xf32>
        %add3A_839 = arith.constant 72 : i32
        %add3A_840 = arith.addi %add3A_839, %add3A_708 : i32
        %mul3A_841 = arith.constant 128 : i32
        %mul3A_842 = arith.muli %add3A_840, %mul3A_841 : i32
        %add3A_843 = arith.constant 16 : i32
        %add3A_844 = arith.addi %mul3A_842, %add3A_843 : i32
        %swap3A_845 = arith.index_cast %add3A_844 : i32 to index
        %swap3A_846 = tpu.vector_load %arg25[%swap3A_845] {strides = array<i32>} : memref<12288xf32, #tpu.memory_space<vmem>>, vector<16xf32>,
        %swap3A_847 = vector.shape_cast %swap3A_846 : vector<16xf32> to vector<16xf32>
        %swap3A_848 = vector.shape_cast %add3A_833 : vector<16xf32> to vector<16xf32>
        tpu.vector_store %arg25[%swap3A_845], %swap3A_848 {strides = array<i32>} : memref<12288xf32, #tpu.memory_space<vmem>>, vector<16xf32>,
        %swap3A_849 = arith.index_cast %add3A_844 : i32 to index
        %swap3A_850 = tpu.vector_load %arg26[%swap3A_849] {strides = array<i32>} : memref<12288xf32, #tpu.memory_space<vmem>>, vector<16xf32>,
        %swap3A_851 = vector.shape_cast %swap3A_850 : vector<16xf32> to vector<16xf32>
        %swap3A_852 = vector.shape_cast %add3A_838 : vector<16xf32> to vector<16xf32>
        tpu.vector_store %arg26[%swap3A_849], %swap3A_852 {strides = array<i32>} : memref<12288xf32, #tpu.memory_space<vmem>>, vector<16xf32>,
        %mul3A_853 = arith.mulf %get3A_814, %gather3A_751 : vector<16xf32>
        %add3A_854 = arith.addf %scan3A_690, %mul3A_853 : vector<16xf32>
        %add3A_855 = arith.addf %scan3A_698, %get3A_810 : vector<16xf32>
        %get3A_856 = arith.index_cast %add3A_758 : i32 to index
        %get3A_857 = arith.constant 32 : index
        %get3A_858 = tpu.vector_load %arg22[%get3A_856, %get3A_857] {strides = array<i32>} : memref<80x128xf32, #tpu.memory_space<vmem>>, vector<1x16xf32>,
        %get3A_859 = vector.shape_cast %get3A_858 : vector<1x16xf32> to vector<16xf32>
        %get3A_860 = arith.index_cast %add3A_758 : i32 to index
        %get3A_861 = arith.constant 32 : index
        %get3A_862 = tpu.vector_load %arg23[%get3A_860, %get3A_861] {strides = array<i32>} : memref<80x128xf32, #tpu.memory_space<vmem>>, vector<1x16xf32>,
        %get3A_863 = vector.shape_cast %get3A_862 : vector<1x16xf32> to vector<16xf32>
        %get3A_864 = arith.index_cast %add3A_758 : i32 to index
        %get3A_865 = arith.constant 32 : index
        %get3A_866 = tpu.vector_load %arg24[%get3A_864, %get3A_865] {strides = array<i32>} : memref<80x128xf32, #tpu.memory_space<vmem>>, vector<1x16xf32>,
        %get3A_867 = vector.shape_cast %get3A_866 : vector<1x16xf32> to vector<16xf32>
        %add3A_868 = arith.addf %scan3A_691, %scan3A_699 : vector<16xf32>
        %mul3A_869 = arith.constant 128 : i32
        %mul3A_870 = arith.muli %add3A_708, %mul3A_869 : i32
        %add3A_871 = arith.constant 32 : i32
        %add3A_872 = arith.addi %mul3A_870, %add3A_871 : i32
        %get3A_873 = arith.index_cast %add3A_872 : i32 to index
        %get3A_874 = tpu.vector_load %arg19[%get3A_873] {strides = array<i32>} : memref<2560xf32, #tpu.memory_space<vmem>>, vector<16xf32>,
        %get3A_875 = vector.shape_cast %get3A_874 : vector<16xf32> to vector<16xf32>
        %add3A_876 = arith.addf %add3A_868, %get3A_875 : vector<16xf32>
        %mul3A_877 = arith.mulf %get3A_756, %mul3A_71 : vector<16xf32>
        %add3A_878 = arith.addf %add3A_611, %mul3A_877 : vector<16xf32>
        %mul3A_879 = arith.constant 11.3137083 : f32
        %mul3A_880 = vector.broadcast %mul3A_879 : f32 to vector<16xf32>
        %mul3A_881 = arith.mulf %add3A_876, %mul3A_880 : vector<16xf32>
        %add3A_882 = arith.addf %add3A_878, %mul3A_881 : vector<16xf32>
        %add3A_883 = arith.addf %get3A_859, %get3A_867 : vector<16xf32>
        %mul3A_884 = arith.constant 11.3137083 : f32
        %mul3A_885 = vector.broadcast %mul3A_884 : f32 to vector<16xf32>
        %mul3A_886 = arith.mulf %add3A_883, %mul3A_885 : vector<16xf32>
        %add3A_887 = arith.addf %add3A_882, %mul3A_886 : vector<16xf32>
        %add3A_888 = arith.constant 72 : i32
        %add3A_889 = arith.addi %add3A_888, %add3A_708 : i32
        %mul3A_890 = arith.constant 128 : i32
        %mul3A_891 = arith.muli %add3A_889, %mul3A_890 : i32
        %add3A_892 = arith.constant 32 : i32
        %add3A_893 = arith.addi %mul3A_891, %add3A_892 : i32
        %swap3A_894 = arith.index_cast %add3A_893 : i32 to index
        %swap3A_895 = tpu.vector_load %arg25[%swap3A_894] {strides = array<i32>} : memref<12288xf32, #tpu.memory_space<vmem>>, vector<16xf32>,
        %swap3A_896 = vector.shape_cast %swap3A_895 : vector<16xf32> to vector<16xf32>
        %swap3A_897 = vector.shape_cast %add3A_882 : vector<16xf32> to vector<16xf32>
        tpu.vector_store %arg25[%swap3A_894], %swap3A_897 {strides = array<i32>} : memref<12288xf32, #tpu.memory_space<vmem>>, vector<16xf32>,
        %swap3A_898 = arith.index_cast %add3A_893 : i32 to index
        %swap3A_899 = tpu.vector_load %arg26[%swap3A_898] {strides = array<i32>} : memref<12288xf32, #tpu.memory_space<vmem>>, vector<16xf32>,
        %swap3A_900 = vector.shape_cast %swap3A_899 : vector<16xf32> to vector<16xf32>
        %swap3A_901 = vector.shape_cast %add3A_887 : vector<16xf32> to vector<16xf32>
        tpu.vector_store %arg26[%swap3A_898], %swap3A_901 {strides = array<i32>} : memref<12288xf32, #tpu.memory_space<vmem>>, vector<16xf32>,
        %mul3A_902 = arith.mulf %get3A_863, %gather3A_751 : vector<16xf32>
        %add3A_903 = arith.addf %scan3A_691, %mul3A_902 : vector<16xf32>
        %add3A_904 = arith.addf %scan3A_699, %get3A_859 : vector<16xf32>
        %get3A_905 = arith.index_cast %add3A_758 : i32 to index
        %get3A_906 = arith.constant 48 : index
        %get3A_907 = tpu.vector_load %arg22[%get3A_905, %get3A_906] {strides = array<i32>} : memref<80x128xf32, #tpu.memory_space<vmem>>, vector<1x16xf32>,
        %get3A_908 = vector.shape_cast %get3A_907 : vector<1x16xf32> to vector<16xf32>
        %get3A_909 = arith.index_cast %add3A_758 : i32 to index
        %get3A_910 = arith.constant 48 : index
        %get3A_911 = tpu.vector_load %arg23[%get3A_909, %get3A_910] {strides = array<i32>} : memref<80x128xf32, #tpu.memory_space<vmem>>, vector<1x16xf32>,
        %get3A_912 = vector.shape_cast %get3A_911 : vector<1x16xf32> to vector<16xf32>
        %get3A_913 = arith.index_cast %add3A_758 : i32 to index
        %get3A_914 = arith.constant 48 : index
        %get3A_915 = tpu.vector_load %arg24[%get3A_913, %get3A_914] {strides = array<i32>} : memref<80x128xf32, #tpu.memory_space<vmem>>, vector<1x16xf32>,
        %get3A_916 = vector.shape_cast %get3A_915 : vector<1x16xf32> to vector<16xf32>
        %add3A_917 = arith.addf %scan3A_692, %scan3A_700 : vector<16xf32>
        %mul3A_918 = arith.constant 128 : i32
        %mul3A_919 = arith.muli %add3A_708, %mul3A_918 : i32
        %add3A_920 = arith.constant 48 : i32
        %add3A_921 = arith.addi %mul3A_919, %add3A_920 : i32
        %get3A_922 = arith.index_cast %add3A_921 : i32 to index
        %get3A_923 = tpu.vector_load %arg19[%get3A_922] {strides = array<i32>} : memref<2560xf32, #tpu.memory_space<vmem>>, vector<16xf32>,
        %get3A_924 = vector.shape_cast %get3A_923 : vector<16xf32> to vector<16xf32>
        %add3A_925 = arith.addf %add3A_917, %get3A_924 : vector<16xf32>
        %mul3A_926 = arith.mulf %get3A_756, %mul3A_77 : vector<16xf32>
        %add3A_927 = arith.addf %add3A_620, %mul3A_926 : vector<16xf32>
        %mul3A_928 = arith.constant 11.3137083 : f32
        %mul3A_929 = vector.broadcast %mul3A_928 : f32 to vector<16xf32>
        %mul3A_930 = arith.mulf %add3A_925, %mul3A_929 : vector<16xf32>
        %add3A_931 = arith.addf %add3A_927, %mul3A_930 : vector<16xf32>
        %add3A_932 = arith.addf %get3A_908, %get3A_916 : vector<16xf32>
        %mul3A_933 = arith.constant 11.3137083 : f32
        %mul3A_934 = vector.broadcast %mul3A_933 : f32 to vector<16xf32>
        %mul3A_935 = arith.mulf %add3A_932, %mul3A_934 : vector<16xf32>
        %add3A_936 = arith.addf %add3A_931, %mul3A_935 : vector<16xf32>
        %add3A_937 = arith.constant 72 : i32
        %add3A_938 = arith.addi %add3A_937, %add3A_708 : i32
        %mul3A_939 = arith.constant 128 : i32
        %mul3A_940 = arith.muli %add3A_938, %mul3A_939 : i32
        %add3A_941 = arith.constant 48 : i32
        %add3A_942 = arith.addi %mul3A_940, %add3A_941 : i32
        %swap3A_943 = arith.index_cast %add3A_942 : i32 to index
        %swap3A_944 = tpu.vector_load %arg25[%swap3A_943] {strides = array<i32>} : memref<12288xf32, #tpu.memory_space<vmem>>, vector<16xf32>,
        %swap3A_945 = vector.shape_cast %swap3A_944 : vector<16xf32> to vector<16xf32>
        %swap3A_946 = vector.shape_cast %add3A_931 : vector<16xf32> to vector<16xf32>
        tpu.vector_store %arg25[%swap3A_943], %swap3A_946 {strides = array<i32>} : memref<12288xf32, #tpu.memory_space<vmem>>, vector<16xf32>,
        %swap3A_947 = arith.index_cast %add3A_942 : i32 to index
        %swap3A_948 = tpu.vector_load %arg26[%swap3A_947] {strides = array<i32>} : memref<12288xf32, #tpu.memory_space<vmem>>, vector<16xf32>,
        %swap3A_949 = vector.shape_cast %swap3A_948 : vector<16xf32> to vector<16xf32>
        %swap3A_950 = vector.shape_cast %add3A_936 : vector<16xf32> to vector<16xf32>
        tpu.vector_store %arg26[%swap3A_947], %swap3A_950 {strides = array<i32>} : memref<12288xf32, #tpu.memory_space<vmem>>, vector<16xf32>,
        %mul3A_951 = arith.mulf %get3A_912, %gather3A_751 : vector<16xf32>
        %add3A_952 = arith.addf %scan3A_692, %mul3A_951 : vector<16xf32>
        %add3A_953 = arith.addf %scan3A_700, %get3A_908 : vector<16xf32>
        %get3A_954 = arith.index_cast %add3A_758 : i32 to index
        %get3A_955 = arith.constant 64 : index
        %get3A_956 = tpu.vector_load %arg22[%get3A_954, %get3A_955] {strides = array<i32>} : memref<80x128xf32, #tpu.memory_space<vmem>>, vector<1x16xf32>,
        %get3A_957 = vector.shape_cast %get3A_956 : vector<1x16xf32> to vector<16xf32>
        %get3A_958 = arith.index_cast %add3A_758 : i32 to index
        %get3A_959 = arith.constant 64 : index
        %get3A_960 = tpu.vector_load %arg23[%get3A_958, %get3A_959] {strides = array<i32>} : memref<80x128xf32, #tpu.memory_space<vmem>>, vector<1x16xf32>,
        %get3A_961 = vector.shape_cast %get3A_960 : vector<1x16xf32> to vector<16xf32>
        %get3A_962 = arith.index_cast %add3A_758 : i32 to index
        %get3A_963 = arith.constant 64 : index
        %get3A_964 = tpu.vector_load %arg24[%get3A_962, %get3A_963] {strides = array<i32>} : memref<80x128xf32, #tpu.memory_space<vmem>>, vector<1x16xf32>,
        %get3A_965 = vector.shape_cast %get3A_964 : vector<1x16xf32> to vector<16xf32>
        %add3A_966 = arith.addf %scan3A_693, %scan3A_701 : vector<16xf32>
        %mul3A_967 = arith.constant 128 : i32
        %mul3A_968 = arith.muli %add3A_708, %mul3A_967 : i32
        %add3A_969 = arith.constant 64 : i32
        %add3A_970 = arith.addi %mul3A_968, %add3A_969 : i32
        %get3A_971 = arith.index_cast %add3A_970 : i32 to index
        %get3A_972 = tpu.vector_load %arg19[%get3A_971] {strides = array<i32>} : memref<2560xf32, #tpu.memory_space<vmem>>, vector<16xf32>,
        %get3A_973 = vector.shape_cast %get3A_972 : vector<16xf32> to vector<16xf32>
        %add3A_974 = arith.addf %add3A_966, %get3A_973 : vector<16xf32>
        %mul3A_975 = arith.mulf %get3A_756, %mul3A_83 : vector<16xf32>
        %add3A_976 = arith.addf %add3A_629, %mul3A_975 : vector<16xf32>
        %mul3A_977 = arith.constant 11.3137083 : f32
        %mul3A_978 = vector.broadcast %mul3A_977 : f32 to vector<16xf32>
        %mul3A_979 = arith.mulf %add3A_974, %mul3A_978 : vector<16xf32>
        %add3A_980 = arith.addf %add3A_976, %mul3A_979 : vector<16xf32>
        %add3A_981 = arith.addf %get3A_957, %get3A_965 : vector<16xf32>
        %mul3A_982 = arith.constant 11.3137083 : f32
        %mul3A_983 = vector.broadcast %mul3A_982 : f32 to vector<16xf32>
        %mul3A_984 = arith.mulf %add3A_981, %mul3A_983 : vector<16xf32>
        %add3A_985 = arith.addf %add3A_980, %mul3A_984 : vector<16xf32>
        %add3A_986 = arith.constant 72 : i32
        %add3A_987 = arith.addi %add3A_986, %add3A_708 : i32
        %mul3A_988 = arith.constant 128 : i32
        %mul3A_989 = arith.muli %add3A_987, %mul3A_988 : i32
        %add3A_990 = arith.constant 64 : i32
        %add3A_991 = arith.addi %mul3A_989, %add3A_990 : i32
        %swap3A_992 = arith.index_cast %add3A_991 : i32 to index
        %swap3A_993 = tpu.vector_load %arg25[%swap3A_992] {strides = array<i32>} : memref<12288xf32, #tpu.memory_space<vmem>>, vector<16xf32>,
        %swap3A_994 = vector.shape_cast %swap3A_993 : vector<16xf32> to vector<16xf32>
        %swap3A_995 = vector.shape_cast %add3A_980 : vector<16xf32> to vector<16xf32>
        tpu.vector_store %arg25[%swap3A_992], %swap3A_995 {strides = array<i32>} : memref<12288xf32, #tpu.memory_space<vmem>>, vector<16xf32>,
        %swap3A_996 = arith.index_cast %add3A_991 : i32 to index
        %swap3A_997 = tpu.vector_load %arg26[%swap3A_996] {strides = array<i32>} : memref<12288xf32, #tpu.memory_space<vmem>>, vector<16xf32>,
        %swap3A_998 = vector.shape_cast %swap3A_997 : vector<16xf32> to vector<16xf32>
        %swap3A_999 = vector.shape_cast %add3A_985 : vector<16xf32> to vector<16xf32>
        tpu.vector_store %arg26[%swap3A_996], %swap3A_999 {strides = array<i32>} : memref<12288xf32, #tpu.memory_space<vmem>>, vector<16xf32>,
        %mul3A_1000 = arith.mulf %get3A_961, %gather3A_751 : vector<16xf32>
        %add3A_1001 = arith.addf %scan3A_693, %mul3A_1000 : vector<16xf32>
        %add3A_1002 = arith.addf %scan3A_701, %get3A_957 : vector<16xf32>
        %get3A_1003 = arith.index_cast %add3A_758 : i32 to index
        %get3A_1004 = arith.constant 80 : index
        %get3A_1005 = tpu.vector_load %arg22[%get3A_1003, %get3A_1004] {strides = array<i32>} : memref<80x128xf32, #tpu.memory_space<vmem>>, vector<1x16xf32>,
        %get3A_1006 = vector.shape_cast %get3A_1005 : vector<1x16xf32> to vector<16xf32>
        %get3A_1007 = arith.index_cast %add3A_758 : i32 to index
        %get3A_1008 = arith.constant 80 : index
        %get3A_1009 = tpu.vector_load %arg23[%get3A_1007, %get3A_1008] {strides = array<i32>} : memref<80x128xf32, #tpu.memory_space<vmem>>, vector<1x16xf32>,
        %get3A_1010 = vector.shape_cast %get3A_1009 : vector<1x16xf32> to vector<16xf32>
        %get3A_1011 = arith.index_cast %add3A_758 : i32 to index
        %get3A_1012 = arith.constant 80 : index
        %get3A_1013 = tpu.vector_load %arg24[%get3A_1011, %get3A_1012] {strides = array<i32>} : memref<80x128xf32, #tpu.memory_space<vmem>>, vector<1x16xf32>,
        %get3A_1014 = vector.shape_cast %get3A_1013 : vector<1x16xf32> to vector<16xf32>
        %add3A_1015 = arith.addf %scan3A_694, %scan3A_702 : vector<16xf32>
        %mul3A_1016 = arith.constant 128 : i32
        %mul3A_1017 = arith.muli %add3A_708, %mul3A_1016 : i32
        %add3A_1018 = arith.constant 80 : i32
        %add3A_1019 = arith.addi %mul3A_1017, %add3A_1018 : i32
        %get3A_1020 = arith.index_cast %add3A_1019 : i32 to index
        %get3A_1021 = tpu.vector_load %arg19[%get3A_1020] {strides = array<i32>} : memref<2560xf32, #tpu.memory_space<vmem>>, vector<16xf32>,
        %get3A_1022 = vector.shape_cast %get3A_1021 : vector<16xf32> to vector<16xf32>
        %add3A_1023 = arith.addf %add3A_1015, %get3A_1022 : vector<16xf32>
        %mul3A_1024 = arith.mulf %get3A_756, %mul3A_89 : vector<16xf32>
        %add3A_1025 = arith.addf %add3A_638, %mul3A_1024 : vector<16xf32>
        %mul3A_1026 = arith.constant 11.3137083 : f32
        %mul3A_1027 = vector.broadcast %mul3A_1026 : f32 to vector<16xf32>
        %mul3A_1028 = arith.mulf %add3A_1023, %mul3A_1027 : vector<16xf32>
        %add3A_1029 = arith.addf %add3A_1025, %mul3A_1028 : vector<16xf32>
        %add3A_1030 = arith.addf %get3A_1006, %get3A_1014 : vector<16xf32>
        %mul3A_1031 = arith.constant 11.3137083 : f32
        %mul3A_1032 = vector.broadcast %mul3A_1031 : f32 to vector<16xf32>
        %mul3A_1033 = arith.mulf %add3A_1030, %mul3A_1032 : vector<16xf32>
        %add3A_1034 = arith.addf %add3A_1029, %mul3A_1033 : vector<16xf32>
        %add3A_1035 = arith.constant 72 : i32
        %add3A_1036 = arith.addi %add3A_1035, %add3A_708 : i32
        %mul3A_1037 = arith.constant 128 : i32
        %mul3A_1038 = arith.muli %add3A_1036, %mul3A_1037 : i32
        %add3A_1039 = arith.constant 80 : i32
        %add3A_1040 = arith.addi %mul3A_1038, %add3A_1039 : i32
        %swap3A_1041 = arith.index_cast %add3A_1040 : i32 to index
        %swap3A_1042 = tpu.vector_load %arg25[%swap3A_1041] {strides = array<i32>} : memref<12288xf32, #tpu.memory_space<vmem>>, vector<16xf32>,
        %swap3A_1043 = vector.shape_cast %swap3A_1042 : vector<16xf32> to vector<16xf32>
        %swap3A_1044 = vector.shape_cast %add3A_1029 : vector<16xf32> to vector<16xf32>
        tpu.vector_store %arg25[%swap3A_1041], %swap3A_1044 {strides = array<i32>} : memref<12288xf32, #tpu.memory_space<vmem>>, vector<16xf32>,
        %swap3A_1045 = arith.index_cast %add3A_1040 : i32 to index
        %swap3A_1046 = tpu.vector_load %arg26[%swap3A_1045] {strides = array<i32>} : memref<12288xf32, #tpu.memory_space<vmem>>, vector<16xf32>,
        %swap3A_1047 = vector.shape_cast %swap3A_1046 : vector<16xf32> to vector<16xf32>
        %swap3A_1048 = vector.shape_cast %add3A_1034 : vector<16xf32> to vector<16xf32>
        tpu.vector_store %arg26[%swap3A_1045], %swap3A_1048 {strides = array<i32>} : memref<12288xf32, #tpu.memory_space<vmem>>, vector<16xf32>,
        %mul3A_1049 = arith.mulf %get3A_1010, %gather3A_751 : vector<16xf32>
        %add3A_1050 = arith.addf %scan3A_694, %mul3A_1049 : vector<16xf32>
        %add3A_1051 = arith.addf %scan3A_702, %get3A_1006 : vector<16xf32>
        %get3A_1052 = arith.index_cast %add3A_758 : i32 to index
        %get3A_1053 = arith.constant 96 : index
        %get3A_1054 = tpu.vector_load %arg22[%get3A_1052, %get3A_1053] {strides = array<i32>} : memref<80x128xf32, #tpu.memory_space<vmem>>, vector<1x16xf32>,
        %get3A_1055 = vector.shape_cast %get3A_1054 : vector<1x16xf32> to vector<16xf32>
        %get3A_1056 = arith.index_cast %add3A_758 : i32 to index
        %get3A_1057 = arith.constant 96 : index
        %get3A_1058 = tpu.vector_load %arg23[%get3A_1056, %get3A_1057] {strides = array<i32>} : memref<80x128xf32, #tpu.memory_space<vmem>>, vector<1x16xf32>,
        %get3A_1059 = vector.shape_cast %get3A_1058 : vector<1x16xf32> to vector<16xf32>
        %get3A_1060 = arith.index_cast %add3A_758 : i32 to index
        %get3A_1061 = arith.constant 96 : index
        %get3A_1062 = tpu.vector_load %arg24[%get3A_1060, %get3A_1061] {strides = array<i32>} : memref<80x128xf32, #tpu.memory_space<vmem>>, vector<1x16xf32>,
        %get3A_1063 = vector.shape_cast %get3A_1062 : vector<1x16xf32> to vector<16xf32>
        %add3A_1064 = arith.addf %scan3A_695, %scan3A_703 : vector<16xf32>
        %mul3A_1065 = arith.constant 128 : i32
        %mul3A_1066 = arith.muli %add3A_708, %mul3A_1065 : i32
        %add3A_1067 = arith.constant 96 : i32
        %add3A_1068 = arith.addi %mul3A_1066, %add3A_1067 : i32
        %get3A_1069 = arith.index_cast %add3A_1068 : i32 to index
        %get3A_1070 = tpu.vector_load %arg19[%get3A_1069] {strides = array<i32>} : memref<2560xf32, #tpu.memory_space<vmem>>, vector<16xf32>,
        %get3A_1071 = vector.shape_cast %get3A_1070 : vector<16xf32> to vector<16xf32>
        %add3A_1072 = arith.addf %add3A_1064, %get3A_1071 : vector<16xf32>
        %mul3A_1073 = arith.mulf %get3A_756, %mul3A_95 : vector<16xf32>
        %add3A_1074 = arith.addf %add3A_647, %mul3A_1073 : vector<16xf32>
        %mul3A_1075 = arith.constant 11.3137083 : f32
        %mul3A_1076 = vector.broadcast %mul3A_1075 : f32 to vector<16xf32>
        %mul3A_1077 = arith.mulf %add3A_1072, %mul3A_1076 : vector<16xf32>
        %add3A_1078 = arith.addf %add3A_1074, %mul3A_1077 : vector<16xf32>
        %add3A_1079 = arith.addf %get3A_1055, %get3A_1063 : vector<16xf32>
        %mul3A_1080 = arith.constant 11.3137083 : f32
        %mul3A_1081 = vector.broadcast %mul3A_1080 : f32 to vector<16xf32>
        %mul3A_1082 = arith.mulf %add3A_1079, %mul3A_1081 : vector<16xf32>
        %add3A_1083 = arith.addf %add3A_1078, %mul3A_1082 : vector<16xf32>
        %add3A_1084 = arith.constant 72 : i32
        %add3A_1085 = arith.addi %add3A_1084, %add3A_708 : i32
        %mul3A_1086 = arith.constant 128 : i32
        %mul3A_1087 = arith.muli %add3A_1085, %mul3A_1086 : i32
        %add3A_1088 = arith.constant 96 : i32
        %add3A_1089 = arith.addi %mul3A_1087, %add3A_1088 : i32
        %swap3A_1090 = arith.index_cast %add3A_1089 : i32 to index
        %swap3A_1091 = tpu.vector_load %arg25[%swap3A_1090] {strides = array<i32>} : memref<12288xf32, #tpu.memory_space<vmem>>, vector<16xf32>,
        %swap3A_1092 = vector.shape_cast %swap3A_1091 : vector<16xf32> to vector<16xf32>
        %swap3A_1093 = vector.shape_cast %add3A_1078 : vector<16xf32> to vector<16xf32>
        tpu.vector_store %arg25[%swap3A_1090], %swap3A_1093 {strides = array<i32>} : memref<12288xf32, #tpu.memory_space<vmem>>, vector<16xf32>,
        %swap3A_1094 = arith.index_cast %add3A_1089 : i32 to index
        %swap3A_1095 = tpu.vector_load %arg26[%swap3A_1094] {strides = array<i32>} : memref<12288xf32, #tpu.memory_space<vmem>>, vector<16xf32>,
        %swap3A_1096 = vector.shape_cast %swap3A_1095 : vector<16xf32> to vector<16xf32>
        %swap3A_1097 = vector.shape_cast %add3A_1083 : vector<16xf32> to vector<16xf32>
        tpu.vector_store %arg26[%swap3A_1094], %swap3A_1097 {strides = array<i32>} : memref<12288xf32, #tpu.memory_space<vmem>>, vector<16xf32>,
        %mul3A_1098 = arith.mulf %get3A_1059, %gather3A_751 : vector<16xf32>
        %add3A_1099 = arith.addf %scan3A_695, %mul3A_1098 : vector<16xf32>
        %add3A_1100 = arith.addf %scan3A_703, %get3A_1055 : vector<16xf32>
        %get3A_1101 = arith.index_cast %add3A_758 : i32 to index
        %get3A_1102 = arith.constant 112 : index
        %get3A_1103 = tpu.vector_load %arg22[%get3A_1101, %get3A_1102] {strides = array<i32>} : memref<80x128xf32, #tpu.memory_space<vmem>>, vector<1x16xf32>,
        %get3A_1104 = vector.shape_cast %get3A_1103 : vector<1x16xf32> to vector<16xf32>
        %get3A_1105 = arith.index_cast %add3A_758 : i32 to index
        %get3A_1106 = arith.constant 112 : index
        %get3A_1107 = tpu.vector_load %arg23[%get3A_1105, %get3A_1106] {strides = array<i32>} : memref<80x128xf32, #tpu.memory_space<vmem>>, vector<1x16xf32>,
        %get3A_1108 = vector.shape_cast %get3A_1107 : vector<1x16xf32> to vector<16xf32>
        %get3A_1109 = arith.index_cast %add3A_758 : i32 to index
        %get3A_1110 = arith.constant 112 : index
        %get3A_1111 = tpu.vector_load %arg24[%get3A_1109, %get3A_1110] {strides = array<i32>} : memref<80x128xf32, #tpu.memory_space<vmem>>, vector<1x16xf32>,
        %get3A_1112 = vector.shape_cast %get3A_1111 : vector<1x16xf32> to vector<16xf32>
        %add3A_1113 = arith.addf %scan3A_696, %scan3A_704 : vector<16xf32>
        %mul3A_1114 = arith.constant 128 : i32
        %mul3A_1115 = arith.muli %add3A_708, %mul3A_1114 : i32
        %add3A_1116 = arith.constant 112 : i32
        %add3A_1117 = arith.addi %mul3A_1115, %add3A_1116 : i32
        %get3A_1118 = arith.index_cast %add3A_1117 : i32 to index
        %get3A_1119 = tpu.vector_load %arg19[%get3A_1118] {strides = array<i32>} : memref<2560xf32, #tpu.memory_space<vmem>>, vector<16xf32>,
        %get3A_1120 = vector.shape_cast %get3A_1119 : vector<16xf32> to vector<16xf32>
        %add3A_1121 = arith.addf %add3A_1113, %get3A_1120 : vector<16xf32>
        %mul3A_1122 = arith.mulf %get3A_756, %mul3A_101 : vector<16xf32>
        %add3A_1123 = arith.addf %add3A_656, %mul3A_1122 : vector<16xf32>
        %mul3A_1124 = arith.constant 11.3137083 : f32
        %mul3A_1125 = vector.broadcast %mul3A_1124 : f32 to vector<16xf32>
        %mul3A_1126 = arith.mulf %add3A_1121, %mul3A_1125 : vector<16xf32>
        %add3A_1127 = arith.addf %add3A_1123, %mul3A_1126 : vector<16xf32>
        %add3A_1128 = arith.addf %get3A_1104, %get3A_1112 : vector<16xf32>
        %mul3A_1129 = arith.constant 11.3137083 : f32
        %mul3A_1130 = vector.broadcast %mul3A_1129 : f32 to vector<16xf32>
        %mul3A_1131 = arith.mulf %add3A_1128, %mul3A_1130 : vector<16xf32>
        %add3A_1132 = arith.addf %add3A_1127, %mul3A_1131 : vector<16xf32>
        %add3A_1133 = arith.constant 72 : i32
        %add3A_1134 = arith.addi %add3A_1133, %add3A_708 : i32
        %mul3A_1135 = arith.constant 128 : i32
        %mul3A_1136 = arith.muli %add3A_1134, %mul3A_1135 : i32
        %add3A_1137 = arith.constant 112 : i32
        %add3A_1138 = arith.addi %mul3A_1136, %add3A_1137 : i32
        %swap3A_1139 = arith.index_cast %add3A_1138 : i32 to index
        %swap3A_1140 = tpu.vector_load %arg25[%swap3A_1139] {strides = array<i32>} : memref<12288xf32, #tpu.memory_space<vmem>>, vector<16xf32>,
        %swap3A_1141 = vector.shape_cast %swap3A_1140 : vector<16xf32> to vector<16xf32>
        %swap3A_1142 = vector.shape_cast %add3A_1127 : vector<16xf32> to vector<16xf32>
        tpu.vector_store %arg25[%swap3A_1139], %swap3A_1142 {strides = array<i32>} : memref<12288xf32, #tpu.memory_space<vmem>>, vector<16xf32>,
        %swap3A_1143 = arith.index_cast %add3A_1138 : i32 to index
        %swap3A_1144 = tpu.vector_load %arg26[%swap3A_1143] {strides = array<i32>} : memref<12288xf32, #tpu.memory_space<vmem>>, vector<16xf32>,
        %swap3A_1145 = vector.shape_cast %swap3A_1144 : vector<16xf32> to vector<16xf32>
        %swap3A_1146 = vector.shape_cast %add3A_1132 : vector<16xf32> to vector<16xf32>
        tpu.vector_store %arg26[%swap3A_1143], %swap3A_1146 {strides = array<i32>} : memref<12288xf32, #tpu.memory_space<vmem>>, vector<16xf32>,
        %mul3A_1147 = arith.mulf %get3A_1108, %gather3A_751 : vector<16xf32>
        %add3A_1148 = arith.addf %scan3A_696, %mul3A_1147 : vector<16xf32>
        %add3A_1149 = arith.addf %scan3A_704, %get3A_1104 : vector<16xf32>
        scf.yield %add3A_805, %add3A_854, %add3A_903, %add3A_952, %add3A_1001, %add3A_1050, %add3A_1099, %add3A_1148, %add3A_806, %add3A_855, %add3A_904, %add3A_953, %add3A_1002, %add3A_1051, %add3A_1100, %add3A_1149 : vector<16xf32>, vector<16xf32>, vector<16xf32>, vector<16xf32>, vector<16xf32>, vector<16xf32>, vector<16xf32>, vector<16xf32>, vector<16xf32>, vector<16xf32>, vector<16xf32>, vector<16xf32>, vector<16xf32>, vector<16xf32>, vector<16xf32>, vector<16xf32>
      }
      %scan3A_678 = arith.constant 20 : i32
      %mul3A_679 = arith.constant 128 : i32
      %mul3A_680 = arith.muli %add3A, %mul3A_679 : i32
      %mul3A_681 = arith.constant 4 : i32
      %mul3A_682 = arith.muli %add3A_110, %mul3A_681 : i32
      %add3A_683 = arith.addi %mul3A_680, %mul3A_682 : i32
      %mul3A_684 = arith.constant 24 : i32
      %mul3A_685 = arith.muli %add3A_683, %mul3A_684 : i32
      %mul3A_686 = arith.constant 128 : i32
      %mul3A_687 = arith.muli %mul3A_685, %mul3A_686 : i32
      "tpu.region"() ({
        %run_scoped3A = tpu.sem_alloc : memref<!tpu.dma_semaphore, #tpu.memory_space<semaphore_mem>>
        %dma_start3A_688 = tpu.memref_slice %arg12[%mul3A_687] : memref<12582912xf32, #tpu.memory_space<hbm>> -> memref<12288xf32, #tpu.memory_space<hbm>>
        %dma_start3A_689 = tpu.memref_slice %arg12[%mul3A_687] : memref<12582912xf32, #tpu.memory_space<hbm>> -> memref<12288xf32, #tpu.memory_space<hbm>>
        tpu.enqueue_dma source(%arg25 : memref<12288xf32, #tpu.memory_space<vmem>>) target(%dma_start3A_689 : memref<12288xf32, #tpu.memory_space<hbm>>) target_semaphore(%run_scoped3A : memref<!tpu.dma_semaphore, #tpu.memory_space<semaphore_mem>>)
        %dma_wait3A_690 = tpu.memref_slice %arg12[%mul3A_687] : memref<12582912xf32, #tpu.memory_space<hbm>> -> memref<12288xf32, #tpu.memory_space<hbm>>
        %dma_wait3A_691 = tpu.memref_slice %arg12[%mul3A_687] : memref<12582912xf32, #tpu.memory_space<hbm>> -> memref<12288xf32, #tpu.memory_space<hbm>>
        tpu.wait_dma2 semaphore(%run_scoped3A : memref<!tpu.dma_semaphore, #tpu.memory_space<semaphore_mem>>) src(%arg25 : memref<12288xf32, #tpu.memory_space<vmem>>) dst(%dma_wait3A_691 : memref<12288xf32, #tpu.memory_space<hbm>>)
        tpu.yield
      }) : () -> ()
      "tpu.region"() ({
        %run_scoped3A = tpu.sem_alloc : memref<!tpu.dma_semaphore, #tpu.memory_space<semaphore_mem>>
        %dma_start3A_688 = tpu.memref_slice %arg13[%mul3A_687] : memref<12582912xf32, #tpu.memory_space<hbm>> -> memref<12288xf32, #tpu.memory_space<hbm>>
        %dma_start3A_689 = tpu.memref_slice %arg13[%mul3A_687] : memref<12582912xf32, #tpu.memory_space<hbm>> -> memref<12288xf32, #tpu.memory_space<hbm>>
        tpu.enqueue_dma source(%arg26 : memref<12288xf32, #tpu.memory_space<vmem>>) target(%dma_start3A_689 : memref<12288xf32, #tpu.memory_space<hbm>>) target_semaphore(%run_scoped3A : memref<!tpu.dma_semaphore, #tpu.memory_space<semaphore_mem>>)
        %dma_wait3A_690 = tpu.memref_slice %arg13[%mul3A_687] : memref<12582912xf32, #tpu.memory_space<hbm>> -> memref<12288xf32, #tpu.memory_space<hbm>>
        %dma_wait3A_691 = tpu.memref_slice %arg13[%mul3A_687] : memref<12582912xf32, #tpu.memory_space<hbm>> -> memref<12288xf32, #tpu.memory_space<hbm>>
        tpu.wait_dma2 semaphore(%run_scoped3A : memref<!tpu.dma_semaphore, #tpu.memory_space<semaphore_mem>>) src(%arg26 : memref<12288xf32, #tpu.memory_space<vmem>>) dst(%dma_wait3A_691 : memref<12288xf32, #tpu.memory_space<hbm>>)
        tpu.yield
      }) : () -> ()
    }
    %scan3A_105 = arith.constant 32 : i32
    return
  }
}

</mosaic_0001>

<sc_bundles>
// kernel: gather_offload_async_start
scs
__scs_entry_jumppad:
0x0: {  	(pc) =	sbr.rel $0x88, $3  }
0x1: {  	(tag) =	ssettag $0x0;
	lr =	simm.s32 $0x1  }
0x2: {  	[smem:$0x3F97] =	sst lr;
	_ =	strace $0xD0000000  }
0x3: {  	_ = 	snop  }
0x4: {  	_ = 	snop  }
0x5: {  	_ = 	snop  }
0x6: {  	_ = 	snop  }
0x7: {  	_ = 	snop  }
__scs_overlays_trampoline_lowered:
0x8: {  	[smem:$0x3FA6] =	sst s0  }
0x9: {  	[smem:$0x3FA7] =	sst s1  }
0xa: {  	[smem:$0x3FA8] =	sst s2  }
0xb: {  	[smem:$0x3FA9] =	sst s3  }
0xc: {  	[smem:$0x3FAA] =	sst s4  }
0xd: {  	[smem:$0x3FAB] =	sst s5  }
0xe: {  	[smem:$0x3FAC] =	sst s6  }
0xf: {  	[smem:$0x3FAD] =	sst s7  }
0x10: {  	[smem:$0x3FAE] =	sst s8  }
0x11: {  	[smem:$0x3FAF] =	sst s9;
	s0 =	simm.s32 @!p0 $0x0  }
0x12: {  	s1 =	sld [smem:$0x3F95];
	s0 =	simm.s32 @p0 $0x1  }
0x13: {  	[smem:$0x3FB0] =	sst s0;
	s0 =	simm.s32 @!p1 $0x0  }
0x14: {  	s2 =	sld [smem:$0x3F94];
	s0 =	simm.s32 @p1 $0x1  }
0x15: {  	[smem:$0x3FB1] =	sst s0;
	s0 =	simm.s32 @!p2 $0x0  }
0x16: {  	s3 =	sld [smem:$0x3FDB];
	s0 =	simm.s32 @p2 $0x1  }
0x17: {  	s4 =	simm.s32 $0x1BF5;
	[smem:$0x3FB3] =	sst s0  }
0x18: {  	s0 =	sld [smem:$0x3F96];
	_ =	swait.ge [sflag:s4], $0x0  }
0x19: {  	s7 =	sld [smem:$0x3F97]  }
0x1a: {  	s8 =	sadd.s32 $0xFFFFE003, lr  }
0x1b: {  	s9 =	sadd.s32 $0xFFFFFEF7, lr;
	s5 =	simm.s32 $0xFFFFFFFF;
	p2 =	slt.u32 s8, $0xFFFFF086  }
0x1c: {  	p1 =	slt.u32 s9, $0xF7A;
	s5 =	simm.s32 @!p2 $0x0  }
0x1d: {  	s5 =	simm.s32 @p1 $0x1;
	p0 =	seq.s32 s7, s2  }
0x1e: {  	s7 =	smul.u32 @!p0 $0xF7A, s2;
	p2 =	seq.s32 @!p0 s5, $0x0  }
0x1f: {  	s9 =	smul.u32 $0xF7A, s1;
	s8 =	simm.s32 @!p0 $0x1BF5;
	p2 =	por !p2, p0  }
0x20: {  	[sflag:s8] =	ssyncset.s32 @!p0 $0xFFFFF086;
	s6 =	sadd.s32 @!p0 s3, s7;
	s7 =	simm.s32 @!p0 $0x108  }
0x21: {  	s3 =	sadd.s32 s3, s9;
	s6 =	sadd.s32 @!p0 $0x88, s6;
	s7 =	simm.s32 @p2 $0x1082  }
0x22: {  	[simem:s7], [sflag:s8] =	dma.local @!p0 [hbm:s6], $0xF7A  }
0x23: {  	s9 =	sor.u32 $0xD0000000, s2;
	s6 =	simm.s32 $0x108;
	_ =	swait.ge @!p0 [sflag:s8], $0x0  }
0x24: {  	s3 =	sadd.s32 $0x88, s3;
	s6 =	simm.s32 @!p1 $0x1082;
	[sflag:s4] =	ssyncset.s32 $0xFFFFF086  }
0x25: {  	[simem:s6], [sflag:s4] =	dma.local [hbm:s3], $0xF7A  }
0x26: {  	[smem:$0x3F97] =	sst s1;
	(tag) =	ssettag s2;
	_ =	strace s9  }
0x27: {  	s1 =	sld [smem:$0x3FA7]  }
0x28: {  	s2 =	sld [smem:$0x3FA8]  }
0x29: {  	s4 =	sld [smem:$0x3FAA]  }
0x2a: {  	p0 =	seq.s32 s5, $0x0;
	s5 =	sld [smem:$0x3FAB]  }
0x2b: {  	s6 =	sld [smem:$0x3FAC]  }
0x2c: {  	s7 =	sld [smem:$0x3FAD]  }
0x2d: {  	s3 =	simm.s32 $0x108;
	s8 =	sld [smem:$0x3FAE]  }
0x2e: {  	s3 =	simm.s32 @!p0 $0x1082;
	s9 =	sld [smem:$0x3FAF]  }
0x2f: {  	lr =	sadd.s32 s0, s3;
	s0 =	sld [smem:$0x3FA6]  }
0x30: {  	s3 =	sld [smem:$0x3FA9]  }
0x31: {  	[smem:$0x3FB2] =	sst s10  }
0x32: {  	s10 =	sld [smem:$0x3FB0];
	_ =	sdelay $0x3  }
0x33: {  	p0 =	seq.s32 s10, $0x1;
	s10 =	sld [smem:$0x3FB2];
	_ =	sdelay $0x3  }
0x34: {  	[smem:$0x3FB2] =	sst s10  }
0x35: {  	s10 =	sld [smem:$0x3FB1];
	_ =	sdelay $0x3  }
0x36: {  	p1 =	seq.s32 s10, $0x1;
	s10 =	sld [smem:$0x3FB2];
	_ =	sdelay $0x3  }
0x37: {  	[smem:$0x3FB2] =	sst s10  }
0x38: {  	s10 =	sld [smem:$0x3FB3]  }
0x39: {  	_ = 	snop;
	(pc) =	sbr.ind lr, $3  }
0x3a: {  	_ = 	snop  }
0x3b: {  	_ = 	snop  }
0x3c: {  	p2 =	seq.s32 s10, $0x1;
	s10 =	sld [smem:$0x3FB2]  }
0x3d: {  	_ =	shalt  }
0x3e: {  	_ =	shalt  }
0x3f: {  	_ =	shalt  }
0x40: {  	_ =	shalt  }
0x41: {  	_ =	shalt  }
0x42: {  	_ =	shalt  }
0x43: {  	_ =	shalt  }
0x44: {  	_ =	shalt  }
0x45: {  	_ =	shalt  }
0x46: {  	_ =	shalt  }
0x47: {  	_ =	shalt  }
0x48: {  	_ =	shalt  }
0x49: {  	_ =	shalt  }
0x4a: {  	_ =	shalt  }
0x4b: {  	_ =	shalt  }
0x4c: {  	_ =	shalt  }
0x4d: {  	_ =	shalt  }
0x4e: {  	_ =	shalt  }
0x4f: {  	_ =	shalt  }
0x50: {  	_ =	shalt  }
0x51: {  	_ =	shalt  }
0x52: {  	_ =	shalt  }
0x53: {  	_ =	shalt  }
0x54: {  	_ =	shalt  }
0x55: {  	_ =	shalt  }
0x56: {  	_ =	shalt  }
0x57: {  	_ =	shalt  }
0x58: {  	_ =	shalt  }
0x59: {  	_ =	shalt  }
0x5a: {  	_ =	shalt  }
0x5b: {  	_ =	shalt  }
0x5c: {  	_ =	shalt  }
0x5d: {  	_ =	shalt  }
0x5e: {  	_ =	shalt  }
0x5f: {  	_ =	shalt  }
0x60: {  	_ =	shalt  }
0x61: {  	_ =	shalt  }
0x62: {  	_ =	shalt  }
0x63: {  	_ =	shalt  }
0x64: {  	_ =	shalt  }
0x65: {  	_ =	shalt  }
0x66: {  	_ =	shalt  }
0x67: {  	_ =	shalt  }
0x68: {  	_ =	shalt  }
0x69: {  	_ =	shalt  }
0x6a: {  	_ =	shalt  }
0x6b: {  	_ =	shalt  }
0x6c: {  	_ =	shalt  }
0x6d: {  	_ =	shalt  }
0x6e: {  	_ =	shalt  }
0x6f: {  	_ =	shalt  }
0x70: {  	_ =	shalt  }
0x71: {  	_ =	shalt  }
0x72: {  	_ =	shalt  }
0x73: {  	_ =	shalt  }
0x74: {  	_ =	shalt  }
0x75: {  	_ =	shalt  }
0x76: {  	_ =	shalt  }
0x77: {  	_ =	shalt  }
0x78: {  	_ =	shalt  }
0x79: {  	_ =	shalt  }
0x7a: {  	_ =	shalt  }
0x7b: {  	_ =	shalt  }
0x7c: {  	_ =	shalt  }
0x7d: {  	_ =	shalt  }
0x7e: {  	_ =	shalt  }
0x7f: {  	_ =	shalt  }
0x80: {  	_ =	shalt  }
0x81: {  	_ =	shalt  }
0x82: {  	_ =	shalt  }
0x83: {  	_ =	shalt  }
0x84: {  	_ =	shalt  }
0x85: {  	_ =	shalt  }
0x86: {  	_ =	shalt  }
0x87: {  	_ =	shalt  }
.Lfunc_end0:
.L_simem_size_0:
called_computation.2_lowered:
.L_overlay_start_0:
0x88: {  	s2 =	sld [smem:$0x3FD9]  }
0x89: {  	s3 =	sld [smem:$0x3FFE];
	_ =	sdelay $0x1  }
0x8a: {  	s1 =	srdreg.scid  }
0x8b: {  	s0 =	sand.u32 $0x1, s1  }
0x8c: {  	s14 =	sshll.u32 s0, $0xA;
	s2 =	sadd.s32 s3, s2  }
0x8d: {  	s2 =	sadd.s32 s2, s14  }
0x8e: {  	[smem:$0x3FBE] =	sst s2  }
0x8f: {  	_ = 	snop  }
0x90: {  	s2 =	sld [smem:$0x3FD0];
	_ =	sdelay $0x2  }
0x91: {  	s4 =	simm.s32 $0xB;
	s5 =	simm.s32 $0x10;
	s15 =	sld [smem:$0x3FC9]  }
0x92: {  	[smem:s5], [sflag:s4] =	dma.local [hbm:s2], $0x1  }
0x93: {  	_ =	swait.eq [sflag:s4], $0x1  }
0x94: {  	[sflag:s4] =	ssyncset.done $0x0  }
0x95: {  	[sflag:s4] =	ssyncadd.s32 $0xFFFFFFFF  }
0x96: {  	s16 =	sld [smem:$0x10];
	(tm) =	ssettm $0x1  }
0x97: {  	s17 =	sld [smem:$0x3FFB];
	_ =	sdelay $0x3  }
0x98: {  	_ =	strace s17  }
0x99: {  	s4 =	sld [smem:$0x3FFC];
	_ =	sdelay $0x3  }
0x9a: {  	_ =	strace s4  }
0x9b: {  	s4 =	sld [smem:$0x3FFD];
	_ =	sdelay $0x3  }
0x9c: {  	_ =	strace s4  }
0x9d: {  	_ =	strace $0x8FFFFFFF  }
0x9e: {  	s18 =	sld [smem:$0x3FDB];
	_ =	sdelay $0x1  }
0x9f: {  	s19 =	simm.s32 $_scs_section_size  }
0xa0: {  	s6 =	simm.s32 $_size__tile_overlayer_lowered;
	s7 =	simm.s32 $_tile_overlayer_lowered  }
0xa1: {  	s22 =	simm.s32 $0x1BFF;
	s21 =	sshll.u32 s7, $0x1;
	s4 =	sadd.s32 s19, s18  }
0xa2: {  	s8 =	simm.s32 $0x0;
	s20 =	sshll.u32 s6, $0x1;
	s6 =	sadd.s32 s21, s4  }
0xa3: {  	[timem:s8], [sflag:s22] =	dma.local [hbm:s6], s20  }
0xa4: {  	_ =	swait.ge [sflag:s22], s20  }
0xa5: {  	s5 =	ssub.s32 $0x0, s20;
	[sflag:s22] =	ssyncset.done $0x0  }
0xa6: {  	[sflag:s22] =	ssyncadd.s32 s5;
	_ =	sdelay $0x1  }
0xa7: {  	s23 =	simm.s32 $0x1B8B  }
0xa8: {  	_ =	swait.ge [sflag:s23], $0x1  }
0xa9: {  	[sflag:s23] =	ssyncset.done $0x0  }
0xaa: {  	s25 =	simm.s32 $0x1B8E;
	s24 =	sld [smem:$0x3FFE];
	[sflag:s23] =	ssyncadd.s32 $0xFFFFFFFF  }
0xab: {  	s26 =	simm.s32 $execute0_lowered;
	[smem:$0x3FD2] =	sst s25  }
0xac: {  	s6 =	sshll.u32 s26, $0x1;
	_ =	strace $0x80000046;
	[dreg:$0x1] =	wrdreg $0xFFFFFFFF  }
0xad: {  	s28 =	simm.s32 $_size_execute0_lowered;
	s4 =	sadd.s32 s4, s6;
	[dreg:$0x0] =	wrdreg $0x0  }
0xae: {  	s6 =	sshll.u32 s28, $0x1;
	[dreg:$0x2] =	wrdreg s4  }
0xaf: {  	[dreg:$0x3] =	wrdreg s6  }
0xb0: {  	[dreg:$0x4] =	wrdreg $0xC0  }
0xb1: {  	_ =	task [dreg:s8], $0x5FFFF  }
0xb2: {  	[dreg:$0x1] =	wrdreg $0xFFFFFFFF  }
0xb3: {  	[dreg:$0x0] =	wrdreg $0x60  }
0xb4: {  	[dreg:$0x2] =	wrdreg s15  }
0xb5: {  	[dreg:$0x3] =	wrdreg s16  }
0xb6: {  	[dreg:$0x4] =	wrdreg s24  }
0xb7: {  	[dreg:$0x5] =	wrdreg $0x9  }
0xb8: {  	_ =	task.clear_ibuf [dreg:s8], $0x6FFFF;
	_ =	strace $0x90000046  }
0xb9: {  	s29 =	simm.s32 $0x9;
	_ =	strace $0x80000048  }
0xba: {  	_ =	swait.ge [sflag:s29], $0x1  }
0xbb: {  	[sflag:s29] =	ssyncadd.s32 $0xFFFFFFFF  }
0xbc: {  	_ =	strace $0x90000048  }
0xbd: {  	_ =	sfence  }
0xbe: {  	s30 =	sld [smem:$0x0];
	_ =	sdelay $0x2  }
0xbf: {  	s31 =	sshll.u32 s1, $0xD;
	s1 =	sshrl.u32 s1, $0x2  }
0xc0: {  	s3 =	sand.u32 $0x4000, s31;
	s1 =	sadd.s32 s1, s30  }
0xc1: {  	s0 =	sor.u32 s3, s0;
	s1 =	sshll.u32 s1, $0x11  }
0xc2: {  	s0 =	sor.u32 s1, s0  }
0xc3: {  	s0 =	sadd.s32 $0x8F2B, s0  }
0xc4: {  	[sflag:s0] =	ssyncadd.remote.s32 $0x1  }
0xc5: {  	_ =	sfence.sel $0xFFFF  }
0xc6: {  	[dreg:$0x0] =	wrdreg $0xFFFFFFFF;
	(pc) =	sbr.abs _section_cstart, $3  }
0xc7: {  	[dreg:$0x1] =	wrdreg $0xFFFFFFFF  }
0xc8: {  	_ =	task.clear_ibuf [dreg:s8], $0x2FFFF;
	_ =	strace $0x9FFFFFFF  }
0xc9: {  	(tm) =	ssettm $0x7FFFFFFF  }
tec
execute0_lowered:
.L_overlay_start_1:
0x0: {  	(tag) =	ssettag $0x1  }
0x1: {  	s2 =	rddreg [dreg:$0x0]  }
0x2: {  	s1 =	srdreg.scid;
	s3 =	rddreg [dreg:$0x1]  }
0x3: {  	s0 =	stileid.u32;
	s5 =	rddreg [dreg:$0x2]  }
0x4: {  	s9 =	simm.s32 $0x1;
	s10 =	simm.s32 $0x3;
	s1 =	sshll.u32 s1, $0xB  }
0x5: {  	s13 =	simm.s32 $0x0;
	s4 =	sshll.u32 s0, $0xC;
	s6 =	sand.u32 $0x800, s1  }
0x6: {  	s12 =	simm.s32 $0x0;
	s5 =	sadd.s32 $0x1A00, s5;
	s4 =	sor.u32 s4, s6  }
0x7: {  	s1 =	rddreg [dreg:$0x3];
	_ =	strace $0x80000047;
	s8 =	ssub.s32 $0x14000, s4  }
.Ltmp0:
0x8: {  	s6 =	simm.s32 $0x1;
	s7 =	sand.u32 $0xF800, s8;
	(pc) =	sbr.rel .LBB2_1-.Ltmp0, $4  }
0x9: {  	[sflag:s6] =	ssyncpa.u1 $0x0;
	s11 =	smov.u32 s4;
	p0 =	sne.s32 s7, $0x0  }
0xa: {  	s8 =	sshrl.u32 s8, $0x10;
	s7 =	simm.s32 $0x2;
	s9 =	simm.s32 @!p0 $0x0  }
0xb: {  	[sflag:s7] =	ssyncpa.u1 $0x0;
	p0 =	por $0x0, $0x0;
	s8 =	sadd.s32 s9, s8  }
0xc: {  	vm0 =	vmmov $0xffff;
	[sflag:s10] =	ssyncpa.u1 $0x0;
	s10 =	simm.s32 $0x0;
	s9 =	sadd.s32 $0x1, s8  }
.LBB2_4:
0xd: {  	vm1 =	veq.s32 v0, $0x80000000;
	v63 =	vand.u32 $0x3FF, v0;
	v2 =	vand.u32 $0x1FFFF, v2  }
0xe: {  	v0 =	vsel vm1, $0xFFFFFFFF, v63;
	v2 =	vsel vm1, $0xFFFFFFFF, v2  }
0xf: {  	v3 =	vshll.u32 v2, $0xA;
	v4 =	vshll.u32 v0, $0x3  }
0x10: {  	v2 =	vshll.u32 v2, $0x7;
	v3 =	vand.u32 $0xFFFFE000, v3;
	v4 =	vand.u32 $0xFFFFFC00, v4  }
0x11: {  	v2 =	vand.u32 $0x380, v2;
	v3 =	vadd.s32 v4, v3  }
0x12: {  	v0 =	vand.u32 $0x7F, v0;
	v2 =	vor.u32 v2, v3  }
0x13: {  	v0 =	vor.u32 v0, v2;
	_ =	sdelay $0x1  }
0x14: {  	(ifvalue) =	ssetifvalue $0x7FFFFFFF;
	s14 =	sadd.s32 $0x10, s14  }
0x15: {  	[tilespmem:s14], [sflag:$0x1] =	stream.indirect_vreg.gather [hbm4b:s2+s10], $0x1, v1, vm0, $0x4038;
	[tilespmem:$0x2000] =	vst v63  }
0x16: {  	(ifvalue) =	ssetifvalue $0x7FFFFFFF;
	s14 =	sadd.s32 $0x10, s14  }
0x17: {  	[tilespmem:s14], [sflag:$0x1] =	stream.indirect_vreg.gather [hbm4b:s2+s10], $0x1, v0, vm0, $0x4038;
	[tilespmem:$0x2000] =	vst v63  }
0x18: {  	_ =	swait.ge [sflag:s6], $0x800  }
0x19: {  	s30 =	sshrl.u32 s13, $0x3;
	[sflag:s6] =	ssyncset.done $0x0  }
0x1a: {  	s31 =	sand.u32 $0x7, s13;
	s14 =	sadd.s32 s5, s30;
	[sflag:s6] =	ssyncadd.s32 $0xFFFFF800  }
0x1b: {  	[hbm4b:s14+s31] =	stream.linear.scatter [tilespmem:s15], [sflag:$0x3], $0x800, $0x38;
	[tilespmem:$0x2000] =	vst v63  }
.LBB2_5:
0x1c: {  	s15 =	sadd.s32 $0x10000, s11  }
0x1d: {  	p2 =	sgt.s32 s15, $0x13FFF  }
0x1e: {  	s15 =	smov.u32 @p2 s4;
	p2 =	sne.s32 s12, s9  }
.Ltmp1:
0x1f: {  	p1 =	slt.u32 s12, $0x2;
	(pc) =	sbr.rel @!p2 .LBB2_6-.Ltmp1, $4  }
0x20: {  	s14 =	simm.s32 @!p1 $0x3  }
0x21: {  	s16 =	sadd.s32 $0x1, s12;
	_ =	swait.ge @!p1 [sflag:s14], $0x800  }
0x22: {  	s13 =	smov.u32 s11;
	p0 =	por !p0, !p0;
	[sflag:s14] =	ssyncset.done @!p1 $0x0  }
0x23: {  	s12 =	smov.u32 s16;
	s11 =	smov.u32 s15;
	[sflag:s14] =	ssyncadd.s32 @!p1 $0xFFFFF800  }
.LBB2_1:
0x24: {  	p1 =	sge.u32 s12, s8  }
0x25: {  	s14 =	sxor.u32 @!p1 $0xFFFFFFFF, s12  }
0x26: {  	s31 =	sadd.s32 $0xFFFFFFFF, s12;
	s15 =	sshrl.u32 @!p1 s11, $0x3;
	s14 =	sshll.u32 @!p1 s14, $0xB  }
0x27: {  	s16 =	sand.u32 @!p1 $0x7, s11;
	s15 =	sadd.s32 @!p1 s3, s15;
	s14 =	sand.u32 @!p1 $0x800, s14  }
0x28: {  	[tilespmem:s14], [sflag:$0x2] =	stream.linear.gather @!p1 [hbm4b:s15+s16], $0x800, $0x38;
	[tilespmem:$0x2000] =	vst v63  }
0x29: {  	p1 =	sge.u32 s31, s8  }
.Ltmp2:
0x2a: {  	_ = 	snop;
	(pc) =	sbr.rel @p1 .LBB2_5-.Ltmp2, $1  }
0x2b: {  	_ =	sdelay $0x3  }
0x2c: {  	s14 =	simm.s32 $0x1  }
0x2d: {  	_ =	swait.ge [sflag:s7], $0x800;
	s14 =	simm.s32 @!p0 $0x0  }
0x2e: {  	[sflag:s7] =	ssyncset.done $0x0;
	s14 =	sshll.u32 s14, $0xB  }
0x2f: {  	[sflag:s7] =	ssyncadd.s32 $0xFFFFF800;
	(ifvalue) =	ssetifvalue $0x7FFFFFFF;
	v0 =	vld.msk [tilespmem:s14+$0x0 ss:$0x1], $0xffff;
	_ =	sdelay $0x4  }
0x30: {  	s15 =	sadd.s32 $0x10, s14;
	v1 =	vshrl.u32 v0, $0xA  }
0x31: {  	v2 =	vld.msk [tilespmem:s15+$0x0 ss:$0x1], $0xffff;
	vm1 =	veq.s32 v0, $0x80000000;
	v0 =	vand.u32 $0x3FF, v0;
	v1 =	vand.u32 $0x1FFFF, v1  }
0x32: {  	v0 =	vsel vm1, $0xFFFFFFFF, v0;
	v1 =	vsel vm1, $0xFFFFFFFF, v1  }
0x33: {  	v4 =	vshll.u32 v0, $0x3;
	v3 =	vshll.u32 v1, $0xA  }
0x34: {  	v4 =	vand.u32 $0xFFFFFC00, v4;
	v1 =	vshll.u32 v1, $0x7;
	v3 =	vand.u32 $0xFFFFE000, v3  }
0x35: {  	v0 =	vand.u32 $0x7F, v0;
	v1 =	vand.u32 $0x380, v1;
	v3 =	vadd.s32 v4, v3  }
0x36: {  	vm1 =	veq.s32 v2, $0x80000000;
	v1 =	vor.u32 v1, v3;
	v3 =	vshrl.u32 v2, $0xA  }
0x37: {  	s17 =	sadd.s32 $0x10, s15;
	v2 =	vand.u32 $0x3FF, v2;
	v1 =	vor.u32 v0, v1;
	v3 =	vand.u32 $0x1FFFF, v3  }
0x38: {  	v0 =	vld.msk [tilespmem:s17+$0x0 ss:$0x1], $0xffff;
	v2 =	vsel vm1, $0xFFFFFFFF, v2;
	v3 =	vsel vm1, $0xFFFFFFFF, v3  }
0x39: {  	v5 =	vshll.u32 v2, $0x3;
	v63 =	vshll.u32 v3, $0xA  }
0x3a: {  	s31 =	sshll.u32 s12, $0xB;
	v5 =	vand.u32 $0xFFFFFC00, v5;
	v3 =	vshll.u32 v3, $0x7;
	v4 =	vand.u32 $0xFFFFE000, v63  }
0x3b: {  	s14 =	sor.u32 $0x1000, s14;
	s15 =	sand.u32 $0x800, s31;
	(ifvalue) =	ssetifvalue $0x7FFFFFFF;
	v3 =	vand.u32 $0x380, v3;
	v4 =	vadd.s32 v5, v4  }
0x3c: {  	[tilespmem:s14], [sflag:$0x1] =	stream.indirect_vreg.gather [hbm4b:s2+s10], $0x1, v1, vm0, $0x4038;
	v1 =	vand.u32 $0x7F, v2;
	v3 =	vor.u32 v3, v4;
	[tilespmem:$0x2000] =	vst v63  }
0x3d: {  	s16 =	simm.s32 $0x20;
	s15 =	sor.u32 $0x1000, s15;
	s17 =	sadd.s32 $0x10, s17;
	v2 =	vshrl.u32 v0, $0xA;
	v1 =	vor.u32 v1, v3  }
.LBB2_3:
0x3e: {  	s16 =	sadd.s32 $0x10, s16;
	vm1 =	veq.s32 v0, $0x80000000;
	v3 =	vand.u32 $0x3FF, v0;
	v0 =	vld.msk [tilespmem:s17+$0x0 ss:$0x1], $0xffff;
	v2 =	vand.u32 $0x1FFFF, v2  }
0x3f: {  	p1 =	slt.u32 s16, $0x7F0;
	v3 =	vsel vm1, $0xFFFFFFFF, v3;
	v2 =	vsel vm1, $0xFFFFFFFF, v2  }
.Ltmp3:
0x40: {  	v4 =	vshll.u32 v2, $0xA;
	v5 =	vshll.u32 v3, $0x3;
	(pc) =	sbr.rel @p1 .LBB2_3-.Ltmp3, $4  }
0x41: {  	s14 =	sadd.s32 $0x10, s14;
	v2 =	vshll.u32 v2, $0x7;
	v4 =	vand.u32 $0xFFFFE000, v4;
	v5 =	vand.u32 $0xFFFFFC00, v5;
	(ifvalue) =	ssetifvalue $0x7FFFFFFF  }
0x42: {  	v2 =	vand.u32 $0x380, v2;
	v4 =	vadd.s32 v5, v4;
	[tilespmem:s14], [sflag:$0x1] =	stream.indirect_vreg.gather [hbm4b:s2+s10], $0x1, v1, vm0, $0x4038;
	[tilespmem:$0x2000] =	vst v63  }
0x43: {  	v1 =	vand.u32 $0x7F, v3;
	v3 =	vor.u32 v2, v4  }
0x44: {  	s17 =	sadd.s32 $0x10, s17;
	v2 =	vshrl.u32 v0, $0xA;
	v1 =	vor.u32 v1, v3  }
.Ltmp4:
0x45: {  	_ = 	snop;
	(pc) =	sbr.rel .LBB2_4-.Ltmp4, $1  }
0x46: {  	_ =	sdelay $0x3  }
.LBB2_6:
0x47: {  	_ =	sfence.sel $0x180000  }
0x48: {  	s2 =	simm.s32 $0x2;
	[bflag:$0x0] =	sbarrier.arrive $0xFFFF  }
0x49: {  	s30 =	simm.s32 $0x3;
	[sflag:s2] =	ssyncpa.u1 $0x1  }
0x4a: {  	s31 =	simm.s32 $0x1;
	[sflag:s30] =	ssyncpa.u1 $0x1  }
0x4b: {  	[sflag:s31] =	ssyncpa.u1 $0x1  }
0x4c: {  	p0 =	sne.s32 s0, $0x0;
	_ =	strace $0x90000047  }
0x4d: {  	s0 =	sadd.s32 @!p0 $0x100000, s1;
	[bflag:$0x2] =	sbarrier.arrive $0xFFFF  }
0x4e: {  	[sflag:s0] =	ssyncadd.tile.s32 @!p0 $0x1;
	_ =	shalt  }
.Lfunc_end2:
_tile_overlayer_lowered:
.L_overlay_start_2:
0x4f: {  	(tag) =	ssettag $0x2  }
0x50: {  	s0 =	rddreg [dreg:$0x0];
	s2 =	stileid.u32  }
0x51: {  	s1 =	rddreg [dreg:$0x1];
	p0 =	sne.s32 s2, $0x0  }
0x52: {  	s3 =	rddreg [dreg:$0x2];
	[bflag:$0x3] =	sbarrier.arrive $0xFFFF;
	s2 =	simm.s32 @!p0 $0x1C01  }
0x53: {  	[timem:s3], [sflag:s2] =	dma.local @!p0 [hbm:s0], s1  }
0x54: {  	s0 =	simm.s32 @!p0 $0x1  }
0x55: {  	_ =	swait.ge @!p0 [sflag:s0], s1  }
0x56: {  	s1 =	ssub.s32 @!p0 $0x0, s1;
	[sflag:s0] =	ssyncset.done @!p0 $0x0  }
0x57: {  	[sflag:s0] =	ssyncadd.s32 @!p0 s1  }
0x58: {  	[bflag:$0x3] =	sbarrier.arrive $0xFFFF  }
0x59: {  	_ =	shalt  }

// kernel: kernel.3.cloned.1.call-start
scs
__scs_entry_jumppad:
0x0: {  	(pc) =	sbr.rel $0x88, $3  }
0x1: {  	(tag) =	ssettag $0x0;
	lr =	simm.s32 $0x1  }
0x2: {  	[smem:$0x3F97] =	sst lr;
	_ =	strace $0xD0000000  }
0x3: {  	_ = 	snop  }
0x4: {  	_ = 	snop  }
0x5: {  	_ = 	snop  }
0x6: {  	_ = 	snop  }
0x7: {  	_ = 	snop  }
__scs_overlays_trampoline_lowered:
0x8: {  	[smem:$0x3FA6] =	sst s0  }
0x9: {  	[smem:$0x3FA7] =	sst s1  }
0xa: {  	[smem:$0x3FA8] =	sst s2  }
0xb: {  	[smem:$0x3FA9] =	sst s3  }
0xc: {  	[smem:$0x3FAA] =	sst s4  }
0xd: {  	[smem:$0x3FAB] =	sst s5  }
0xe: {  	[smem:$0x3FAC] =	sst s6  }
0xf: {  	[smem:$0x3FAD] =	sst s7  }
0x10: {  	[smem:$0x3FAE] =	sst s8  }
0x11: {  	[smem:$0x3FAF] =	sst s9;
	s0 =	simm.s32 @!p0 $0x0  }
0x12: {  	s1 =	sld [smem:$0x3F95];
	s0 =	simm.s32 @p0 $0x1  }
0x13: {  	[smem:$0x3FB0] =	sst s0;
	s0 =	simm.s32 @!p1 $0x0  }
0x14: {  	s2 =	sld [smem:$0x3F94];
	s0 =	simm.s32 @p1 $0x1  }
0x15: {  	[smem:$0x3FB1] =	sst s0;
	s0 =	simm.s32 @!p2 $0x0  }
0x16: {  	s3 =	sld [smem:$0x3FDB];
	s0 =	simm.s32 @p2 $0x1  }
0x17: {  	s4 =	simm.s32 $0x1BF5;
	[smem:$0x3FB3] =	sst s0  }
0x18: {  	s0 =	sld [smem:$0x3F96];
	_ =	swait.ge [sflag:s4], $0x0  }
0x19: {  	s7 =	sld [smem:$0x3F97]  }
0x1a: {  	s8 =	sadd.s32 $0xFFFFE003, lr  }
0x1b: {  	s9 =	sadd.s32 $0xFFFFFEF7, lr;
	s5 =	simm.s32 $0xFFFFFFFF;
	p2 =	slt.u32 s8, $0xFFFFF086  }
0x1c: {  	p1 =	slt.u32 s9, $0xF7A;
	s5 =	simm.s32 @!p2 $0x0  }
0x1d: {  	s5 =	simm.s32 @p1 $0x1;
	p0 =	seq.s32 s7, s2  }
0x1e: {  	s7 =	smul.u32 @!p0 $0xF7A, s2;
	p2 =	seq.s32 @!p0 s5, $0x0  }
0x1f: {  	s9 =	smul.u32 $0xF7A, s1;
	s8 =	simm.s32 @!p0 $0x1BF5;
	p2 =	por !p2, p0  }
0x20: {  	[sflag:s8] =	ssyncset.s32 @!p0 $0xFFFFF086;
	s6 =	sadd.s32 @!p0 s3, s7;
	s7 =	simm.s32 @!p0 $0x108  }
0x21: {  	s3 =	sadd.s32 s3, s9;
	s6 =	sadd.s32 @!p0 $0x88, s6;
	s7 =	simm.s32 @p2 $0x1082  }
0x22: {  	[simem:s7], [sflag:s8] =	dma.local @!p0 [hbm:s6], $0xF7A  }
0x23: {  	s9 =	sor.u32 $0xD0000000, s2;
	s6 =	simm.s32 $0x108;
	_ =	swait.ge @!p0 [sflag:s8], $0x0  }
0x24: {  	s3 =	sadd.s32 $0x88, s3;
	s6 =	simm.s32 @!p1 $0x1082;
	[sflag:s4] =	ssyncset.s32 $0xFFFFF086  }
0x25: {  	[simem:s6], [sflag:s4] =	dma.local [hbm:s3], $0xF7A  }
0x26: {  	[smem:$0x3F97] =	sst s1;
	(tag) =	ssettag s2;
	_ =	strace s9  }
0x27: {  	s1 =	sld [smem:$0x3FA7]  }
0x28: {  	s2 =	sld [smem:$0x3FA8]  }
0x29: {  	s4 =	sld [smem:$0x3FAA]  }
0x2a: {  	p0 =	seq.s32 s5, $0x0;
	s5 =	sld [smem:$0x3FAB]  }
0x2b: {  	s6 =	sld [smem:$0x3FAC]  }
0x2c: {  	s7 =	sld [smem:$0x3FAD]  }
0x2d: {  	s3 =	simm.s32 $0x108;
	s8 =	sld [smem:$0x3FAE]  }
0x2e: {  	s3 =	simm.s32 @!p0 $0x1082;
	s9 =	sld [smem:$0x3FAF]  }
0x2f: {  	lr =	sadd.s32 s0, s3;
	s0 =	sld [smem:$0x3FA6]  }
0x30: {  	s3 =	sld [smem:$0x3FA9]  }
0x31: {  	[smem:$0x3FB2] =	sst s10  }
0x32: {  	s10 =	sld [smem:$0x3FB0];
	_ =	sdelay $0x3  }
0x33: {  	p0 =	seq.s32 s10, $0x1;
	s10 =	sld [smem:$0x3FB2];
	_ =	sdelay $0x3  }
0x34: {  	[smem:$0x3FB2] =	sst s10  }
0x35: {  	s10 =	sld [smem:$0x3FB1];
	_ =	sdelay $0x3  }
0x36: {  	p1 =	seq.s32 s10, $0x1;
	s10 =	sld [smem:$0x3FB2];
	_ =	sdelay $0x3  }
0x37: {  	[smem:$0x3FB2] =	sst s10  }
0x38: {  	s10 =	sld [smem:$0x3FB3]  }
0x39: {  	_ = 	snop;
	(pc) =	sbr.ind lr, $3  }
0x3a: {  	_ = 	snop  }
0x3b: {  	_ = 	snop  }
0x3c: {  	p2 =	seq.s32 s10, $0x1;
	s10 =	sld [smem:$0x3FB2]  }
0x3d: {  	_ =	shalt  }
0x3e: {  	_ =	shalt  }
0x3f: {  	_ =	shalt  }
0x40: {  	_ =	shalt  }
0x41: {  	_ =	shalt  }
0x42: {  	_ =	shalt  }
0x43: {  	_ =	shalt  }
0x44: {  	_ =	shalt  }
0x45: {  	_ =	shalt  }
0x46: {  	_ =	shalt  }
0x47: {  	_ =	shalt  }
0x48: {  	_ =	shalt  }
0x49: {  	_ =	shalt  }
0x4a: {  	_ =	shalt  }
0x4b: {  	_ =	shalt  }
0x4c: {  	_ =	shalt  }
0x4d: {  	_ =	shalt  }
0x4e: {  	_ =	shalt  }
0x4f: {  	_ =	shalt  }
0x50: {  	_ =	shalt  }
0x51: {  	_ =	shalt  }
0x52: {  	_ =	shalt  }
0x53: {  	_ =	shalt  }
0x54: {  	_ =	shalt  }
0x55: {  	_ =	shalt  }
0x56: {  	_ =	shalt  }
0x57: {  	_ =	shalt  }
0x58: {  	_ =	shalt  }
0x59: {  	_ =	shalt  }
0x5a: {  	_ =	shalt  }
0x5b: {  	_ =	shalt  }
0x5c: {  	_ =	shalt  }
0x5d: {  	_ =	shalt  }
0x5e: {  	_ =	shalt  }
0x5f: {  	_ =	shalt  }
0x60: {  	_ =	shalt  }
0x61: {  	_ =	shalt  }
0x62: {  	_ =	shalt  }
0x63: {  	_ =	shalt  }
0x64: {  	_ =	shalt  }
0x65: {  	_ =	shalt  }
0x66: {  	_ =	shalt  }
0x67: {  	_ =	shalt  }
0x68: {  	_ =	shalt  }
0x69: {  	_ =	shalt  }
0x6a: {  	_ =	shalt  }
0x6b: {  	_ =	shalt  }
0x6c: {  	_ =	shalt  }
0x6d: {  	_ =	shalt  }
0x6e: {  	_ =	shalt  }
0x6f: {  	_ =	shalt  }
0x70: {  	_ =	shalt  }
0x71: {  	_ =	shalt  }
0x72: {  	_ =	shalt  }
0x73: {  	_ =	shalt  }
0x74: {  	_ =	shalt  }
0x75: {  	_ =	shalt  }
0x76: {  	_ =	shalt  }
0x77: {  	_ =	shalt  }
0x78: {  	_ =	shalt  }
0x79: {  	_ =	shalt  }
0x7a: {  	_ =	shalt  }
0x7b: {  	_ =	shalt  }
0x7c: {  	_ =	shalt  }
0x7d: {  	_ =	shalt  }
0x7e: {  	_ =	shalt  }
0x7f: {  	_ =	shalt  }
0x80: {  	_ =	shalt  }
0x81: {  	_ =	shalt  }
0x82: {  	_ =	shalt  }
0x83: {  	_ =	shalt  }
0x84: {  	_ =	shalt  }
0x85: {  	_ =	shalt  }
0x86: {  	_ =	shalt  }
0x87: {  	_ =	shalt  }
.Lfunc_end0:
.L_simem_size_0:
called_computation.3_lowered:
.L_overlay_start_0:
0x88: {  	s2 =	sld [smem:$0x3FD9]  }
0x89: {  	s3 =	sld [smem:$0x3FFE];
	_ =	sdelay $0x1  }
0x8a: {  	s1 =	srdreg.scid  }
0x8b: {  	s0 =	sand.u32 $0x1, s1  }
0x8c: {  	s14 =	sshll.u32 s0, $0xA;
	s2 =	sadd.s32 s3, s2  }
0x8d: {  	s2 =	sadd.s32 s2, s14  }
0x8e: {  	[smem:$0x3FBE] =	sst s2  }
0x8f: {  	_ = 	snop  }
0x90: {  	s2 =	sld [smem:$0x3FC6]  }
0x91: {  	s15 =	sld [smem:$0x3FC5]  }
0x92: {  	s4 =	sld [smem:$0x3FC4]  }
0x93: {  	s5 =	sld [smem:$0x3FC3]  }
0x94: {  	s6 =	sld [smem:$0x3FD0]  }
0x95: {  	s7 =	sld [smem:$0x3FC2]  }
0x96: {  	s8 =	sld [smem:$0x3FC1]  }
0x97: {  	s10 =	simm.s32 $0xB;
	s11 =	simm.s32 $0x10;
	s9 =	sld [smem:$0x3FC0]  }
0x98: {  	[smem:s11], [sflag:s10] =	dma.local [hbm:s6], $0x1  }
0x99: {  	_ =	swait.eq [sflag:s10], $0x1  }
0x9a: {  	[sflag:s10] =	ssyncset.done $0x0  }
0x9b: {  	[sflag:s10] =	ssyncadd.s32 $0xFFFFFFFF  }
0x9c: {  	s16 =	sld [smem:$0x11];
	(tm) =	ssettm $0x1  }
0x9d: {  	s17 =	sld [smem:$0x3FFB];
	_ =	sdelay $0x3  }
0x9e: {  	_ =	strace s17  }
0x9f: {  	s10 =	sld [smem:$0x3FFC];
	_ =	sdelay $0x3  }
0xa0: {  	_ =	strace s10  }
0xa1: {  	s10 =	sld [smem:$0x3FFD];
	_ =	sdelay $0x3  }
0xa2: {  	_ =	strace s10  }
0xa3: {  	_ =	strace $0x8FFFFFFF  }
0xa4: {  	s18 =	sld [smem:$0x3FDB];
	_ =	sdelay $0x1  }
0xa5: {  	s19 =	simm.s32 $_scs_section_size  }
0xa6: {  	s12 =	simm.s32 $_size__tile_overlayer_lowered;
	s13 =	simm.s32 $_tile_overlayer_lowered  }
0xa7: {  	s22 =	simm.s32 $0x1BFF;
	s21 =	sshll.u32 s13, $0x1;
	s10 =	sadd.s32 s19, s18  }
0xa8: {  	s20 =	sshll.u32 s12, $0x1;
	s14 =	simm.s32 $0x0;
	s12 =	sadd.s32 s21, s10  }
0xa9: {  	[timem:s14], [sflag:s22] =	dma.local [hbm:s12], s20  }
0xaa: {  	_ =	swait.ge [sflag:s22], s20  }
0xab: {  	s11 =	ssub.s32 $0x0, s20;
	[sflag:s22] =	ssyncset.done $0x0  }
0xac: {  	[sflag:s22] =	ssyncadd.s32 s11;
	_ =	sdelay $0x1  }
0xad: {  	s23 =	simm.s32 $0x1B8B  }
0xae: {  	_ =	swait.ge [sflag:s23], $0x1  }
0xaf: {  	[sflag:s23] =	ssyncset.done $0x0  }
0xb0: {  	s25 =	simm.s32 $0x1B8E;
	s24 =	sld [smem:$0x3FFE];
	[sflag:s23] =	ssyncadd.s32 $0xFFFFFFFF  }
0xb1: {  	s26 =	simm.s32 $execute0_lowered;
	[smem:$0x3FD2] =	sst s25  }
0xb2: {  	s12 =	sshll.u32 s26, $0x1;
	_ =	strace $0x80000049;
	[dreg:$0x1] =	wrdreg $0xFFFFFFFF  }
0xb3: {  	s28 =	simm.s32 $_size_execute0_lowered;
	s10 =	sadd.s32 s10, s12;
	[dreg:$0x0] =	wrdreg $0x0  }
0xb4: {  	s12 =	sshll.u32 s28, $0x1;
	[dreg:$0x2] =	wrdreg s10  }
0xb5: {  	[dreg:$0x3] =	wrdreg s12  }
0xb6: {  	[dreg:$0x4] =	wrdreg $0xC0  }
0xb7: {  	_ =	task [dreg:s14], $0x5FFFF  }
0xb8: {  	[dreg:$0x1] =	wrdreg $0xFFFFFFFF  }
0xb9: {  	[dreg:$0x0] =	wrdreg $0x60  }
0xba: {  	[dreg:$0x2] =	wrdreg s16  }
0xbb: {  	[dreg:$0x3] =	wrdreg s24  }
0xbc: {  	[dreg:$0x4] =	wrdreg s2  }
0xbd: {  	[dreg:$0x5] =	wrdreg s15  }
0xbe: {  	[dreg:$0x6] =	wrdreg s4  }
0xbf: {  	[dreg:$0x7] =	wrdreg s5  }
0xc0: {  	[dreg:$0x8] =	wrdreg s7  }
0xc1: {  	[dreg:$0x9] =	wrdreg s8  }
0xc2: {  	[dreg:$0xa] =	wrdreg s9  }
0xc3: {  	[dreg:$0xb] =	wrdreg $0x9  }
0xc4: {  	_ =	task.clear_ibuf [dreg:s14], $0xCFFFF;
	_ =	strace $0x90000049  }
0xc5: {  	s29 =	simm.s32 $0x9;
	_ =	strace $0x8000004B  }
0xc6: {  	_ =	swait.ge [sflag:s29], $0x1  }
0xc7: {  	[sflag:s29] =	ssyncadd.s32 $0xFFFFFFFF  }
0xc8: {  	_ =	strace $0x9000004B  }
0xc9: {  	_ =	sfence  }
0xca: {  	s30 =	sld [smem:$0x0];
	_ =	sdelay $0x2  }
0xcb: {  	s31 =	sshll.u32 s1, $0xD;
	s1 =	sshrl.u32 s1, $0x2  }
0xcc: {  	s3 =	sand.u32 $0x4000, s31;
	s1 =	sadd.s32 s1, s30  }
0xcd: {  	s0 =	sor.u32 s3, s0;
	s1 =	sshll.u32 s1, $0x11  }
0xce: {  	s0 =	sor.u32 s1, s0  }
0xcf: {  	s0 =	sadd.s32 $0x8F2B, s0  }
0xd0: {  	[sflag:s0] =	ssyncadd.remote.s32 $0x1  }
0xd1: {  	_ =	sfence.sel $0xFFFF  }
0xd2: {  	[dreg:$0x0] =	wrdreg $0xFFFFFFFF;
	(pc) =	sbr.abs _section_cstart, $3  }
0xd3: {  	[dreg:$0x1] =	wrdreg $0xFFFFFFFF  }
0xd4: {  	_ =	task.clear_ibuf [dreg:s14], $0x2FFFF;
	_ =	strace $0x9FFFFFFF  }
0xd5: {  	(tm) =	ssettm $0x7FFFFFFF  }
tec
execute0_lowered:
.L_overlay_start_1:
0x0: {  	(tag) =	ssettag $0x1  }
0x1: {  	s0 =	rddreg [dreg:$0x0]  }
0x2: {  	s1 =	rddreg [dreg:$0x1]  }
0x3: {  	s5 =	rddreg [dreg:$0x2]  }
0x4: {  	s2 =	rddreg [dreg:$0x3]  }
0x5: {  	s3 =	rddreg [dreg:$0x4]  }
0x6: {  	s4 =	rddreg [dreg:$0x5];
	s6 =	srdreg.scid  }
0x7: {  	s7 =	stileid.u32;
	s9 =	simm.s32 $0x0;
	s19 =	simm.s32 $0x4  }
0x8: {  	s24 =	simm.s32 $0x80;
	s28 =	simm.s32 $0x4600;
	s29 =	simm.s32 $0x6E00  }
0x9: {  	s30 =	simm.s32 $0x1;
	s31 =	simm.s32 $0x2;
	s6 =	sand.u32 $0x1, s6  }
0xa: {  	s7 =	sshll.u32 s7, $0x1;
	[smem:$0x7FF] =	sst s9;
	s10 =	sadd.s32 $0x4200, s1  }
0xb: {  	s11 =	sadd.s32 $0x186A00, s1;
	s12 =	sadd.s32 $0x6A00, s1;
	s7 =	sor.u32 s6, s7  }
0xc: {  	_ =	strace $0x8000004A;
	s6 =	ssub.s32 $0x2, s6;
	s8 =	sshll.u32 s7, $0x4  }
0xd: {  	s25 =	sshrl.u32 s6, $0x1;
	s13 =	sshll.u32 s7, $0x7;
	s26 =	sshll.u32 s7, $0x9  }
0xe: {  	s16 =	smul.u32 $0xA00, s7;
	s8 =	sadd.s32 s8, s1;
	s1 =	ssub.s32 s6, s25  }
0xf: {  	s5 =	sadd.s32 s5, s26;
	s25 =	simm.s32 $0x50;
	s26 =	simm.s32 $0x1E00  }
0x10: {  	s6 =	simm.s32 $0x9600;
	s8 =	sadd.s32 $0x1800, s8;
	[dreg:$0xb] =	wrdreg s5  }
0x11: {  	s1 =	smax.u32 s1, $0x1;
	s5 =	simm.s32 $0xC600;
	[dreg:$0xa] =	wrdreg s8  }
0x12: {  	[dreg:$0xc] =	wrdreg s1;
	s1 =	simm.s32 $0x3;
	s8 =	simm.s32 $0x0  }
.LBB2_1:
0x13: {  	[dreg:$0xd] =	wrdreg s8  }
0x14: {  	s7 =	rddreg [dreg:$0xa];
	s23 =	simm.s32 $0x280  }
0x15: {  	[tilespmem:s23], [sflag:$0x4] =	stream.linear.gather [hbm4b:s7+s9], $0x80, $0x38;
	[tilespmem:$0xF600] =	vst v63  }
0x16: {  	_ =	swait.ge [sflag:s19], $0x80  }
0x17: {  	[sflag:s19] =	ssyncset.done $0x0  }
0x18: {  	s15 =	simm.s32 $0x300;
	s14 =	rddreg [dreg:$0xb];
	[sflag:s19] =	ssyncadd.s32 $0xFFFFFF80  }
0x19: {  	[tilespmem:s15], [sflag:$0x4] =	stream.linear.gather [hbm4b:s14+s9], $0x1000, $0x38;
	[tilespmem:$0xF600] =	vst v63  }
0x1a: {  	_ =	swait.ge [sflag:s19], $0x1000  }
0x1b: {  	[sflag:s19] =	ssyncset.done $0x0  }
0x1c: {  	[sflag:s19] =	ssyncadd.s32 $0xFFFFF000  }
0x1d: {  	s18 =	simm.s32 $0x1300;
	s17 =	rddreg [dreg:$0x6]  }
0x1e: {  	[tilespmem:s18], [sflag:$0x4] =	stream.linear.gather [hbm4b:s17+s9], $0xA00, $0x38;
	[tilespmem:$0xF600] =	vst v63  }
0x1f: {  	_ =	swait.ge [sflag:s19], $0xA00  }
0x20: {  	[sflag:s19] =	ssyncset.done $0x0  }
0x21: {  	[sflag:s19] =	ssyncadd.s32 $0xFFFFF600  }
0x22: {  	s21 =	simm.s32 $0x1D00;
	s20 =	rddreg [dreg:$0x7]  }
0x23: {  	[tilespmem:s21], [sflag:$0x4] =	stream.linear.gather [hbm4b:s20+s9], $0x80, $0x38;
	[tilespmem:$0xF600] =	vst v63  }
0x24: {  	_ =	swait.ge [sflag:s19], $0x80  }
0x25: {  	[sflag:s19] =	ssyncset.done $0x0  }
0x26: {  	[sflag:s19] =	ssyncadd.s32 $0xFFFFFF80  }
0x27: {  	s23 =	simm.s32 $0x1D80;
	s22 =	rddreg [dreg:$0x8]  }
0x28: {  	[tilespmem:s23], [sflag:$0x4] =	stream.linear.gather [hbm4b:s22+s9], $0x80, $0x38;
	[tilespmem:$0xF600] =	vst v63  }
0x29: {  	_ =	swait.ge [sflag:s19], $0x80  }
0x2a: {  	[sflag:s19] =	ssyncset.done $0x0  }
0x2b: {  	[sflag:s19] =	ssyncadd.s32 $0xFFFFFF80  }
0x2c: {  	v1 =	vld [tilespmem:$0x1D10]  }
0x2d: {  	v2 =	vld [tilespmem:$0x1D20]  }
0x2e: {  	v4 =	vld [tilespmem:$0x1D40]  }
0x2f: {  	v0 =	vld [tilespmem:$0x1D00]  }
0x30: {  	v5 =	vld [tilespmem:$0x1D50];
	_ =	sdelay $0x1  }
0x31: {  	v6 =	vld [tilespmem:$0x1D60];
	v14 =	vmul.f32 $1.131370830e+01, v1;
	v1 =	vmul.f32 $1.131370830e+01, v2  }
0x32: {  	v10 =	vld [tilespmem:$0x1DA0];
	v2 =	vmul.f32 $1.131370830e+01, v4  }
0x33: {  	v7 =	vld [tilespmem:$0x1D70];
	v13 =	vmul.f32 $1.131370830e+01, v0;
	[tilespmem:$0x1FE80] =	vst v1  }
0x34: {  	v3 =	vld [tilespmem:$0x1D30];
	[tilespmem:$0x1FEA0] =	vst v2;
	v2 =	vmul.f32 $1.131370830e+01, v5  }
0x35: {  	v8 =	vld [tilespmem:$0x1D80];
	[tilespmem:$0x1FF90] =	vst v13  }
0x36: {  	v9 =	vld [tilespmem:$0x1D90];
	[tilespmem:$0x1FEB0] =	vst v2;
	v2 =	vmul.f32 $1.131370830e+01, v6  }
0x37: {  	v4 =	vmul.f32 $1.131370830e+01, v10;
	[tilespmem:$0x1FFA0] =	vst v14  }
0x38: {  	v11 =	vld [tilespmem:$0x1DB0];
	[tilespmem:$0x1FEC0] =	vst v2;
	v2 =	vmul.f32 $1.131370830e+01, v7  }
0x39: {  	v1 =	vmul.f32 $1.131370830e+01, v3;
	[tilespmem:$0x1FFF0] =	vst v4  }
0x3a: {  	v12 =	vld [tilespmem:$0x1DC0];
	[tilespmem:$0x1FED0] =	vst v2;
	v2 =	vmul.f32 $1.131370830e+01, v8  }
0x3b: {  	v3 =	vmul.f32 $1.131370830e+01, v9;
	[tilespmem:$0x1FE90] =	vst v1  }
0x3c: {  	v0 =	vld [tilespmem:$0x1DD0];
	[tilespmem:$0x1FEE0] =	vst v2;
	v2 =	vmul.f32 $0.0e+00, v2  }
0x3d: {  	v15 =	vld [tilespmem:$0x1DF0];
	v5 =	vmul.f32 $1.131370830e+01, v11;
	[tilespmem:$0x1FF00] =	vst v3  }
0x3e: {  	v1 =	vld [tilespmem:$0x1DE0];
	[tilespmem:$0x1FEF0] =	vst v2;
	v2 =	vmul.f32 $0.0e+00, v3  }
0x3f: {  	v6 =	vmul.f32 $1.131370830e+01, v12;
	[tilespmem:$0x1FFC0] =	vst v5  }
0x40: {  	[tilespmem:$0x1FF10] =	vst v2;
	v2 =	vmul.f32 $0.0e+00, v4  }
0x41: {  	v0 =	vmul.f32 $1.131370830e+01, v0;
	[tilespmem:$0x1FFE0] =	vst v6  }
0x42: {  	[tilespmem:$0x1FF20] =	vst v2;
	v2 =	vmul.f32 $0.0e+00, v5  }
0x43: {  	[tilespmem:$0x1FFD0] =	vst v0;
	v10 =	vmul.f32 $1.131370830e+01, v1;
	v1 =	vmul.f32 $1.131370830e+01, v15  }
0x44: {  	[tilespmem:$0x1FF30] =	vst v2;
	v2 =	vmul.f32 $0.0e+00, v6  }
0x45: {  	[tilespmem:$0x1FF70] =	vst v1  }
0x46: {  	[tilespmem:$0x1FF40] =	vst v2;
	v2 =	vmul.f32 $0.0e+00, v0  }
0x47: {  	v1 =	vmul.f32 $0.0e+00, v1;
	[tilespmem:$0x1FFB0] =	vst v10  }
0x48: {  	[tilespmem:$0x1FF50] =	vst v2;
	v2 =	vmul.f32 $0.0e+00, v10  }
0x49: {  	[tilespmem:$0x1FF80] =	vst v1  }
0x4a: {  	s8 =	simm.s32 $0x0;
	[tilespmem:$0x1FF60] =	vst v2  }
.LBB2_2:
0x4b: {  	s14 =	smul.u32 $0x50, s8;
	_ =	sdelay $0x1  }
0x4c: {  	s14 =	sadd.s32 s16, s14  }
0x4d: {  	s14 =	sshrl.u32 s14, $0x3  }
0x4e: {  	s23 =	simm.s32 $0x0;
	s15 =	sadd.s32 s10, s14  }
0x4f: {  	[tilespmem:s23], [sflag:$0x4] =	stream.linear.gather [hbm4b:s15+s23], $0x50, $0x38;
	[tilespmem:$0xF600] =	vst v63  }
0x50: {  	_ =	swait.ge [sflag:s19], $0x50  }
0x51: {  	[sflag:s19] =	ssyncset.done $0x0  }
0x52: {  	s14 =	sadd.s32 s0, s14;
	[sflag:s19] =	ssyncadd.s32 $0xFFFFFFB0  }
0x53: {  	[tilespmem:s24], [sflag:$0x4] =	stream.linear.gather [hbm4b:s14+s23], $0x50, $0x38;
	[tilespmem:$0xF600] =	vst v63  }
0x54: {  	_ =	swait.ge [sflag:s19], $0x50  }
0x55: {  	[sflag:s19] =	ssyncset.done $0x0  }
0x56: {  	[sflag:s19] =	ssyncadd.s32 $0xFFFFFFB0  }
0x57: {  	[tilespmem:s26], [sflag:$0x1] =	stream.indirect.gather [hbm4b:s2+s25], $0x80, s23, s25, $0xb8;
	[tilespmem:$0xF600] =	vst v63  }
0x58: {  	_ = 	snop  }
0x59: {  	[tilespmem:s28], [sflag:$0x2] =	stream.indirect.gather [hbm4b:s3+s25], $0x80, s23, s25, $0xb8;
	[tilespmem:$0xF600] =	vst v63  }
0x5a: {  	_ = 	snop  }
0x5b: {  	[tilespmem:s29], [sflag:$0x3] =	stream.indirect.gather [hbm4b:s4+s25], $0x80, s23, s25, $0xb8;
	[tilespmem:$0xF600] =	vst v63  }
0x5c: {  	_ =	swait.ge [sflag:s30], $0x2800  }
0x5d: {  	[sflag:s30] =	ssyncset.done $0x0  }
0x5e: {  	[sflag:s30] =	ssyncadd.s32 $0xFFFFD800  }
0x5f: {  	_ =	swait.ge [sflag:s31], $0x2800  }
0x60: {  	[sflag:s31] =	ssyncset.done $0x0  }
0x61: {  	[sflag:s31] =	ssyncadd.s32 $0xFFFFD800  }
0x62: {  	_ =	swait.ge [sflag:s1], $0x2800  }
0x63: {  	s18 =	sshll.u32 s8, $0x2;
	[sflag:s1] =	ssyncset.done $0x0  }
0x64: {  	s20 =	sand.u32 $0x70, s18;
	[sflag:s1] =	ssyncadd.s32 $0xFFFFD800  }
0x65: {  	v15 =	vmov v0;
	v0 =	vld [tilespmem:s20+$0x280]  }
0x66: {  	v1 =	vmov s18  }
0x67: {  	v3 =	vmov v5;
	v1 =	vand.u32 $0xF, v1;
	v5 =	vld [tilespmem:$0x1FEC0]  }
0x68: {  	s21 =	sshll.u32 s8, $0x7;
	v1 =	vbroadcast v1, $0x0  }
0x69: {  	s21 =	sand.u32 $0x3FFFFF80, s21  }
0x6a: {  	v16 =	vld [tilespmem:s21+$0x300];
	v0 =	vperm.xlane v0, v1;
	_ =	sdelay $0x1  }
0x6b: {  	v62 =	vmul.f32 v0, v5;
	v5 =	vld [tilespmem:$0x1FEF0]  }
0x6c: {  	v21 =	vmul.f32 v0, v13;
	_ =	sdelay $0x1  }
0x6d: {  	v17 =	vld [tilespmem:s21+$0x310];
	v16 =	vadd.f32 v21, v16  }
0x6e: {  	v2 =	vmov v6;
	v6 =	vld [tilespmem:$0x1FE80]  }
0x6f: {  	v27 =	vadd.f32 v16, v5;
	v5 =	vld [tilespmem:$0x1FF10]  }
0x70: {  	v7 =	vld [tilespmem:$0x1FE90];
	v22 =	vmul.f32 v0, v14  }
0x71: {  	v9 =	vld [tilespmem:$0x1FEB0]  }
0x72: {  	v18 =	vld [tilespmem:s21+$0x320];
	v17 =	vadd.f32 v17, v22  }
0x73: {  	v20 =	vld [tilespmem:s21+$0x350]  }
0x74: {  	v31 =	vadd.f32 v17, v5;
	v5 =	vld [tilespmem:$0x1FF20]  }
0x75: {  	v8 =	vld [tilespmem:$0x1FEA0];
	v24 =	vmul.f32 v0, v6  }
0x76: {  	v11 =	vld [tilespmem:$0x1FED0]  }
0x77: {  	v19 =	vld [tilespmem:s21+$0x330];
	v18 =	vadd.f32 v18, v24;
	v24 =	vmul.f32 v0, v9  }
0x78: {  	v25 =	vld [tilespmem:s21+$0x370]  }
0x79: {  	v20 =	vadd.f32 v20, v24;
	v24 =	vadd.f32 v18, v5;
	v5 =	vld [tilespmem:$0x1FF30]  }
0x7a: {  	v60 =	vmul.f32 v0, v7;
	_ =	sdelay $0x1  }
0x7b: {  	v1 =	vld [tilespmem:s21+$0x340];
	v61 =	vmul.f32 v0, v8;
	v19 =	vadd.f32 v19, v60;
	v0 =	vmul.f32 v0, v11;
	_ =	sdelay $0x1  }
0x7c: {  	v0 =	vadd.f32 v25, v0;
	v25 =	vadd.f32 v19, v5;
	v5 =	vld [tilespmem:$0x1FF40];
	_ =	sdelay $0x2  }
0x7d: {  	v1 =	vadd.f32 v1, v61;
	_ =	sdelay $0x1  }
0x7e: {  	v28 =	vadd.f32 v1, v5;
	v1 =	vld [tilespmem:$0x1FF50];
	_ =	sdelay $0x2  }
0x7f: {  	v23 =	vld [tilespmem:s21+$0x360];
	_ =	sdelay $0x1  }
0x80: {  	v29 =	vadd.f32 v20, v1;
	v1 =	vld [tilespmem:$0x1FF60];
	_ =	sdelay $0x2  }
0x81: {  	v21 =	vadd.f32 v23, v62;
	_ =	sdelay $0x1  }
0x82: {  	s22 =	sand.u32 $0x10, s23;
	v26 =	vadd.f32 v21, v1;
	v1 =	vld [tilespmem:$0x1FF80]  }
0x83: {  	v63 =	vld [tilespmem:s22+$0x80];
	_ =	sdelay $0x3  }
0x84: {  	v30 =	vadd.f32 v0, v1;
	v0 =	vmov s23  }
0x85: {  	v48 =	vimm.f32 $0.0e+00;
	v44 =	vimm.f32 $0.0e+00;
	v49 =	vperm.xlane v63, v0  }
0x86: {  	v41 =	vimm.f32 $0.0e+00;
	v32 =	vimm.f32 $0.0e+00;
	v34 =	vimm.f32 $0.0e+00;
	s14 =	simm.s32 $0x100  }
0x87: {  	v33 =	vimm.f32 $0.0e+00;
	v35 =	vimm.f32 $0.0e+00;
	v42 =	vimm.f32 $0.0e+00;
	s22 =	simm.s32 $0x0;
	[tilespmem:s14+$0x0] =	vst v49  }
0x88: {  	v45 =	vimm.f32 $0.0e+00;
	v39 =	vimm.f32 $0.0e+00;
	v43 =	vimm.f32 $0.0e+00;
	v0 =	vld [tilespmem:s22+$0x4610]  }
0x89: {  	v37 =	vimm.f32 $0.0e+00;
	v38 =	vimm.f32 $0.0e+00;
	v36 =	vimm.f32 $0.0e+00;
	v50 =	vld [tilespmem:s22+$0x1E70]  }
0x8a: {  	v40 =	vimm.f32 $0.0e+00;
	v46 =	vimm.f32 $0.0e+00;
	v47 =	vimm.f32 $0.0e+00;
	s15 =	simm.s32 $0x200;
	v16 =	vld [tilespmem:s22+$0x4620]  }
.LBB2_3:
0x8b: {  	p0 =	sne.s32 s15, $0x2600;
	v1 =	vld [tilespmem:s22+$0x6E70];
	s23 =	sadd.s32 $0x1, s23;
	s14 =	sadd.s32 $0x10, s14  }
0x8c: {  	s17 =	smov.u32 s15;
	s15 =	sadd.s32 $0x200, s15;
	v17 =	vld [tilespmem:s22+$0x4640]  }
0x8d: {  	v18 =	vld [tilespmem:s22+$0x1310];
	v0 =	vmul.f32 v0, v49  }
0x8e: {  	v19 =	vld [tilespmem:s22+$0x6E00]  }
0x8f: {  	v48 =	vadd.f32 v0, v48;
	v0 =	vld [tilespmem:s22+$0x6E60]  }
0x90: {  	v20 =	vld [tilespmem:s22+$0x1370]  }
0x91: {  	v17 =	vmul.f32 v17, v49;
	v21 =	vld [tilespmem:s22+$0x4650]  }
0x92: {  	v22 =	vld [tilespmem:s22+$0x1E30]  }
0x93: {  	v23 =	vld [tilespmem:s22+$0x6E30]  }
0x94: {  	v51 =	vadd.f32 v41, v44;
	v52 =	vadd.f32 v34, v32;
	v44 =	vmov v48;
	v53 =	vld [tilespmem:s22+$0x1E60]  }
0x95: {  	v55 =	vadd.f32 v35, v33;
	v56 =	vadd.f32 v45, v42;
	v54 =	vld [tilespmem:s22+$0x1E00]  }
0x96: {  	v57 =	vadd.f32 v43, v39;
	v58 =	vadd.f32 v38, v37;
	v59 =	vld [tilespmem:s22+$0x1350];
	v21 =	vmul.f32 v21, v49  }
0x97: {  	v60 =	vadd.f32 v40, v36;
	v62 =	vadd.f32 v47, v46;
	v61 =	vld [tilespmem:s22+$0x1340]  }
0x98: {  	v38 =	vadd.f32 v22, v38;
	v63 =	vld [tilespmem:s22+$0x1300];
	v23 =	vadd.f32 v23, v22  }
0x99: {  	v22 =	vld [tilespmem:s22+$0x1E10];
	v0 =	vadd.f32 v0, v53;
	v35 =	vadd.f32 v53, v35  }
0x9a: {  	v18 =	vadd.f32 v18, v51;
	v19 =	vadd.f32 v19, v54;
	v53 =	vld [tilespmem:s22+$0x6E10]  }
0x9b: {  	v20 =	vadd.f32 v20, v56;
	v51 =	vld [tilespmem:s22+$0x1330];
	v59 =	vadd.f32 v59, v62  }
0x9c: {  	v18 =	vmul.f32 $1.131370830e+01, v18;
	v46 =	vadd.f32 v21, v46;
	v56 =	vld [tilespmem:s22+$0x6E40];
	v60 =	vadd.f32 v61, v60  }
0x9d: {  	v1 =	vadd.f32 v1, v50;
	v19 =	vmul.f32 $1.131370830e+01, v19;
	v21 =	vadd.f32 v63, v57;
	v57 =	vld [tilespmem:s22+$0x1360]  }
0x9e: {  	v18 =	vadd.f32 v18, v31;
	v20 =	vmul.f32 $1.131370830e+01, v20;
	v41 =	vadd.f32 v22, v41;
	v61 =	vld [tilespmem:s22+$0x1E40]  }
0x9f: {  	v16 =	vmul.f32 v16, v49;
	v21 =	vmul.f32 $1.131370830e+01, v21;
	v22 =	vadd.f32 v53, v22;
	v53 =	vld [tilespmem:s22+$0x1E50]  }
0xa0: {  	v20 =	vadd.f32 v20, v30;
	[tilespmem:s22+$0x9610] =	vst v18;
	v62 =	vld [tilespmem:s22+$0x1E20];
	v51 =	vadd.f32 v51, v58;
	v58 =	vmul.f32 $1.131370830e+01, v60  }
0xa1: {  	v32 =	vadd.f32 v16, v32;
	v1 =	vmul.f32 $1.131370830e+01, v1;
	v21 =	vadd.f32 v21, v27;
	v60 =	vld [tilespmem:s22+$0x1320]  }
0xa2: {  	v16 =	vmul.f32 $1.131370830e+01, v22;
	v22 =	vld [tilespmem:s22+$0x6E20];
	v51 =	vmul.f32 $1.131370830e+01, v51;
	v55 =	vadd.f32 v57, v55  }
0xa3: {  	v1 =	vadd.f32 v20, v1;
	v59 =	vmul.f32 $1.131370830e+01, v59;
	v57 =	vld [tilespmem:s22+$0x4630];
	v56 =	vadd.f32 v56, v61;
	[tilespmem:s22+$0x9670] =	vst v20  }
0xa4: {  	v16 =	vadd.f32 v18, v16;
	v18 =	vadd.f32 v58, v28;
	v20 =	vld [tilespmem:s22+$0x4600];
	v55 =	vmul.f32 $1.131370830e+01, v55  }
0xa5: {  	v36 =	vadd.f32 v17, v36;
	v58 =	vadd.f32 v59, v29;
	v56 =	vmul.f32 $1.131370830e+01, v56;
	v17 =	vld [tilespmem:s22+$0x6E50]  }
0xa6: {  	v45 =	vadd.f32 v50, v45;
	v0 =	vmul.f32 $1.131370830e+01, v0;
	v19 =	vadd.f32 v21, v19;
	[tilespmem:s22+$0xC610] =	vst v16;
	v16 =	vld [tilespmem:s22+$0x4660]  }
0xa7: {  	v23 =	vmul.f32 $1.131370830e+01, v23;
	v51 =	vadd.f32 v51, v25;
	v50 =	vadd.f32 v60, v52;
	[tilespmem:s22+$0x9650] =	vst v58;
	v52 =	vld [tilespmem:s22+$0x4670]  }
0xa8: {  	v55 =	vadd.f32 v55, v26;
	[tilespmem:s22+$0x9600] =	vst v21;
	v21 =	vadd.f32 v22, v62;
	v22 =	vmul.f32 v57, v49  }
0xa9: {  	s7 =	sand.u32 $0x10, s23;
	v23 =	vadd.f32 v51, v23;
	v56 =	vadd.f32 v18, v56;
	v50 =	vmul.f32 $1.131370830e+01, v50;
	[tilespmem:s22+$0xC670] =	vst v1  }
0xaa: {  	v0 =	vadd.f32 v55, v0;
	v1 =	vmul.f32 v20, v49;
	v17 =	vadd.f32 v17, v53;
	[tilespmem:s22+$0x9660] =	vst v55  }
0xab: {  	v40 =	vadd.f32 v61, v40;
	v47 =	vadd.f32 v53, v47;
	[tilespmem:s22+$0xC640] =	vst v56;
	v16 =	vmul.f32 v16, v49  }
0xac: {  	v43 =	vadd.f32 v54, v43;
	v20 =	vadd.f32 v50, v24;
	v21 =	vmul.f32 $1.131370830e+01, v21;
	[tilespmem:s22+$0x9640] =	vst v18  }
0xad: {  	v34 =	vadd.f32 v62, v34;
	v37 =	vadd.f32 v22, v37;
	v17 =	vmul.f32 $1.131370830e+01, v17;
	[tilespmem:s22+$0x9630] =	vst v51  }
0xae: {  	v39 =	vadd.f32 v1, v39;
	v1 =	vadd.f32 v20, v21;
	v18 =	vmul.f32 v52, v49;
	[tilespmem:s22+$0x9620] =	vst v20  }
0xaf: {  	v33 =	vadd.f32 v16, v33;
	v17 =	vadd.f32 v58, v17;
	[tilespmem:s22+$0xC600] =	vst v19  }
0xb0: {  	v42 =	vadd.f32 v18, v42;
	[tilespmem:s22+$0xC660] =	vst v0  }
0xb1: {  	[tilespmem:s22+$0xC650] =	vst v17  }
0xb2: {  	[tilespmem:s22+$0xC620] =	vst v1  }
0xb3: {  	[tilespmem:s22+$0xC630] =	vst v23  }
0xb4: {  	v0 =	vld [tilespmem:s7+$0x80];
	_ =	sdelay $0x3  }
0xb5: {  	v1 =	vmov s23  }
0xb6: {  	v49 =	vperm.xlane v0, v1  }
.Ltmp0:
0xb7: {  	(pc) =	sbr.rel @p0 .LBB2_3-.Ltmp0, $4  }
0xb8: {  	s22 =	sshra.s32 s17, $0x2;
	[tilespmem:s14+$0x0] =	vst v49  }
0xb9: {  	v0 =	vld [tilespmem:s22+$0x4610]  }
0xba: {  	v50 =	vld [tilespmem:s22+$0x1E70]  }
0xbb: {  	v16 =	vld [tilespmem:s22+$0x4620]  }
0xbc: {  	v0 =	vld [tilespmem:s22+$0x6E70]  }
0xbd: {  	v1 =	vld [tilespmem:s22+$0x1310]  }
0xbe: {  	v16 =	vld [tilespmem:s22+$0x6E00]  }
0xbf: {  	v17 =	vld [tilespmem:s22+$0x6E60]  }
0xc0: {  	v18 =	vld [tilespmem:s22+$0x1370]  }
0xc1: {  	v19 =	vld [tilespmem:s22+$0x1E30]  }
0xc2: {  	v23 =	vld [tilespmem:s22+$0x1350]  }
0xc3: {  	v48 =	vld [tilespmem:s22+$0x1340]  }
0xc4: {  	v49 =	vld [tilespmem:s22+$0x1E10]  }
0xc5: {  	v41 =	vadd.f32 v41, v44;
	v51 =	vld [tilespmem:s22+$0x6E10];
	v32 =	vadd.f32 v34, v32  }
0xc6: {  	v63 =	vld [tilespmem:s22+$0x1300];
	v53 =	vadd.f32 v45, v42;
	v33 =	vadd.f32 v35, v33  }
0xc7: {  	v20 =	vld [tilespmem:s22+$0x6E30];
	v55 =	vadd.f32 v43, v39;
	v57 =	vadd.f32 v38, v37  }
0xc8: {  	v56 =	vld [tilespmem:s22+$0x1360];
	v58 =	vadd.f32 v47, v46;
	v1 =	vadd.f32 v1, v41  }
0xc9: {  	v22 =	vld [tilespmem:s22+$0x1E00];
	v36 =	vadd.f32 v40, v36;
	v18 =	vadd.f32 v18, v53  }
0xca: {  	v52 =	vld [tilespmem:s22+$0x1330];
	v60 =	vadd.f32 v51, v49;
	v23 =	vadd.f32 v23, v58;
	v1 =	vmul.f32 $1.131370830e+01, v1  }
0xcb: {  	v54 =	vld [tilespmem:s22+$0x6E40];
	v35 =	vadd.f32 v63, v55;
	v36 =	vadd.f32 v48, v36;
	v18 =	vmul.f32 $1.131370830e+01, v18  }
0xcc: {  	v0 =	vadd.f32 v0, v50;
	v23 =	vmul.f32 $1.131370830e+01, v23;
	v1 =	vadd.f32 v1, v31;
	v31 =	vld [tilespmem:s22+$0x1E40]  }
0xcd: {  	v21 =	vld [tilespmem:s22+$0x1E60];
	v33 =	vadd.f32 v56, v33;
	v35 =	vmul.f32 $1.131370830e+01, v35;
	v18 =	vadd.f32 v18, v30  }
0xce: {  	v59 =	vld [tilespmem:s22+$0x1E50];
	v16 =	vadd.f32 v16, v22;
	v40 =	vmul.f32 $1.131370830e+01, v60;
	v23 =	vadd.f32 v23, v29;
	[tilespmem:s22+$0x9610] =	vst v1  }
0xcf: {  	v0 =	vmul.f32 $1.131370830e+01, v0;
	v33 =	vmul.f32 $1.131370830e+01, v33;
	v30 =	vld [tilespmem:s22+$0x1320];
	v27 =	vadd.f32 v35, v27;
	[tilespmem:s22+$0x9670] =	vst v18  }
0xd0: {  	v63 =	vld [tilespmem:s22+$0x6E50];
	v16 =	vmul.f32 $1.131370830e+01, v16;
	v29 =	vadd.f32 v52, v57;
	v1 =	vadd.f32 v1, v40;
	[tilespmem:s22+$0x9650] =	vst v23  }
0xd1: {  	v61 =	vld [tilespmem:s22+$0x1E20];
	v36 =	vmul.f32 $1.131370830e+01, v36;
	v0 =	vadd.f32 v18, v0;
	[tilespmem:s22+$0x9600] =	vst v27;
	v31 =	vadd.f32 v54, v31  }
0xd2: {  	v62 =	vld [tilespmem:s22+$0x6E20];
	v26 =	vadd.f32 v33, v26;
	v22 =	vmul.f32 $1.131370830e+01, v29;
	v16 =	vadd.f32 v27, v16;
	[tilespmem:s22+$0xC610] =	vst v1  }
0xd3: {  	v1 =	vadd.f32 v36, v28;
	[tilespmem:s22+$0xC670] =	vst v0;
	v0 =	vadd.f32 v17, v21;
	v18 =	vmul.f32 $1.131370830e+01, v31  }
0xd4: {  	[tilespmem:s22+$0x9660] =	vst v26;
	v21 =	vadd.f32 v22, v25;
	v28 =	vadd.f32 v30, v32  }
0xd5: {  	v22 =	vadd.f32 v63, v59;
	[tilespmem:s22+$0xC600] =	vst v16;
	v0 =	vmul.f32 $1.131370830e+01, v0;
	v18 =	vadd.f32 v1, v18  }
0xd6: {  	[tilespmem:s22+$0x9640] =	vst v1;
	v17 =	vmul.f32 $1.131370830e+01, v28;
	v1 =	vadd.f32 v20, v19  }
0xd7: {  	v0 =	vadd.f32 v26, v0;
	v19 =	vmul.f32 $1.131370830e+01, v22;
	[tilespmem:s22+$0xC640] =	vst v18;
	v18 =	vadd.f32 v62, v61  }
0xd8: {  	[tilespmem:s22+$0x9630] =	vst v21;
	v17 =	vadd.f32 v17, v24;
	v1 =	vmul.f32 $1.131370830e+01, v1  }
0xd9: {  	[tilespmem:s22+$0xC660] =	vst v0;
	v16 =	vadd.f32 v23, v19;
	v18 =	vmul.f32 $1.131370830e+01, v18  }
0xda: {  	[tilespmem:s22+$0x9620] =	vst v17;
	v0 =	vadd.f32 v21, v1  }
0xdb: {  	[tilespmem:s22+$0xC650] =	vst v16;
	v17 =	vadd.f32 v17, v18  }
0xdc: {  	[tilespmem:s22+$0xC630] =	vst v0  }
0xdd: {  	v5 =	vld [tilespmem:$0x1FEC0];
	[tilespmem:s22+$0xC620] =	vst v17  }
0xde: {  	v0 =	vld [tilespmem:s20+$0x280]  }
0xdf: {  	v1 =	vld [tilespmem:s21+$0x300]  }
0xe0: {  	s7 =	sor.u32 $0x1, s18;
	v16 =	vld [tilespmem:s21+$0x310]  }
0xe1: {  	s7 =	ssub.s32 s7, s20;
	v17 =	vld [tilespmem:s21+$0x320]  }
0xe2: {  	s23 =	simm.s32 $0x14;
	v19 =	vmov s7;
	v18 =	vld [tilespmem:s21+$0x330]  }
0xe3: {  	s22 =	sand.u32 $0x30, s23;
	v20 =	vld [tilespmem:s21+$0x340];
	v0 =	vperm.xlane v0, v19  }
0xe4: {  	s14 =	simm.s32 $0x100;
	v21 =	vld [tilespmem:s22+$0x80]  }
0xe5: {  	v59 =	vld [tilespmem:s14+$0x0];
	v22 =	vmul.f32 v0, v13;
	v23 =	vmul.f32 v0, v14  }
0xe6: {  	v19 =	vld [tilespmem:s21+$0x350];
	v25 =	vmul.f32 v0, v6  }
0xe7: {  	v29 =	vld [tilespmem:s21+$0x360];
	v24 =	vadd.f32 v22, v1;
	v26 =	vadd.f32 v16, v23;
	v1 =	vmul.f32 v0, v7  }
0xe8: {  	v16 =	vld [tilespmem:s21+$0x370];
	v27 =	vadd.f32 v17, v25;
	v17 =	vmul.f32 v0, v8;
	v22 =	vmov s23  }
0xe9: {  	v34 =	vperm.xlane v21, v22;
	v28 =	vadd.f32 v18, v1;
	v1 =	vmul.f32 v0, v9  }
0xea: {  	v25 =	vadd.f32 v20, v17;
	v17 =	vmul.f32 v0, v5  }
0xeb: {  	v12 =	vld [tilespmem:$0x1FF00];
	v0 =	vmul.f32 v0, v11;
	v32 =	vadd.f32 v19, v1;
	v1 =	vadd.f32 v59, v34  }
0xec: {  	v37 =	vimm.f32 $0.0e+00;
	v38 =	vimm.f32 $0.0e+00;
	v18 =	vmul.f32 v59, v10;
	v10 =	vld [tilespmem:$0x1FF70]  }
0xed: {  	s22 =	simm.s32 $0x0;
	v30 =	vadd.f32 v29, v17;
	v29 =	vadd.f32 v16, v0;
	v0 =	vmul.f32 v59, v15;
	v15 =	vld [tilespmem:$0x1FEE0];
	[tilespmem:s14+$0x0] =	vst v1  }
0xee: {  	v39 =	vimm.f32 $0.0e+00;
	v42 =	vimm.f32 $0.0e+00;
	v43 =	vimm.f32 $0.0e+00;
	v16 =	vld [tilespmem:s22+$0x7840]  }
0xef: {  	v44 =	vimm.f32 $0.0e+00;
	v45 =	vimm.f32 $0.0e+00;
	v46 =	vimm.f32 $0.0e+00;
	v60 =	vld [tilespmem:s22+$0x7820]  }
0xf0: {  	v47 =	vimm.f32 $0.0e+00;
	v41 =	vimm.f32 $0.0e+00;
	v48 =	vimm.f32 $0.0e+00;
	v53 =	vld [tilespmem:s22+$0x7860]  }
0xf1: {  	v49 =	vimm.f32 $0.0e+00;
	v50 =	vimm.f32 $0.0e+00;
	v31 =	vimm.f32 $0.0e+00;
	v17 =	vld [tilespmem:s22+$0x7810]  }
0xf2: {  	v35 =	vimm.f32 $0.0e+00;
	v51 =	vadd.f32 v31, v31;
	v52 =	vadd.f32 v31, v31;
	v19 =	vld [tilespmem:s22+$0x7870]  }
0xf3: {  	v40 =	vimm.f32 $0.0e+00;
	v55 =	vadd.f32 v31, v31;
	v36 =	vadd.f32 v31, v31;
	v54 =	vld [tilespmem:s22+$0x7830]  }
0xf4: {  	v56 =	vadd.f32 v31, v31;
	v62 =	vmul.f32 v59, v12;
	v63 =	vmul.f32 v59, v3;
	v22 =	vld [tilespmem:s22+$0x2840]  }
0xf5: {  	v58 =	vmul.f32 v59, v2;
	v21 =	vadd.f32 v31, v31;
	v20 =	vadd.f32 v31, v31;
	v61 =	vld [tilespmem:s22+$0x7800]  }
0xf6: {  	s15 =	simm.s32 $0x200;
	v33 =	vadd.f32 v0, v32;
	v0 =	vmul.f32 v59, v4;
	v23 =	vld [tilespmem:s22+$0x2870];
	v57 =	vmul.f32 v59, v15  }
.LBB2_5:
0xf7: {  	v1 =	vld [tilespmem:s22+$0x2810]  }
0xf8: {  	v2 =	vadd.f32 v35, v31;
	v3 =	vld [tilespmem:s22+$0x2820];
	v63 =	vadd.f32 v63, v28  }
0xf9: {  	v59 =	vmul.f32 v59, v10;
	v4 =	vld [tilespmem:s22+$0x1310];
	v18 =	vadd.f32 v18, v30;
	v0 =	vadd.f32 v0, v27  }
0xfa: {  	v5 =	vld [tilespmem:s22+$0x1320];
	v62 =	vadd.f32 v62, v26;
	v16 =	vadd.f32 v16, v22  }
0xfb: {  	v35 =	vadd.f32 v22, v35;
	v22 =	vadd.f32 v59, v29  }
0xfc: {  	v59 =	vld [tilespmem:s22+$0x1340];
	v19 =	vadd.f32 v19, v23;
	v37 =	vadd.f32 v23, v37  }
0xfd: {  	v17 =	vadd.f32 v17, v1;
	v38 =	vadd.f32 v1, v38  }
0xfe: {  	v1 =	vld [tilespmem:s22+$0x1370];
	v60 =	vadd.f32 v60, v3;
	v4 =	vadd.f32 v4, v21  }
0xff: {  	v23 =	vld [tilespmem:s22+$0x2800];
	v39 =	vadd.f32 v3, v39;
	v5 =	vadd.f32 v5, v20  }
0x100: {  	v20 =	vadd.f32 v58, v25;
	v3 =	vmul.f32 $1.131370830e+01, v19;
	v19 =	vld [tilespmem:s22+$0x1300];
	v4 =	vmul.f32 $1.131370830e+01, v4  }
0x101: {  	v58 =	vmul.f32 $1.131370830e+01, v60;
	v60 =	vld [tilespmem:s22+$0x1330];
	v5 =	vmul.f32 $1.131370830e+01, v5;
	v2 =	vadd.f32 v59, v2  }
0x102: {  	v57 =	vadd.f32 v57, v24;
	v21 =	vld [tilespmem:s22+$0x2860];
	v17 =	vmul.f32 $1.131370830e+01, v17;
	v4 =	vadd.f32 v4, v62  }
0x103: {  	v59 =	vld [tilespmem:s22+$0x2830];
	v0 =	vadd.f32 v5, v0;
	v1 =	vadd.f32 v1, v51;
	v2 =	vmul.f32 $1.131370830e+01, v2  }
0x104: {  	v51 =	vadd.f32 v61, v23;
	v61 =	vld [tilespmem:s22+$0x1360];
	v17 =	vadd.f32 v4, v17  }
0x105: {  	v16 =	vmul.f32 $1.131370830e+01, v16;
	v40 =	vadd.f32 v23, v40;
	[tilespmem:s22+$0xA220] =	vst v0;
	v2 =	vadd.f32 v2, v20  }
0x106: {  	v5 =	vld [tilespmem:s22+$0x1350];
	v19 =	vadd.f32 v19, v56;
	v1 =	vmul.f32 $1.131370830e+01, v1;
	[tilespmem:s22+$0xD210] =	vst v17;
	v17 =	vadd.f32 v60, v55  }
0x107: {  	v0 =	vadd.f32 v0, v58;
	v16 =	vadd.f32 v2, v16;
	[tilespmem:s22+$0xA240] =	vst v2;
	v2 =	vld [tilespmem:s22+$0x5050]  }
0x108: {  	[tilespmem:s22+$0xA210] =	vst v4;
	v20 =	vld [tilespmem:s22+$0x2850];
	v54 =	vadd.f32 v54, v59;
	v1 =	vadd.f32 v1, v22;
	v17 =	vmul.f32 $1.131370830e+01, v17  }
0x109: {  	v23 =	vadd.f32 v53, v21;
	v60 =	vld [tilespmem:s22+$0x7850];
	v19 =	vmul.f32 $1.131370830e+01, v19;
	[tilespmem:s22+$0xD220] =	vst v0;
	v52 =	vadd.f32 v61, v52  }
0x10a: {  	v51 =	vmul.f32 $1.131370830e+01, v51;
	[tilespmem:s22+$0xA270] =	vst v1;
	v0 =	vadd.f32 v17, v63;
	v17 =	vmul.f32 $1.131370830e+01, v54  }
0x10b: {  	v3 =	vadd.f32 v1, v3;
	[tilespmem:s22+$0xD240] =	vst v16;
	v16 =	vadd.f32 v19, v57;
	v52 =	vmul.f32 $1.131370830e+01, v52  }
0x10c: {  	v5 =	vadd.f32 v5, v36;
	v17 =	vadd.f32 v0, v17;
	[tilespmem:s22+$0xA230] =	vst v0;
	v0 =	vmul.f32 v2, v34  }
0x10d: {  	v23 =	vmul.f32 $1.131370830e+01, v23;
	[tilespmem:s22+$0xD270] =	vst v3;
	v51 =	vadd.f32 v16, v51;
	v18 =	vadd.f32 v52, v18  }
0x10e: {  	v4 =	vld [tilespmem:s22+$0x5070];
	[tilespmem:s22+$0xD230] =	vst v17;
	v17 =	vadd.f32 v60, v20;
	v44 =	vadd.f32 v0, v44;
	v0 =	vmul.f32 $1.131370830e+01, v5  }
0x10f: {  	v22 =	vld [tilespmem:s22+$0x5020];
	[tilespmem:s22+$0xA200] =	vst v16  }
0x110: {  	v61 =	vld [tilespmem:s22+$0x5000];
	[tilespmem:s22+$0xD200] =	vst v51;
	v23 =	vadd.f32 v18, v23;
	v3 =	vmul.f32 $1.131370830e+01, v17;
	v0 =	vadd.f32 v0, v33  }
0x111: {  	v19 =	vld [tilespmem:s22+$0x5010];
	[tilespmem:s22+$0xA260] =	vst v18  }
0x112: {  	v63 =	vld [tilespmem:s22+$0x5040];
	[tilespmem:s22+$0xD260] =	vst v23;
	v3 =	vadd.f32 v0, v3  }
0x113: {  	s23 =	sadd.s32 $0x1, s23;
	v16 =	vld [tilespmem:s22+$0x5030];
	[tilespmem:s22+$0xA250] =	vst v0  }
0x114: {  	s7 =	sand.u32 $0x30, s23;
	v4 =	vmul.f32 v4, v34;
	v2 =	vld [tilespmem:s22+$0x5060];
	[tilespmem:s22+$0xD250] =	vst v3  }
0x115: {  	v0 =	vld [tilespmem:s7+$0x80]  }
0x116: {  	v43 =	vadd.f32 v4, v43;
	v4 =	vmul.f32 v22, v34  }
0x117: {  	v41 =	vadd.f32 v59, v41;
	v1 =	vmul.f32 v63, v34  }
0x118: {  	s14 =	sadd.s32 $0x10, s14;
	v62 =	vmul.f32 v61, v34;
	v47 =	vadd.f32 v4, v47;
	v19 =	vmul.f32 v19, v34  }
0x119: {  	v4 =	vmul.f32 v16, v34;
	v31 =	vadd.f32 v1, v31;
	v1 =	vmov s23;
	v59 =	vld [tilespmem:s14+$0x0]  }
0x11a: {  	v2 =	vmul.f32 v2, v34;
	v34 =	vperm.xlane v0, v1;
	v0 =	vld [tilespmem:$0x1FFC0];
	_ =	sdelay $0x4  }
0x11b: {  	v63 =	vmul.f32 v59, v0;
	v0 =	vld [tilespmem:$0x1FFE0];
	_ =	sdelay $0x4  }
0x11c: {  	v50 =	vadd.f32 v2, v50;
	v2 =	vld [tilespmem:$0x1FFB0];
	v58 =	vmul.f32 v59, v0;
	v0 =	vadd.f32 v59, v34  }
0x11d: {  	s17 =	smov.u32 s15;
	v1 =	vld [tilespmem:$0x1FFD0]  }
0x11e: {  	s22 =	sshra.s32 s17, $0x2;
	[tilespmem:s14+$0x0] =	vst v0;
	v0 =	vld [tilespmem:$0x1FFF0]  }
0x11f: {  	v16 =	vld [tilespmem:s22+$0x7840]  }
0x120: {  	v42 =	vadd.f32 v21, v42;
	v60 =	vld [tilespmem:s22+$0x7820]  }
0x121: {  	v48 =	vadd.f32 v20, v48;
	v51 =	vadd.f32 v37, v43;
	v53 =	vld [tilespmem:s22+$0x7860]  }
0x122: {  	p0 =	sne.s32 s15, $0x2600;
	v45 =	vadd.f32 v62, v45;
	v20 =	vadd.f32 v39, v47;
	v17 =	vld [tilespmem:s22+$0x7810]  }
.Ltmp1:
0x123: {  	v46 =	vadd.f32 v19, v46;
	v49 =	vadd.f32 v4, v49;
	v19 =	vld [tilespmem:s22+$0x7870];
	(pc) =	sbr.rel @p0 .LBB2_5-.Ltmp1, $4  }
0x124: {  	v36 =	vadd.f32 v48, v44;
	v56 =	vadd.f32 v40, v45;
	v54 =	vld [tilespmem:s22+$0x7830]  }
0x125: {  	v21 =	vadd.f32 v38, v46;
	v55 =	vadd.f32 v41, v49;
	v1 =	vmul.f32 v59, v1;
	v22 =	vld [tilespmem:s22+$0x2840]  }
0x126: {  	v52 =	vadd.f32 v42, v50;
	v62 =	vmul.f32 v59, v12;
	v18 =	vmul.f32 v59, v2;
	v61 =	vld [tilespmem:s22+$0x7800]  }
0x127: {  	s15 =	sadd.s32 $0x200, s15;
	v57 =	vmul.f32 v59, v15;
	v33 =	vadd.f32 v1, v32;
	v23 =	vld [tilespmem:s22+$0x2870];
	v0 =	vmul.f32 v59, v0  }
0x128: {  	v1 =	vld [tilespmem:s22+$0x2810]  }
0x129: {  	v3 =	vld [tilespmem:s22+$0x1310]  }
0x12a: {  	v2 =	vld [tilespmem:s22+$0x2820]  }
0x12b: {  	v4 =	vld [tilespmem:s22+$0x1320];
	v31 =	vadd.f32 v35, v31;
	v18 =	vadd.f32 v18, v30  }
0x12c: {  	v5 =	vld [tilespmem:s22+$0x1340];
	v26 =	vadd.f32 v62, v26;
	v0 =	vadd.f32 v0, v27  }
0x12d: {  	v24 =	vadd.f32 v57, v24;
	v16 =	vadd.f32 v16, v22  }
0x12e: {  	v32 =	vld [tilespmem:s22+$0x1370];
	v19 =	vadd.f32 v19, v23;
	v3 =	vadd.f32 v3, v21  }
0x12f: {  	v27 =	vld [tilespmem:s22+$0x1300];
	v23 =	vadd.f32 v58, v25;
	v21 =	vadd.f32 v63, v28  }
0x130: {  	v22 =	vld [tilespmem:s22+$0x1330];
	v4 =	vadd.f32 v4, v20;
	v1 =	vadd.f32 v17, v1;
	v3 =	vmul.f32 $1.131370830e+01, v3  }
0x131: {  	v28 =	vmul.f32 v59, v10;
	v17 =	vld [tilespmem:s22+$0x2830];
	v5 =	vadd.f32 v5, v31;
	v2 =	vadd.f32 v60, v2  }
0x132: {  	v30 =	vld [tilespmem:s22+$0x2800];
	v4 =	vmul.f32 $1.131370830e+01, v4;
	v1 =	vmul.f32 $1.131370830e+01, v1;
	v3 =	vadd.f32 v3, v26  }
0x133: {  	v25 =	vadd.f32 v32, v51;
	v28 =	vadd.f32 v28, v29;
	v5 =	vmul.f32 $1.131370830e+01, v5;
	v26 =	vld [tilespmem:s22+$0x1360]  }
0x134: {  	v0 =	vadd.f32 v4, v0;
	v1 =	vadd.f32 v3, v1  }
0x135: {  	v20 =	vld [tilespmem:s22+$0x2860];
	v5 =	vadd.f32 v5, v23;
	[tilespmem:s22+$0xA210] =	vst v3;
	v3 =	vmul.f32 $1.131370830e+01, v16;
	v16 =	vadd.f32 v27, v56  }
0x136: {  	v2 =	vmul.f32 $1.131370830e+01, v2;
	v4 =	vld [tilespmem:s22+$0x1350];
	v17 =	vadd.f32 v54, v17;
	[tilespmem:s22+$0xD210] =	vst v1;
	v1 =	vadd.f32 v22, v55  }
0x137: {  	[tilespmem:s22+$0xA220] =	vst v0;
	v22 =	vadd.f32 v61, v30;
	v3 =	vadd.f32 v5, v3;
	v16 =	vmul.f32 $1.131370830e+01, v16  }
0x138: {  	v23 =	vld [tilespmem:s22+$0x2850];
	[tilespmem:s22+$0xA240] =	vst v5;
	v0 =	vadd.f32 v0, v2;
	v5 =	vadd.f32 v26, v52;
	v1 =	vmul.f32 $1.131370830e+01, v1  }
0x139: {  	v27 =	vld [tilespmem:s22+$0x7850];
	v17 =	vmul.f32 $1.131370830e+01, v17;
	v2 =	vmul.f32 $1.131370830e+01, v22;
	[tilespmem:s22+$0xD240] =	vst v3;
	v3 =	vadd.f32 v16, v24  }
0x13a: {  	[tilespmem:s22+$0xD220] =	vst v0;
	v16 =	vadd.f32 v53, v20;
	v5 =	vmul.f32 $1.131370830e+01, v5;
	v0 =	vadd.f32 v1, v21  }
0x13b: {  	v4 =	vadd.f32 v4, v36;
	v1 =	vmul.f32 $1.131370830e+01, v25;
	v2 =	vadd.f32 v3, v2;
	[tilespmem:s22+$0xA200] =	vst v3  }
0x13c: {  	v3 =	vadd.f32 v5, v18;
	v5 =	vmul.f32 $1.131370830e+01, v16;
	[tilespmem:s22+$0xA230] =	vst v0  }
0x13d: {  	v4 =	vmul.f32 $1.131370830e+01, v4;
	v1 =	vadd.f32 v1, v28;
	v0 =	vadd.f32 v0, v17;
	[tilespmem:s22+$0xD200] =	vst v2  }
0x13e: {  	v16 =	vmul.f32 $1.131370830e+01, v19;
	v2 =	vadd.f32 v3, v5;
	[tilespmem:s22+$0xA260] =	vst v3;
	v3 =	vadd.f32 v27, v23  }
0x13f: {  	[tilespmem:s22+$0xD230] =	vst v0  }
0x140: {  	v5 =	vadd.f32 v1, v16;
	v0 =	vadd.f32 v4, v33;
	[tilespmem:s22+$0xD260] =	vst v2;
	v2 =	vmul.f32 $1.131370830e+01, v3  }
0x141: {  	[tilespmem:s22+$0xA270] =	vst v1  }
0x142: {  	[tilespmem:s22+$0xD270] =	vst v5;
	v1 =	vadd.f32 v0, v2  }
0x143: {  	[tilespmem:s22+$0xA250] =	vst v0  }
0x144: {  	[tilespmem:s22+$0xD250] =	vst v1  }
0x145: {  	v0 =	vld [tilespmem:s20+$0x280];
	_ =	sdelay $0x1  }
0x146: {  	s7 =	sor.u32 $0x2, s18  }
0x147: {  	s7 =	ssub.s32 s7, s20  }
0x148: {  	v5 =	vmov s7;
	v3 =	vld [tilespmem:s21+$0x320]  }
0x149: {  	v0 =	vperm.xlane v0, v5  }
0x14a: {  	v16 =	vld [tilespmem:s21+$0x340]  }
0x14b: {  	v1 =	vld [tilespmem:s21+$0x300];
	v21 =	vmul.f32 v0, v6  }
0x14c: {  	v2 =	vld [tilespmem:s21+$0x310]  }
0x14d: {  	v27 =	vadd.f32 v3, v21;
	v3 =	vmul.f32 v0, v8  }
0x14e: {  	v4 =	vld [tilespmem:s21+$0x330]  }
0x14f: {  	v18 =	vmul.f32 v0, v13;
	v19 =	vmul.f32 v0, v14;
	v25 =	vadd.f32 v16, v3;
	v3 =	vld [tilespmem:$0x1FEC0];
	_ =	sdelay $0x1  }
0x150: {  	v24 =	vadd.f32 v18, v1;
	v26 =	vadd.f32 v2, v19;
	v1 =	vmul.f32 v0, v7;
	v2 =	vld [tilespmem:s21+$0x370]  }
0x151: {  	s23 =	simm.s32 $0x28  }
0x152: {  	s22 =	sand.u32 $0x70, s23;
	v28 =	vadd.f32 v4, v1;
	v1 =	vmul.f32 v0, v9  }
0x153: {  	s14 =	simm.s32 $0x100;
	v17 =	vld [tilespmem:s22+$0x80];
	v3 =	vmul.f32 v0, v3;
	v0 =	vmul.f32 v0, v11  }
0x154: {  	v59 =	vld [tilespmem:s14+$0x0]  }
0x155: {  	v29 =	vadd.f32 v2, v0;
	v0 =	vld [tilespmem:$0x1FFB0];
	_ =	sdelay $0x3  }
0x156: {  	v5 =	vld [tilespmem:s21+$0x350];
	v18 =	vmov s23  }
0x157: {  	v34 =	vperm.xlane v17, v18;
	v18 =	vmul.f32 v59, v0;
	v0 =	vld [tilespmem:$0x1FFC0];
	_ =	sdelay $0x4  }
0x158: {  	v32 =	vadd.f32 v5, v1;
	v1 =	vadd.f32 v59, v34;
	v63 =	vmul.f32 v59, v0;
	v0 =	vld [tilespmem:$0x1FFD0]  }
0x159: {  	v20 =	vld [tilespmem:s21+$0x360]  }
0x15a: {  	s22 =	simm.s32 $0x0;
	[tilespmem:s14+$0x0] =	vst v1;
	v1 =	vld [tilespmem:$0x1FFE0]  }
0x15b: {  	v35 =	vimm.f32 $0.0e+00;
	v37 =	vimm.f32 $0.0e+00;
	v38 =	vimm.f32 $0.0e+00;
	v16 =	vld [tilespmem:s22+$0x8240]  }
0x15c: {  	v39 =	vimm.f32 $0.0e+00;
	v40 =	vimm.f32 $0.0e+00;
	v41 =	vimm.f32 $0.0e+00;
	v60 =	vld [tilespmem:s22+$0x8220]  }
0x15d: {  	v42 =	vimm.f32 $0.0e+00;
	v43 =	vimm.f32 $0.0e+00;
	v53 =	vld [tilespmem:s22+$0x8260];
	v0 =	vmul.f32 v59, v0  }
0x15e: {  	v44 =	vimm.f32 $0.0e+00;
	v45 =	vimm.f32 $0.0e+00;
	v46 =	vimm.f32 $0.0e+00;
	v17 =	vld [tilespmem:s22+$0x8210]  }
0x15f: {  	v47 =	vimm.f32 $0.0e+00;
	v31 =	vimm.f32 $0.0e+00;
	v33 =	vadd.f32 v0, v32;
	v0 =	vld [tilespmem:$0x1FFF0]  }
0x160: {  	v48 =	vimm.f32 $0.0e+00;
	v49 =	vimm.f32 $0.0e+00;
	v51 =	vadd.f32 v31, v31;
	v19 =	vld [tilespmem:s22+$0x8270]  }
0x161: {  	v50 =	vimm.f32 $0.0e+00;
	v56 =	vadd.f32 v31, v31;
	v55 =	vadd.f32 v31, v31;
	v54 =	vld [tilespmem:s22+$0x8230]  }
0x162: {  	v52 =	vadd.f32 v31, v31;
	v36 =	vadd.f32 v31, v31;
	v62 =	vmul.f32 v59, v12;
	v22 =	vld [tilespmem:s22+$0x3240]  }
0x163: {  	v57 =	vmul.f32 v59, v15;
	v21 =	vadd.f32 v31, v31;
	v61 =	vld [tilespmem:s22+$0x8200];
	v30 =	vadd.f32 v20, v3  }
0x164: {  	s15 =	simm.s32 $0x200;
	v23 =	vld [tilespmem:s22+$0x3270];
	v20 =	vadd.f32 v31, v31;
	v58 =	vmul.f32 v59, v1;
	v0 =	vmul.f32 v59, v0  }
.LBB2_7:
0x165: {  	v1 =	vld [tilespmem:s22+$0x3210]  }
0x166: {  	v2 =	vadd.f32 v35, v31;
	v4 =	vld [tilespmem:s22+$0x3220]  }
0x167: {  	v5 =	vadd.f32 v63, v28;
	v63 =	vld [tilespmem:s22+$0x1320];
	v58 =	vadd.f32 v58, v25  }
0x168: {  	v3 =	vadd.f32 v18, v30;
	v0 =	vadd.f32 v0, v27;
	v18 =	vmul.f32 v59, v10;
	v59 =	vld [tilespmem:s22+$0x1310]  }
0x169: {  	v16 =	vadd.f32 v16, v22;
	v35 =	vadd.f32 v22, v35  }
0x16a: {  	v22 =	vld [tilespmem:s22+$0x1340];
	v19 =	vadd.f32 v19, v23;
	v37 =	vadd.f32 v23, v37  }
0x16b: {  	v17 =	vadd.f32 v17, v1;
	v38 =	vadd.f32 v1, v38;
	v1 =	vld [tilespmem:s22+$0x1370]  }
0x16c: {  	v23 =	vld [tilespmem:s22+$0x3200];
	v60 =	vadd.f32 v60, v4;
	v20 =	vadd.f32 v63, v20  }
0x16d: {  	v39 =	vadd.f32 v4, v39;
	v4 =	vmul.f32 $1.131370830e+01, v19;
	v19 =	vld [tilespmem:s22+$0x1300];
	v21 =	vadd.f32 v59, v21  }
0x16e: {  	v62 =	vadd.f32 v62, v26;
	v57 =	vadd.f32 v57, v24;
	v59 =	vld [tilespmem:s22+$0x3260];
	v20 =	vmul.f32 $1.131370830e+01, v20  }
0x16f: {  	v18 =	vadd.f32 v18, v29;
	v21 =	vmul.f32 $1.131370830e+01, v21;
	v2 =	vadd.f32 v22, v2  }
0x170: {  	v63 =	vld [tilespmem:s22+$0x1330];
	v17 =	vmul.f32 $1.131370830e+01, v17;
	v0 =	vadd.f32 v20, v0;
	v1 =	vadd.f32 v1, v51  }
0x171: {  	v60 =	vmul.f32 $1.131370830e+01, v60;
	v51 =	vadd.f32 v61, v23;
	v21 =	vadd.f32 v21, v62;
	v61 =	vld [tilespmem:s22+$0x1360]  }
0x172: {  	v22 =	vld [tilespmem:s22+$0x3230];
	v40 =	vadd.f32 v23, v40;
	v2 =	vmul.f32 $1.131370830e+01, v2;
	v19 =	vadd.f32 v19, v56  }
0x173: {  	v20 =	vld [tilespmem:s22+$0x1350];
	[tilespmem:s22+$0xAE20] =	vst v0;
	v53 =	vadd.f32 v53, v59;
	v17 =	vadd.f32 v21, v17  }
0x174: {  	v16 =	vmul.f32 $1.131370830e+01, v16;
	v0 =	vadd.f32 v0, v60;
	[tilespmem:s22+$0xAE10] =	vst v21;
	v21 =	vld [tilespmem:s22+$0x5A70];
	v2 =	vadd.f32 v2, v58  }
0x175: {  	v23 =	vld [tilespmem:s22+$0x3250];
	v1 =	vmul.f32 $1.131370830e+01, v1;
	v51 =	vmul.f32 $1.131370830e+01, v51;
	[tilespmem:s22+$0xDE10] =	vst v17;
	v17 =	vadd.f32 v63, v55  }
0x176: {  	v19 =	vmul.f32 $1.131370830e+01, v19;
	v16 =	vadd.f32 v2, v16;
	[tilespmem:s22+$0xAE40] =	vst v2;
	v2 =	vld [tilespmem:s22+$0x5A50];
	v52 =	vadd.f32 v61, v52  }
0x177: {  	v54 =	vadd.f32 v54, v22;
	v1 =	vadd.f32 v1, v18;
	v18 =	vld [tilespmem:s22+$0x5A20];
	v17 =	vmul.f32 $1.131370830e+01, v17  }
0x178: {  	v55 =	vld [tilespmem:s22+$0x8250];
	v41 =	vadd.f32 v22, v41;
	[tilespmem:s22+$0xDE40] =	vst v16;
	v16 =	vadd.f32 v19, v57;
	v22 =	vmul.f32 $1.131370830e+01, v52  }
0x179: {  	[tilespmem:s22+$0xDE20] =	vst v0;
	v0 =	vadd.f32 v17, v5;
	v5 =	vmul.f32 $1.131370830e+01, v54;
	v17 =	vmul.f32 v21, v34  }
0x17a: {  	v21 =	vadd.f32 v16, v51;
	[tilespmem:s22+$0xAE00] =	vst v16;
	v16 =	vld [tilespmem:s22+$0x5A30];
	v3 =	vadd.f32 v22, v3;
	v22 =	vmul.f32 $1.131370830e+01, v53  }
0x17b: {  	v20 =	vadd.f32 v20, v36;
	v5 =	vadd.f32 v0, v5;
	[tilespmem:s22+$0xAE30] =	vst v0;
	v0 =	vmul.f32 v2, v34  }
0x17c: {  	v4 =	vadd.f32 v1, v4;
	v22 =	vadd.f32 v3, v22;
	[tilespmem:s22+$0xAE60] =	vst v3;
	v3 =	vmul.f32 v18, v34  }
0x17d: {  	[tilespmem:s22+$0xDE30] =	vst v5;
	v5 =	vadd.f32 v55, v23;
	v44 =	vadd.f32 v0, v44;
	v0 =	vmul.f32 $1.131370830e+01, v20  }
0x17e: {  	[tilespmem:s22+$0xAE70] =	vst v1;
	v47 =	vadd.f32 v3, v47  }
0x17f: {  	[tilespmem:s22+$0xDE70] =	vst v4;
	v3 =	vmul.f32 v16, v34;
	v0 =	vadd.f32 v0, v33;
	v4 =	vmul.f32 $1.131370830e+01, v5  }
0x180: {  	v62 =	vld [tilespmem:s22+$0x5A00];
	[tilespmem:s22+$0xDE00] =	vst v21  }
0x181: {  	v63 =	vld [tilespmem:s22+$0x5A40];
	[tilespmem:s22+$0xDE60] =	vst v22;
	v49 =	vadd.f32 v3, v49;
	v3 =	vadd.f32 v0, v4  }
0x182: {  	s23 =	sadd.s32 $0x1, s23;
	v19 =	vld [tilespmem:s22+$0x5A10];
	[tilespmem:s22+$0xAE50] =	vst v0  }
0x183: {  	s7 =	sand.u32 $0x70, s23;
	v2 =	vld [tilespmem:s22+$0x5A60];
	[tilespmem:s22+$0xDE50] =	vst v3  }
0x184: {  	v0 =	vld [tilespmem:s7+$0x80];
	_ =	sdelay $0x1  }
0x185: {  	v1 =	vmul.f32 v63, v34  }
0x186: {  	s14 =	sadd.s32 $0x10, s14;
	v42 =	vadd.f32 v59, v42;
	v21 =	vmul.f32 v62, v34  }
0x187: {  	v31 =	vadd.f32 v1, v31;
	v1 =	vmov s23;
	v19 =	vmul.f32 v19, v34;
	v59 =	vld [tilespmem:s14+$0x0]  }
0x188: {  	v2 =	vmul.f32 v2, v34;
	v34 =	vperm.xlane v0, v1;
	v0 =	vld [tilespmem:$0x1FFC0];
	_ =	sdelay $0x4  }
0x189: {  	v63 =	vmul.f32 v59, v0;
	v0 =	vld [tilespmem:$0x1FFE0];
	_ =	sdelay $0x4  }
0x18a: {  	v50 =	vadd.f32 v2, v50;
	v2 =	vld [tilespmem:$0x1FFB0];
	v58 =	vmul.f32 v59, v0;
	v0 =	vadd.f32 v59, v34  }
0x18b: {  	s17 =	smov.u32 s15;
	v1 =	vld [tilespmem:$0x1FFD0]  }
0x18c: {  	s22 =	sshra.s32 s17, $0x2;
	[tilespmem:s14+$0x0] =	vst v0;
	v0 =	vld [tilespmem:$0x1FFF0]  }
0x18d: {  	v16 =	vld [tilespmem:s22+$0x8240]  }
0x18e: {  	v43 =	vadd.f32 v17, v43;
	v60 =	vld [tilespmem:s22+$0x8220]  }
0x18f: {  	v48 =	vadd.f32 v23, v48;
	v53 =	vld [tilespmem:s22+$0x8260]  }
0x190: {  	p0 =	sne.s32 s15, $0x2600;
	v51 =	vadd.f32 v37, v43;
	v45 =	vadd.f32 v21, v45;
	v17 =	vld [tilespmem:s22+$0x8210]  }
.Ltmp2:
0x191: {  	v46 =	vadd.f32 v19, v46;
	v36 =	vadd.f32 v48, v44;
	v19 =	vld [tilespmem:s22+$0x8270];
	(pc) =	sbr.rel @p0 .LBB2_7-.Ltmp2, $4  }
0x192: {  	v56 =	vadd.f32 v40, v45;
	v20 =	vadd.f32 v39, v47;
	v54 =	vld [tilespmem:s22+$0x8230]  }
0x193: {  	v21 =	vadd.f32 v38, v46;
	v55 =	vadd.f32 v41, v49;
	v1 =	vmul.f32 v59, v1;
	v22 =	vld [tilespmem:s22+$0x3240]  }
0x194: {  	v52 =	vadd.f32 v42, v50;
	v62 =	vmul.f32 v59, v12;
	v18 =	vmul.f32 v59, v2;
	v61 =	vld [tilespmem:s22+$0x8200]  }
0x195: {  	s15 =	sadd.s32 $0x200, s15;
	v57 =	vmul.f32 v59, v15;
	v33 =	vadd.f32 v1, v32;
	v23 =	vld [tilespmem:s22+$0x3270];
	v0 =	vmul.f32 v59, v0  }
0x196: {  	v1 =	vld [tilespmem:s22+$0x3210]  }
0x197: {  	v3 =	vld [tilespmem:s22+$0x1310]  }
0x198: {  	v2 =	vld [tilespmem:s22+$0x3220]  }
0x199: {  	v4 =	vld [tilespmem:s22+$0x1320];
	v31 =	vadd.f32 v35, v31;
	v18 =	vadd.f32 v18, v30  }
0x19a: {  	v5 =	vld [tilespmem:s22+$0x1340];
	v26 =	vadd.f32 v62, v26;
	v0 =	vadd.f32 v0, v27  }
0x19b: {  	v24 =	vadd.f32 v57, v24;
	v16 =	vadd.f32 v16, v22  }
0x19c: {  	v32 =	vld [tilespmem:s22+$0x1370];
	v19 =	vadd.f32 v19, v23;
	v3 =	vadd.f32 v3, v21  }
0x19d: {  	v47 =	vld [tilespmem:s22+$0x1350];
	v23 =	vadd.f32 v58, v25;
	v21 =	vadd.f32 v63, v28  }
0x19e: {  	v27 =	vld [tilespmem:s22+$0x1300];
	v4 =	vadd.f32 v4, v20;
	v1 =	vadd.f32 v17, v1;
	v3 =	vmul.f32 $1.131370830e+01, v3  }
0x19f: {  	v22 =	vld [tilespmem:s22+$0x1330];
	v28 =	vmul.f32 v59, v10;
	v5 =	vadd.f32 v5, v31;
	v2 =	vadd.f32 v60, v2  }
0x1a0: {  	v30 =	vld [tilespmem:s22+$0x3200];
	v4 =	vmul.f32 $1.131370830e+01, v4;
	v1 =	vmul.f32 $1.131370830e+01, v1;
	v3 =	vadd.f32 v3, v26  }
0x1a1: {  	v25 =	vadd.f32 v32, v51;
	v28 =	vadd.f32 v28, v29;
	v5 =	vmul.f32 $1.131370830e+01, v5;
	v26 =	vld [tilespmem:s22+$0x1360]  }
0x1a2: {  	v17 =	vld [tilespmem:s22+$0x3230];
	v0 =	vadd.f32 v4, v0;
	v1 =	vadd.f32 v3, v1  }
0x1a3: {  	v20 =	vld [tilespmem:s22+$0x3260];
	v5 =	vadd.f32 v5, v23;
	[tilespmem:s22+$0xAE10] =	vst v3;
	v3 =	vmul.f32 $1.131370830e+01, v16;
	v16 =	vadd.f32 v27, v56  }
0x1a4: {  	v2 =	vmul.f32 $1.131370830e+01, v2;
	v4 =	vadd.f32 v47, v36;
	[tilespmem:s22+$0xDE10] =	vst v1;
	v1 =	vadd.f32 v22, v55  }
0x1a5: {  	[tilespmem:s22+$0xAE20] =	vst v0;
	v22 =	vadd.f32 v61, v30;
	v3 =	vadd.f32 v5, v3;
	v16 =	vmul.f32 $1.131370830e+01, v16  }
0x1a6: {  	v23 =	vld [tilespmem:s22+$0x3250];
	[tilespmem:s22+$0xAE40] =	vst v5;
	v0 =	vadd.f32 v0, v2;
	v48 =	vadd.f32 v26, v52;
	v1 =	vmul.f32 $1.131370830e+01, v1  }
0x1a7: {  	v17 =	vadd.f32 v54, v17;
	v27 =	vld [tilespmem:s22+$0x8250];
	v2 =	vmul.f32 $1.131370830e+01, v22;
	[tilespmem:s22+$0xDE40] =	vst v3;
	v3 =	vadd.f32 v16, v24  }
0x1a8: {  	[tilespmem:s22+$0xDE20] =	vst v0;
	v16 =	vadd.f32 v53, v20;
	v5 =	vmul.f32 $1.131370830e+01, v48;
	v0 =	vadd.f32 v1, v21  }
0x1a9: {  	v17 =	vmul.f32 $1.131370830e+01, v17;
	v1 =	vmul.f32 $1.131370830e+01, v25;
	v2 =	vadd.f32 v3, v2;
	[tilespmem:s22+$0xAE00] =	vst v3  }
0x1aa: {  	v49 =	vmul.f32 $1.131370830e+01, v16;
	v3 =	vadd.f32 v5, v18;
	[tilespmem:s22+$0xAE30] =	vst v0  }
0x1ab: {  	v4 =	vmul.f32 $1.131370830e+01, v4;
	v1 =	vadd.f32 v1, v28;
	v0 =	vadd.f32 v0, v17;
	[tilespmem:s22+$0xDE00] =	vst v2  }
0x1ac: {  	v16 =	vmul.f32 $1.131370830e+01, v19;
	v2 =	vadd.f32 v3, v49;
	[tilespmem:s22+$0xAE60] =	vst v3;
	v3 =	vadd.f32 v27, v23  }
0x1ad: {  	[tilespmem:s22+$0xDE30] =	vst v0  }
0x1ae: {  	v50 =	vadd.f32 v1, v16;
	v0 =	vadd.f32 v4, v33;
	[tilespmem:s22+$0xDE60] =	vst v2;
	v2 =	vmul.f32 $1.131370830e+01, v3  }
0x1af: {  	[tilespmem:s22+$0xAE70] =	vst v1  }
0x1b0: {  	[tilespmem:s22+$0xDE70] =	vst v50;
	v1 =	vadd.f32 v0, v2  }
0x1b1: {  	[tilespmem:s22+$0xAE50] =	vst v0  }
0x1b2: {  	[tilespmem:s22+$0xDE50] =	vst v1  }
0x1b3: {  	v0 =	vld [tilespmem:s20+$0x280]  }
0x1b4: {  	v1 =	vld [tilespmem:s21+$0x300]  }
0x1b5: {  	v2 =	vld [tilespmem:s21+$0x310]  }
0x1b6: {  	v3 =	vld [tilespmem:s21+$0x320]  }
0x1b7: {  	v51 =	vld [tilespmem:s21+$0x330]  }
0x1b8: {  	v5 =	vld [tilespmem:s21+$0x340]  }
0x1b9: {  	v16 =	vld [tilespmem:s21+$0x350]  }
0x1ba: {  	v17 =	vld [tilespmem:s21+$0x360]  }
0x1bb: {  	s7 =	sor.u32 $0x3, s18;
	v18 =	vld [tilespmem:s21+$0x370];
	s21 =	simm.s32 $0x0  }
0x1bc: {  	s7 =	ssub.s32 s7, s20;
	v19 =	vld [tilespmem:s21+$0x3C00]  }
0x1bd: {  	v22 =	vmov s7;
	v20 =	vld [tilespmem:s21+$0x8C00]  }
0x1be: {  	v21 =	vld [tilespmem:s21+$0x3C10];
	v0 =	vperm.xlane v0, v22  }
0x1bf: {  	v23 =	vld [tilespmem:s21+$0x8C10]  }
0x1c0: {  	v40 =	vld [tilespmem:s21+$0x8C20];
	v24 =	vmul.f32 v0, v13  }
0x1c1: {  	v41 =	vld [tilespmem:s21+$0x3C30]  }
0x1c2: {  	v52 =	vld [tilespmem:s21+$0x3C50];
	v28 =	vadd.f32 v24, v1;
	v1 =	vmul.f32 v0, v7  }
0x1c3: {  	s14 =	simm.s32 $0x3C;
	v45 =	vimm.f32 $0.0e+00;
	v46 =	vimm.f32 $0.0e+00;
	v32 =	vimm.f32 $0.0e+00;
	v44 =	vld [tilespmem:s21+$0x3C70]  }
0x1c4: {  	v59 =	vmov s14;
	v26 =	vmul.f32 v0, v6;
	v31 =	vadd.f32 v51, v1;
	v1 =	vld [tilespmem:$0x1FEC0]  }
0x1c5: {  	v58 =	vadd.f32 v32, v32;
	v53 =	vld [tilespmem:s21+$0x8C70];
	v33 =	vadd.f32 v19, v32;
	v25 =	vmul.f32 v0, v14  }
0x1c6: {  	v22 =	vld [tilespmem:s21+$0x3C20];
	v29 =	vadd.f32 v3, v26;
	v3 =	vmul.f32 v0, v8;
	v24 =	vmul.f32 v0, v9  }
0x1c7: {  	v47 =	vimm.f32 $0.0e+00;
	v34 =	vadd.f32 v21, v32;
	v30 =	vadd.f32 v2, v25;
	v2 =	vld [tilespmem:s21+$0x3C40]  }
0x1c8: {  	v54 =	vimm.f32 $0.0e+00;
	v42 =	vld [tilespmem:s21+$0x8C30];
	v27 =	vadd.f32 v5, v3;
	v3 =	vadd.f32 v16, v24  }
0x1c9: {  	v43 =	vld [tilespmem:s21+$0x8C40];
	v36 =	vadd.f32 v41, v32;
	v1 =	vmul.f32 v0, v1;
	v0 =	vmul.f32 v0, v11  }
0x1ca: {  	v55 =	vimm.f32 $0.0e+00;
	v38 =	vadd.f32 v52, v32;
	v50 =	vadd.f32 v53, v44;
	[tilespmem:$0x1FE60] =	vst v3;
	v3 =	vld [tilespmem:s21+$0x8C50]  }
0x1cb: {  	v48 =	vimm.f32 $0.0e+00;
	v39 =	vld [tilespmem:s21+$0x3C60];
	v35 =	vadd.f32 v22, v32;
	v0 =	vadd.f32 v18, v0  }
0x1cc: {  	v49 =	vimm.f32 $0.0e+00;
	v62 =	vld [tilespmem:s21+$0x1310];
	v37 =	vadd.f32 v2, v32;
	v26 =	vadd.f32 v17, v1  }
0x1cd: {  	v53 =	vimm.f32 $0.0e+00;
	v1 =	vadd.f32 v20, v19;
	v20 =	vadd.f32 v23, v21;
	[tilespmem:$0x1FE70] =	vst v0;
	v0 =	vld [tilespmem:s21+$0x8C60]  }
0x1ce: {  	v63 =	vld [tilespmem:s21+$0x1320];
	v51 =	vimm.f32 $0.0e+00;
	v19 =	vadd.f32 v40, v22;
	v18 =	vadd.f32 v42, v41  }
0x1cf: {  	v17 =	vadd.f32 v43, v2;
	v16 =	vadd.f32 v3, v52;
	v21 =	vld [tilespmem:s21+$0x1360];
	v41 =	vimm.f32 $0.0e+00  }
0x1d0: {  	v42 =	vimm.f32 $0.0e+00;
	v43 =	vimm.f32 $0.0e+00;
	v61 =	vmul.f32 $1.131370830e+01, v20;
	v20 =	vld [tilespmem:s21+$0x1350]  }
0x1d1: {  	v22 =	vld [tilespmem:s21+$0x1340];
	v40 =	vimm.f32 $0.0e+00;
	v60 =	vmul.f32 $1.131370830e+01, v1;
	v1 =	vadd.f32 v32, v32  }
0x1d2: {  	s15 =	simm.s32 $0x100;
	s20 =	simm.s32 $0x200;
	v25 =	vmovc v10;
	v24 =	vmovc v12;
	v23 =	vld [tilespmem:s21+$0x1330];
	v52 =	vimm.f32 $0.0e+00;
	v56 =	vadd.f32 v0, v39;
	v0 =	vadd.f32 v32, v32  }
.LBB2_9:
0x1d3: {  	v2 =	vld [tilespmem:s15+$0x0]  }
0x1d4: {  	v4 =	vadd.f32 v45, v32  }
0x1d5: {  	v5 =	vld [tilespmem:s21+$0x1300];
	v3 =	vmul.f32 $1.131370830e+01, v19;
	v19 =	vadd.f32 v48, v41;
	v0 =	vadd.f32 v20, v0  }
0x1d6: {  	v8 =	vld [tilespmem:$0x1FFF0];
	v4 =	vadd.f32 v22, v4;
	v22 =	vadd.f32 v47, v43  }
0x1d7: {  	v20 =	vadd.f32 v46, v42;
	v19 =	vadd.f32 v23, v19  }
0x1d8: {  	v23 =	vadd.f32 v49, v40;
	v22 =	vadd.f32 v62, v22;
	v62 =	vmul.f32 v2, v24  }
0x1d9: {  	v6 =	vld [tilespmem:s21+$0x6410];
	v20 =	vadd.f32 v63, v20;
	v63 =	vmul.f32 v2, v15  }
0x1da: {  	v7 =	vld [tilespmem:s21+$0x6420];
	v5 =	vadd.f32 v5, v23;
	v62 =	vadd.f32 v62, v30;
	v22 =	vmul.f32 $1.131370830e+01, v22  }
0x1db: {  	v12 =	vld [tilespmem:$0x1FFE0];
	v23 =	vmul.f32 v2, v8  }
0x1dc: {  	v9 =	vld [tilespmem:$0x1FFC0];
	v63 =	vadd.f32 v63, v28;
	v5 =	vmul.f32 $1.131370830e+01, v5;
	v22 =	vadd.f32 v22, v62  }
0x1dd: {  	s17 =	sshra.s32 s20, $0x2;
	v14 =	vld [tilespmem:$0x1FFB0];
	v23 =	vadd.f32 v23, v29  }
0x1de: {  	s7 =	sand.u32 $0x70, s14;
	v13 =	vld [tilespmem:s17+$0x3C00];
	v20 =	vmul.f32 $1.131370830e+01, v20;
	v5 =	vadd.f32 v5, v63;
	v61 =	vadd.f32 v22, v61  }
0x1df: {  	v15 =	vld [tilespmem:s7+$0x80]  }
0x1e0: {  	v20 =	vadd.f32 v20, v23;
	v23 =	vmul.f32 v2, v12;
	v12 =	vld [tilespmem:$0x1FFD0];
	v60 =	vadd.f32 v5, v60;
	[tilespmem:s21+$0xEA10] =	vst v61  }
0x1e1: {  	v9 =	vmul.f32 v2, v9;
	v61 =	vld [tilespmem:s17+$0x8C00]  }
0x1e2: {  	[tilespmem:s21+$0xEA00] =	vst v60;
	v60 =	vld [tilespmem:$0x1FE60]  }
0x1e3: {  	v10 =	vld [tilespmem:s21+$0x6440];
	v19 =	vmul.f32 $1.131370830e+01, v19;
	v9 =	vadd.f32 v9, v31  }
0x1e4: {  	v11 =	vld [tilespmem:s21+$0x6450]  }
0x1e5: {  	v1 =	vadd.f32 v21, v1;
	v21 =	vld [tilespmem:s21+$0x6400];
	v9 =	vadd.f32 v19, v9;
	v19 =	vmul.f32 v2, v12  }
0x1e6: {  	v18 =	vmul.f32 $1.131370830e+01, v18;
	v14 =	vmul.f32 v2, v14;
	v8 =	vld [tilespmem:s21+$0x6430]  }
0x1e7: {  	v17 =	vmul.f32 $1.131370830e+01, v17;
	v0 =	vmul.f32 $1.131370830e+01, v0;
	v63 =	vld [tilespmem:s21+$0x1370];
	v19 =	vadd.f32 v19, v60  }
0x1e8: {  	v1 =	vmul.f32 $1.131370830e+01, v1;
	v14 =	vadd.f32 v14, v26;
	v62 =	vld [tilespmem:s21+$0x6460];
	v3 =	vadd.f32 v20, v3  }
0x1e9: {  	v4 =	vmul.f32 $1.131370830e+01, v4;
	v23 =	vadd.f32 v23, v27;
	v0 =	vadd.f32 v0, v19;
	v19 =	vld [tilespmem:$0x1FE70]  }
0x1ea: {  	v16 =	vmul.f32 $1.131370830e+01, v16;
	v1 =	vadd.f32 v1, v14;
	v18 =	vadd.f32 v9, v18;
	v12 =	vld [tilespmem:s21+$0x6470]  }
0x1eb: {  	v14 =	vmul.f32 $1.131370830e+01, v56;
	v15 =	vperm.xlane v15, v59;
	v60 =	vld [tilespmem:s17+$0x3C10];
	[tilespmem:s21+$0xEA20] =	vst v3;
	v3 =	vadd.f32 v4, v23  }
0x1ec: {  	v56 =	vmul.f32 $1.131370830e+01, v50;
	v58 =	vadd.f32 v63, v58;
	v2 =	vmul.f32 v2, v25;
	v23 =	vld [tilespmem:s17+$0x8C10];
	[tilespmem:s21+$0xEA30] =	vst v18  }
0x1ed: {  	v14 =	vadd.f32 v1, v14;
	v21 =	vmul.f32 v21, v15;
	v18 =	vld [tilespmem:s17+$0x3C20];
	[tilespmem:s21+$0xBA10] =	vst v22;
	v17 =	vadd.f32 v3, v17  }
0x1ee: {  	v6 =	vmul.f32 v6, v15;
	v4 =	vmul.f32 $1.131370830e+01, v58;
	v2 =	vadd.f32 v2, v19;
	v19 =	vld [tilespmem:s17+$0x8C20];
	[tilespmem:s21+$0xBA00] =	vst v5  }
0x1ef: {  	v7 =	vmul.f32 v7, v15;
	v8 =	vmul.f32 v8, v15;
	v63 =	vadd.f32 v0, v16;
	v16 =	vld [tilespmem:s17+$0x3C30];
	[tilespmem:s21+$0xEA40] =	vst v17  }
0x1f0: {  	v59 =	vmul.f32 v11, v15;
	v62 =	vmul.f32 v62, v15;
	v2 =	vadd.f32 v4, v2;
	v17 =	vld [tilespmem:s17+$0x8C30]  }
0x1f1: {  	v58 =	vmul.f32 v10, v15;
	[tilespmem:s21+$0xEA50] =	vst v63;
	v63 =	vmul.f32 v12, v15;
	v15 =	vld [tilespmem:$0x1FEE0]  }
0x1f2: {  	v54 =	vadd.f32 v39, v54;
	v5 =	vld [tilespmem:s17+$0x3C40];
	[tilespmem:s21+$0xEA60] =	vst v14;
	v4 =	vadd.f32 v2, v56  }
0x1f3: {  	v55 =	vadd.f32 v44, v55;
	v49 =	vmov v33;
	v33 =	vadd.f32 v13, v33;
	v14 =	vld [tilespmem:s17+$0x8C40];
	[tilespmem:s21+$0xBA20] =	vst v20  }
0x1f4: {  	v40 =	vadd.f32 v21, v40;
	v43 =	vadd.f32 v6, v43;
	v10 =	vld [tilespmem:s17+$0x3C50];
	[tilespmem:s21+$0xEA70] =	vst v4  }
0x1f5: {  	v42 =	vadd.f32 v7, v42;
	v41 =	vadd.f32 v8, v41;
	v4 =	vld [tilespmem:s17+$0x8C50];
	[tilespmem:s21+$0xBA30] =	vst v9  }
0x1f6: {  	v51 =	vadd.f32 v59, v51;
	v52 =	vadd.f32 v62, v52;
	v9 =	vld [tilespmem:s17+$0x3C60];
	[tilespmem:s21+$0xBA40] =	vst v3  }
0x1f7: {  	v47 =	vmov v34;
	v32 =	vadd.f32 v58, v32;
	v34 =	vadd.f32 v60, v34;
	v3 =	vld [tilespmem:s17+$0x8C60];
	[tilespmem:s21+$0xBA50] =	vst v0  }
0x1f8: {  	v46 =	vmov v35;
	v35 =	vadd.f32 v18, v35;
	v53 =	vadd.f32 v63, v53;
	v0 =	vld [tilespmem:s17+$0x3C70];
	[tilespmem:s21+$0xBA60] =	vst v1  }
0x1f9: {  	v48 =	vmov v36;
	v19 =	vadd.f32 v19, v18;
	v36 =	vadd.f32 v16, v36;
	v50 =	vld [tilespmem:s17+$0x8C70];
	[tilespmem:s21+$0xBA70] =	vst v2;
	s21 =	smov.u32 s17  }
0x1fa: {  	p0 =	sne.s32 s20, $0x2600;
	v58 =	vadd.f32 v55, v53;
	v18 =	vadd.f32 v17, v16;
	v62 =	vld [tilespmem:s21+$0x1310]  }
.Ltmp3:
0x1fb: {  	v45 =	vmov v37;
	v37 =	vadd.f32 v5, v37;
	v17 =	vadd.f32 v14, v5;
	v21 =	vld [tilespmem:s21+$0x1360];
	(pc) =	sbr.rel @p0 .LBB2_9-.Ltmp3, $4  }
0x1fc: {  	s14 =	sadd.s32 $0x1, s14;
	v57 =	vmov v38;
	v38 =	vadd.f32 v10, v38;
	v1 =	vadd.f32 v61, v13;
	v20 =	vld [tilespmem:s21+$0x1350]  }
0x1fd: {  	v59 =	vmov s14;
	v2 =	vadd.f32 v23, v60;
	v22 =	vld [tilespmem:s21+$0x1340];
	v16 =	vadd.f32 v4, v10;
	v39 =	vmovc v9  }
0x1fe: {  	v60 =	vmul.f32 $1.131370830e+01, v1;
	v23 =	vld [tilespmem:s21+$0x1330];
	v1 =	vadd.f32 v54, v52;
	v56 =	vadd.f32 v3, v39;
	v44 =	vmovc v0  }
0x1ff: {  	s20 =	sadd.s32 $0x200, s20;
	s15 =	sadd.s32 $0x10, s15;
	v63 =	vld [tilespmem:s21+$0x1320];
	v61 =	vmul.f32 $1.131370830e+01, v2;
	v0 =	vadd.f32 v57, v51;
	v50 =	vadd.f32 v50, v44  }
0x200: {  	v2 =	vld [tilespmem:s15+$0x0]  }
0x201: {  	v5 =	vld [tilespmem:s21+$0x1300]  }
0x202: {  	v4 =	vadd.f32 v45, v32;
	v54 =	vld [tilespmem:$0x1FFF0]  }
0x203: {  	v6 =	vadd.f32 v48, v41;
	v10 =	vadd.f32 v47, v43  }
0x204: {  	v3 =	vmul.f32 $1.131370830e+01, v19;
	v8 =	vadd.f32 v46, v42;
	v12 =	vadd.f32 v49, v40  }
0x205: {  	v7 =	vmul.f32 $1.131370830e+01, v18;
	v55 =	vld [tilespmem:$0x1FFC0];
	v4 =	vadd.f32 v22, v4;
	v10 =	vadd.f32 v62, v10  }
0x206: {  	v57 =	vld [tilespmem:$0x1FFE0];
	v13 =	vmul.f32 v2, v15;
	v14 =	vmul.f32 v2, v24;
	v5 =	vadd.f32 v5, v12  }
0x207: {  	v8 =	vadd.f32 v63, v8;
	v10 =	vmul.f32 $1.131370830e+01, v10;
	v12 =	vmul.f32 v2, v54  }
0x208: {  	v62 =	vld [tilespmem:$0x1FFB0];
	v14 =	vadd.f32 v14, v30;
	v13 =	vadd.f32 v13, v28;
	v5 =	vmul.f32 $1.131370830e+01, v5  }
0x209: {  	v59 =	vld [tilespmem:$0x1FFD0];
	v6 =	vadd.f32 v23, v6;
	v8 =	vmul.f32 $1.131370830e+01, v8;
	v12 =	vadd.f32 v12, v29  }
0x20a: {  	v15 =	vmul.f32 v2, v55;
	v10 =	vadd.f32 v10, v14;
	v5 =	vadd.f32 v5, v13;
	v13 =	vld [tilespmem:s21+$0x1370]  }
0x20b: {  	v4 =	vmul.f32 $1.131370830e+01, v4;
	v8 =	vadd.f32 v8, v12;
	v12 =	vmul.f32 v2, v57  }
0x20c: {  	v6 =	vmul.f32 $1.131370830e+01, v6;
	v14 =	vadd.f32 v15, v31;
	v15 =	vadd.f32 v10, v61;
	[tilespmem:s21+$0xBA10] =	vst v10;
	v10 =	vld [tilespmem:$0x1FE70]  }
0x20d: {  	v63 =	vmul.f32 v2, v62;
	v3 =	vadd.f32 v8, v3;
	v12 =	vadd.f32 v12, v27;
	[tilespmem:s21+$0xBA00] =	vst v5  }
0x20e: {  	v6 =	vadd.f32 v6, v14;
	v14 =	vmul.f32 v2, v59;
	v61 =	vadd.f32 v5, v60;
	[tilespmem:s21+$0xEA10] =	vst v15  }
0x20f: {  	v2 =	vmul.f32 v2, v25;
	v15 =	vld [tilespmem:$0x1FE60];
	[tilespmem:s21+$0xEA20] =	vst v3;
	v3 =	vadd.f32 v4, v12;
	v4 =	vadd.f32 v13, v58  }
0x210: {  	v9 =	vmul.f32 $1.131370830e+01, v17;
	[tilespmem:s21+$0xBA20] =	vst v8  }
0x211: {  	v7 =	vadd.f32 v6, v7;
	[tilespmem:s21+$0xEA00] =	vst v61;
	v2 =	vadd.f32 v2, v10;
	v4 =	vmul.f32 $1.131370830e+01, v4  }
0x212: {  	v1 =	vadd.f32 v21, v1;
	v0 =	vadd.f32 v20, v0;
	[tilespmem:s21+$0xBA30] =	vst v6  }
0x213: {  	[tilespmem:s21+$0xEA30] =	vst v7;
	v9 =	vadd.f32 v3, v9;
	v2 =	vadd.f32 v4, v2;
	v4 =	vmul.f32 $1.131370830e+01, v50  }
0x214: {  	v0 =	vmul.f32 $1.131370830e+01, v0;
	[tilespmem:s21+$0xBA40] =	vst v3;
	v14 =	vadd.f32 v14, v15  }
0x215: {  	v1 =	vmul.f32 $1.131370830e+01, v1;
	[tilespmem:s21+$0xEA40] =	vst v9;
	v15 =	vadd.f32 v63, v26;
	v4 =	vadd.f32 v2, v4  }
0x216: {  	v11 =	vmul.f32 $1.131370830e+01, v16;
	v0 =	vadd.f32 v0, v14;
	[tilespmem:s21+$0xBA70] =	vst v2  }
0x217: {  	v7 =	vmul.f32 $1.131370830e+01, v56;
	v1 =	vadd.f32 v1, v15;
	[tilespmem:s21+$0xEA70] =	vst v4  }
0x218: {  	s7 =	sadd.s32 s13, s18;
	v5 =	vadd.f32 v0, v11;
	[tilespmem:s21+$0xBA50] =	vst v0  }
0x219: {  	s7 =	smul.u32 $0x180, s7;
	v7 =	vadd.f32 v1, v7;
	[tilespmem:s21+$0xBA60] =	vst v1  }
0x21a: {  	[tilespmem:s21+$0xEA50] =	vst v5  }
0x21b: {  	s14 =	sadd.s32 s11, s7;
	[tilespmem:s21+$0xEA60] =	vst v7  }
0x21c: {  	[hbm4b:s14+s9] =	stream.linear.scatter [tilespmem:s6], [sflag:$0x4], $0x3000, $0x38;
	[tilespmem:$0xF600] =	vst v63  }
0x21d: {  	s8 =	sadd.s32 $0x1, s8;
	_ =	swait.ge [sflag:s19], $0x3000  }
0x21e: {  	p0 =	sne.s32 s8, $0x20;
	[sflag:s19] =	ssyncset.done $0x0  }
.Ltmp4:
0x21f: {  	s7 =	sadd.s32 s12, s7;
	[sflag:s19] =	ssyncadd.s32 $0xFFFFD000;
	(pc) =	sbr.rel @p0 .LBB2_2-.Ltmp4, $4  }
0x220: {  	[hbm4b:s7+s9] =	stream.linear.scatter [tilespmem:s5], [sflag:$0x4], $0x3000, $0x38;
	[tilespmem:$0xF600] =	vst v63  }
0x221: {  	_ =	swait.ge [sflag:s19], $0x3000  }
0x222: {  	[sflag:s19] =	ssyncset.done $0x0;
	v13 =	vld [tilespmem:$0x1FF90]  }
0x223: {  	v6 =	vmovc v57;
	v10 =	vmovc v62;
	v4 =	vmov v54;
	v0 =	vmov v59;
	v5 =	vmov v55;
	v14 =	vld [tilespmem:$0x1FFA0];
	[sflag:s19] =	ssyncadd.s32 $0xFFFFD000  }
0x224: {  	s8 =	rddreg [dreg:$0xd]  }
0x225: {  	s7 =	rddreg [dreg:$0xc];
	s8 =	sadd.s32 $0x1, s8  }
0x226: {  	p0 =	sne.s32 s8, s7  }
.Ltmp5:
0x227: {  	_ = 	snop;
	(pc) =	sbr.rel @p0 .LBB2_1-.Ltmp5, $1  }
0x228: {  	_ =	sdelay $0x3  }
0x229: {  	_ =	sfence.sel $0x180000  }
0x22a: {  	[bflag:$0x0] =	sbarrier.arrive $0xFFFF  }
0x22b: {  	_ =	strace $0x9000004A  }
0x22c: {  	s0 =	stileid.u32;
	[bflag:$0x2] =	sbarrier.arrive $0xFFFF  }
0x22d: {  	p0 =	sne.s32 s0, $0x0;
	s0 =	rddreg [dreg:$0x9]  }
0x22e: {  	s0 =	sadd.s32 @!p0 $0x100000, s0  }
0x22f: {  	[sflag:s0] =	ssyncadd.tile.s32 @!p0 $0x1;
	_ =	shalt  }
.Lfunc_end2:
_tile_overlayer_lowered:
.L_overlay_start_2:
0x230: {  	(tag) =	ssettag $0x2  }
0x231: {  	s0 =	rddreg [dreg:$0x0];
	s2 =	stileid.u32  }
0x232: {  	s1 =	rddreg [dreg:$0x1];
	p0 =	sne.s32 s2, $0x0  }
0x233: {  	s3 =	rddreg [dreg:$0x2];
	[bflag:$0x3] =	sbarrier.arrive $0xFFFF;
	s2 =	simm.s32 @!p0 $0x1C04  }
0x234: {  	[timem:s3], [sflag:s2] =	dma.local @!p0 [hbm:s0], s1  }
0x235: {  	s0 =	simm.s32 @!p0 $0x4  }
0x236: {  	_ =	swait.ge @!p0 [sflag:s0], s1  }
0x237: {  	s1 =	ssub.s32 @!p0 $0x0, s1;
	[sflag:s0] =	ssyncset.done @!p0 $0x0  }
0x238: {  	[sflag:s0] =	ssyncadd.s32 @!p0 s1  }
0x239: {  	[bflag:$0x3] =	sbarrier.arrive $0xFFFF  }
0x23a: {  	_ =	shalt  }

// kernel: sparse-core-data-format-call.1.cloned.1.call-start
scs
called_computation.1_lowered:
.L_overlay_start_0:
0x0: {  	s2 =	sld [smem:$0x3FD9]  }
0x1: {  	s3 =	sld [smem:$0x3FFE];
	_ =	sdelay $0x1  }
0x2: {  	s1 =	srdreg.scid  }
0x3: {  	s0 =	sand.u32 $0x1, s1  }
0x4: {  	s16 =	sshll.u32 s0, $0xA;
	s2 =	sadd.s32 s3, s2  }
0x5: {  	s2 =	sadd.s32 s2, s16  }
0x6: {  	[smem:$0x3FBE] =	sst s2  }
0x7: {  	_ = 	snop  }
0x8: {  	s2 =	sld [smem:$0x3FD0];
	_ =	sdelay $0x2  }
0x9: {  	s17 =	simm.s32 $0xB;
	s4 =	simm.s32 $0x10  }
0xa: {  	[smem:s4], [sflag:s17] =	dma.local [hbm:s2], $0x1  }
0xb: {  	_ =	swait.eq [sflag:s17], $0x1  }
0xc: {  	[sflag:s17] =	ssyncset.done $0x0  }
0xd: {  	[sflag:s17] =	ssyncadd.s32 $0xFFFFFFFF  }
0xe: {  	s18 =	sld [smem:$0x10];
	(tm) =	ssettm $0x1  }
0xf: {  	s19 =	sld [smem:$0x3FFB];
	_ =	sdelay $0x3  }
0x10: {  	_ =	strace s19  }
0x11: {  	s2 =	sld [smem:$0x3FFC];
	_ =	sdelay $0x3  }
0x12: {  	_ =	strace s2  }
0x13: {  	s2 =	sld [smem:$0x3FFD];
	_ =	sdelay $0x3  }
0x14: {  	_ =	strace s2  }
0x15: {  	_ =	strace $0x8FFFFFFF  }
0x16: {  	s20 =	sld [smem:$0x3FDB];
	_ =	sdelay $0x1  }
0x17: {  	s21 =	simm.s32 $_scs_section_size  }
0x18: {  	s5 =	simm.s32 $_size__tile_overlayer_lowered;
	s6 =	simm.s32 $_tile_overlayer_lowered  }
0x19: {  	s7 =	simm.s32 $0x1BFF;
	s22 =	sshll.u32 s6, $0x1;
	s4 =	sadd.s32 s21, s20  }
0x1a: {  	s23 =	simm.s32 $0x0;
	s5 =	sshll.u32 s5, $0x1;
	s6 =	sadd.s32 s22, s4  }
0x1b: {  	[timem:s23], [sflag:s7] =	dma.local [hbm:s6], s5  }
0x1c: {  	_ =	swait.ge [sflag:s7], s5  }
0x1d: {  	s5 =	ssub.s32 $0x0, s5;
	[sflag:s7] =	ssyncset.done $0x0  }
0x1e: {  	[sflag:s7] =	ssyncadd.s32 s5;
	_ =	sdelay $0x1  }
0x1f: {  	s24 =	simm.s32 $0x1B8B  }
0x20: {  	_ =	swait.ge [sflag:s24], $0x1  }
0x21: {  	[sflag:s24] =	ssyncset.done $0x0  }
0x22: {  	[sflag:s24] =	ssyncadd.s32 $0xFFFFFFFF  }
0x23: {  	s5 =	sld [smem:$0x0]  }
0x24: {  	s6 =	sand.u32 $0xFFFFFFFE, s1  }
0x25: {  	p0 =	sne.s32 s1, s6  }
0x26: {  	s6 =	sshll.u32 @p0 s6, $0xE  }
0x27: {  	s6 =	sadd.s32 @p0 $0x11B8D, s6;
	s7 =	sshll.u32 @p0 s5, $0x11  }
0x28: {  	s6 =	sor.u32 @p0 s7, s6  }
0x29: {  	[sflag:s6] =	ssyncadd.remote.s32 @p0 $0x1;
	_ =	sdelay $0x1  }
0x2a: {  	s6 =	simm.s32 @p0 $0x1B8D  }
0x2b: {  	_ =	swait.eq @p0 [sflag:s6], $0x1  }
0x2c: {  	[sflag:s6] =	ssyncadd.s32 @p0 $0xFFFFFFFF  }
0x2d: {  	s7 =	sshll.u32 @!p0 s1, $0xE  }
0x2e: {  	s7 =	sor.u32 @!p0 $0x4000, s7;
	s6 =	simm.s32 @!p0 $0x1B8D  }
0x2f: {  	s5 =	sshll.u32 @!p0 s5, $0x11;
	s7 =	sadd.s32 @!p0 $0x11B8D, s7;
	_ =	swait.eq @!p0 [sflag:s6], $0x1  }
0x30: {  	s5 =	sor.u32 @!p0 s5, s7;
	[sflag:s6] =	ssyncadd.s32 @!p0 $0xFFFFFFFF  }
0x31: {  	s26 =	simm.s32 $0x1B8E;
	s25 =	sld [smem:$0x3FFE];
	[sflag:s5] =	ssyncadd.remote.s32 @!p0 $0x1  }
0x32: {  	s27 =	simm.s32 $execute0_lowered;
	[smem:$0x3FD2] =	sst s26  }
0x33: {  	s6 =	sshll.u32 s27, $0x1;
	_ =	strace $0x8000004F;
	[dreg:$0x1] =	wrdreg $0xFFFFFFFF  }
0x34: {  	s28 =	simm.s32 $_size_execute0_lowered;
	s4 =	sadd.s32 s4, s6;
	[dreg:$0x0] =	wrdreg $0x0  }
0x35: {  	s6 =	sshll.u32 s28, $0x1;
	[dreg:$0x2] =	wrdreg s4  }
0x36: {  	[dreg:$0x3] =	wrdreg s6  }
0x37: {  	[dreg:$0x4] =	wrdreg $0xC0  }
0x38: {  	_ =	task [dreg:s23], $0x5FFFF  }
0x39: {  	[dreg:$0x1] =	wrdreg $0xFFFFFFFF  }
0x3a: {  	[dreg:$0x0] =	wrdreg $0x60  }
0x3b: {  	[dreg:$0x2] =	wrdreg s25  }
0x3c: {  	[dreg:$0x3] =	wrdreg s18  }
0x3d: {  	[dreg:$0x4] =	wrdreg $0xA  }
0x3e: {  	_ =	task.clear_ibuf [dreg:s23], $0x5FFFF;
	_ =	strace $0x9000004F  }
0x3f: {  	s29 =	simm.s32 $0xA;
	_ =	strace $0x80000051  }
0x40: {  	_ =	swait.ge [sflag:s29], $0x1  }
0x41: {  	[sflag:s29] =	ssyncadd.s32 $0xFFFFFFFF  }
0x42: {  	_ =	strace $0x90000051  }
0x43: {  	_ =	sfence  }
0x44: {  	s30 =	sld [smem:$0x0];
	_ =	sdelay $0x2  }
0x45: {  	s31 =	sshll.u32 s1, $0xD;
	s1 =	sshrl.u32 s1, $0x2  }
0x46: {  	s4 =	sand.u32 $0x4000, s31;
	s1 =	sadd.s32 s1, s30  }
0x47: {  	s0 =	sor.u32 s4, s0;
	s1 =	sshll.u32 s1, $0x11  }
0x48: {  	s0 =	sor.u32 s1, s0  }
0x49: {  	s0 =	sadd.s32 $0x8F2B, s0  }
0x4a: {  	[sflag:s0] =	ssyncadd.remote.s32 $0x1  }
0x4b: {  	_ =	sfence.sel $0xFFFF  }
0x4c: {  	[dreg:$0x0] =	wrdreg $0xFFFFFFFF;
	(pc) =	sbr.abs _section_cstart, $3  }
0x4d: {  	[dreg:$0x1] =	wrdreg $0xFFFFFFFF  }
0x4e: {  	_ =	task.clear_ibuf [dreg:s23], $0x2FFFF;
	_ =	strace $0x9FFFFFFF  }
0x4f: {  	(tm) =	ssettm $0x7FFFFFFF  }
tec
execute0_lowered:
.L_overlay_start_1:
0x0: {  	(tag) =	ssettag $0x1  }
0x1: {  	s0 =	srdreg.scid  }
0x2: {  	s1 =	sshll.u32 s0, $0x4  }
0x3: {  	s6 =	rddreg [dreg:$0x0];
	s0 =	stileid.u32;
	s1 =	sand.u32 $0x10, s1  }
0x4: {  	s4 =	simm.s32 $0x1;
	s7 =	simm.s32 $0x2;
	s1 =	sor.u32 s0, s1  }
0x5: {  	s15 =	simm.s32 $0x0;
	s8 =	simm.s32 $0x800;
	s2 =	sshll.u32 s1, $0x3  }
0x6: {  	s9 =	simm.s32 $0x2800;
	s10 =	simm.s32 $0x0;
	s1 =	ssub.s32 $0x400, s2  }
0x7: {  	s16 =	simm.s32 $0x0;
	s17 =	simm.s32 $0x0;
	s3 =	sand.u32 $0xF8, s1  }
0x8: {  	s11 =	simm.s32 $0x0;
	s5 =	sshrl.u32 s1, $0x8;
	p0 =	sne.s32 s3, $0x0  }
.Ltmp0:
0x9: {  	s1 =	rddreg [dreg:$0x2];
	s4 =	simm.s32 @!p0 $0x0;
	(pc) =	sbr.rel .LBB1_1-.Ltmp0, $4  }
0xa: {  	s12 =	simm.s32 $0x0;
	s3 =	rddreg [dreg:$0x1];
	s5 =	sadd.s32 s4, s5  }
0xb: {  	_ =	strace $0x80000050;
	s4 =	simm.s32 $0x1;
	s5 =	smul.u32 $0x5, s5  }
0xc: {  	s14 =	simm.s32 $0x0;
	s6 =	sadd.s32 $0x186A00, s6;
	[sflag:s4] =	ssyncpa.u1 $0x0  }
0xd: {  	s13 =	smov.u32 s2;
	[sflag:s7] =	ssyncpa.u1 $0x0;
	s7 =	sadd.s32 $0x1, s5  }
.LBB1_9:
0xe: {  	s18 =	sadd.s32 $0x4, s11  }
0xf: {  	s15 =	sadd.s32 $0x4, s12;
	s19 =	smov.u32 s12;
	p1 =	sgt.s32 s18, $0x13  }
0x10: {  	s19 =	smov.u32 @p1 s15  }
0x11: {  	s21 =	smov.u32 s13;
	s15 =	sadd.s32 $0x100, s13;
	p2 =	sgt.s32 s19, $0x3  }
0x12: {  	s21 =	smov.u32 @p2 s15  }
0x13: {  	s18 =	simm.s32 @p1 $0x0;
	p1 =	sgt.s32 s21, $0x3FF  }
0x14: {  	p0 =	slt.u32 s14, $0x2;
	s21 =	smov.u32 @p1 s2;
	p1 =	sne.s32 s14, s7  }
.Ltmp1:
0x15: {  	s20 =	simm.s32 @!p0 $0x2;
	(pc) =	sbr.rel @!p1 .LBB1_10-.Ltmp1, $4  }
0x16: {  	s16 =	smov.u32 s12;
	s17 =	smov.u32 s13;
	_ =	swait.ge @!p0 [sflag:s20], $0x4000  }
0x17: {  	s10 =	sadd.s32 $0x4000, s10;
	[sflag:s20] =	ssyncset.done @!p0 $0x0;
	s19 =	simm.s32 @p2 $0x0  }
0x18: {  	s15 =	smov.u32 s11;
	[sflag:s20] =	ssyncadd.s32 @!p0 $0xFFFFC000;
	s11 =	smov.u32 s18  }
0x19: {  	s12 =	smov.u32 s19;
	s14 =	sadd.s32 $0x1, s14;
	s13 =	smov.u32 s21  }
.LBB1_1:
0x1a: {  	p0 =	sge.u32 s14, s5  }
0x1b: {  	s18 =	sand.u32 @!p0 $0x1FFFFFF, s11;
	s20 =	smul.u32 @!p0 $0x600, s13  }
0x1c: {  	s19 =	smulhi.u32 @!p0 $0xAAAAAAB, s18  }
0x1d: {  	s22 =	smul.u32 @!p0 $0x180, s12  }
0x1e: {  	s19 =	smul.u32 @!p0 $0x18, s19  }
0x1f: {  	s31 =	sadd.s32 $0xFFFFFFFF, s14;
	s20 =	sadd.s32 @!p0 s6, s20  }
0x20: {  	s21 =	sxor.u32 @!p0 $0xFFFFFFFF, s14;
	s20 =	sadd.s32 @!p0 s22, s20;
	s18 =	ssub.s32 @!p0 s18, s19  }
0x21: {  	s19 =	sshll.u32 @!p0 s21, $0xE;
	s21 =	simm.s32 @!p0 $0xC00;
	s18 =	sshll.u32 @!p0 s18, $0x4  }
0x22: {  	s19 =	sand.u32 @!p0 $0x4000, s19;
	s18 =	sadd.s32 @!p0 s18, s20;
	s20 =	simm.s32 @!p0 $0x200  }
0x23: {  	[tilespmem:s19], [sflag:$0x1] =	stream.strided.gather @!p0 [hbm4b:s18+s20], $0x4000, s21, s20, $0x38;
	[tilespmem:$0x10000] =	vst v63  }
0x24: {  	p0 =	sge.u32 s31, s5  }
.Ltmp2:
0x25: {  	_ = 	snop;
	(pc) =	sbr.rel @p0 .LBB1_9-.Ltmp2, $1  }
0x26: {  	_ =	sdelay $0x3  }
0x27: {  	s18 =	sand.u32 $0x4000, s10  }
0x28: {  	_ =	swait.ge [sflag:s4], $0x4000;
	s21 =	sshll.u32 s14, $0xE;
	s19 =	sor.u32 $0x40, s18  }
0x29: {  	s20 =	sor.u32 $0x8040, s18;
	[sflag:s4] =	ssyncset.done $0x0;
	s31 =	sand.u32 $0x4000, s21  }
0x2a: {  	s21 =	simm.s32 $0x0;
	[sflag:s4] =	ssyncadd.s32 $0xFFFFC000;
	s18 =	sor.u32 $0x8000, s31  }
.LBB1_3:
0x2b: {  	s22 =	smov.u32 s20;
	s23 =	smov.u32 s19;
	s24 =	simm.s32 $0x0  }
.LBB1_4:
0x2c: {  	v0 =	vmov s22;
	v2 =	vld [tilespmem:s23+$0x30]  }
0x2d: {  	v4 =	vld [tilespmem:s23+$0xFFFFFFD0]  }
0x2e: {  	v6 =	vld [tilespmem:s23+$0xFFFFFFE0]  }
0x2f: {  	v7 =	vld [tilespmem:s23+$0xFFFFFFF0]  }
0x30: {  	s25 =	simm.s32 $0x0;
	v1 =	vld [tilespmem:s23+$0x0]  }
0x31: {  	v3 =	vld [tilespmem:s23+$0x10];
	[tilespmem:v0+s25+$0x30 ss:$0x1] =	vst.idx.msk $0xffff, v2  }
0x32: {  	v5 =	vld [tilespmem:s23+$0x20];
	[tilespmem:v0+s25+$0xFFFFFFD0 ss:$0x1] =	vst.idx.msk $0xffff, v4  }
0x33: {  	s26 =	sadd.s32 $0x80, s23;
	v2 =	vld [tilespmem:s23+$0xFFFFFFC0];
	[tilespmem:v0+s25+$0xFFFFFFE0 ss:$0x1] =	vst.idx.msk $0xffff, v6  }
0x34: {  	s27 =	simm.s32 $0x800;
	s28 =	simm.s32 $0x1000;
	v4 =	vld [tilespmem:s26+$0x30];
	[tilespmem:v0+s25+$0xFFFFFFF0 ss:$0x1] =	vst.idx.msk $0xffff, v7  }
.LBB1_5:
0x35: {  	p0 =	sne.s32 s28, $0x1800;
	v6 =	vld [tilespmem:s26+$0xFFFFFFD0];
	[tilespmem:v0+s25+$0x0 ss:$0x1] =	vst.idx.msk $0xffff, v1  }
0x36: {  	v7 =	vld [tilespmem:s26+$0xFFFFFFE0];
	[tilespmem:v0+s25+$0x10 ss:$0x1] =	vst.idx.msk $0xffff, v3  }
0x37: {  	v8 =	vld [tilespmem:s26+$0xFFFFFFF0];
	[tilespmem:v0+s25+$0x20 ss:$0x1] =	vst.idx.msk $0xffff, v5  }
.Ltmp3:
0x38: {  	v1 =	vld [tilespmem:s26+$0x0];
	[tilespmem:v0+s25+$0xFFFFFFC0 ss:$0x1] =	vst.idx.msk $0xffff, v2;
	s25 =	sshra.s32 s27, $0x2;
	s27 =	smov.u32 s28;
	(pc) =	sbr.rel @p0 .LBB1_5-.Ltmp3, $4  }
0x39: {  	v3 =	vld [tilespmem:s26+$0x10];
	[tilespmem:v0+s25+$0x30 ss:$0x1] =	vst.idx.msk $0xffff, v4  }
0x3a: {  	[tilespmem:v0+s25+$0xFFFFFFD0 ss:$0x1] =	vst.idx.msk $0xffff, v6;
	v5 =	vld [tilespmem:s26+$0x20]  }
0x3b: {  	v2 =	vld [tilespmem:s26+$0xFFFFFFC0];
	[tilespmem:v0+s25+$0xFFFFFFE0 ss:$0x1] =	vst.idx.msk $0xffff, v7;
	s26 =	sadd.s32 $0x80, s26  }
0x3c: {  	s28 =	sadd.s32 $0x800, s28;
	v4 =	vld [tilespmem:s26+$0x30];
	[tilespmem:v0+s25+$0xFFFFFFF0 ss:$0x1] =	vst.idx.msk $0xffff, v8  }
0x3d: {  	_ =	sdelay $0x3  }
0x3e: {  	v6 =	vld [tilespmem:s26+$0xFFFFFFD0];
	[tilespmem:v0+s25+$0x0 ss:$0x1] =	vst.idx.msk $0xffff, v1  }
0x3f: {  	v58 =	vld [tilespmem:s26+$0xFFFFFFE0];
	[tilespmem:v0+s25+$0x10 ss:$0x1] =	vst.idx.msk $0xffff, v3  }
0x40: {  	v59 =	vld [tilespmem:s26+$0xFFFFFFF0];
	[tilespmem:v0+s25+$0x20 ss:$0x1] =	vst.idx.msk $0xffff, v5  }
0x41: {  	s27 =	sshra.s32 s27, $0x2;
	v60 =	vld [tilespmem:s26+$0x0];
	[tilespmem:v0+s25+$0xFFFFFFC0 ss:$0x1] =	vst.idx.msk $0xffff, v2  }
0x42: {  	v61 =	vld [tilespmem:s26+$0x10];
	[tilespmem:v0+s27+$0x30 ss:$0x1] =	vst.idx.msk $0xffff, v4  }
0x43: {  	v62 =	vld [tilespmem:s26+$0x20];
	s24 =	sadd.s32 $0x1, s24;
	[tilespmem:v0+s27+$0xFFFFFFD0 ss:$0x1] =	vst.idx.msk $0xffff, v6  }
0x44: {  	v63 =	vld [tilespmem:s26+$0xFFFFFFC0];
	p0 =	sne.s32 s24, $0x4;
	[tilespmem:v0+s27+$0xFFFFFFE0 ss:$0x1] =	vst.idx.msk $0xffff, v58  }
.Ltmp4:
0x45: {  	[tilespmem:v0+s27+$0xFFFFFFF0 ss:$0x1] =	vst.idx.msk $0xffff, v59;
	(pc) =	sbr.rel @p0 .LBB1_4-.Ltmp4, $4  }
0x46: {  	[tilespmem:v0+s27+$0x0 ss:$0x1] =	vst.idx.msk $0xffff, v60  }
0x47: {  	[tilespmem:v0+s27+$0x10 ss:$0x1] =	vst.idx.msk $0xffff, v61  }
0x48: {  	[tilespmem:v0+s27+$0x20 ss:$0x1] =	vst.idx.msk $0xffff, v62  }
0x49: {  	s23 =	sadd.s32 $0x200, s23;
	s22 =	sadd.s32 $0x80, s22;
	[tilespmem:v0+s27+$0xFFFFFFC0 ss:$0x1] =	vst.idx.msk $0xffff, v63  }
0x4a: {  	s21 =	sadd.s32 $0x1, s21  }
0x4b: {  	p0 =	sne.s32 s21, $0x8  }
.Ltmp5:
0x4c: {  	_ = 	snop;
	(pc) =	sbr.rel @p0 .LBB1_3-.Ltmp5, $2  }
0x4d: {  	_ =	sdelay $0x2  }
0x4e: {  	s19 =	sadd.s32 $0x800, s19;
	s20 =	sadd.s32 $0x800, s20  }
0x4f: {  	s17 =	smul.u32 $0x500, s17  }
.Ltmp6:
0x50: {  	_ = 	snop;
	(pc) =	sbr.rel .LBB1_9-.Ltmp6, $4  }
0x51: {  	s15 =	sshll.u32 s15, $0x6;
	s16 =	sshll.u32 s16, $0x4;
	s17 =	sadd.s32 s3, s17  }
0x52: {  	s16 =	sand.u32 $0x30, s16;
	s15 =	sadd.s32 s15, s17  }
0x53: {  	s15 =	sadd.s32 s16, s15  }
0x54: {  	[hbm4b:s15+s8] =	stream.strided.scatter [tilespmem:s18], [sflag:$0x2], $0x4000, s9, s8, $0x38;
	[tilespmem:$0x10000] =	vst v63  }
.LBB1_10:
0x55: {  	_ =	sfence.sel $0x180000  }
0x56: {  	s2 =	simm.s32 $0x1;
	[bflag:$0x0] =	sbarrier.arrive $0xFFFF  }
0x57: {  	s31 =	simm.s32 $0x2;
	[sflag:s2] =	ssyncpa.u1 $0x1  }
0x58: {  	[sflag:s31] =	ssyncpa.u1 $0x1  }
0x59: {  	p0 =	sne.s32 s0, $0x0;
	_ =	strace $0x90000050  }
0x5a: {  	s0 =	sadd.s32 @!p0 $0x100000, s1;
	[bflag:$0x2] =	sbarrier.arrive $0xFFFF  }
0x5b: {  	[sflag:s0] =	ssyncadd.tile.s32 @!p0 $0x1;
	_ =	shalt  }
.Lfunc_end1:
_tile_overlayer_lowered:
.L_overlay_start_2:
0x5c: {  	(tag) =	ssettag $0x2  }
0x5d: {  	s0 =	rddreg [dreg:$0x0];
	s2 =	stileid.u32  }
0x5e: {  	s1 =	rddreg [dreg:$0x1];
	p0 =	sne.s32 s2, $0x0  }
0x5f: {  	s3 =	rddreg [dreg:$0x2];
	[bflag:$0x3] =	sbarrier.arrive $0xFFFF;
	s2 =	simm.s32 @!p0 $0x1C01  }
0x60: {  	[timem:s3], [sflag:s2] =	dma.local @!p0 [hbm:s0], s1  }
0x61: {  	s0 =	simm.s32 @!p0 $0x1  }
0x62: {  	_ =	swait.ge @!p0 [sflag:s0], s1  }
0x63: {  	s1 =	ssub.s32 @!p0 $0x0, s1;
	[sflag:s0] =	ssyncset.done @!p0 $0x0  }
0x64: {  	[sflag:s0] =	ssyncadd.s32 @!p0 s1  }
0x65: {  	[bflag:$0x3] =	sbarrier.arrive $0xFFFF  }
0x66: {  	_ =	shalt  }

// kernel: sparse-core-data-format-call.cloned.1.call-start
scs
called_computation_lowered:
.L_overlay_start_0:
0x0: {  	s2 =	sld [smem:$0x3FD9]  }
0x1: {  	s3 =	sld [smem:$0x3FFE];
	_ =	sdelay $0x1  }
0x2: {  	s1 =	srdreg.scid  }
0x3: {  	s0 =	sand.u32 $0x1, s1  }
0x4: {  	s15 =	sshll.u32 s0, $0xA;
	s2 =	sadd.s32 s3, s2  }
0x5: {  	s2 =	sadd.s32 s2, s15  }
0x6: {  	[smem:$0x3FBE] =	sst s2  }
0x7: {  	_ = 	snop  }
0x8: {  	s2 =	sld [smem:$0x3FD0];
	_ =	sdelay $0x2  }
0x9: {  	s16 =	simm.s32 $0xB;
	s4 =	simm.s32 $0x10  }
0xa: {  	[smem:s4], [sflag:s16] =	dma.local [hbm:s2], $0x1  }
0xb: {  	_ =	swait.eq [sflag:s16], $0x1  }
0xc: {  	[sflag:s16] =	ssyncset.done $0x0  }
0xd: {  	[sflag:s16] =	ssyncadd.s32 $0xFFFFFFFF  }
0xe: {  	s17 =	sld [smem:$0x11];
	(tm) =	ssettm $0x1  }
0xf: {  	s18 =	sld [smem:$0x3FFB];
	_ =	sdelay $0x3  }
0x10: {  	_ =	strace s18  }
0x11: {  	s3 =	sld [smem:$0x3FFC];
	_ =	sdelay $0x3  }
0x12: {  	_ =	strace s3  }
0x13: {  	s3 =	sld [smem:$0x3FFD];
	_ =	sdelay $0x3  }
0x14: {  	_ =	strace s3  }
0x15: {  	_ =	strace $0x8FFFFFFF  }
0x16: {  	s19 =	sld [smem:$0x3FDB];
	_ =	sdelay $0x1  }
0x17: {  	s20 =	simm.s32 $_scs_section_size  }
0x18: {  	s5 =	simm.s32 $_size__tile_overlayer_lowered;
	s6 =	simm.s32 $_tile_overlayer_lowered  }
0x19: {  	s23 =	simm.s32 $0x1BFF;
	s22 =	sshll.u32 s6, $0x1;
	s3 =	sadd.s32 s20, s19  }
0x1a: {  	s7 =	simm.s32 $0x0;
	s21 =	sshll.u32 s5, $0x1;
	s5 =	sadd.s32 s22, s3  }
0x1b: {  	[timem:s7], [sflag:s23] =	dma.local [hbm:s5], s21  }
0x1c: {  	_ =	swait.ge [sflag:s23], s21  }
0x1d: {  	s4 =	ssub.s32 $0x0, s21;
	[sflag:s23] =	ssyncset.done $0x0  }
0x1e: {  	[sflag:s23] =	ssyncadd.s32 s4;
	_ =	sdelay $0x1  }
0x1f: {  	s24 =	simm.s32 $0x1B8B  }
0x20: {  	_ =	swait.ge [sflag:s24], $0x1  }
0x21: {  	[sflag:s24] =	ssyncset.done $0x0  }
0x22: {  	s26 =	simm.s32 $0x1B8E;
	s25 =	sld [smem:$0x3FFE];
	[sflag:s24] =	ssyncadd.s32 $0xFFFFFFFF  }
0x23: {  	s27 =	simm.s32 $execute0_lowered;
	[smem:$0x3FD2] =	sst s26  }
0x24: {  	s5 =	sshll.u32 s27, $0x1;
	_ =	strace $0x8000004C;
	[dreg:$0x1] =	wrdreg $0xFFFFFFFF  }
0x25: {  	s28 =	simm.s32 $_size_execute0_lowered;
	s3 =	sadd.s32 s3, s5;
	[dreg:$0x0] =	wrdreg $0x0  }
0x26: {  	s5 =	sshll.u32 s28, $0x1;
	[dreg:$0x2] =	wrdreg s3  }
0x27: {  	[dreg:$0x3] =	wrdreg s5  }
0x28: {  	[dreg:$0x4] =	wrdreg $0xC0  }
0x29: {  	_ =	task [dreg:s7], $0x5FFFF  }
0x2a: {  	[dreg:$0x1] =	wrdreg $0xFFFFFFFF  }
0x2b: {  	[dreg:$0x0] =	wrdreg $0x60  }
0x2c: {  	[dreg:$0x2] =	wrdreg s25  }
0x2d: {  	[dreg:$0x3] =	wrdreg s17  }
0x2e: {  	[dreg:$0x4] =	wrdreg $0x9  }
0x2f: {  	_ =	task.clear_ibuf [dreg:s7], $0x5FFFF;
	_ =	strace $0x9000004C  }
0x30: {  	s29 =	simm.s32 $0x9;
	_ =	strace $0x8000004E  }
0x31: {  	_ =	swait.ge [sflag:s29], $0x1  }
0x32: {  	[sflag:s29] =	ssyncadd.s32 $0xFFFFFFFF  }
0x33: {  	_ =	strace $0x9000004E  }
0x34: {  	_ =	sfence  }
0x35: {  	s30 =	sld [smem:$0x0];
	_ =	sdelay $0x2  }
0x36: {  	s31 =	sshll.u32 s1, $0xD;
	s1 =	sshrl.u32 s1, $0x2  }
0x37: {  	s3 =	sand.u32 $0x4000, s31;
	s1 =	sadd.s32 s1, s30  }
0x38: {  	s0 =	sor.u32 s3, s0;
	s1 =	sshll.u32 s1, $0x11  }
0x39: {  	s0 =	sor.u32 s1, s0  }
0x3a: {  	s0 =	sadd.s32 $0x8F2B, s0  }
0x3b: {  	[sflag:s0] =	ssyncadd.remote.s32 $0x1  }
0x3c: {  	_ =	sfence.sel $0xFFFF  }
0x3d: {  	[dreg:$0x0] =	wrdreg $0xFFFFFFFF;
	(pc) =	sbr.abs _section_cstart, $3  }
0x3e: {  	[dreg:$0x1] =	wrdreg $0xFFFFFFFF  }
0x3f: {  	_ =	task.clear_ibuf [dreg:s7], $0x2FFFF;
	_ =	strace $0x9FFFFFFF  }
0x40: {  	(tm) =	ssettm $0x7FFFFFFF  }
0x41: {  	_ =	shalt  }
tec
execute0_lowered:
.L_overlay_start_1:
0x0: {  	(tag) =	ssettag $0x1  }
0x1: {  	s0 =	srdreg.scid  }
0x2: {  	s1 =	sshll.u32 s0, $0x4  }
0x3: {  	s6 =	rddreg [dreg:$0x0];
	s0 =	stileid.u32;
	s1 =	sand.u32 $0x10, s1  }
0x4: {  	s4 =	simm.s32 $0x1;
	s7 =	simm.s32 $0x2;
	s1 =	sor.u32 s0, s1  }
0x5: {  	s15 =	simm.s32 $0x0;
	s8 =	simm.s32 $0x800;
	s2 =	sshll.u32 s1, $0x3  }
0x6: {  	s9 =	simm.s32 $0x2800;
	s10 =	simm.s32 $0x0;
	s1 =	ssub.s32 $0x400, s2  }
0x7: {  	s16 =	simm.s32 $0x0;
	s17 =	simm.s32 $0x0;
	s3 =	sand.u32 $0xF8, s1  }
0x8: {  	s11 =	simm.s32 $0x0;
	s5 =	sshrl.u32 s1, $0x8;
	p0 =	sne.s32 s3, $0x0  }
.Ltmp0:
0x9: {  	s1 =	rddreg [dreg:$0x2];
	s4 =	simm.s32 @!p0 $0x0;
	(pc) =	sbr.rel .LBB1_1-.Ltmp0, $4  }
0xa: {  	s12 =	simm.s32 $0x0;
	s3 =	rddreg [dreg:$0x1];
	s5 =	sadd.s32 s4, s5  }
0xb: {  	_ =	strace $0x8000004D;
	s4 =	simm.s32 $0x1;
	s5 =	smul.u32 $0x5, s5  }
0xc: {  	s14 =	simm.s32 $0x0;
	s6 =	sadd.s32 $0x6A00, s6;
	[sflag:s4] =	ssyncpa.u1 $0x0  }
0xd: {  	s13 =	smov.u32 s2;
	[sflag:s7] =	ssyncpa.u1 $0x0;
	s7 =	sadd.s32 $0x1, s5  }
.LBB1_9:
0xe: {  	s18 =	sadd.s32 $0x4, s11  }
0xf: {  	s15 =	sadd.s32 $0x4, s12;
	s19 =	smov.u32 s12;
	p1 =	sgt.s32 s18, $0x13  }
0x10: {  	s19 =	smov.u32 @p1 s15  }
0x11: {  	s21 =	smov.u32 s13;
	s15 =	sadd.s32 $0x100, s13;
	p2 =	sgt.s32 s19, $0x3  }
0x12: {  	s21 =	smov.u32 @p2 s15  }
0x13: {  	s18 =	simm.s32 @p1 $0x0;
	p1 =	sgt.s32 s21, $0x3FF  }
0x14: {  	p0 =	slt.u32 s14, $0x2;
	s21 =	smov.u32 @p1 s2;
	p1 =	sne.s32 s14, s7  }
.Ltmp1:
0x15: {  	s20 =	simm.s32 @!p0 $0x2;
	(pc) =	sbr.rel @!p1 .LBB1_10-.Ltmp1, $4  }
0x16: {  	s16 =	smov.u32 s12;
	s17 =	smov.u32 s13;
	_ =	swait.ge @!p0 [sflag:s20], $0x4000  }
0x17: {  	s10 =	sadd.s32 $0x4000, s10;
	[sflag:s20] =	ssyncset.done @!p0 $0x0;
	s19 =	simm.s32 @p2 $0x0  }
0x18: {  	s15 =	smov.u32 s11;
	[sflag:s20] =	ssyncadd.s32 @!p0 $0xFFFFC000;
	s11 =	smov.u32 s18  }
0x19: {  	s12 =	smov.u32 s19;
	s14 =	sadd.s32 $0x1, s14;
	s13 =	smov.u32 s21  }
.LBB1_1:
0x1a: {  	p0 =	sge.u32 s14, s5  }
0x1b: {  	s18 =	sand.u32 @!p0 $0x1FFFFFF, s11;
	s20 =	smul.u32 @!p0 $0x600, s13  }
0x1c: {  	s19 =	smulhi.u32 @!p0 $0xAAAAAAB, s18  }
0x1d: {  	s22 =	smul.u32 @!p0 $0x180, s12  }
0x1e: {  	s19 =	smul.u32 @!p0 $0x18, s19  }
0x1f: {  	s31 =	sadd.s32 $0xFFFFFFFF, s14;
	s20 =	sadd.s32 @!p0 s6, s20  }
0x20: {  	s21 =	sxor.u32 @!p0 $0xFFFFFFFF, s14;
	s20 =	sadd.s32 @!p0 s22, s20;
	s18 =	ssub.s32 @!p0 s18, s19  }
0x21: {  	s19 =	sshll.u32 @!p0 s21, $0xE;
	s21 =	simm.s32 @!p0 $0xC00;
	s18 =	sshll.u32 @!p0 s18, $0x4  }
0x22: {  	s19 =	sand.u32 @!p0 $0x4000, s19;
	s18 =	sadd.s32 @!p0 s18, s20;
	s20 =	simm.s32 @!p0 $0x200  }
0x23: {  	[tilespmem:s19], [sflag:$0x1] =	stream.strided.gather @!p0 [hbm4b:s18+s20], $0x4000, s21, s20, $0x38;
	[tilespmem:$0x10000] =	vst v63  }
0x24: {  	p0 =	sge.u32 s31, s5  }
.Ltmp2:
0x25: {  	_ = 	snop;
	(pc) =	sbr.rel @p0 .LBB1_9-.Ltmp2, $1  }
0x26: {  	_ =	sdelay $0x3  }
0x27: {  	s18 =	sand.u32 $0x4000, s10  }
0x28: {  	_ =	swait.ge [sflag:s4], $0x4000;
	s21 =	sshll.u32 s14, $0xE;
	s19 =	sor.u32 $0x40, s18  }
0x29: {  	s20 =	sor.u32 $0x8040, s18;
	[sflag:s4] =	ssyncset.done $0x0;
	s31 =	sand.u32 $0x4000, s21  }
0x2a: {  	s21 =	simm.s32 $0x0;
	[sflag:s4] =	ssyncadd.s32 $0xFFFFC000;
	s18 =	sor.u32 $0x8000, s31  }
.LBB1_3:
0x2b: {  	s22 =	smov.u32 s20;
	s23 =	smov.u32 s19;
	s24 =	simm.s32 $0x0  }
.LBB1_4:
0x2c: {  	v0 =	vmov s22;
	v2 =	vld [tilespmem:s23+$0x30]  }
0x2d: {  	v4 =	vld [tilespmem:s23+$0xFFFFFFD0]  }
0x2e: {  	v6 =	vld [tilespmem:s23+$0xFFFFFFE0]  }
0x2f: {  	v7 =	vld [tilespmem:s23+$0xFFFFFFF0]  }
0x30: {  	s25 =	simm.s32 $0x0;
	v1 =	vld [tilespmem:s23+$0x0]  }
0x31: {  	v3 =	vld [tilespmem:s23+$0x10];
	[tilespmem:v0+s25+$0x30 ss:$0x1] =	vst.idx.msk $0xffff, v2  }
0x32: {  	v5 =	vld [tilespmem:s23+$0x20];
	[tilespmem:v0+s25+$0xFFFFFFD0 ss:$0x1] =	vst.idx.msk $0xffff, v4  }
0x33: {  	s26 =	sadd.s32 $0x80, s23;
	v2 =	vld [tilespmem:s23+$0xFFFFFFC0];
	[tilespmem:v0+s25+$0xFFFFFFE0 ss:$0x1] =	vst.idx.msk $0xffff, v6  }
0x34: {  	s27 =	simm.s32 $0x800;
	s28 =	simm.s32 $0x1000;
	v4 =	vld [tilespmem:s26+$0x30];
	[tilespmem:v0+s25+$0xFFFFFFF0 ss:$0x1] =	vst.idx.msk $0xffff, v7  }
.LBB1_5:
0x35: {  	p0 =	sne.s32 s28, $0x1800;
	v6 =	vld [tilespmem:s26+$0xFFFFFFD0];
	[tilespmem:v0+s25+$0x0 ss:$0x1] =	vst.idx.msk $0xffff, v1  }
0x36: {  	v7 =	vld [tilespmem:s26+$0xFFFFFFE0];
	[tilespmem:v0+s25+$0x10 ss:$0x1] =	vst.idx.msk $0xffff, v3  }
0x37: {  	v8 =	vld [tilespmem:s26+$0xFFFFFFF0];
	[tilespmem:v0+s25+$0x20 ss:$0x1] =	vst.idx.msk $0xffff, v5  }
.Ltmp3:
0x38: {  	v1 =	vld [tilespmem:s26+$0x0];
	[tilespmem:v0+s25+$0xFFFFFFC0 ss:$0x1] =	vst.idx.msk $0xffff, v2;
	s25 =	sshra.s32 s27, $0x2;
	s27 =	smov.u32 s28;
	(pc) =	sbr.rel @p0 .LBB1_5-.Ltmp3, $4  }
0x39: {  	v3 =	vld [tilespmem:s26+$0x10];
	[tilespmem:v0+s25+$0x30 ss:$0x1] =	vst.idx.msk $0xffff, v4  }
0x3a: {  	[tilespmem:v0+s25+$0xFFFFFFD0 ss:$0x1] =	vst.idx.msk $0xffff, v6;
	v5 =	vld [tilespmem:s26+$0x20]  }
0x3b: {  	v2 =	vld [tilespmem:s26+$0xFFFFFFC0];
	[tilespmem:v0+s25+$0xFFFFFFE0 ss:$0x1] =	vst.idx.msk $0xffff, v7;
	s26 =	sadd.s32 $0x80, s26  }
0x3c: {  	s28 =	sadd.s32 $0x800, s28;
	v4 =	vld [tilespmem:s26+$0x30];
	[tilespmem:v0+s25+$0xFFFFFFF0 ss:$0x1] =	vst.idx.msk $0xffff, v8  }
0x3d: {  	_ =	sdelay $0x3  }
0x3e: {  	v6 =	vld [tilespmem:s26+$0xFFFFFFD0];
	[tilespmem:v0+s25+$0x0 ss:$0x1] =	vst.idx.msk $0xffff, v1  }
0x3f: {  	v58 =	vld [tilespmem:s26+$0xFFFFFFE0];
	[tilespmem:v0+s25+$0x10 ss:$0x1] =	vst.idx.msk $0xffff, v3  }
0x40: {  	v59 =	vld [tilespmem:s26+$0xFFFFFFF0];
	[tilespmem:v0+s25+$0x20 ss:$0x1] =	vst.idx.msk $0xffff, v5  }
0x41: {  	s27 =	sshra.s32 s27, $0x2;
	v60 =	vld [tilespmem:s26+$0x0];
	[tilespmem:v0+s25+$0xFFFFFFC0 ss:$0x1] =	vst.idx.msk $0xffff, v2  }
0x42: {  	v61 =	vld [tilespmem:s26+$0x10];
	[tilespmem:v0+s27+$0x30 ss:$0x1] =	vst.idx.msk $0xffff, v4  }
0x43: {  	v62 =	vld [tilespmem:s26+$0x20];
	s24 =	sadd.s32 $0x1, s24;
	[tilespmem:v0+s27+$0xFFFFFFD0 ss:$0x1] =	vst.idx.msk $0xffff, v6  }
0x44: {  	v63 =	vld [tilespmem:s26+$0xFFFFFFC0];
	p0 =	sne.s32 s24, $0x4;
	[tilespmem:v0+s27+$0xFFFFFFE0 ss:$0x1] =	vst.idx.msk $0xffff, v58  }
.Ltmp4:
0x45: {  	[tilespmem:v0+s27+$0xFFFFFFF0 ss:$0x1] =	vst.idx.msk $0xffff, v59;
	(pc) =	sbr.rel @p0 .LBB1_4-.Ltmp4, $4  }
0x46: {  	[tilespmem:v0+s27+$0x0 ss:$0x1] =	vst.idx.msk $0xffff, v60  }
0x47: {  	[tilespmem:v0+s27+$0x10 ss:$0x1] =	vst.idx.msk $0xffff, v61  }
0x48: {  	[tilespmem:v0+s27+$0x20 ss:$0x1] =	vst.idx.msk $0xffff, v62  }
0x49: {  	s23 =	sadd.s32 $0x200, s23;
	s22 =	sadd.s32 $0x80, s22;
	[tilespmem:v0+s27+$0xFFFFFFC0 ss:$0x1] =	vst.idx.msk $0xffff, v63  }
0x4a: {  	s21 =	sadd.s32 $0x1, s21  }
0x4b: {  	p0 =	sne.s32 s21, $0x8  }
.Ltmp5:
0x4c: {  	_ = 	snop;
	(pc) =	sbr.rel @p0 .LBB1_3-.Ltmp5, $2  }
0x4d: {  	_ =	sdelay $0x2  }
0x4e: {  	s19 =	sadd.s32 $0x800, s19;
	s20 =	sadd.s32 $0x800, s20  }
0x4f: {  	s17 =	smul.u32 $0x500, s17  }
.Ltmp6:
0x50: {  	_ = 	snop;
	(pc) =	sbr.rel .LBB1_9-.Ltmp6, $4  }
0x51: {  	s15 =	sshll.u32 s15, $0x6;
	s16 =	sshll.u32 s16, $0x4;
	s17 =	sadd.s32 s3, s17  }
0x52: {  	s16 =	sand.u32 $0x30, s16;
	s15 =	sadd.s32 s15, s17  }
0x53: {  	s15 =	sadd.s32 s16, s15  }
0x54: {  	[hbm4b:s15+s8] =	stream.strided.scatter [tilespmem:s18], [sflag:$0x2], $0x4000, s9, s8, $0x38;
	[tilespmem:$0x10000] =	vst v63  }
.LBB1_10:
0x55: {  	_ =	sfence.sel $0x180000  }
0x56: {  	s2 =	simm.s32 $0x1;
	[bflag:$0x0] =	sbarrier.arrive $0xFFFF  }
0x57: {  	s31 =	simm.s32 $0x2;
	[sflag:s2] =	ssyncpa.u1 $0x1  }
0x58: {  	[sflag:s31] =	ssyncpa.u1 $0x1  }
0x59: {  	p0 =	sne.s32 s0, $0x0;
	_ =	strace $0x9000004D  }
0x5a: {  	s0 =	sadd.s32 @!p0 $0x100000, s1;
	[bflag:$0x2] =	sbarrier.arrive $0xFFFF  }
0x5b: {  	[sflag:s0] =	ssyncadd.tile.s32 @!p0 $0x1;
	_ =	shalt  }
.Lfunc_end1:
_tile_overlayer_lowered:
.L_overlay_start_2:
0x5c: {  	(tag) =	ssettag $0x2  }
0x5d: {  	s0 =	rddreg [dreg:$0x0];
	s2 =	stileid.u32  }
0x5e: {  	s1 =	rddreg [dreg:$0x1];
	p0 =	sne.s32 s2, $0x0  }
0x5f: {  	s3 =	rddreg [dreg:$0x2];
	[bflag:$0x3] =	sbarrier.arrive $0xFFFF;
	s2 =	simm.s32 @!p0 $0x1C01  }
0x60: {  	[timem:s3], [sflag:s2] =	dma.local @!p0 [hbm:s0], s1  }
0x61: {  	s0 =	simm.s32 @!p0 $0x1  }
0x62: {  	_ =	swait.ge @!p0 [sflag:s0], s1  }
0x63: {  	s1 =	ssub.s32 @!p0 $0x0, s1;
	[sflag:s0] =	ssyncset.done @!p0 $0x0  }
0x64: {  	[sflag:s0] =	ssyncadd.s32 @!p0 s1  }
0x65: {  	[bflag:$0x3] =	sbarrier.arrive $0xFFFF  }
0x66: {  	_ =	shalt  }

</sc_bundles>
